<compile_context>
chip_gen: v7x
topology: tpu7x:2x2x1
jax: 0.10.2.dev20260603
libtpu: 0.0.44.dev20260713+nightly
codegen_flags: <defaults>
</compile_context>

<pallas_src>
import functools

import jax
import jax.numpy as jnp
from jax import lax
from jax.experimental import pallas as pl
from jax.experimental.pallas import tpu as pltpu
from jax.experimental.pallas import tpu_sc as plsc

NW = 32
SC_MESH = dict(core_axis_name="c", subcore_axis_name="s")

ACT_DIM = 768
DICT_SIZE = 24576
K = 64
EXPERTS = 16
E_ROUTED = 2
EXP_DICT = DICT_SIZE // EXPERTS
N_TOK = 8192

BM = 128
M_PAD = 16384 + EXPERTS * BM
NBLK = M_PAD // BM
GATE_BM = 256

_HI = jax.lax.Precision.DEFAULT


def _gate_body(x_ref, wt_ref, gb_ref, bg_ref, eidx_ref, w2_ref):
    xb = x_ref[...] - bg_ref[...]
    logits = jax.lax.dot_general(
        xb, wt_ref[...], (((1,), (0,)), ((), ())),
        preferred_element_type=jnp.float32, precision=_HI) + gb_ref[...]
    p = jax.nn.softmax(logits, axis=-1)
    iota = jax.lax.broadcasted_iota(jnp.int32, p.shape, 1)
    m1 = jnp.max(p, axis=1, keepdims=True)
    a1 = jnp.min(jnp.where(p >= m1, iota, EXPERTS), axis=1, keepdims=True)
    p2 = jnp.where(iota == a1, -jnp.inf, p)
    m2 = jnp.max(p2, axis=1, keepdims=True)
    a2 = jnp.min(jnp.where(p2 >= m2, iota, EXPERTS), axis=1, keepdims=True)
    d = m2 - m1
    ed = jnp.exp(d)
    w1 = 1.0 / (1.0 + ed)
    w2 = ed / (1.0 + ed)
    eidx_ref[...] = jnp.concatenate([a1, a2], axis=1)
    w2_ref[...] = jnp.concatenate([w1, w2], axis=1)


def _gating(x, gate_W, gate_b, b_gate):
    grid = (N_TOK // GATE_BM,)
    return pl.pallas_call(
        _gate_body,
        grid=grid,
        in_specs=[
            pl.BlockSpec((GATE_BM, ACT_DIM), lambda i: (i, 0)),
            pl.BlockSpec((ACT_DIM, EXPERTS), lambda i: (0, 0)),
            pl.BlockSpec((1, EXPERTS), lambda i: (0, 0)),
            pl.BlockSpec((1, ACT_DIM), lambda i: (0, 0)),
        ],
        out_specs=[
            pl.BlockSpec((GATE_BM, E_ROUTED), lambda i: (i, 0)),
            pl.BlockSpec((GATE_BM, E_ROUTED), lambda i: (i, 0)),
        ],
        out_shape=[
            jax.ShapeDtypeStruct((N_TOK, E_ROUTED), jnp.int32),
            jax.ShapeDtypeStruct((N_TOK, E_ROUTED), jnp.float32),
        ],
    )(x, gate_W.T, gate_b[None, :], b_gate[None, :])


def _dispatch(eidx, w2):
    e_flat = eidx.reshape(-1)
    w_flat = w2.reshape(-1)
    onehot = (e_flat[:, None] ==
              jnp.arange(EXPERTS, dtype=e_flat.dtype)[None, :]).astype(jnp.int32)
    csum = jnp.cumsum(onehot, axis=0)
    rank = jnp.sum(onehot * csum, axis=1) - 1
    counts = csum[-1]
    padded = ((counts + BM - 1) // BM) * BM
    seg_pad = jnp.concatenate([jnp.zeros((1,), jnp.int32),
                               jnp.cumsum(padded)[:-1].astype(jnp.int32)])
    dest = seg_pad[e_flat] + rank
    ar = jnp.arange(e_flat.shape[0], dtype=jnp.int32)
    tok_ids = jnp.zeros((M_PAD,), jnp.int32).at[dest].set(ar // E_ROUTED)
    w_sorted = jnp.zeros((M_PAD,), jnp.float32).at[dest].set(w_flat)
    blk_expert = jnp.searchsorted(
        jnp.cumsum(padded), jnp.arange(NBLK, dtype=jnp.int32) * BM,
        side='right').astype(jnp.int32)
    blk_expert = jnp.minimum(blk_expert, EXPERTS - 1)
    return tok_ids, w_sorted, dest, blk_expert


def _gemm_body(be_ref, xs_ref, w_ref, encw_ref, encb_ref, bdec_ref, zs_ref):
    xb = xs_ref[...] - bdec_ref[...]
    z = jax.lax.dot_general(
        xb, encw_ref[...], (((1,), (1,)), ((), ())),
        preferred_element_type=jnp.float32, precision=_HI)
    z = jnp.maximum(z + encb_ref[...], 0.0) * w_ref[...]
    zs_ref[...] = z


def _grouped_gemm(xs, w_sorted, blk_expert, enc_W, enc_b, b_dec):
    grid_spec = pltpu.PrefetchScalarGridSpec(
        num_scalar_prefetch=1,
        grid=(NBLK,),
        in_specs=[
            pl.BlockSpec((BM, ACT_DIM), lambda i, be: (i, 0)),
            pl.BlockSpec((BM, 1), lambda i, be: (i, 0)),
            pl.BlockSpec((None, EXP_DICT, ACT_DIM), lambda i, be: (be[i], 0, 0)),
            pl.BlockSpec((None, 1, EXP_DICT), lambda i, be: (be[i], 0, 0)),
            pl.BlockSpec((1, ACT_DIM), lambda i, be: (0, 0)),
        ],
        out_specs=pl.BlockSpec((BM, EXP_DICT), lambda i, be: (i, 0)),
    )
    return pl.pallas_call(
        _gemm_body,
        grid_spec=grid_spec,
        out_shape=jax.ShapeDtypeStruct((M_PAD, EXP_DICT), jnp.float32),
    )(blk_expert, xs, w_sorted[:, None], enc_W, enc_b[:, None, :],
      b_dec[None, :])


THR_BM = 256


def _thr_body(cs_ref, thr_ref):
    v = cs_ref[...]
    lo = jnp.full((THR_BM, 1), -1, jnp.int32)
    hi = jnp.full((THR_BM, 1), 0x7F7FFFFF, jnp.int32)

    def step(_, carry):
        lo, hi = carry
        mid = lo + (hi - lo) // 2
        cnt = jnp.sum((v > mid).astype(jnp.int32), axis=1, keepdims=True)
        small = cnt < K
        return jnp.where(small, lo, mid + 1), jnp.where(small, mid, hi)

    lo, hi = jax.lax.fori_loop(0, 31, step, (lo, hi))
    thr_ref[...] = hi.reshape(1, THR_BM)


def _thresholds(cs_bits):
    n = N_TOK // THR_BM
    out = pl.pallas_call(
        _thr_body,
        grid=(n,),
        in_specs=[pl.BlockSpec((THR_BM, E_ROUTED * EXP_DICT), lambda i: (i, 0))],
        out_specs=pl.BlockSpec((None, 1, THR_BM), lambda i: (i, 0, 0)),
        out_shape=jax.ShapeDtypeStruct((n, 1, THR_BM), jnp.int32),
    )(cs_bits)
    return out.reshape(N_TOK)


def _sc_gather_rows(table, idx, D, CH):
    B = idx.shape[0]
    bpw = B // NW
    nch = bpw // CH
    mesh = plsc.VectorSubcoreMesh(**SC_MESH)

    @functools.partial(
        pl.kernel,
        out_type=jax.ShapeDtypeStruct((B, D), table.dtype),
        mesh=mesh,
        scratch_types=[
            pltpu.VMEM((bpw,), jnp.int32),
            pltpu.VMEM((CH, D), table.dtype),
            pltpu.SemaphoreType.DMA,
        ],
        compiler_params=pltpu.CompilerParams(needs_layout_passes=False),
    )
    def k(table_h, idx_h, out_h, idx_v, buf_v, sem):
        wid = lax.axis_index("s") * 2 + lax.axis_index("c")
        base = wid * bpw
        pltpu.sync_copy(idx_h.at[pl.ds(base, bpw)], idx_v)

        def chunk(c, carry):
            pltpu.async_copy(
                table_h.at[idx_v.at[pl.ds(c * CH, CH)]], buf_v, sem).wait()
            pltpu.sync_copy(buf_v, out_h.at[pl.ds(base + c * CH, CH)])
            return carry

        lax.fori_loop(0, nch, chunk, 0)

    return k(table, idx)


TPW = N_TOK // NW
NCH = (E_ROUTED * EXP_DICT) // 16
ND = ACT_DIM // 16


def _sc_select_decode(cs, thr, base_flat, decoder, b_dec):
    mesh = plsc.VectorSubcoreMesh(**SC_MESH)

    @functools.partial(
        pl.kernel,
        out_type=jax.ShapeDtypeStruct((N_TOK, ACT_DIM), jnp.float32),
        mesh=mesh,
        scratch_types=[
            pltpu.VMEM((2, E_ROUTED * EXP_DICT), jnp.float32),
            pltpu.VMEM((TPW,), jnp.int32),
            pltpu.VMEM((TPW * E_ROUTED,), jnp.int32),
            pltpu.VMEM((2, K), jnp.float32),
            pltpu.VMEM((2, K), jnp.int32),
            pltpu.VMEM((2, K, ACT_DIM), jnp.float32),
            pltpu.VMEM((ACT_DIM,), jnp.float32),
            pltpu.VMEM((ACT_DIM,), jnp.float32),
            pltpu.SemaphoreType.DMA((2,)),
            pltpu.SemaphoreType.DMA((2,)),
        ],
        compiler_params=pltpu.CompilerParams(needs_layout_passes=False),
    )
    def k(cs_h, thr_h, base_h, dec_h, bdec_h, out_h, csv, thrv, basev, valsv,
          idxsv, rowsv, bdecv, outv, cssem, rowsem):
        wid = lax.axis_index("s") * 2 + lax.axis_index("c")
        pltpu.sync_copy(thr_h.at[pl.ds(wid * TPW, TPW)], thrv)
        pltpu.sync_copy(base_h.at[pl.ds(wid * TPW * E_ROUTED,
                                        TPW * E_ROUTED)], basev)
        pltpu.sync_copy(bdec_h, bdecv)
        lanes = lax.iota(jnp.int32, 16)

        def cs_dma(j, s):
            return pltpu.make_async_copy(
                cs_h.at[wid * TPW + j], csv.at[s], cssem.at[s])

        def row_dma(s):
            return pltpu.make_async_copy(
                dec_h.at[idxsv.at[s]], rowsv.at[s], rowsem.at[s])

        def select(j, s):
            for b in range(K // 16):
                valsv[s, pl.ds(b * 16, 16)] = jnp.zeros((16,), jnp.float32)
                idxsv[s, pl.ds(b * 16, 16)] = jnp.zeros((16,), jnp.int32)
            tvec = plsc.load_gather(thrv, [jnp.zeros((16,), jnp.int32) + j])
            b0 = plsc.load_gather(basev, [jnp.zeros((16,), jnp.int32) + 2 * j])
            b1 = plsc.load_gather(basev,
                                  [jnp.zeros((16,), jnp.int32) + 2 * j + 1])

            def group(g, off):
                vfs, vis, masks, cnts, css = [], [], [], [], []
                for u in range(4):
                    vf = csv[s, pl.ds(g * 64 + u * 16, 16)]
                    vi = plsc.bitcast(vf, jnp.int32)
                    mask = (vi >= tvec) & (vi > 0)
                    vfs.append(vf)
                    vis.append(vi)
                    masks.append(mask)
                    cnts.append(jnp.sum(mask.astype(jnp.int32)))
                    css.append(plsc.cumsum(mask.astype(jnp.int32)))

                @pl.when(off < K)
                def _():
                    o = off
                    for u in range(4):
                        c = g * 4 + u
                        sh = (c >= NCH // 2).astype(jnp.int32)
                        gidx = b0 + sh * (b1 - b0) + (
                            lanes + c * 16 - sh * (EXP_DICT * E_ROUTED // 2))
                        pos = o + css[u] - 1
                        mask2 = masks[u] & (pos < K)
                        plsc.store_scatter(valsv.at[s], [pos], vfs[u],
                                           mask=mask2)
                        plsc.store_scatter(idxsv.at[s], [pos], gidx,
                                           mask=mask2)
                        o = o + cnts[u]

                return off + cnts[0] + cnts[1] + cnts[2] + cnts[3]

            lax.fori_loop(0, NCH // 4, group, jnp.int32(0))

        def accum_store(j, s):
            def accum(kk, acc):
                w = plsc.load_gather(valsv.at[s],
                                     [jnp.zeros((16,), jnp.int32) + kk])
                return tuple(acc[d] + w * rowsv[s, kk, pl.ds(d * 16, 16)]
                             for d in range(ND))

            acc0 = tuple(bdecv[pl.ds(d * 16, 16)] for d in range(ND))
            acc = lax.fori_loop(0, K, accum, acc0)
            for d in range(ND):
                outv[pl.ds(d * 16, 16)] = acc[d]
            pltpu.sync_copy(outv, out_h.at[wid * TPW + j])

        def phase(j, s):
            cs_dma(j, s).wait()
            select(j, s)
            row_dma(s).start()

            @pl.when(j >= 1)
            def _():
                row_dma(1 - s).wait()
                accum_store(j - 1, 1 - s)

            @pl.when(j + 2 < TPW)
            def _():
                cs_dma(j + 2, s).start()

        cs_dma(0, 0).start()
        cs_dma(1, 1).start()

        def pair(jj, carry):
            phase(2 * jj, 0)
            phase(2 * jj + 1, 1)
            return carry

        lax.fori_loop(0, TPW // 2, pair, 0)
        row_dma(1).wait()
        accum_store(TPW - 1, 1)

    return k(cs, thr, base_flat, decoder, b_dec)


def kernel(x, gate_W, gate_b, enc_W, enc_b, decoder, b_gate, b_dec):
    eidx, w2 = _gating(x, gate_W, gate_b, b_gate)
    tok_ids, w_sorted, pos_flat, blk_expert = _dispatch(eidx, w2)
    xs = _sc_gather_rows(x, tok_ids, ACT_DIM, 96)
    zs = _grouped_gemm(xs, w_sorted, blk_expert, enc_W, enc_b, b_dec)
    cs = _sc_gather_rows(zs, pos_flat, EXP_DICT, 64)
    cs = cs.reshape(N_TOK, E_ROUTED * EXP_DICT)
    thr = _thresholds(cs.view(jnp.int32))
    base_flat = (eidx * EXP_DICT).reshape(-1)
    return _sc_select_decode(cs, thr, base_flat, decoder, b_dec)

# --- scband reference (transcript-rebuilt; emitter-appended) ---
"""Pipeline reference for scband-multi-enc-auto-encoder-59846074303029 (READ-ONLY COPY).

The authoritative reference and input builder live on the scoring server;
editing this copy changes nothing except your own understanding.
"""

import jax, jax.numpy as jnp
import numpy as np

ACT_DIM = 768
DICT_SIZE = 24576
K = 64
EXPERTS = 16
E_ROUTED = 2
EXP_DICT = DICT_SIZE // EXPERTS
N_TOK = 8192


def setup_inputs(seed: int = 0) -> dict:
    key = jax.random.key(seed)
    ks = jax.random.split(key, 5)
    x = jax.random.normal(ks[0], (N_TOK, ACT_DIM), dtype=jnp.float32)
    gate_W = jax.random.normal(ks[1], (EXPERTS, ACT_DIM), dtype=jnp.float32) * 0.02
    gate_b = jnp.zeros((EXPERTS,), dtype=jnp.float32)
    enc_W = jax.random.normal(ks[2], (EXPERTS, EXP_DICT, ACT_DIM), dtype=jnp.float32) * 0.02
    enc_b = jnp.zeros((EXPERTS, EXP_DICT), dtype=jnp.float32)
    decoder = jax.random.normal(ks[3], (DICT_SIZE, ACT_DIM), dtype=jnp.float32)
    decoder = decoder / (jnp.linalg.norm(decoder, axis=1, keepdims=True) + jnp.finfo(jnp.float32).eps)
    b_gate = jnp.zeros((ACT_DIM,), dtype=jnp.float32)
    b_dec = jnp.zeros((ACT_DIM,), dtype=jnp.float32)
    return {"x": x, "gate_W": gate_W, "gate_b": gate_b, "enc_W": enc_W,
            "enc_b": enc_b, "decoder": decoder, "b_gate": b_gate, "b_dec": b_dec}


def reference(x, gate_W, gate_b, enc_W, enc_b, decoder, b_gate, b_dec):
    B = x.shape[0]
    # gating
    gate_logits = (x - b_gate) @ gate_W.T + gate_b
    gate_scores = jax.nn.softmax(gate_logits, axis=-1)
    top_values, top_idx = jax.lax.top_k(gate_scores, E_ROUTED)
    sparse_weights = jnp.full_like(gate_scores, -jnp.inf)
    sparse_weights = sparse_weights.at[jnp.arange(B)[:, None], top_idx].set(top_values)
    expert_mask = jax.nn.softmax(sparse_weights, axis=-1)  # [B, EXPERTS]
    # all expert encoders applied densely (as in the torch loop)
    z = jnp.einsum('bd,ekd->bek', x - b_dec, enc_W) + enc_b[None, :, :]
    z = jax.nn.relu(z)  # [B, EXPERTS, EXP_DICT]
    weighted = z * expert_mask[:, :, None]
    f = weighted.reshape(B, DICT_SIZE)
    # global top-k feature selection + sparse decode (TritonDecoder equivalent)
    top_acts, top_indices = jax.lax.top_k(f, K)
    dec_rows = jnp.take(decoder, top_indices, axis=0)  # [B, K, ACT_DIM] gather
    x_hat = jnp.einsum('bk,bkd->bd', top_acts, dec_rows) + b_dec
    return x_hat

if __name__ == "__main__":
    import jax
    _d = setup_inputs()
    print(jax.jit(kernel)(*tuple(_d.values())))

</pallas_src>

<mosaic_0001>
#map = affine_map<(d0, d1) -> (0, 0)>
#map1 = affine_map<(d0, d1) -> (0)>
module attributes {stable_mosaic.version = 14 : i64} {
  func.func @k(%arg0: i32, %arg1: i32, %arg2: memref<18432x1536xf32, #tpu.memory_space<hbm>>, %arg3: memref<16384xi32, #tpu.memory_space<hbm>>, %arg4: memref<16384x1536xf32, #tpu.memory_space<hbm>>, %arg5: memref<512xi32, #tpu.memory_space<vmem>>, %arg6: memref<64x1536xf32, #tpu.memory_space<vmem>>, %arg7: memref<!tpu.dma_semaphore, #tpu.memory_space<semaphore_mem>>) attributes {dimension_semantics = [#tpu.dimension_semantics<core_parallel>, #tpu.dimension_semantics<subcore_parallel>], iteration_bounds = array<i64: 2, 16>, scalar_prefetch = 0 : i64, scratch_operands = 3 : i64, tpu.core_type = #tpu.core_type<sc_vector_subcore>, window_params = [{transform_indices = #map}, {transform_indices = #map1}, {transform_indices = #map}]} {
    %mul3A = arith.constant 2 : i32
    %mul3A_0 = arith.muli %arg1, %mul3A : i32
    %add3A = arith.addi %mul3A_0, %arg0 : i32
    %mul3A_1 = arith.constant 512 : i32
    %mul3A_2 = arith.muli %add3A, %mul3A_1 : i32
    "tpu.region"() ({
      %run_scoped3A = tpu.sem_alloc : memref<!tpu.dma_semaphore, #tpu.memory_space<semaphore_mem>>
      %dma_start3A = tpu.memref_slice %arg3[%mul3A_2] : memref<16384xi32, #tpu.memory_space<hbm>> -> memref<512xi32, #tpu.memory_space<hbm>>
      %dma_start3A_8 = tpu.memref_slice %arg3[%mul3A_2] : memref<16384xi32, #tpu.memory_space<hbm>> -> memref<512xi32, #tpu.memory_space<hbm>>
      tpu.enqueue_dma source(%dma_start3A_8 : memref<512xi32, #tpu.memory_space<hbm>>) target(%arg5 : memref<512xi32, #tpu.memory_space<vmem>>) target_semaphore(%run_scoped3A : memref<!tpu.dma_semaphore, #tpu.memory_space<semaphore_mem>>)
      %dma_wait3A = tpu.memref_slice %arg3[%mul3A_2] : memref<16384xi32, #tpu.memory_space<hbm>> -> memref<512xi32, #tpu.memory_space<hbm>>
      %dma_wait3A_9 = tpu.memref_slice %arg3[%mul3A_2] : memref<16384xi32, #tpu.memory_space<hbm>> -> memref<512xi32, #tpu.memory_space<hbm>>
      tpu.wait_dma2 semaphore(%run_scoped3A : memref<!tpu.dma_semaphore, #tpu.memory_space<semaphore_mem>>) src(%dma_wait3A_9 : memref<512xi32, #tpu.memory_space<hbm>>) dst(%arg5 : memref<512xi32, #tpu.memory_space<vmem>>)
      tpu.yield
    }) : () -> ()
    %scan3A = arith.constant 0 : i32
    %scan3A_3 = arith.constant 0 : i32
    %scan3A_4 = arith.constant 8 : i32
    %scan3A_5 = arith.addi %scan3A_3, %scan3A_4 : i32
    %scan3A_6 = arith.constant 1 : i32
    scf.for %scan3A_8 = %scan3A_3 to %scan3A_5 step %scan3A_6  : i32 {
      %mul3A_9 = arith.constant 64 : i32
      %mul3A_10 = arith.muli %scan3A_8, %mul3A_9 : i32
      %dma_start3A = tpu.memref_slice %arg5[%mul3A_10] : memref<512xi32, #tpu.memory_space<vmem>> -> memref<64xi32, #tpu.memory_space<vmem>>
      %dma_start3A_11 = arith.constant 0 : i32
      %dma_start3A_12 = arith.constant 0 : i32
      %dma_start3A_13 = tpu.memref_slice %arg2[%dma_start3A_11, %dma_start3A_12] : memref<18432x1536xf32, #tpu.memory_space<hbm>> -> memref<18432x1536xf32, #tpu.memory_space<hbm>>
      tpu.enqueue_indirect_dma source(%dma_start3A_13 : memref<18432x1536xf32, #tpu.memory_space<hbm>>) target(%arg6 : memref<64x1536xf32, #tpu.memory_space<vmem>>) offsets(%dma_start3A : memref<64xi32, #tpu.memory_space<vmem>>) semaphore(%arg7 : memref<!tpu.dma_semaphore, #tpu.memory_space<semaphore_mem>>)
      %dma_wait3A = tpu.memref_slice %arg5[%mul3A_10] : memref<512xi32, #tpu.memory_space<vmem>> -> memref<64xi32, #tpu.memory_space<vmem>>
      %dma_wait3A_14 = arith.constant 0 : i32
      %dma_wait3A_15 = arith.constant 0 : i32
      %dma_wait3A_16 = tpu.memref_slice %arg2[%dma_wait3A_14, %dma_wait3A_15] : memref<18432x1536xf32, #tpu.memory_space<hbm>> -> memref<18432x1536xf32, #tpu.memory_space<hbm>>
      tpu.wait_indirect_dma semaphore(%arg7 : memref<!tpu.dma_semaphore, #tpu.memory_space<semaphore_mem>>) src(%dma_wait3A_16 : memref<18432x1536xf32, #tpu.memory_space<hbm>>) dst(%arg6 : memref<64x1536xf32, #tpu.memory_space<vmem>>)
      %mul3A_17 = arith.constant 64 : i32
      %mul3A_18 = arith.muli %scan3A_8, %mul3A_17 : i32
      %add3A_19 = arith.addi %mul3A_2, %mul3A_18 : i32
      "tpu.region"() ({
        %run_scoped3A = tpu.sem_alloc : memref<!tpu.dma_semaphore, #tpu.memory_space<semaphore_mem>>
        %dma_start3A_20 = arith.constant 0 : i32
        %dma_start3A_21 = tpu.memref_slice %arg4[%add3A_19, %dma_start3A_20] : memref<16384x1536xf32, #tpu.memory_space<hbm>> -> memref<64x1536xf32, #tpu.memory_space<hbm>>
        %dma_start3A_22 = arith.constant 0 : i32
        %dma_start3A_23 = tpu.memref_slice %arg4[%add3A_19, %dma_start3A_22] : memref<16384x1536xf32, #tpu.memory_space<hbm>> -> memref<64x1536xf32, #tpu.memory_space<hbm>>
        tpu.enqueue_dma source(%arg6 : memref<64x1536xf32, #tpu.memory_space<vmem>>) target(%dma_start3A_23 : memref<64x1536xf32, #tpu.memory_space<hbm>>) target_semaphore(%run_scoped3A : memref<!tpu.dma_semaphore, #tpu.memory_space<semaphore_mem>>)
        %dma_wait3A_24 = arith.constant 0 : i32
        %dma_wait3A_25 = tpu.memref_slice %arg4[%add3A_19, %dma_wait3A_24] : memref<16384x1536xf32, #tpu.memory_space<hbm>> -> memref<64x1536xf32, #tpu.memory_space<hbm>>
        %dma_wait3A_26 = arith.constant 0 : i32
        %dma_wait3A_27 = tpu.memref_slice %arg4[%add3A_19, %dma_wait3A_26] : memref<16384x1536xf32, #tpu.memory_space<hbm>> -> memref<64x1536xf32, #tpu.memory_space<hbm>>
        tpu.wait_dma2 semaphore(%run_scoped3A : memref<!tpu.dma_semaphore, #tpu.memory_space<semaphore_mem>>) src(%arg6 : memref<64x1536xf32, #tpu.memory_space<vmem>>) dst(%dma_wait3A_27 : memref<64x1536xf32, #tpu.memory_space<hbm>>)
        tpu.yield
      }) : () -> ()
    }
    %scan3A_7 = arith.constant 8 : i32
    return
  }
}

#map = affine_map<(d0, d1) -> (0, 0)>
#map1 = affine_map<(d0, d1) -> (0)>
module attributes {stable_mosaic.version = 14 : i64} {
  func.func @k(%arg0: i32, %arg1: i32, %arg2: memref<8192x3072xf32, #tpu.memory_space<hbm>>, %arg3: memref<8192xi32, #tpu.memory_space<hbm>>, %arg4: memref<16384xi32, #tpu.memory_space<hbm>>, %arg5: memref<24576x768xf32, #tpu.memory_space<hbm>>, %arg6: memref<768xf32, #tpu.memory_space<hbm>>, %arg7: memref<8192x768xf32, #tpu.memory_space<hbm>>, %arg8: memref<2x3072xf32, #tpu.memory_space<vmem>>, %arg9: memref<256xi32, #tpu.memory_space<vmem>>, %arg10: memref<512xi32, #tpu.memory_space<vmem>>, %arg11: memref<2x64xf32, #tpu.memory_space<vmem>>, %arg12: memref<2x64xi32, #tpu.memory_space<vmem>>, %arg13: memref<2x64x768xf32, #tpu.memory_space<vmem>>, %arg14: memref<768xf32, #tpu.memory_space<vmem>>, %arg15: memref<768xf32, #tpu.memory_space<vmem>>, %arg16: memref<2x!tpu.dma_semaphore, #tpu.memory_space<semaphore_mem>>, %arg17: memref<2x!tpu.dma_semaphore, #tpu.memory_space<semaphore_mem>>) attributes {dimension_semantics = [#tpu.dimension_semantics<core_parallel>, #tpu.dimension_semantics<subcore_parallel>], iteration_bounds = array<i64: 2, 16>, scalar_prefetch = 0 : i64, scratch_operands = 10 : i64, tpu.core_type = #tpu.core_type<sc_vector_subcore>, window_params = [{transform_indices = #map}, {transform_indices = #map1}, {transform_indices = #map1}, {transform_indices = #map}, {transform_indices = #map1}, {transform_indices = #map}]} {
    %mul3A = arith.constant 2 : i32
    %mul3A_0 = arith.muli %arg1, %mul3A : i32
    %add3A = arith.addi %mul3A_0, %arg0 : i32
    %mul3A_1 = arith.constant 256 : i32
    %mul3A_2 = arith.muli %add3A, %mul3A_1 : i32
    "tpu.region"() ({
      %run_scoped3A = tpu.sem_alloc : memref<!tpu.dma_semaphore, #tpu.memory_space<semaphore_mem>>
      %dma_start3A_265 = tpu.memref_slice %arg3[%mul3A_2] : memref<8192xi32, #tpu.memory_space<hbm>> -> memref<256xi32, #tpu.memory_space<hbm>>
      %dma_start3A_266 = tpu.memref_slice %arg3[%mul3A_2] : memref<8192xi32, #tpu.memory_space<hbm>> -> memref<256xi32, #tpu.memory_space<hbm>>
      tpu.enqueue_dma source(%dma_start3A_266 : memref<256xi32, #tpu.memory_space<hbm>>) target(%arg9 : memref<256xi32, #tpu.memory_space<vmem>>) target_semaphore(%run_scoped3A : memref<!tpu.dma_semaphore, #tpu.memory_space<semaphore_mem>>)
      %dma_wait3A_267 = tpu.memref_slice %arg3[%mul3A_2] : memref<8192xi32, #tpu.memory_space<hbm>> -> memref<256xi32, #tpu.memory_space<hbm>>
      %dma_wait3A_268 = tpu.memref_slice %arg3[%mul3A_2] : memref<8192xi32, #tpu.memory_space<hbm>> -> memref<256xi32, #tpu.memory_space<hbm>>
      tpu.wait_dma2 semaphore(%run_scoped3A : memref<!tpu.dma_semaphore, #tpu.memory_space<semaphore_mem>>) src(%dma_wait3A_268 : memref<256xi32, #tpu.memory_space<hbm>>) dst(%arg9 : memref<256xi32, #tpu.memory_space<vmem>>)
      tpu.yield
    }) : () -> ()
    %mul3A_3 = arith.constant 256 : i32
    %mul3A_4 = arith.muli %add3A, %mul3A_3 : i32
    %mul3A_5 = arith.constant 2 : i32
    %mul3A_6 = arith.muli %mul3A_4, %mul3A_5 : i32
    "tpu.region"() ({
      %run_scoped3A = tpu.sem_alloc : memref<!tpu.dma_semaphore, #tpu.memory_space<semaphore_mem>>
      %dma_start3A_265 = tpu.memref_slice %arg4[%mul3A_6] : memref<16384xi32, #tpu.memory_space<hbm>> -> memref<512xi32, #tpu.memory_space<hbm>>
      %dma_start3A_266 = tpu.memref_slice %arg4[%mul3A_6] : memref<16384xi32, #tpu.memory_space<hbm>> -> memref<512xi32, #tpu.memory_space<hbm>>
      tpu.enqueue_dma source(%dma_start3A_266 : memref<512xi32, #tpu.memory_space<hbm>>) target(%arg10 : memref<512xi32, #tpu.memory_space<vmem>>) target_semaphore(%run_scoped3A : memref<!tpu.dma_semaphore, #tpu.memory_space<semaphore_mem>>)
      %dma_wait3A_267 = tpu.memref_slice %arg4[%mul3A_6] : memref<16384xi32, #tpu.memory_space<hbm>> -> memref<512xi32, #tpu.memory_space<hbm>>
      %dma_wait3A_268 = tpu.memref_slice %arg4[%mul3A_6] : memref<16384xi32, #tpu.memory_space<hbm>> -> memref<512xi32, #tpu.memory_space<hbm>>
      tpu.wait_dma2 semaphore(%run_scoped3A : memref<!tpu.dma_semaphore, #tpu.memory_space<semaphore_mem>>) src(%dma_wait3A_268 : memref<512xi32, #tpu.memory_space<hbm>>) dst(%arg10 : memref<512xi32, #tpu.memory_space<vmem>>)
      tpu.yield
    }) : () -> ()
    "tpu.region"() ({
      %run_scoped3A = tpu.sem_alloc : memref<!tpu.dma_semaphore, #tpu.memory_space<semaphore_mem>>
      tpu.enqueue_dma source(%arg6 : memref<768xf32, #tpu.memory_space<hbm>>) target(%arg14 : memref<768xf32, #tpu.memory_space<vmem>>) target_semaphore(%run_scoped3A : memref<!tpu.dma_semaphore, #tpu.memory_space<semaphore_mem>>)
      tpu.wait_dma2 semaphore(%run_scoped3A : memref<!tpu.dma_semaphore, #tpu.memory_space<semaphore_mem>>) src(%arg6 : memref<768xf32, #tpu.memory_space<hbm>>) dst(%arg14 : memref<768xf32, #tpu.memory_space<vmem>>)
      tpu.yield
    }) : () -> ()
    %iota3A = tpu.iota {dimensions = array<i32: 0>} : vector<16xi32>
    %mul3A_7 = arith.constant 256 : i32
    %mul3A_8 = arith.muli %add3A, %mul3A_7 : i32
    %add3A_9 = arith.constant 0 : i32
    %add3A_10 = arith.addi %mul3A_8, %add3A_9 : i32
    %dma_start3A = arith.constant 0 : i32
    %dma_start3A_11 = arith.constant 0 : i32
    %dma_start3A_12 = arith.constant 0 : i32
    %dma_start3A_13 = tpu.memref_slice %arg8[%dma_start3A, %dma_start3A_12] : memref<2x3072xf32, #tpu.memory_space<vmem>> -> memref<1x3072xf32, #tpu.memory_space<vmem>>
    %dma_start3A_14 = tpu.memref_squeeze %dma_start3A_13 : memref<1x3072xf32, #tpu.memory_space<vmem>> -> memref<3072xf32, #tpu.memory_space<vmem>>
    %dma_start3A_15 = arith.constant 0 : i32
    %dma_start3A_16 = tpu.memref_slice %arg2[%add3A_10, %dma_start3A_15] : memref<8192x3072xf32, #tpu.memory_space<hbm>> -> memref<1x3072xf32, #tpu.memory_space<hbm>>
    %dma_start3A_17 = tpu.memref_squeeze %dma_start3A_16 : memref<1x3072xf32, #tpu.memory_space<hbm>> -> memref<3072xf32, #tpu.memory_space<hbm>>
    %dma_start3A_18 = tpu.memref_slice %arg16[%dma_start3A_11] : memref<2x!tpu.dma_semaphore, #tpu.memory_space<semaphore_mem>> -> memref<1x!tpu.dma_semaphore, #tpu.memory_space<semaphore_mem>>
    %dma_start3A_19 = tpu.memref_squeeze %dma_start3A_18 : memref<1x!tpu.dma_semaphore, #tpu.memory_space<semaphore_mem>> -> memref<!tpu.dma_semaphore, #tpu.memory_space<semaphore_mem>>
    %dma_start3A_20 = arith.constant 0 : i32
    %dma_start3A_21 = tpu.memref_slice %arg8[%dma_start3A, %dma_start3A_20] : memref<2x3072xf32, #tpu.memory_space<vmem>> -> memref<1x3072xf32, #tpu.memory_space<vmem>>
    %dma_start3A_22 = tpu.memref_squeeze %dma_start3A_21 : memref<1x3072xf32, #tpu.memory_space<vmem>> -> memref<3072xf32, #tpu.memory_space<vmem>>
    %dma_start3A_23 = arith.constant 0 : i32
    %dma_start3A_24 = tpu.memref_slice %arg2[%add3A_10, %dma_start3A_23] : memref<8192x3072xf32, #tpu.memory_space<hbm>> -> memref<1x3072xf32, #tpu.memory_space<hbm>>
    %dma_start3A_25 = tpu.memref_squeeze %dma_start3A_24 : memref<1x3072xf32, #tpu.memory_space<hbm>> -> memref<3072xf32, #tpu.memory_space<hbm>>
    tpu.enqueue_dma source(%dma_start3A_25 : memref<3072xf32, #tpu.memory_space<hbm>>) target(%dma_start3A_22 : memref<3072xf32, #tpu.memory_space<vmem>>) target_semaphore(%dma_start3A_19 : memref<!tpu.dma_semaphore, #tpu.memory_space<semaphore_mem>>)
    %mul3A_26 = arith.constant 256 : i32
    %mul3A_27 = arith.muli %add3A, %mul3A_26 : i32
    %add3A_28 = arith.constant 1 : i32
    %add3A_29 = arith.addi %mul3A_27, %add3A_28 : i32
    %dma_start3A_30 = arith.constant 1 : i32
    %dma_start3A_31 = arith.constant 1 : i32
    %dma_start3A_32 = arith.constant 0 : i32
    %dma_start3A_33 = tpu.memref_slice %arg8[%dma_start3A_30, %dma_start3A_32] : memref<2x3072xf32, #tpu.memory_space<vmem>> -> memref<1x3072xf32, #tpu.memory_space<vmem>>
    %dma_start3A_34 = tpu.memref_squeeze %dma_start3A_33 : memref<1x3072xf32, #tpu.memory_space<vmem>> -> memref<3072xf32, #tpu.memory_space<vmem>>
    %dma_start3A_35 = arith.constant 0 : i32
    %dma_start3A_36 = tpu.memref_slice %arg2[%add3A_29, %dma_start3A_35] : memref<8192x3072xf32, #tpu.memory_space<hbm>> -> memref<1x3072xf32, #tpu.memory_space<hbm>>
    %dma_start3A_37 = tpu.memref_squeeze %dma_start3A_36 : memref<1x3072xf32, #tpu.memory_space<hbm>> -> memref<3072xf32, #tpu.memory_space<hbm>>
    %dma_start3A_38 = tpu.memref_slice %arg16[%dma_start3A_31] : memref<2x!tpu.dma_semaphore, #tpu.memory_space<semaphore_mem>> -> memref<1x!tpu.dma_semaphore, #tpu.memory_space<semaphore_mem>>
    %dma_start3A_39 = tpu.memref_squeeze %dma_start3A_38 : memref<1x!tpu.dma_semaphore, #tpu.memory_space<semaphore_mem>> -> memref<!tpu.dma_semaphore, #tpu.memory_space<semaphore_mem>>
    %dma_start3A_40 = arith.constant 0 : i32
    %dma_start3A_41 = tpu.memref_slice %arg8[%dma_start3A_30, %dma_start3A_40] : memref<2x3072xf32, #tpu.memory_space<vmem>> -> memref<1x3072xf32, #tpu.memory_space<vmem>>
    %dma_start3A_42 = tpu.memref_squeeze %dma_start3A_41 : memref<1x3072xf32, #tpu.memory_space<vmem>> -> memref<3072xf32, #tpu.memory_space<vmem>>
    %dma_start3A_43 = arith.constant 0 : i32
    %dma_start3A_44 = tpu.memref_slice %arg2[%add3A_29, %dma_start3A_43] : memref<8192x3072xf32, #tpu.memory_space<hbm>> -> memref<1x3072xf32, #tpu.memory_space<hbm>>
    %dma_start3A_45 = tpu.memref_squeeze %dma_start3A_44 : memref<1x3072xf32, #tpu.memory_space<hbm>> -> memref<3072xf32, #tpu.memory_space<hbm>>
    tpu.enqueue_dma source(%dma_start3A_45 : memref<3072xf32, #tpu.memory_space<hbm>>) target(%dma_start3A_42 : memref<3072xf32, #tpu.memory_space<vmem>>) target_semaphore(%dma_start3A_39 : memref<!tpu.dma_semaphore, #tpu.memory_space<semaphore_mem>>)
    %scan3A = arith.constant 0 : i32
    %scan3A_46 = arith.constant 0 : i32
    %scan3A_47 = arith.constant 128 : i32
    %scan3A_48 = arith.addi %scan3A_46, %scan3A_47 : i32
    %scan3A_49 = arith.constant 1 : i32
    scf.for %scan3A_265 = %scan3A_46 to %scan3A_48 step %scan3A_49  : i32 {
      %mul3A_266 = arith.constant 2 : i32
      %mul3A_267 = arith.muli %mul3A_266, %scan3A_265 : i32
      %mul3A_268 = arith.constant 256 : i32
      %mul3A_269 = arith.muli %add3A, %mul3A_268 : i32
      %add3A_270 = arith.addi %mul3A_269, %mul3A_267 : i32
      %dma_wait3A_271 = arith.constant 0 : i32
      %dma_wait3A_272 = arith.constant 0 : i32
      %dma_wait3A_273 = arith.constant 0 : i32
      %dma_wait3A_274 = tpu.memref_slice %arg8[%dma_wait3A_271, %dma_wait3A_273] : memref<2x3072xf32, #tpu.memory_space<vmem>> -> memref<1x3072xf32, #tpu.memory_space<vmem>>
      %dma_wait3A_275 = tpu.memref_squeeze %dma_wait3A_274 : memref<1x3072xf32, #tpu.memory_space<vmem>> -> memref<3072xf32, #tpu.memory_space<vmem>>
      %dma_wait3A_276 = arith.constant 0 : i32
      %dma_wait3A_277 = tpu.memref_slice %arg2[%add3A_270, %dma_wait3A_276] : memref<8192x3072xf32, #tpu.memory_space<hbm>> -> memref<1x3072xf32, #tpu.memory_space<hbm>>
      %dma_wait3A_278 = tpu.memref_squeeze %dma_wait3A_277 : memref<1x3072xf32, #tpu.memory_space<hbm>> -> memref<3072xf32, #tpu.memory_space<hbm>>
      %dma_wait3A_279 = tpu.memref_slice %arg16[%dma_wait3A_272] : memref<2x!tpu.dma_semaphore, #tpu.memory_space<semaphore_mem>> -> memref<1x!tpu.dma_semaphore, #tpu.memory_space<semaphore_mem>>
      %dma_wait3A_280 = tpu.memref_squeeze %dma_wait3A_279 : memref<1x!tpu.dma_semaphore, #tpu.memory_space<semaphore_mem>> -> memref<!tpu.dma_semaphore, #tpu.memory_space<semaphore_mem>>
      %dma_wait3A_281 = arith.constant 0 : i32
      %dma_wait3A_282 = tpu.memref_slice %arg8[%dma_wait3A_271, %dma_wait3A_281] : memref<2x3072xf32, #tpu.memory_space<vmem>> -> memref<1x3072xf32, #tpu.memory_space<vmem>>
      %dma_wait3A_283 = tpu.memref_squeeze %dma_wait3A_282 : memref<1x3072xf32, #tpu.memory_space<vmem>> -> memref<3072xf32, #tpu.memory_space<vmem>>
      %dma_wait3A_284 = arith.constant 0 : i32
      %dma_wait3A_285 = tpu.memref_slice %arg2[%add3A_270, %dma_wait3A_284] : memref<8192x3072xf32, #tpu.memory_space<hbm>> -> memref<1x3072xf32, #tpu.memory_space<hbm>>
      %dma_wait3A_286 = tpu.memref_squeeze %dma_wait3A_285 : memref<1x3072xf32, #tpu.memory_space<hbm>> -> memref<3072xf32, #tpu.memory_space<hbm>>
      tpu.wait_dma2 semaphore(%dma_wait3A_280 : memref<!tpu.dma_semaphore, #tpu.memory_space<semaphore_mem>>) src(%dma_wait3A_286 : memref<3072xf32, #tpu.memory_space<hbm>>) dst(%dma_wait3A_283 : memref<3072xf32, #tpu.memory_space<vmem>>)
      %broadcast_in_dim3A = arith.constant 0.000000e+00 : f32
      %broadcast_in_dim3A_287 = vector.broadcast %broadcast_in_dim3A : f32 to vector<16xf32>
      %swap3A_288 = arith.constant 0 : i32
      %swap3A_289 = arith.index_cast %swap3A_288 : i32 to index
      %swap3A_290 = arith.constant 0 : index
      %swap3A_291 = tpu.vector_load %arg11[%swap3A_289, %swap3A_290] {strides = array<i32>} : memref<2x64xf32, #tpu.memory_space<vmem>>, vector<16xf32>,
      tpu.vector_store %arg11[%swap3A_289, %swap3A_290], %broadcast_in_dim3A_287 {strides = array<i32>} : memref<2x64xf32, #tpu.memory_space<vmem>>, vector<16xf32>,
      %broadcast_in_dim3A_292 = arith.constant 0 : i32
      %broadcast_in_dim3A_293 = vector.broadcast %broadcast_in_dim3A_292 : i32 to vector<16xi32>
      %swap3A_294 = arith.constant 0 : i32
      %swap3A_295 = arith.index_cast %swap3A_294 : i32 to index
      %swap3A_296 = arith.constant 0 : index
      %swap3A_297 = tpu.vector_load %arg12[%swap3A_295, %swap3A_296] {strides = array<i32>} : memref<2x64xi32, #tpu.memory_space<vmem>>, vector<16xi32>,
      tpu.vector_store %arg12[%swap3A_295, %swap3A_296], %broadcast_in_dim3A_293 {strides = array<i32>} : memref<2x64xi32, #tpu.memory_space<vmem>>, vector<16xi32>,
      %broadcast_in_dim3A_298 = arith.constant 0.000000e+00 : f32
      %broadcast_in_dim3A_299 = vector.broadcast %broadcast_in_dim3A_298 : f32 to vector<16xf32>
      %swap3A_300 = arith.constant 0 : i32
      %swap3A_301 = arith.index_cast %swap3A_300 : i32 to index
      %swap3A_302 = arith.constant 16 : index
      %swap3A_303 = tpu.vector_load %arg11[%swap3A_301, %swap3A_302] {strides = array<i32>} : memref<2x64xf32, #tpu.memory_space<vmem>>, vector<16xf32>,
      tpu.vector_store %arg11[%swap3A_301, %swap3A_302], %broadcast_in_dim3A_299 {strides = array<i32>} : memref<2x64xf32, #tpu.memory_space<vmem>>, vector<16xf32>,
      %broadcast_in_dim3A_304 = arith.constant 0 : i32
      %broadcast_in_dim3A_305 = vector.broadcast %broadcast_in_dim3A_304 : i32 to vector<16xi32>
      %swap3A_306 = arith.constant 0 : i32
      %swap3A_307 = arith.index_cast %swap3A_306 : i32 to index
      %swap3A_308 = arith.constant 16 : index
      %swap3A_309 = tpu.vector_load %arg12[%swap3A_307, %swap3A_308] {strides = array<i32>} : memref<2x64xi32, #tpu.memory_space<vmem>>, vector<16xi32>,
      tpu.vector_store %arg12[%swap3A_307, %swap3A_308], %broadcast_in_dim3A_305 {strides = array<i32>} : memref<2x64xi32, #tpu.memory_space<vmem>>, vector<16xi32>,
      %broadcast_in_dim3A_310 = arith.constant 0.000000e+00 : f32
      %broadcast_in_dim3A_311 = vector.broadcast %broadcast_in_dim3A_310 : f32 to vector<16xf32>
      %swap3A_312 = arith.constant 0 : i32
      %swap3A_313 = arith.index_cast %swap3A_312 : i32 to index
      %swap3A_314 = arith.constant 32 : index
      %swap3A_315 = tpu.vector_load %arg11[%swap3A_313, %swap3A_314] {strides = array<i32>} : memref<2x64xf32, #tpu.memory_space<vmem>>, vector<16xf32>,
      tpu.vector_store %arg11[%swap3A_313, %swap3A_314], %broadcast_in_dim3A_311 {strides = array<i32>} : memref<2x64xf32, #tpu.memory_space<vmem>>, vector<16xf32>,
      %broadcast_in_dim3A_316 = arith.constant 0 : i32
      %broadcast_in_dim3A_317 = vector.broadcast %broadcast_in_dim3A_316 : i32 to vector<16xi32>
      %swap3A_318 = arith.constant 0 : i32
      %swap3A_319 = arith.index_cast %swap3A_318 : i32 to index
      %swap3A_320 = arith.constant 32 : index
      %swap3A_321 = tpu.vector_load %arg12[%swap3A_319, %swap3A_320] {strides = array<i32>} : memref<2x64xi32, #tpu.memory_space<vmem>>, vector<16xi32>,
      tpu.vector_store %arg12[%swap3A_319, %swap3A_320], %broadcast_in_dim3A_317 {strides = array<i32>} : memref<2x64xi32, #tpu.memory_space<vmem>>, vector<16xi32>,
      %broadcast_in_dim3A_322 = arith.constant 0.000000e+00 : f32
      %broadcast_in_dim3A_323 = vector.broadcast %broadcast_in_dim3A_322 : f32 to vector<16xf32>
      %swap3A_324 = arith.constant 0 : i32
      %swap3A_325 = arith.index_cast %swap3A_324 : i32 to index
      %swap3A_326 = arith.constant 48 : index
      %swap3A_327 = tpu.vector_load %arg11[%swap3A_325, %swap3A_326] {strides = array<i32>} : memref<2x64xf32, #tpu.memory_space<vmem>>, vector<16xf32>,
      tpu.vector_store %arg11[%swap3A_325, %swap3A_326], %broadcast_in_dim3A_323 {strides = array<i32>} : memref<2x64xf32, #tpu.memory_space<vmem>>, vector<16xf32>,
      %broadcast_in_dim3A_328 = arith.constant 0 : i32
      %broadcast_in_dim3A_329 = vector.broadcast %broadcast_in_dim3A_328 : i32 to vector<16xi32>
      %swap3A_330 = arith.constant 0 : i32
      %swap3A_331 = arith.index_cast %swap3A_330 : i32 to index
      %swap3A_332 = arith.constant 48 : index
      %swap3A_333 = tpu.vector_load %arg12[%swap3A_331, %swap3A_332] {strides = array<i32>} : memref<2x64xi32, #tpu.memory_space<vmem>>, vector<16xi32>,
      tpu.vector_store %arg12[%swap3A_331, %swap3A_332], %broadcast_in_dim3A_329 {strides = array<i32>} : memref<2x64xi32, #tpu.memory_space<vmem>>, vector<16xi32>,
      %broadcast_in_dim3A_334 = arith.constant 0 : i32
      %broadcast_in_dim3A_335 = vector.broadcast %broadcast_in_dim3A_334 : i32 to vector<16xi32>
      %add3A_336 = vector.broadcast %mul3A_267 : i32 to vector<16xi32>
      %add3A_337 = arith.addi %broadcast_in_dim3A_335, %add3A_336 : vector<16xi32>
      %gather3A = tpu.vector_load_idx %arg9[%add3A_337] : memref<256xi32, #tpu.memory_space<vmem>>[vector<16xi32>], vector<16xi32>,
      %broadcast_in_dim3A_338 = arith.constant 0 : i32
      %broadcast_in_dim3A_339 = vector.broadcast %broadcast_in_dim3A_338 : i32 to vector<16xi32>
      %mul3A_340 = arith.constant 2 : i32
      %mul3A_341 = arith.muli %mul3A_340, %mul3A_267 : i32
      %add3A_342 = vector.broadcast %mul3A_341 : i32 to vector<16xi32>
      %add3A_343 = arith.addi %broadcast_in_dim3A_339, %add3A_342 : vector<16xi32>
      %gather3A_344 = tpu.vector_load_idx %arg10[%add3A_343] : memref<512xi32, #tpu.memory_space<vmem>>[vector<16xi32>], vector<16xi32>,
      %broadcast_in_dim3A_345 = arith.constant 0 : i32
      %broadcast_in_dim3A_346 = vector.broadcast %broadcast_in_dim3A_345 : i32 to vector<16xi32>
      %mul3A_347 = arith.constant 2 : i32
      %mul3A_348 = arith.muli %mul3A_347, %mul3A_267 : i32
      %add3A_349 = vector.broadcast %mul3A_348 : i32 to vector<16xi32>
      %add3A_350 = arith.addi %broadcast_in_dim3A_346, %add3A_349 : vector<16xi32>
      %add3A_351 = arith.constant 1 : i32
      %add3A_352 = vector.broadcast %add3A_351 : i32 to vector<16xi32>
      %add3A_353 = arith.addi %add3A_350, %add3A_352 : vector<16xi32>
      %gather3A_354 = tpu.vector_load_idx %arg10[%add3A_353] : memref<512xi32, #tpu.memory_space<vmem>>[vector<16xi32>], vector<16xi32>,
      %scan3A_355 = arith.constant 0 : i32
      %scan3A_356 = arith.constant 0 : i32
      %scan3A_357 = arith.constant 48 : i32
      %scan3A_358 = arith.addi %scan3A_356, %scan3A_357 : i32
      %scan3A_359 = arith.constant 1 : i32
      %scan3A_360 = scf.for %scan3A_512 = %scan3A_356 to %scan3A_358 step %scan3A_359 iter_args(%scan3A_513 = %scan3A_355) -> (i32)  : i32 {
        %mul3A_514 = arith.constant 64 : i32
        %mul3A_515 = arith.muli %scan3A_512, %mul3A_514 : i32
        %add3A_516 = arith.constant 0 : i32
        %add3A_517 = arith.addi %mul3A_515, %add3A_516 : i32
        %get3A_518 = arith.constant 0 : i32
        %get3A_519 = arith.index_cast %get3A_518 : i32 to index
        %get3A_520 = arith.index_cast %add3A_517 : i32 to index
        %get3A_521 = tpu.vector_load %arg8[%get3A_519, %get3A_520] {strides = array<i32>} : memref<2x3072xf32, #tpu.memory_space<vmem>>, vector<16xf32>,
        %bitcast3A = vector.bitcast %get3A_521 : vector<16xf32> to vector<16xi32>
        %ge3A_522 = arith.cmpi sge, %bitcast3A, %gather3A : vector<16xi32>
        %gt3A = arith.constant 0 : i32
        %gt3A_523 = vector.broadcast %gt3A : i32 to vector<16xi32>
        %gt3A_524 = arith.cmpi sgt, %bitcast3A, %gt3A_523 : vector<16xi32>
        %and3A = arith.andi %ge3A_522, %gt3A_524 : vector<16xi1>
        %convert_element_type3A_525 = arith.extui %and3A : vector<16xi1> to vector<16xi32>
        %reduce_sum3A = arith.constant true
        %reduce_sum3A_526 = vector.broadcast %reduce_sum3A : i1 to vector<16xi1>
        %reduce_sum3A_527 = tpu.scan <sum>, %convert_element_type3A_525 masked %reduce_sum3A_526 : vector<16xi32>, vector<16xi1> -> vector<16xi32>
        %reduce_sum3A_528 = vector.extract %reduce_sum3A_527[15] : i32 from vector<16xi32>
        %convert_element_type3A_529 = arith.extui %and3A : vector<16xi1> to vector<16xi32>
        %broadcast_in_dim3A_530 = arith.constant true
        %broadcast_in_dim3A_531 = vector.broadcast %broadcast_in_dim3A_530 : i1 to vector<16xi1>
        %masked_cumsum3A = tpu.scan <sum>, %convert_element_type3A_529 masked %broadcast_in_dim3A_531 : vector<16xi32>, vector<16xi1> -> vector<16xi32>
        %mul3A_532 = arith.constant 64 : i32
        %mul3A_533 = arith.muli %scan3A_512, %mul3A_532 : i32
        %add3A_534 = arith.constant 16 : i32
        %add3A_535 = arith.addi %mul3A_533, %add3A_534 : i32
        %get3A_536 = arith.constant 0 : i32
        %get3A_537 = arith.index_cast %get3A_536 : i32 to index
        %get3A_538 = arith.index_cast %add3A_535 : i32 to index
        %get3A_539 = tpu.vector_load %arg8[%get3A_537, %get3A_538] {strides = array<i32>} : memref<2x3072xf32, #tpu.memory_space<vmem>>, vector<16xf32>,
        %bitcast3A_540 = vector.bitcast %get3A_539 : vector<16xf32> to vector<16xi32>
        %ge3A_541 = arith.cmpi sge, %bitcast3A_540, %gather3A : vector<16xi32>
        %gt3A_542 = arith.constant 0 : i32
        %gt3A_543 = vector.broadcast %gt3A_542 : i32 to vector<16xi32>
        %gt3A_544 = arith.cmpi sgt, %bitcast3A_540, %gt3A_543 : vector<16xi32>
        %and3A_545 = arith.andi %ge3A_541, %gt3A_544 : vector<16xi1>
        %convert_element_type3A_546 = arith.extui %and3A_545 : vector<16xi1> to vector<16xi32>
        %reduce_sum3A_547 = arith.constant true
        %reduce_sum3A_548 = vector.broadcast %reduce_sum3A_547 : i1 to vector<16xi1>
        %reduce_sum3A_549 = tpu.scan <sum>, %convert_element_type3A_546 masked %reduce_sum3A_548 : vector<16xi32>, vector<16xi1> -> vector<16xi32>
        %reduce_sum3A_550 = vector.extract %reduce_sum3A_549[15] : i32 from vector<16xi32>
        %convert_element_type3A_551 = arith.extui %and3A_545 : vector<16xi1> to vector<16xi32>
        %broadcast_in_dim3A_552 = arith.constant true
        %broadcast_in_dim3A_553 = vector.broadcast %broadcast_in_dim3A_552 : i1 to vector<16xi1>
        %masked_cumsum3A_554 = tpu.scan <sum>, %convert_element_type3A_551 masked %broadcast_in_dim3A_553 : vector<16xi32>, vector<16xi1> -> vector<16xi32>
        %mul3A_555 = arith.constant 64 : i32
        %mul3A_556 = arith.muli %scan3A_512, %mul3A_555 : i32
        %add3A_557 = arith.constant 32 : i32
        %add3A_558 = arith.addi %mul3A_556, %add3A_557 : i32
        %get3A_559 = arith.constant 0 : i32
        %get3A_560 = arith.index_cast %get3A_559 : i32 to index
        %get3A_561 = arith.index_cast %add3A_558 : i32 to index
        %get3A_562 = tpu.vector_load %arg8[%get3A_560, %get3A_561] {strides = array<i32>} : memref<2x3072xf32, #tpu.memory_space<vmem>>, vector<16xf32>,
        %bitcast3A_563 = vector.bitcast %get3A_562 : vector<16xf32> to vector<16xi32>
        %ge3A_564 = arith.cmpi sge, %bitcast3A_563, %gather3A : vector<16xi32>
        %gt3A_565 = arith.constant 0 : i32
        %gt3A_566 = vector.broadcast %gt3A_565 : i32 to vector<16xi32>
        %gt3A_567 = arith.cmpi sgt, %bitcast3A_563, %gt3A_566 : vector<16xi32>
        %and3A_568 = arith.andi %ge3A_564, %gt3A_567 : vector<16xi1>
        %convert_element_type3A_569 = arith.extui %and3A_568 : vector<16xi1> to vector<16xi32>
        %reduce_sum3A_570 = arith.constant true
        %reduce_sum3A_571 = vector.broadcast %reduce_sum3A_570 : i1 to vector<16xi1>
        %reduce_sum3A_572 = tpu.scan <sum>, %convert_element_type3A_569 masked %reduce_sum3A_571 : vector<16xi32>, vector<16xi1> -> vector<16xi32>
        %reduce_sum3A_573 = vector.extract %reduce_sum3A_572[15] : i32 from vector<16xi32>
        %convert_element_type3A_574 = arith.extui %and3A_568 : vector<16xi1> to vector<16xi32>
        %broadcast_in_dim3A_575 = arith.constant true
        %broadcast_in_dim3A_576 = vector.broadcast %broadcast_in_dim3A_575 : i1 to vector<16xi1>
        %masked_cumsum3A_577 = tpu.scan <sum>, %convert_element_type3A_574 masked %broadcast_in_dim3A_576 : vector<16xi32>, vector<16xi1> -> vector<16xi32>
        %mul3A_578 = arith.constant 64 : i32
        %mul3A_579 = arith.muli %scan3A_512, %mul3A_578 : i32
        %add3A_580 = arith.constant 48 : i32
        %add3A_581 = arith.addi %mul3A_579, %add3A_580 : i32
        %get3A_582 = arith.constant 0 : i32
        %get3A_583 = arith.index_cast %get3A_582 : i32 to index
        %get3A_584 = arith.index_cast %add3A_581 : i32 to index
        %get3A_585 = tpu.vector_load %arg8[%get3A_583, %get3A_584] {strides = array<i32>} : memref<2x3072xf32, #tpu.memory_space<vmem>>, vector<16xf32>,
        %bitcast3A_586 = vector.bitcast %get3A_585 : vector<16xf32> to vector<16xi32>
        %ge3A_587 = arith.cmpi sge, %bitcast3A_586, %gather3A : vector<16xi32>
        %gt3A_588 = arith.constant 0 : i32
        %gt3A_589 = vector.broadcast %gt3A_588 : i32 to vector<16xi32>
        %gt3A_590 = arith.cmpi sgt, %bitcast3A_586, %gt3A_589 : vector<16xi32>
        %and3A_591 = arith.andi %ge3A_587, %gt3A_590 : vector<16xi1>
        %convert_element_type3A_592 = arith.extui %and3A_591 : vector<16xi1> to vector<16xi32>
        %reduce_sum3A_593 = arith.constant true
        %reduce_sum3A_594 = vector.broadcast %reduce_sum3A_593 : i1 to vector<16xi1>
        %reduce_sum3A_595 = tpu.scan <sum>, %convert_element_type3A_592 masked %reduce_sum3A_594 : vector<16xi32>, vector<16xi1> -> vector<16xi32>
        %reduce_sum3A_596 = vector.extract %reduce_sum3A_595[15] : i32 from vector<16xi32>
        %convert_element_type3A_597 = arith.extui %and3A_591 : vector<16xi1> to vector<16xi32>
        %broadcast_in_dim3A_598 = arith.constant true
        %broadcast_in_dim3A_599 = vector.broadcast %broadcast_in_dim3A_598 : i1 to vector<16xi1>
        %masked_cumsum3A_600 = tpu.scan <sum>, %convert_element_type3A_597 masked %broadcast_in_dim3A_599 : vector<16xi32>, vector<16xi1> -> vector<16xi32>
        %lt3A_601 = arith.constant 64 : i32
        %lt3A_602 = arith.cmpi slt, %scan3A_513, %lt3A_601 : i32
        %convert_element_type3A_603 = arith.extui %lt3A_602 : i1 to i32
        %cond3A_604 = arith.constant 0 : i32
        %cond3A_605 = arith.cmpi ne, %convert_element_type3A_603, %cond3A_604 : i32
        scf.if %cond3A_605 {
          %mul3A_610 = arith.constant 4 : i32
          %mul3A_611 = arith.muli %scan3A_512, %mul3A_610 : i32
          %add3A_612 = arith.constant 0 : i32
          %add3A_613 = arith.addi %mul3A_611, %add3A_612 : i32
          %ge3A_614 = arith.constant 96 : i32
          %ge3A_615 = arith.cmpi sge, %add3A_613, %ge3A_614 : i32
          %convert_element_type3A_616 = arith.extui %ge3A_615 : i1 to i32
          %sub3A = arith.subi %gather3A_354, %gather3A_344 : vector<16xi32>
          %mul3A_617 = vector.broadcast %convert_element_type3A_616 : i32 to vector<16xi32>
          %mul3A_618 = arith.muli %mul3A_617, %sub3A : vector<16xi32>
          %add3A_619 = arith.addi %gather3A_344, %mul3A_618 : vector<16xi32>
          %mul3A_620 = arith.constant 16 : i32
          %mul3A_621 = arith.muli %add3A_613, %mul3A_620 : i32
          %add3A_622 = vector.broadcast %mul3A_621 : i32 to vector<16xi32>
          %add3A_623 = arith.addi %iota3A, %add3A_622 : vector<16xi32>
          %mul3A_624 = arith.constant 1536 : i32
          %mul3A_625 = arith.muli %convert_element_type3A_616, %mul3A_624 : i32
          %sub3A_626 = vector.broadcast %mul3A_625 : i32 to vector<16xi32>
          %sub3A_627 = arith.subi %add3A_623, %sub3A_626 : vector<16xi32>
          %add3A_628 = arith.addi %add3A_619, %sub3A_627 : vector<16xi32>
          %add3A_629 = vector.broadcast %scan3A_513 : i32 to vector<16xi32>
          %add3A_630 = arith.addi %add3A_629, %masked_cumsum3A : vector<16xi32>
          %sub3A_631 = arith.constant 1 : i32
          %sub3A_632 = vector.broadcast %sub3A_631 : i32 to vector<16xi32>
          %sub3A_633 = arith.subi %add3A_630, %sub3A_632 : vector<16xi32>
          %lt3A_634 = arith.constant 64 : i32
          %lt3A_635 = vector.broadcast %lt3A_634 : i32 to vector<16xi32>
          %lt3A_636 = arith.cmpi slt, %sub3A_633, %lt3A_635 : vector<16xi32>
          %and3A_637 = arith.andi %and3A, %lt3A_636 : vector<16xi1>
          %scatter3A = arith.constant 0 : i32
          %scatter3A_638 = arith.constant 0 : i32
          %scatter3A_639 = tpu.memref_slice %arg11[%scatter3A, %scatter3A_638] : memref<2x64xf32, #tpu.memory_space<vmem>> -> memref<1x64xf32, #tpu.memory_space<vmem>>
          %scatter3A_640 = tpu.memref_squeeze %scatter3A_639 : memref<1x64xf32, #tpu.memory_space<vmem>> -> memref<64xf32, #tpu.memory_space<vmem>>
          tpu.vector_store_idx %scatter3A_640[%sub3A_633], %get3A_521 masked %and3A_637 : memref<64xf32, #tpu.memory_space<vmem>>[vector<16xi32>], vector<16xf32>, vector<16xi1>
          %scatter3A_641 = arith.constant 0 : i32
          %scatter3A_642 = arith.constant 0 : i32
          %scatter3A_643 = tpu.memref_slice %arg12[%scatter3A_641, %scatter3A_642] : memref<2x64xi32, #tpu.memory_space<vmem>> -> memref<1x64xi32, #tpu.memory_space<vmem>>
          %scatter3A_644 = tpu.memref_squeeze %scatter3A_643 : memref<1x64xi32, #tpu.memory_space<vmem>> -> memref<64xi32, #tpu.memory_space<vmem>>
          tpu.vector_store_idx %scatter3A_644[%sub3A_633], %add3A_628 masked %and3A_637 : memref<64xi32, #tpu.memory_space<vmem>>[vector<16xi32>], vector<16xi32>, vector<16xi1>
          %add3A_645 = arith.addi %scan3A_513, %reduce_sum3A_528 : i32
          %mul3A_646 = arith.constant 4 : i32
          %mul3A_647 = arith.muli %scan3A_512, %mul3A_646 : i32
          %add3A_648 = arith.constant 1 : i32
          %add3A_649 = arith.addi %mul3A_647, %add3A_648 : i32
          %ge3A_650 = arith.constant 96 : i32
          %ge3A_651 = arith.cmpi sge, %add3A_649, %ge3A_650 : i32
          %convert_element_type3A_652 = arith.extui %ge3A_651 : i1 to i32
          %sub3A_653 = arith.subi %gather3A_354, %gather3A_344 : vector<16xi32>
          %mul3A_654 = vector.broadcast %convert_element_type3A_652 : i32 to vector<16xi32>
          %mul3A_655 = arith.muli %mul3A_654, %sub3A_653 : vector<16xi32>
          %add3A_656 = arith.addi %gather3A_344, %mul3A_655 : vector<16xi32>
          %mul3A_657 = arith.constant 16 : i32
          %mul3A_658 = arith.muli %add3A_649, %mul3A_657 : i32
          %add3A_659 = vector.broadcast %mul3A_658 : i32 to vector<16xi32>
          %add3A_660 = arith.addi %iota3A, %add3A_659 : vector<16xi32>
          %mul3A_661 = arith.constant 1536 : i32
          %mul3A_662 = arith.muli %convert_element_type3A_652, %mul3A_661 : i32
          %sub3A_663 = vector.broadcast %mul3A_662 : i32 to vector<16xi32>
          %sub3A_664 = arith.subi %add3A_660, %sub3A_663 : vector<16xi32>
          %add3A_665 = arith.addi %add3A_656, %sub3A_664 : vector<16xi32>
          %add3A_666 = vector.broadcast %add3A_645 : i32 to vector<16xi32>
          %add3A_667 = arith.addi %add3A_666, %masked_cumsum3A_554 : vector<16xi32>
          %sub3A_668 = arith.constant 1 : i32
          %sub3A_669 = vector.broadcast %sub3A_668 : i32 to vector<16xi32>
          %sub3A_670 = arith.subi %add3A_667, %sub3A_669 : vector<16xi32>
          %lt3A_671 = arith.constant 64 : i32
          %lt3A_672 = vector.broadcast %lt3A_671 : i32 to vector<16xi32>
          %lt3A_673 = arith.cmpi slt, %sub3A_670, %lt3A_672 : vector<16xi32>
          %and3A_674 = arith.andi %and3A_545, %lt3A_673 : vector<16xi1>
          %scatter3A_675 = arith.constant 0 : i32
          %scatter3A_676 = arith.constant 0 : i32
          %scatter3A_677 = tpu.memref_slice %arg11[%scatter3A_675, %scatter3A_676] : memref<2x64xf32, #tpu.memory_space<vmem>> -> memref<1x64xf32, #tpu.memory_space<vmem>>
          %scatter3A_678 = tpu.memref_squeeze %scatter3A_677 : memref<1x64xf32, #tpu.memory_space<vmem>> -> memref<64xf32, #tpu.memory_space<vmem>>
          tpu.vector_store_idx %scatter3A_678[%sub3A_670], %get3A_539 masked %and3A_674 : memref<64xf32, #tpu.memory_space<vmem>>[vector<16xi32>], vector<16xf32>, vector<16xi1>
          %scatter3A_679 = arith.constant 0 : i32
          %scatter3A_680 = arith.constant 0 : i32
          %scatter3A_681 = tpu.memref_slice %arg12[%scatter3A_679, %scatter3A_680] : memref<2x64xi32, #tpu.memory_space<vmem>> -> memref<1x64xi32, #tpu.memory_space<vmem>>
          %scatter3A_682 = tpu.memref_squeeze %scatter3A_681 : memref<1x64xi32, #tpu.memory_space<vmem>> -> memref<64xi32, #tpu.memory_space<vmem>>
          tpu.vector_store_idx %scatter3A_682[%sub3A_670], %add3A_665 masked %and3A_674 : memref<64xi32, #tpu.memory_space<vmem>>[vector<16xi32>], vector<16xi32>, vector<16xi1>
          %add3A_683 = arith.addi %add3A_645, %reduce_sum3A_550 : i32
          %mul3A_684 = arith.constant 4 : i32
          %mul3A_685 = arith.muli %scan3A_512, %mul3A_684 : i32
          %add3A_686 = arith.constant 2 : i32
          %add3A_687 = arith.addi %mul3A_685, %add3A_686 : i32
          %ge3A_688 = arith.constant 96 : i32
          %ge3A_689 = arith.cmpi sge, %add3A_687, %ge3A_688 : i32
          %convert_element_type3A_690 = arith.extui %ge3A_689 : i1 to i32
          %sub3A_691 = arith.subi %gather3A_354, %gather3A_344 : vector<16xi32>
          %mul3A_692 = vector.broadcast %convert_element_type3A_690 : i32 to vector<16xi32>
          %mul3A_693 = arith.muli %mul3A_692, %sub3A_691 : vector<16xi32>
          %add3A_694 = arith.addi %gather3A_344, %mul3A_693 : vector<16xi32>
          %mul3A_695 = arith.constant 16 : i32
          %mul3A_696 = arith.muli %add3A_687, %mul3A_695 : i32
          %add3A_697 = vector.broadcast %mul3A_696 : i32 to vector<16xi32>
          %add3A_698 = arith.addi %iota3A, %add3A_697 : vector<16xi32>
          %mul3A_699 = arith.constant 1536 : i32
          %mul3A_700 = arith.muli %convert_element_type3A_690, %mul3A_699 : i32
          %sub3A_701 = vector.broadcast %mul3A_700 : i32 to vector<16xi32>
          %sub3A_702 = arith.subi %add3A_698, %sub3A_701 : vector<16xi32>
          %add3A_703 = arith.addi %add3A_694, %sub3A_702 : vector<16xi32>
          %add3A_704 = vector.broadcast %add3A_683 : i32 to vector<16xi32>
          %add3A_705 = arith.addi %add3A_704, %masked_cumsum3A_577 : vector<16xi32>
          %sub3A_706 = arith.constant 1 : i32
          %sub3A_707 = vector.broadcast %sub3A_706 : i32 to vector<16xi32>
          %sub3A_708 = arith.subi %add3A_705, %sub3A_707 : vector<16xi32>
          %lt3A_709 = arith.constant 64 : i32
          %lt3A_710 = vector.broadcast %lt3A_709 : i32 to vector<16xi32>
          %lt3A_711 = arith.cmpi slt, %sub3A_708, %lt3A_710 : vector<16xi32>
          %and3A_712 = arith.andi %and3A_568, %lt3A_711 : vector<16xi1>
          %scatter3A_713 = arith.constant 0 : i32
          %scatter3A_714 = arith.constant 0 : i32
          %scatter3A_715 = tpu.memref_slice %arg11[%scatter3A_713, %scatter3A_714] : memref<2x64xf32, #tpu.memory_space<vmem>> -> memref<1x64xf32, #tpu.memory_space<vmem>>
          %scatter3A_716 = tpu.memref_squeeze %scatter3A_715 : memref<1x64xf32, #tpu.memory_space<vmem>> -> memref<64xf32, #tpu.memory_space<vmem>>
          tpu.vector_store_idx %scatter3A_716[%sub3A_708], %get3A_562 masked %and3A_712 : memref<64xf32, #tpu.memory_space<vmem>>[vector<16xi32>], vector<16xf32>, vector<16xi1>
          %scatter3A_717 = arith.constant 0 : i32
          %scatter3A_718 = arith.constant 0 : i32
          %scatter3A_719 = tpu.memref_slice %arg12[%scatter3A_717, %scatter3A_718] : memref<2x64xi32, #tpu.memory_space<vmem>> -> memref<1x64xi32, #tpu.memory_space<vmem>>
          %scatter3A_720 = tpu.memref_squeeze %scatter3A_719 : memref<1x64xi32, #tpu.memory_space<vmem>> -> memref<64xi32, #tpu.memory_space<vmem>>
          tpu.vector_store_idx %scatter3A_720[%sub3A_708], %add3A_703 masked %and3A_712 : memref<64xi32, #tpu.memory_space<vmem>>[vector<16xi32>], vector<16xi32>, vector<16xi1>
          %add3A_721 = arith.addi %add3A_683, %reduce_sum3A_573 : i32
          %mul3A_722 = arith.constant 4 : i32
          %mul3A_723 = arith.muli %scan3A_512, %mul3A_722 : i32
          %add3A_724 = arith.constant 3 : i32
          %add3A_725 = arith.addi %mul3A_723, %add3A_724 : i32
          %ge3A_726 = arith.constant 96 : i32
          %ge3A_727 = arith.cmpi sge, %add3A_725, %ge3A_726 : i32
          %convert_element_type3A_728 = arith.extui %ge3A_727 : i1 to i32
          %sub3A_729 = arith.subi %gather3A_354, %gather3A_344 : vector<16xi32>
          %mul3A_730 = vector.broadcast %convert_element_type3A_728 : i32 to vector<16xi32>
          %mul3A_731 = arith.muli %mul3A_730, %sub3A_729 : vector<16xi32>
          %add3A_732 = arith.addi %gather3A_344, %mul3A_731 : vector<16xi32>
          %mul3A_733 = arith.constant 16 : i32
          %mul3A_734 = arith.muli %add3A_725, %mul3A_733 : i32
          %add3A_735 = vector.broadcast %mul3A_734 : i32 to vector<16xi32>
          %add3A_736 = arith.addi %iota3A, %add3A_735 : vector<16xi32>
          %mul3A_737 = arith.constant 1536 : i32
          %mul3A_738 = arith.muli %convert_element_type3A_728, %mul3A_737 : i32
          %sub3A_739 = vector.broadcast %mul3A_738 : i32 to vector<16xi32>
          %sub3A_740 = arith.subi %add3A_736, %sub3A_739 : vector<16xi32>
          %add3A_741 = arith.addi %add3A_732, %sub3A_740 : vector<16xi32>
          %add3A_742 = vector.broadcast %add3A_721 : i32 to vector<16xi32>
          %add3A_743 = arith.addi %add3A_742, %masked_cumsum3A_600 : vector<16xi32>
          %sub3A_744 = arith.constant 1 : i32
          %sub3A_745 = vector.broadcast %sub3A_744 : i32 to vector<16xi32>
          %sub3A_746 = arith.subi %add3A_743, %sub3A_745 : vector<16xi32>
          %lt3A_747 = arith.constant 64 : i32
          %lt3A_748 = vector.broadcast %lt3A_747 : i32 to vector<16xi32>
          %lt3A_749 = arith.cmpi slt, %sub3A_746, %lt3A_748 : vector<16xi32>
          %and3A_750 = arith.andi %and3A_591, %lt3A_749 : vector<16xi1>
          %scatter3A_751 = arith.constant 0 : i32
          %scatter3A_752 = arith.constant 0 : i32
          %scatter3A_753 = tpu.memref_slice %arg11[%scatter3A_751, %scatter3A_752] : memref<2x64xf32, #tpu.memory_space<vmem>> -> memref<1x64xf32, #tpu.memory_space<vmem>>
          %scatter3A_754 = tpu.memref_squeeze %scatter3A_753 : memref<1x64xf32, #tpu.memory_space<vmem>> -> memref<64xf32, #tpu.memory_space<vmem>>
          tpu.vector_store_idx %scatter3A_754[%sub3A_746], %get3A_585 masked %and3A_750 : memref<64xf32, #tpu.memory_space<vmem>>[vector<16xi32>], vector<16xf32>, vector<16xi1>
          %scatter3A_755 = arith.constant 0 : i32
          %scatter3A_756 = arith.constant 0 : i32
          %scatter3A_757 = tpu.memref_slice %arg12[%scatter3A_755, %scatter3A_756] : memref<2x64xi32, #tpu.memory_space<vmem>> -> memref<1x64xi32, #tpu.memory_space<vmem>>
          %scatter3A_758 = tpu.memref_squeeze %scatter3A_757 : memref<1x64xi32, #tpu.memory_space<vmem>> -> memref<64xi32, #tpu.memory_space<vmem>>
          tpu.vector_store_idx %scatter3A_758[%sub3A_746], %add3A_741 masked %and3A_750 : memref<64xi32, #tpu.memory_space<vmem>>[vector<16xi32>], vector<16xi32>, vector<16xi1>
          %add3A_759 = arith.addi %add3A_721, %reduce_sum3A_596 : i32
        } else {
        }
        %add3A_606 = arith.addi %scan3A_513, %reduce_sum3A_528 : i32
        %add3A_607 = arith.addi %add3A_606, %reduce_sum3A_550 : i32
        %add3A_608 = arith.addi %add3A_607, %reduce_sum3A_573 : i32
        %add3A_609 = arith.addi %add3A_608, %reduce_sum3A_596 : i32
        scf.yield %add3A_609 : i32
      }
      %scan3A_361 = arith.constant 48 : i32
      %dma_start3A_362 = arith.constant 0 : i32
      %dma_start3A_363 = arith.constant 0 : i32
      %dma_start3A_364 = arith.constant 0 : i32
      %dma_start3A_365 = arith.constant 0 : i32
      %dma_start3A_366 = arith.constant 0 : i32
      %dma_start3A_367 = tpu.memref_slice %arg13[%dma_start3A_363, %dma_start3A_365, %dma_start3A_366] : memref<2x64x768xf32, #tpu.memory_space<vmem>> -> memref<1x64x768xf32, #tpu.memory_space<vmem>>
      %dma_start3A_368 = tpu.memref_squeeze %dma_start3A_367 : memref<1x64x768xf32, #tpu.memory_space<vmem>> -> memref<64x768xf32, #tpu.memory_space<vmem>>
      %dma_start3A_369 = arith.constant 0 : i32
      %dma_start3A_370 = tpu.memref_slice %arg12[%dma_start3A_362, %dma_start3A_369] : memref<2x64xi32, #tpu.memory_space<vmem>> -> memref<1x64xi32, #tpu.memory_space<vmem>>
      %dma_start3A_371 = tpu.memref_squeeze %dma_start3A_370 : memref<1x64xi32, #tpu.memory_space<vmem>> -> memref<64xi32, #tpu.memory_space<vmem>>
      %dma_start3A_372 = arith.constant 0 : i32
      %dma_start3A_373 = arith.constant 0 : i32
      %dma_start3A_374 = tpu.memref_slice %arg5[%dma_start3A_372, %dma_start3A_373] : memref<24576x768xf32, #tpu.memory_space<hbm>> -> memref<24576x768xf32, #tpu.memory_space<hbm>>
      %dma_start3A_375 = tpu.memref_slice %arg17[%dma_start3A_364] : memref<2x!tpu.dma_semaphore, #tpu.memory_space<semaphore_mem>> -> memref<1x!tpu.dma_semaphore, #tpu.memory_space<semaphore_mem>>
      %dma_start3A_376 = tpu.memref_squeeze %dma_start3A_375 : memref<1x!tpu.dma_semaphore, #tpu.memory_space<semaphore_mem>> -> memref<!tpu.dma_semaphore, #tpu.memory_space<semaphore_mem>>
      tpu.enqueue_indirect_dma source(%dma_start3A_374 : memref<24576x768xf32, #tpu.memory_space<hbm>>) target(%dma_start3A_368 : memref<64x768xf32, #tpu.memory_space<vmem>>) offsets(%dma_start3A_371 : memref<64xi32, #tpu.memory_space<vmem>>) semaphore(%dma_start3A_376 : memref<!tpu.dma_semaphore, #tpu.memory_space<semaphore_mem>>)
      %ge3A = arith.constant 1 : i32
      %ge3A_377 = arith.cmpi sge, %mul3A_267, %ge3A : i32
      %convert_element_type3A = arith.extui %ge3A_377 : i1 to i32
      %cond3A = arith.constant 0 : i32
      %cond3A_378 = arith.cmpi ne, %convert_element_type3A, %cond3A : i32
      scf.if %cond3A_378 {
        %dma_wait3A_512 = arith.constant 1 : i32
        %dma_wait3A_513 = arith.constant 1 : i32
        %dma_wait3A_514 = arith.constant 1 : i32
        %dma_wait3A_515 = arith.constant 0 : i32
        %dma_wait3A_516 = arith.constant 0 : i32
        %dma_wait3A_517 = tpu.memref_slice %arg13[%dma_wait3A_513, %dma_wait3A_515, %dma_wait3A_516] : memref<2x64x768xf32, #tpu.memory_space<vmem>> -> memref<1x64x768xf32, #tpu.memory_space<vmem>>
        %dma_wait3A_518 = tpu.memref_squeeze %dma_wait3A_517 : memref<1x64x768xf32, #tpu.memory_space<vmem>> -> memref<64x768xf32, #tpu.memory_space<vmem>>
        %dma_wait3A_519 = arith.constant 0 : i32
        %dma_wait3A_520 = tpu.memref_slice %arg12[%dma_wait3A_512, %dma_wait3A_519] : memref<2x64xi32, #tpu.memory_space<vmem>> -> memref<1x64xi32, #tpu.memory_space<vmem>>
        %dma_wait3A_521 = tpu.memref_squeeze %dma_wait3A_520 : memref<1x64xi32, #tpu.memory_space<vmem>> -> memref<64xi32, #tpu.memory_space<vmem>>
        %dma_wait3A_522 = arith.constant 0 : i32
        %dma_wait3A_523 = arith.constant 0 : i32
        %dma_wait3A_524 = tpu.memref_slice %arg5[%dma_wait3A_522, %dma_wait3A_523] : memref<24576x768xf32, #tpu.memory_space<hbm>> -> memref<24576x768xf32, #tpu.memory_space<hbm>>
        %dma_wait3A_525 = tpu.memref_slice %arg17[%dma_wait3A_514] : memref<2x!tpu.dma_semaphore, #tpu.memory_space<semaphore_mem>> -> memref<1x!tpu.dma_semaphore, #tpu.memory_space<semaphore_mem>>
        %dma_wait3A_526 = tpu.memref_squeeze %dma_wait3A_525 : memref<1x!tpu.dma_semaphore, #tpu.memory_space<semaphore_mem>> -> memref<!tpu.dma_semaphore, #tpu.memory_space<semaphore_mem>>
        tpu.wait_indirect_dma semaphore(%dma_wait3A_526 : memref<!tpu.dma_semaphore, #tpu.memory_space<semaphore_mem>>) src(%dma_wait3A_524 : memref<24576x768xf32, #tpu.memory_space<hbm>>) dst(%dma_wait3A_518 : memref<64x768xf32, #tpu.memory_space<vmem>>)
        %sub3A = arith.constant 1 : i32
        %sub3A_527 = arith.subi %mul3A_267, %sub3A : i32
        %get3A_528 = arith.constant 0 : index
        %get3A_529 = tpu.vector_load %arg14[%get3A_528] {strides = array<i32>} : memref<768xf32, #tpu.memory_space<vmem>>, vector<16xf32>,
        %get3A_530 = arith.constant 16 : index
        %get3A_531 = tpu.vector_load %arg14[%get3A_530] {strides = array<i32>} : memref<768xf32, #tpu.memory_space<vmem>>, vector<16xf32>,
        %get3A_532 = arith.constant 32 : index
        %get3A_533 = tpu.vector_load %arg14[%get3A_532] {strides = array<i32>} : memref<768xf32, #tpu.memory_space<vmem>>, vector<16xf32>,
        %get3A_534 = arith.constant 48 : index
        %get3A_535 = tpu.vector_load %arg14[%get3A_534] {strides = array<i32>} : memref<768xf32, #tpu.memory_space<vmem>>, vector<16xf32>,
        %get3A_536 = arith.constant 64 : index
        %get3A_537 = tpu.vector_load %arg14[%get3A_536] {strides = array<i32>} : memref<768xf32, #tpu.memory_space<vmem>>, vector<16xf32>,
        %get3A_538 = arith.constant 80 : index
        %get3A_539 = tpu.vector_load %arg14[%get3A_538] {strides = array<i32>} : memref<768xf32, #tpu.memory_space<vmem>>, vector<16xf32>,
        %get3A_540 = arith.constant 96 : index
        %get3A_541 = tpu.vector_load %arg14[%get3A_540] {strides = array<i32>} : memref<768xf32, #tpu.memory_space<vmem>>, vector<16xf32>,
        %get3A_542 = arith.constant 112 : index
        %get3A_543 = tpu.vector_load %arg14[%get3A_542] {strides = array<i32>} : memref<768xf32, #tpu.memory_space<vmem>>, vector<16xf32>,
        %get3A_544 = arith.constant 128 : index
        %get3A_545 = tpu.vector_load %arg14[%get3A_544] {strides = array<i32>} : memref<768xf32, #tpu.memory_space<vmem>>, vector<16xf32>,
        %get3A_546 = arith.constant 144 : index
        %get3A_547 = tpu.vector_load %arg14[%get3A_546] {strides = array<i32>} : memref<768xf32, #tpu.memory_space<vmem>>, vector<16xf32>,
        %get3A_548 = arith.constant 160 : index
        %get3A_549 = tpu.vector_load %arg14[%get3A_548] {strides = array<i32>} : memref<768xf32, #tpu.memory_space<vmem>>, vector<16xf32>,
        %get3A_550 = arith.constant 176 : index
        %get3A_551 = tpu.vector_load %arg14[%get3A_550] {strides = array<i32>} : memref<768xf32, #tpu.memory_space<vmem>>, vector<16xf32>,
        %get3A_552 = arith.constant 192 : index
        %get3A_553 = tpu.vector_load %arg14[%get3A_552] {strides = array<i32>} : memref<768xf32, #tpu.memory_space<vmem>>, vector<16xf32>,
        %get3A_554 = arith.constant 208 : index
        %get3A_555 = tpu.vector_load %arg14[%get3A_554] {strides = array<i32>} : memref<768xf32, #tpu.memory_space<vmem>>, vector<16xf32>,
        %get3A_556 = arith.constant 224 : index
        %get3A_557 = tpu.vector_load %arg14[%get3A_556] {strides = array<i32>} : memref<768xf32, #tpu.memory_space<vmem>>, vector<16xf32>,
        %get3A_558 = arith.constant 240 : index
        %get3A_559 = tpu.vector_load %arg14[%get3A_558] {strides = array<i32>} : memref<768xf32, #tpu.memory_space<vmem>>, vector<16xf32>,
        %get3A_560 = arith.constant 256 : index
        %get3A_561 = tpu.vector_load %arg14[%get3A_560] {strides = array<i32>} : memref<768xf32, #tpu.memory_space<vmem>>, vector<16xf32>,
        %get3A_562 = arith.constant 272 : index
        %get3A_563 = tpu.vector_load %arg14[%get3A_562] {strides = array<i32>} : memref<768xf32, #tpu.memory_space<vmem>>, vector<16xf32>,
        %get3A_564 = arith.constant 288 : index
        %get3A_565 = tpu.vector_load %arg14[%get3A_564] {strides = array<i32>} : memref<768xf32, #tpu.memory_space<vmem>>, vector<16xf32>,
        %get3A_566 = arith.constant 304 : index
        %get3A_567 = tpu.vector_load %arg14[%get3A_566] {strides = array<i32>} : memref<768xf32, #tpu.memory_space<vmem>>, vector<16xf32>,
        %get3A_568 = arith.constant 320 : index
        %get3A_569 = tpu.vector_load %arg14[%get3A_568] {strides = array<i32>} : memref<768xf32, #tpu.memory_space<vmem>>, vector<16xf32>,
        %get3A_570 = arith.constant 336 : index
        %get3A_571 = tpu.vector_load %arg14[%get3A_570] {strides = array<i32>} : memref<768xf32, #tpu.memory_space<vmem>>, vector<16xf32>,
        %get3A_572 = arith.constant 352 : index
        %get3A_573 = tpu.vector_load %arg14[%get3A_572] {strides = array<i32>} : memref<768xf32, #tpu.memory_space<vmem>>, vector<16xf32>,
        %get3A_574 = arith.constant 368 : index
        %get3A_575 = tpu.vector_load %arg14[%get3A_574] {strides = array<i32>} : memref<768xf32, #tpu.memory_space<vmem>>, vector<16xf32>,
        %get3A_576 = arith.constant 384 : index
        %get3A_577 = tpu.vector_load %arg14[%get3A_576] {strides = array<i32>} : memref<768xf32, #tpu.memory_space<vmem>>, vector<16xf32>,
        %get3A_578 = arith.constant 400 : index
        %get3A_579 = tpu.vector_load %arg14[%get3A_578] {strides = array<i32>} : memref<768xf32, #tpu.memory_space<vmem>>, vector<16xf32>,
        %get3A_580 = arith.constant 416 : index
        %get3A_581 = tpu.vector_load %arg14[%get3A_580] {strides = array<i32>} : memref<768xf32, #tpu.memory_space<vmem>>, vector<16xf32>,
        %get3A_582 = arith.constant 432 : index
        %get3A_583 = tpu.vector_load %arg14[%get3A_582] {strides = array<i32>} : memref<768xf32, #tpu.memory_space<vmem>>, vector<16xf32>,
        %get3A_584 = arith.constant 448 : index
        %get3A_585 = tpu.vector_load %arg14[%get3A_584] {strides = array<i32>} : memref<768xf32, #tpu.memory_space<vmem>>, vector<16xf32>,
        %get3A_586 = arith.constant 464 : index
        %get3A_587 = tpu.vector_load %arg14[%get3A_586] {strides = array<i32>} : memref<768xf32, #tpu.memory_space<vmem>>, vector<16xf32>,
        %get3A_588 = arith.constant 480 : index
        %get3A_589 = tpu.vector_load %arg14[%get3A_588] {strides = array<i32>} : memref<768xf32, #tpu.memory_space<vmem>>, vector<16xf32>,
        %get3A_590 = arith.constant 496 : index
        %get3A_591 = tpu.vector_load %arg14[%get3A_590] {strides = array<i32>} : memref<768xf32, #tpu.memory_space<vmem>>, vector<16xf32>,
        %get3A_592 = arith.constant 512 : index
        %get3A_593 = tpu.vector_load %arg14[%get3A_592] {strides = array<i32>} : memref<768xf32, #tpu.memory_space<vmem>>, vector<16xf32>,
        %get3A_594 = arith.constant 528 : index
        %get3A_595 = tpu.vector_load %arg14[%get3A_594] {strides = array<i32>} : memref<768xf32, #tpu.memory_space<vmem>>, vector<16xf32>,
        %get3A_596 = arith.constant 544 : index
        %get3A_597 = tpu.vector_load %arg14[%get3A_596] {strides = array<i32>} : memref<768xf32, #tpu.memory_space<vmem>>, vector<16xf32>,
        %get3A_598 = arith.constant 560 : index
        %get3A_599 = tpu.vector_load %arg14[%get3A_598] {strides = array<i32>} : memref<768xf32, #tpu.memory_space<vmem>>, vector<16xf32>,
        %get3A_600 = arith.constant 576 : index
        %get3A_601 = tpu.vector_load %arg14[%get3A_600] {strides = array<i32>} : memref<768xf32, #tpu.memory_space<vmem>>, vector<16xf32>,
        %get3A_602 = arith.constant 592 : index
        %get3A_603 = tpu.vector_load %arg14[%get3A_602] {strides = array<i32>} : memref<768xf32, #tpu.memory_space<vmem>>, vector<16xf32>,
        %get3A_604 = arith.constant 608 : index
        %get3A_605 = tpu.vector_load %arg14[%get3A_604] {strides = array<i32>} : memref<768xf32, #tpu.memory_space<vmem>>, vector<16xf32>,
        %get3A_606 = arith.constant 624 : index
        %get3A_607 = tpu.vector_load %arg14[%get3A_606] {strides = array<i32>} : memref<768xf32, #tpu.memory_space<vmem>>, vector<16xf32>,
        %get3A_608 = arith.constant 640 : index
        %get3A_609 = tpu.vector_load %arg14[%get3A_608] {strides = array<i32>} : memref<768xf32, #tpu.memory_space<vmem>>, vector<16xf32>,
        %get3A_610 = arith.constant 656 : index
        %get3A_611 = tpu.vector_load %arg14[%get3A_610] {strides = array<i32>} : memref<768xf32, #tpu.memory_space<vmem>>, vector<16xf32>,
        %get3A_612 = arith.constant 672 : index
        %get3A_613 = tpu.vector_load %arg14[%get3A_612] {strides = array<i32>} : memref<768xf32, #tpu.memory_space<vmem>>, vector<16xf32>,
        %get3A_614 = arith.constant 688 : index
        %get3A_615 = tpu.vector_load %arg14[%get3A_614] {strides = array<i32>} : memref<768xf32, #tpu.memory_space<vmem>>, vector<16xf32>,
        %get3A_616 = arith.constant 704 : index
        %get3A_617 = tpu.vector_load %arg14[%get3A_616] {strides = array<i32>} : memref<768xf32, #tpu.memory_space<vmem>>, vector<16xf32>,
        %get3A_618 = arith.constant 720 : index
        %get3A_619 = tpu.vector_load %arg14[%get3A_618] {strides = array<i32>} : memref<768xf32, #tpu.memory_space<vmem>>, vector<16xf32>,
        %get3A_620 = arith.constant 736 : index
        %get3A_621 = tpu.vector_load %arg14[%get3A_620] {strides = array<i32>} : memref<768xf32, #tpu.memory_space<vmem>>, vector<16xf32>,
        %get3A_622 = arith.constant 752 : index
        %get3A_623 = tpu.vector_load %arg14[%get3A_622] {strides = array<i32>} : memref<768xf32, #tpu.memory_space<vmem>>, vector<16xf32>,
        %scan3A_624 = arith.constant 0 : i32
        %scan3A_625 = arith.constant 64 : i32
        %scan3A_626 = arith.addi %scan3A_624, %scan3A_625 : i32
        %scan3A_627 = arith.constant 1 : i32
        %scan3A_628:48 = scf.for %scan3A_729 = %scan3A_624 to %scan3A_626 step %scan3A_627 iter_args(%scan3A_730 = %get3A_529, %scan3A_731 = %get3A_531, %scan3A_732 = %get3A_533, %scan3A_733 = %get3A_535, %scan3A_734 = %get3A_537, %scan3A_735 = %get3A_539, %scan3A_736 = %get3A_541, %scan3A_737 = %get3A_543, %scan3A_738 = %get3A_545, %scan3A_739 = %get3A_547, %scan3A_740 = %get3A_549, %scan3A_741 = %get3A_551, %scan3A_742 = %get3A_553, %scan3A_743 = %get3A_555, %scan3A_744 = %get3A_557, %scan3A_745 = %get3A_559, %scan3A_746 = %get3A_561, %scan3A_747 = %get3A_563, %scan3A_748 = %get3A_565, %scan3A_749 = %get3A_567, %scan3A_750 = %get3A_569, %scan3A_751 = %get3A_571, %scan3A_752 = %get3A_573, %scan3A_753 = %get3A_575, %scan3A_754 = %get3A_577, %scan3A_755 = %get3A_579, %scan3A_756 = %get3A_581, %scan3A_757 = %get3A_583, %scan3A_758 = %get3A_585, %scan3A_759 = %get3A_587, %scan3A_760 = %get3A_589, %scan3A_761 = %get3A_591, %scan3A_762 = %get3A_593, %scan3A_763 = %get3A_595, %scan3A_764 = %get3A_597, %scan3A_765 = %get3A_599, %scan3A_766 = %get3A_601, %scan3A_767 = %get3A_603, %scan3A_768 = %get3A_605, %scan3A_769 = %get3A_607, %scan3A_770 = %get3A_609, %scan3A_771 = %get3A_611, %scan3A_772 = %get3A_613, %scan3A_773 = %get3A_615, %scan3A_774 = %get3A_617, %scan3A_775 = %get3A_619, %scan3A_776 = %get3A_621, %scan3A_777 = %get3A_623) -> (vector<16xf32>, vector<16xf32>, vector<16xf32>, vector<16xf32>, vector<16xf32>, vector<16xf32>, vector<16xf32>, vector<16xf32>, vector<16xf32>, vector<16xf32>, vector<16xf32>, vector<16xf32>, vector<16xf32>, vector<16xf32>, vector<16xf32>, vector<16xf32>, vector<16xf32>, vector<16xf32>, vector<16xf32>, vector<16xf32>, vector<16xf32>, vector<16xf32>, vector<16xf32>, vector<16xf32>, vector<16xf32>, vector<16xf32>, vector<16xf32>, vector<16xf32>, vector<16xf32>, vector<16xf32>, vector<16xf32>, vector<16xf32>, vector<16xf32>, vector<16xf32>, vector<16xf32>, vector<16xf32>, vector<16xf32>, vector<16xf32>, vector<16xf32>, vector<16xf32>, vector<16xf32>, vector<16xf32>, vector<16xf32>, vector<16xf32>, vector<16xf32>, vector<16xf32>, vector<16xf32>, vector<16xf32>)  : i32 {
          %broadcast_in_dim3A_778 = arith.constant 0 : i32
          %broadcast_in_dim3A_779 = vector.broadcast %broadcast_in_dim3A_778 : i32 to vector<16xi32>
          %add3A_780 = vector.broadcast %scan3A_729 : i32 to vector<16xi32>
          %add3A_781 = arith.addi %broadcast_in_dim3A_779, %add3A_780 : vector<16xi32>
          %gather3A_782 = arith.constant 1 : i32
          %gather3A_783 = arith.constant 0 : i32
          %gather3A_784 = tpu.memref_slice %arg11[%gather3A_782, %gather3A_783] : memref<2x64xf32, #tpu.memory_space<vmem>> -> memref<1x64xf32, #tpu.memory_space<vmem>>
          %gather3A_785 = tpu.memref_squeeze %gather3A_784 : memref<1x64xf32, #tpu.memory_space<vmem>> -> memref<64xf32, #tpu.memory_space<vmem>>
          %gather3A_786 = tpu.vector_load_idx %gather3A_785[%add3A_781] : memref<64xf32, #tpu.memory_space<vmem>>[vector<16xi32>], vector<16xf32>,
          %get3A_787 = arith.constant 1 : i32
          %get3A_788 = arith.index_cast %get3A_787 : i32 to index
          %get3A_789 = arith.index_cast %scan3A_729 : i32 to index
          %get3A_790 = arith.constant 0 : index
          %get3A_791 = tpu.vector_load %arg13[%get3A_788, %get3A_789, %get3A_790] {strides = array<i32>} : memref<2x64x768xf32, #tpu.memory_space<vmem>>, vector<16xf32>,
          %mul3A_792 = arith.mulf %gather3A_786, %get3A_791 : vector<16xf32>
          %add3A_793 = arith.addf %scan3A_730, %mul3A_792 : vector<16xf32>
          %get3A_794 = arith.constant 1 : i32
          %get3A_795 = arith.index_cast %get3A_794 : i32 to index
          %get3A_796 = arith.index_cast %scan3A_729 : i32 to index
          %get3A_797 = arith.constant 16 : index
          %get3A_798 = tpu.vector_load %arg13[%get3A_795, %get3A_796, %get3A_797] {strides = array<i32>} : memref<2x64x768xf32, #tpu.memory_space<vmem>>, vector<16xf32>,
          %mul3A_799 = arith.mulf %gather3A_786, %get3A_798 : vector<16xf32>
          %add3A_800 = arith.addf %scan3A_731, %mul3A_799 : vector<16xf32>
          %get3A_801 = arith.constant 1 : i32
          %get3A_802 = arith.index_cast %get3A_801 : i32 to index
          %get3A_803 = arith.index_cast %scan3A_729 : i32 to index
          %get3A_804 = arith.constant 32 : index
          %get3A_805 = tpu.vector_load %arg13[%get3A_802, %get3A_803, %get3A_804] {strides = array<i32>} : memref<2x64x768xf32, #tpu.memory_space<vmem>>, vector<16xf32>,
          %mul3A_806 = arith.mulf %gather3A_786, %get3A_805 : vector<16xf32>
          %add3A_807 = arith.addf %scan3A_732, %mul3A_806 : vector<16xf32>
          %get3A_808 = arith.constant 1 : i32
          %get3A_809 = arith.index_cast %get3A_808 : i32 to index
          %get3A_810 = arith.index_cast %scan3A_729 : i32 to index
          %get3A_811 = arith.constant 48 : index
          %get3A_812 = tpu.vector_load %arg13[%get3A_809, %get3A_810, %get3A_811] {strides = array<i32>} : memref<2x64x768xf32, #tpu.memory_space<vmem>>, vector<16xf32>,
          %mul3A_813 = arith.mulf %gather3A_786, %get3A_812 : vector<16xf32>
          %add3A_814 = arith.addf %scan3A_733, %mul3A_813 : vector<16xf32>
          %get3A_815 = arith.constant 1 : i32
          %get3A_816 = arith.index_cast %get3A_815 : i32 to index
          %get3A_817 = arith.index_cast %scan3A_729 : i32 to index
          %get3A_818 = arith.constant 64 : index
          %get3A_819 = tpu.vector_load %arg13[%get3A_816, %get3A_817, %get3A_818] {strides = array<i32>} : memref<2x64x768xf32, #tpu.memory_space<vmem>>, vector<16xf32>,
          %mul3A_820 = arith.mulf %gather3A_786, %get3A_819 : vector<16xf32>
          %add3A_821 = arith.addf %scan3A_734, %mul3A_820 : vector<16xf32>
          %get3A_822 = arith.constant 1 : i32
          %get3A_823 = arith.index_cast %get3A_822 : i32 to index
          %get3A_824 = arith.index_cast %scan3A_729 : i32 to index
          %get3A_825 = arith.constant 80 : index
          %get3A_826 = tpu.vector_load %arg13[%get3A_823, %get3A_824, %get3A_825] {strides = array<i32>} : memref<2x64x768xf32, #tpu.memory_space<vmem>>, vector<16xf32>,
          %mul3A_827 = arith.mulf %gather3A_786, %get3A_826 : vector<16xf32>
          %add3A_828 = arith.addf %scan3A_735, %mul3A_827 : vector<16xf32>
          %get3A_829 = arith.constant 1 : i32
          %get3A_830 = arith.index_cast %get3A_829 : i32 to index
          %get3A_831 = arith.index_cast %scan3A_729 : i32 to index
          %get3A_832 = arith.constant 96 : index
          %get3A_833 = tpu.vector_load %arg13[%get3A_830, %get3A_831, %get3A_832] {strides = array<i32>} : memref<2x64x768xf32, #tpu.memory_space<vmem>>, vector<16xf32>,
          %mul3A_834 = arith.mulf %gather3A_786, %get3A_833 : vector<16xf32>
          %add3A_835 = arith.addf %scan3A_736, %mul3A_834 : vector<16xf32>
          %get3A_836 = arith.constant 1 : i32
          %get3A_837 = arith.index_cast %get3A_836 : i32 to index
          %get3A_838 = arith.index_cast %scan3A_729 : i32 to index
          %get3A_839 = arith.constant 112 : index
          %get3A_840 = tpu.vector_load %arg13[%get3A_837, %get3A_838, %get3A_839] {strides = array<i32>} : memref<2x64x768xf32, #tpu.memory_space<vmem>>, vector<16xf32>,
          %mul3A_841 = arith.mulf %gather3A_786, %get3A_840 : vector<16xf32>
          %add3A_842 = arith.addf %scan3A_737, %mul3A_841 : vector<16xf32>
          %get3A_843 = arith.constant 1 : i32
          %get3A_844 = arith.index_cast %get3A_843 : i32 to index
          %get3A_845 = arith.index_cast %scan3A_729 : i32 to index
          %get3A_846 = arith.constant 128 : index
          %get3A_847 = tpu.vector_load %arg13[%get3A_844, %get3A_845, %get3A_846] {strides = array<i32>} : memref<2x64x768xf32, #tpu.memory_space<vmem>>, vector<16xf32>,
          %mul3A_848 = arith.mulf %gather3A_786, %get3A_847 : vector<16xf32>
          %add3A_849 = arith.addf %scan3A_738, %mul3A_848 : vector<16xf32>
          %get3A_850 = arith.constant 1 : i32
          %get3A_851 = arith.index_cast %get3A_850 : i32 to index
          %get3A_852 = arith.index_cast %scan3A_729 : i32 to index
          %get3A_853 = arith.constant 144 : index
          %get3A_854 = tpu.vector_load %arg13[%get3A_851, %get3A_852, %get3A_853] {strides = array<i32>} : memref<2x64x768xf32, #tpu.memory_space<vmem>>, vector<16xf32>,
          %mul3A_855 = arith.mulf %gather3A_786, %get3A_854 : vector<16xf32>
          %add3A_856 = arith.addf %scan3A_739, %mul3A_855 : vector<16xf32>
          %get3A_857 = arith.constant 1 : i32
          %get3A_858 = arith.index_cast %get3A_857 : i32 to index
          %get3A_859 = arith.index_cast %scan3A_729 : i32 to index
          %get3A_860 = arith.constant 160 : index
          %get3A_861 = tpu.vector_load %arg13[%get3A_858, %get3A_859, %get3A_860] {strides = array<i32>} : memref<2x64x768xf32, #tpu.memory_space<vmem>>, vector<16xf32>,
          %mul3A_862 = arith.mulf %gather3A_786, %get3A_861 : vector<16xf32>
          %add3A_863 = arith.addf %scan3A_740, %mul3A_862 : vector<16xf32>
          %get3A_864 = arith.constant 1 : i32
          %get3A_865 = arith.index_cast %get3A_864 : i32 to index
          %get3A_866 = arith.index_cast %scan3A_729 : i32 to index
          %get3A_867 = arith.constant 176 : index
          %get3A_868 = tpu.vector_load %arg13[%get3A_865, %get3A_866, %get3A_867] {strides = array<i32>} : memref<2x64x768xf32, #tpu.memory_space<vmem>>, vector<16xf32>,
          %mul3A_869 = arith.mulf %gather3A_786, %get3A_868 : vector<16xf32>
          %add3A_870 = arith.addf %scan3A_741, %mul3A_869 : vector<16xf32>
          %get3A_871 = arith.constant 1 : i32
          %get3A_872 = arith.index_cast %get3A_871 : i32 to index
          %get3A_873 = arith.index_cast %scan3A_729 : i32 to index
          %get3A_874 = arith.constant 192 : index
          %get3A_875 = tpu.vector_load %arg13[%get3A_872, %get3A_873, %get3A_874] {strides = array<i32>} : memref<2x64x768xf32, #tpu.memory_space<vmem>>, vector<16xf32>,
          %mul3A_876 = arith.mulf %gather3A_786, %get3A_875 : vector<16xf32>
          %add3A_877 = arith.addf %scan3A_742, %mul3A_876 : vector<16xf32>
          %get3A_878 = arith.constant 1 : i32
          %get3A_879 = arith.index_cast %get3A_878 : i32 to index
          %get3A_880 = arith.index_cast %scan3A_729 : i32 to index
          %get3A_881 = arith.constant 208 : index
          %get3A_882 = tpu.vector_load %arg13[%get3A_879, %get3A_880, %get3A_881] {strides = array<i32>} : memref<2x64x768xf32, #tpu.memory_space<vmem>>, vector<16xf32>,
          %mul3A_883 = arith.mulf %gather3A_786, %get3A_882 : vector<16xf32>
          %add3A_884 = arith.addf %scan3A_743, %mul3A_883 : vector<16xf32>
          %get3A_885 = arith.constant 1 : i32
          %get3A_886 = arith.index_cast %get3A_885 : i32 to index
          %get3A_887 = arith.index_cast %scan3A_729 : i32 to index
          %get3A_888 = arith.constant 224 : index
          %get3A_889 = tpu.vector_load %arg13[%get3A_886, %get3A_887, %get3A_888] {strides = array<i32>} : memref<2x64x768xf32, #tpu.memory_space<vmem>>, vector<16xf32>,
          %mul3A_890 = arith.mulf %gather3A_786, %get3A_889 : vector<16xf32>
          %add3A_891 = arith.addf %scan3A_744, %mul3A_890 : vector<16xf32>
          %get3A_892 = arith.constant 1 : i32
          %get3A_893 = arith.index_cast %get3A_892 : i32 to index
          %get3A_894 = arith.index_cast %scan3A_729 : i32 to index
          %get3A_895 = arith.constant 240 : index
          %get3A_896 = tpu.vector_load %arg13[%get3A_893, %get3A_894, %get3A_895] {strides = array<i32>} : memref<2x64x768xf32, #tpu.memory_space<vmem>>, vector<16xf32>,
          %mul3A_897 = arith.mulf %gather3A_786, %get3A_896 : vector<16xf32>
          %add3A_898 = arith.addf %scan3A_745, %mul3A_897 : vector<16xf32>
          %get3A_899 = arith.constant 1 : i32
          %get3A_900 = arith.index_cast %get3A_899 : i32 to index
          %get3A_901 = arith.index_cast %scan3A_729 : i32 to index
          %get3A_902 = arith.constant 256 : index
          %get3A_903 = tpu.vector_load %arg13[%get3A_900, %get3A_901, %get3A_902] {strides = array<i32>} : memref<2x64x768xf32, #tpu.memory_space<vmem>>, vector<16xf32>,
          %mul3A_904 = arith.mulf %gather3A_786, %get3A_903 : vector<16xf32>
          %add3A_905 = arith.addf %scan3A_746, %mul3A_904 : vector<16xf32>
          %get3A_906 = arith.constant 1 : i32
          %get3A_907 = arith.index_cast %get3A_906 : i32 to index
          %get3A_908 = arith.index_cast %scan3A_729 : i32 to index
          %get3A_909 = arith.constant 272 : index
          %get3A_910 = tpu.vector_load %arg13[%get3A_907, %get3A_908, %get3A_909] {strides = array<i32>} : memref<2x64x768xf32, #tpu.memory_space<vmem>>, vector<16xf32>,
          %mul3A_911 = arith.mulf %gather3A_786, %get3A_910 : vector<16xf32>
          %add3A_912 = arith.addf %scan3A_747, %mul3A_911 : vector<16xf32>
          %get3A_913 = arith.constant 1 : i32
          %get3A_914 = arith.index_cast %get3A_913 : i32 to index
          %get3A_915 = arith.index_cast %scan3A_729 : i32 to index
          %get3A_916 = arith.constant 288 : index
          %get3A_917 = tpu.vector_load %arg13[%get3A_914, %get3A_915, %get3A_916] {strides = array<i32>} : memref<2x64x768xf32, #tpu.memory_space<vmem>>, vector<16xf32>,
          %mul3A_918 = arith.mulf %gather3A_786, %get3A_917 : vector<16xf32>
          %add3A_919 = arith.addf %scan3A_748, %mul3A_918 : vector<16xf32>
          %get3A_920 = arith.constant 1 : i32
          %get3A_921 = arith.index_cast %get3A_920 : i32 to index
          %get3A_922 = arith.index_cast %scan3A_729 : i32 to index
          %get3A_923 = arith.constant 304 : index
          %get3A_924 = tpu.vector_load %arg13[%get3A_921, %get3A_922, %get3A_923] {strides = array<i32>} : memref<2x64x768xf32, #tpu.memory_space<vmem>>, vector<16xf32>,
          %mul3A_925 = arith.mulf %gather3A_786, %get3A_924 : vector<16xf32>
          %add3A_926 = arith.addf %scan3A_749, %mul3A_925 : vector<16xf32>
          %get3A_927 = arith.constant 1 : i32
          %get3A_928 = arith.index_cast %get3A_927 : i32 to index
          %get3A_929 = arith.index_cast %scan3A_729 : i32 to index
          %get3A_930 = arith.constant 320 : index
          %get3A_931 = tpu.vector_load %arg13[%get3A_928, %get3A_929, %get3A_930] {strides = array<i32>} : memref<2x64x768xf32, #tpu.memory_space<vmem>>, vector<16xf32>,
          %mul3A_932 = arith.mulf %gather3A_786, %get3A_931 : vector<16xf32>
          %add3A_933 = arith.addf %scan3A_750, %mul3A_932 : vector<16xf32>
          %get3A_934 = arith.constant 1 : i32
          %get3A_935 = arith.index_cast %get3A_934 : i32 to index
          %get3A_936 = arith.index_cast %scan3A_729 : i32 to index
          %get3A_937 = arith.constant 336 : index
          %get3A_938 = tpu.vector_load %arg13[%get3A_935, %get3A_936, %get3A_937] {strides = array<i32>} : memref<2x64x768xf32, #tpu.memory_space<vmem>>, vector<16xf32>,
          %mul3A_939 = arith.mulf %gather3A_786, %get3A_938 : vector<16xf32>
          %add3A_940 = arith.addf %scan3A_751, %mul3A_939 : vector<16xf32>
          %get3A_941 = arith.constant 1 : i32
          %get3A_942 = arith.index_cast %get3A_941 : i32 to index
          %get3A_943 = arith.index_cast %scan3A_729 : i32 to index
          %get3A_944 = arith.constant 352 : index
          %get3A_945 = tpu.vector_load %arg13[%get3A_942, %get3A_943, %get3A_944] {strides = array<i32>} : memref<2x64x768xf32, #tpu.memory_space<vmem>>, vector<16xf32>,
          %mul3A_946 = arith.mulf %gather3A_786, %get3A_945 : vector<16xf32>
          %add3A_947 = arith.addf %scan3A_752, %mul3A_946 : vector<16xf32>
          %get3A_948 = arith.constant 1 : i32
          %get3A_949 = arith.index_cast %get3A_948 : i32 to index
          %get3A_950 = arith.index_cast %scan3A_729 : i32 to index
          %get3A_951 = arith.constant 368 : index
          %get3A_952 = tpu.vector_load %arg13[%get3A_949, %get3A_950, %get3A_951] {strides = array<i32>} : memref<2x64x768xf32, #tpu.memory_space<vmem>>, vector<16xf32>,
          %mul3A_953 = arith.mulf %gather3A_786, %get3A_952 : vector<16xf32>
          %add3A_954 = arith.addf %scan3A_753, %mul3A_953 : vector<16xf32>
          %get3A_955 = arith.constant 1 : i32
          %get3A_956 = arith.index_cast %get3A_955 : i32 to index
          %get3A_957 = arith.index_cast %scan3A_729 : i32 to index
          %get3A_958 = arith.constant 384 : index
          %get3A_959 = tpu.vector_load %arg13[%get3A_956, %get3A_957, %get3A_958] {strides = array<i32>} : memref<2x64x768xf32, #tpu.memory_space<vmem>>, vector<16xf32>,
          %mul3A_960 = arith.mulf %gather3A_786, %get3A_959 : vector<16xf32>
          %add3A_961 = arith.addf %scan3A_754, %mul3A_960 : vector<16xf32>
          %get3A_962 = arith.constant 1 : i32
          %get3A_963 = arith.index_cast %get3A_962 : i32 to index
          %get3A_964 = arith.index_cast %scan3A_729 : i32 to index
          %get3A_965 = arith.constant 400 : index
          %get3A_966 = tpu.vector_load %arg13[%get3A_963, %get3A_964, %get3A_965] {strides = array<i32>} : memref<2x64x768xf32, #tpu.memory_space<vmem>>, vector<16xf32>,
          %mul3A_967 = arith.mulf %gather3A_786, %get3A_966 : vector<16xf32>
          %add3A_968 = arith.addf %scan3A_755, %mul3A_967 : vector<16xf32>
          %get3A_969 = arith.constant 1 : i32
          %get3A_970 = arith.index_cast %get3A_969 : i32 to index
          %get3A_971 = arith.index_cast %scan3A_729 : i32 to index
          %get3A_972 = arith.constant 416 : index
          %get3A_973 = tpu.vector_load %arg13[%get3A_970, %get3A_971, %get3A_972] {strides = array<i32>} : memref<2x64x768xf32, #tpu.memory_space<vmem>>, vector<16xf32>,
          %mul3A_974 = arith.mulf %gather3A_786, %get3A_973 : vector<16xf32>
          %add3A_975 = arith.addf %scan3A_756, %mul3A_974 : vector<16xf32>
          %get3A_976 = arith.constant 1 : i32
          %get3A_977 = arith.index_cast %get3A_976 : i32 to index
          %get3A_978 = arith.index_cast %scan3A_729 : i32 to index
          %get3A_979 = arith.constant 432 : index
          %get3A_980 = tpu.vector_load %arg13[%get3A_977, %get3A_978, %get3A_979] {strides = array<i32>} : memref<2x64x768xf32, #tpu.memory_space<vmem>>, vector<16xf32>,
          %mul3A_981 = arith.mulf %gather3A_786, %get3A_980 : vector<16xf32>
          %add3A_982 = arith.addf %scan3A_757, %mul3A_981 : vector<16xf32>
          %get3A_983 = arith.constant 1 : i32
          %get3A_984 = arith.index_cast %get3A_983 : i32 to index
          %get3A_985 = arith.index_cast %scan3A_729 : i32 to index
          %get3A_986 = arith.constant 448 : index
          %get3A_987 = tpu.vector_load %arg13[%get3A_984, %get3A_985, %get3A_986] {strides = array<i32>} : memref<2x64x768xf32, #tpu.memory_space<vmem>>, vector<16xf32>,
          %mul3A_988 = arith.mulf %gather3A_786, %get3A_987 : vector<16xf32>
          %add3A_989 = arith.addf %scan3A_758, %mul3A_988 : vector<16xf32>
          %get3A_990 = arith.constant 1 : i32
          %get3A_991 = arith.index_cast %get3A_990 : i32 to index
          %get3A_992 = arith.index_cast %scan3A_729 : i32 to index
          %get3A_993 = arith.constant 464 : index
          %get3A_994 = tpu.vector_load %arg13[%get3A_991, %get3A_992, %get3A_993] {strides = array<i32>} : memref<2x64x768xf32, #tpu.memory_space<vmem>>, vector<16xf32>,
          %mul3A_995 = arith.mulf %gather3A_786, %get3A_994 : vector<16xf32>
          %add3A_996 = arith.addf %scan3A_759, %mul3A_995 : vector<16xf32>
          %get3A_997 = arith.constant 1 : i32
          %get3A_998 = arith.index_cast %get3A_997 : i32 to index
          %get3A_999 = arith.index_cast %scan3A_729 : i32 to index
          %get3A_1000 = arith.constant 480 : index
          %get3A_1001 = tpu.vector_load %arg13[%get3A_998, %get3A_999, %get3A_1000] {strides = array<i32>} : memref<2x64x768xf32, #tpu.memory_space<vmem>>, vector<16xf32>,
          %mul3A_1002 = arith.mulf %gather3A_786, %get3A_1001 : vector<16xf32>
          %add3A_1003 = arith.addf %scan3A_760, %mul3A_1002 : vector<16xf32>
          %get3A_1004 = arith.constant 1 : i32
          %get3A_1005 = arith.index_cast %get3A_1004 : i32 to index
          %get3A_1006 = arith.index_cast %scan3A_729 : i32 to index
          %get3A_1007 = arith.constant 496 : index
          %get3A_1008 = tpu.vector_load %arg13[%get3A_1005, %get3A_1006, %get3A_1007] {strides = array<i32>} : memref<2x64x768xf32, #tpu.memory_space<vmem>>, vector<16xf32>,
          %mul3A_1009 = arith.mulf %gather3A_786, %get3A_1008 : vector<16xf32>
          %add3A_1010 = arith.addf %scan3A_761, %mul3A_1009 : vector<16xf32>
          %get3A_1011 = arith.constant 1 : i32
          %get3A_1012 = arith.index_cast %get3A_1011 : i32 to index
          %get3A_1013 = arith.index_cast %scan3A_729 : i32 to index
          %get3A_1014 = arith.constant 512 : index
          %get3A_1015 = tpu.vector_load %arg13[%get3A_1012, %get3A_1013, %get3A_1014] {strides = array<i32>} : memref<2x64x768xf32, #tpu.memory_space<vmem>>, vector<16xf32>,
          %mul3A_1016 = arith.mulf %gather3A_786, %get3A_1015 : vector<16xf32>
          %add3A_1017 = arith.addf %scan3A_762, %mul3A_1016 : vector<16xf32>
          %get3A_1018 = arith.constant 1 : i32
          %get3A_1019 = arith.index_cast %get3A_1018 : i32 to index
          %get3A_1020 = arith.index_cast %scan3A_729 : i32 to index
          %get3A_1021 = arith.constant 528 : index
          %get3A_1022 = tpu.vector_load %arg13[%get3A_1019, %get3A_1020, %get3A_1021] {strides = array<i32>} : memref<2x64x768xf32, #tpu.memory_space<vmem>>, vector<16xf32>,
          %mul3A_1023 = arith.mulf %gather3A_786, %get3A_1022 : vector<16xf32>
          %add3A_1024 = arith.addf %scan3A_763, %mul3A_1023 : vector<16xf32>
          %get3A_1025 = arith.constant 1 : i32
          %get3A_1026 = arith.index_cast %get3A_1025 : i32 to index
          %get3A_1027 = arith.index_cast %scan3A_729 : i32 to index
          %get3A_1028 = arith.constant 544 : index
          %get3A_1029 = tpu.vector_load %arg13[%get3A_1026, %get3A_1027, %get3A_1028] {strides = array<i32>} : memref<2x64x768xf32, #tpu.memory_space<vmem>>, vector<16xf32>,
          %mul3A_1030 = arith.mulf %gather3A_786, %get3A_1029 : vector<16xf32>
          %add3A_1031 = arith.addf %scan3A_764, %mul3A_1030 : vector<16xf32>
          %get3A_1032 = arith.constant 1 : i32
          %get3A_1033 = arith.index_cast %get3A_1032 : i32 to index
          %get3A_1034 = arith.index_cast %scan3A_729 : i32 to index
          %get3A_1035 = arith.constant 560 : index
          %get3A_1036 = tpu.vector_load %arg13[%get3A_1033, %get3A_1034, %get3A_1035] {strides = array<i32>} : memref<2x64x768xf32, #tpu.memory_space<vmem>>, vector<16xf32>,
          %mul3A_1037 = arith.mulf %gather3A_786, %get3A_1036 : vector<16xf32>
          %add3A_1038 = arith.addf %scan3A_765, %mul3A_1037 : vector<16xf32>
          %get3A_1039 = arith.constant 1 : i32
          %get3A_1040 = arith.index_cast %get3A_1039 : i32 to index
          %get3A_1041 = arith.index_cast %scan3A_729 : i32 to index
          %get3A_1042 = arith.constant 576 : index
          %get3A_1043 = tpu.vector_load %arg13[%get3A_1040, %get3A_1041, %get3A_1042] {strides = array<i32>} : memref<2x64x768xf32, #tpu.memory_space<vmem>>, vector<16xf32>,
          %mul3A_1044 = arith.mulf %gather3A_786, %get3A_1043 : vector<16xf32>
          %add3A_1045 = arith.addf %scan3A_766, %mul3A_1044 : vector<16xf32>
          %get3A_1046 = arith.constant 1 : i32
          %get3A_1047 = arith.index_cast %get3A_1046 : i32 to index
          %get3A_1048 = arith.index_cast %scan3A_729 : i32 to index
          %get3A_1049 = arith.constant 592 : index
          %get3A_1050 = tpu.vector_load %arg13[%get3A_1047, %get3A_1048, %get3A_1049] {strides = array<i32>} : memref<2x64x768xf32, #tpu.memory_space<vmem>>, vector<16xf32>,
          %mul3A_1051 = arith.mulf %gather3A_786, %get3A_1050 : vector<16xf32>
          %add3A_1052 = arith.addf %scan3A_767, %mul3A_1051 : vector<16xf32>
          %get3A_1053 = arith.constant 1 : i32
          %get3A_1054 = arith.index_cast %get3A_1053 : i32 to index
          %get3A_1055 = arith.index_cast %scan3A_729 : i32 to index
          %get3A_1056 = arith.constant 608 : index
          %get3A_1057 = tpu.vector_load %arg13[%get3A_1054, %get3A_1055, %get3A_1056] {strides = array<i32>} : memref<2x64x768xf32, #tpu.memory_space<vmem>>, vector<16xf32>,
          %mul3A_1058 = arith.mulf %gather3A_786, %get3A_1057 : vector<16xf32>
          %add3A_1059 = arith.addf %scan3A_768, %mul3A_1058 : vector<16xf32>
          %get3A_1060 = arith.constant 1 : i32
          %get3A_1061 = arith.index_cast %get3A_1060 : i32 to index
          %get3A_1062 = arith.index_cast %scan3A_729 : i32 to index
          %get3A_1063 = arith.constant 624 : index
          %get3A_1064 = tpu.vector_load %arg13[%get3A_1061, %get3A_1062, %get3A_1063] {strides = array<i32>} : memref<2x64x768xf32, #tpu.memory_space<vmem>>, vector<16xf32>,
          %mul3A_1065 = arith.mulf %gather3A_786, %get3A_1064 : vector<16xf32>
          %add3A_1066 = arith.addf %scan3A_769, %mul3A_1065 : vector<16xf32>
          %get3A_1067 = arith.constant 1 : i32
          %get3A_1068 = arith.index_cast %get3A_1067 : i32 to index
          %get3A_1069 = arith.index_cast %scan3A_729 : i32 to index
          %get3A_1070 = arith.constant 640 : index
          %get3A_1071 = tpu.vector_load %arg13[%get3A_1068, %get3A_1069, %get3A_1070] {strides = array<i32>} : memref<2x64x768xf32, #tpu.memory_space<vmem>>, vector<16xf32>,
          %mul3A_1072 = arith.mulf %gather3A_786, %get3A_1071 : vector<16xf32>
          %add3A_1073 = arith.addf %scan3A_770, %mul3A_1072 : vector<16xf32>
          %get3A_1074 = arith.constant 1 : i32
          %get3A_1075 = arith.index_cast %get3A_1074 : i32 to index
          %get3A_1076 = arith.index_cast %scan3A_729 : i32 to index
          %get3A_1077 = arith.constant 656 : index
          %get3A_1078 = tpu.vector_load %arg13[%get3A_1075, %get3A_1076, %get3A_1077] {strides = array<i32>} : memref<2x64x768xf32, #tpu.memory_space<vmem>>, vector<16xf32>,
          %mul3A_1079 = arith.mulf %gather3A_786, %get3A_1078 : vector<16xf32>
          %add3A_1080 = arith.addf %scan3A_771, %mul3A_1079 : vector<16xf32>
          %get3A_1081 = arith.constant 1 : i32
          %get3A_1082 = arith.index_cast %get3A_1081 : i32 to index
          %get3A_1083 = arith.index_cast %scan3A_729 : i32 to index
          %get3A_1084 = arith.constant 672 : index
          %get3A_1085 = tpu.vector_load %arg13[%get3A_1082, %get3A_1083, %get3A_1084] {strides = array<i32>} : memref<2x64x768xf32, #tpu.memory_space<vmem>>, vector<16xf32>,
          %mul3A_1086 = arith.mulf %gather3A_786, %get3A_1085 : vector<16xf32>
          %add3A_1087 = arith.addf %scan3A_772, %mul3A_1086 : vector<16xf32>
          %get3A_1088 = arith.constant 1 : i32
          %get3A_1089 = arith.index_cast %get3A_1088 : i32 to index
          %get3A_1090 = arith.index_cast %scan3A_729 : i32 to index
          %get3A_1091 = arith.constant 688 : index
          %get3A_1092 = tpu.vector_load %arg13[%get3A_1089, %get3A_1090, %get3A_1091] {strides = array<i32>} : memref<2x64x768xf32, #tpu.memory_space<vmem>>, vector<16xf32>,
          %mul3A_1093 = arith.mulf %gather3A_786, %get3A_1092 : vector<16xf32>
          %add3A_1094 = arith.addf %scan3A_773, %mul3A_1093 : vector<16xf32>
          %get3A_1095 = arith.constant 1 : i32
          %get3A_1096 = arith.index_cast %get3A_1095 : i32 to index
          %get3A_1097 = arith.index_cast %scan3A_729 : i32 to index
          %get3A_1098 = arith.constant 704 : index
          %get3A_1099 = tpu.vector_load %arg13[%get3A_1096, %get3A_1097, %get3A_1098] {strides = array<i32>} : memref<2x64x768xf32, #tpu.memory_space<vmem>>, vector<16xf32>,
          %mul3A_1100 = arith.mulf %gather3A_786, %get3A_1099 : vector<16xf32>
          %add3A_1101 = arith.addf %scan3A_774, %mul3A_1100 : vector<16xf32>
          %get3A_1102 = arith.constant 1 : i32
          %get3A_1103 = arith.index_cast %get3A_1102 : i32 to index
          %get3A_1104 = arith.index_cast %scan3A_729 : i32 to index
          %get3A_1105 = arith.constant 720 : index
          %get3A_1106 = tpu.vector_load %arg13[%get3A_1103, %get3A_1104, %get3A_1105] {strides = array<i32>} : memref<2x64x768xf32, #tpu.memory_space<vmem>>, vector<16xf32>,
          %mul3A_1107 = arith.mulf %gather3A_786, %get3A_1106 : vector<16xf32>
          %add3A_1108 = arith.addf %scan3A_775, %mul3A_1107 : vector<16xf32>
          %get3A_1109 = arith.constant 1 : i32
          %get3A_1110 = arith.index_cast %get3A_1109 : i32 to index
          %get3A_1111 = arith.index_cast %scan3A_729 : i32 to index
          %get3A_1112 = arith.constant 736 : index
          %get3A_1113 = tpu.vector_load %arg13[%get3A_1110, %get3A_1111, %get3A_1112] {strides = array<i32>} : memref<2x64x768xf32, #tpu.memory_space<vmem>>, vector<16xf32>,
          %mul3A_1114 = arith.mulf %gather3A_786, %get3A_1113 : vector<16xf32>
          %add3A_1115 = arith.addf %scan3A_776, %mul3A_1114 : vector<16xf32>
          %get3A_1116 = arith.constant 1 : i32
          %get3A_1117 = arith.index_cast %get3A_1116 : i32 to index
          %get3A_1118 = arith.index_cast %scan3A_729 : i32 to index
          %get3A_1119 = arith.constant 752 : index
          %get3A_1120 = tpu.vector_load %arg13[%get3A_1117, %get3A_1118, %get3A_1119] {strides = array<i32>} : memref<2x64x768xf32, #tpu.memory_space<vmem>>, vector<16xf32>,
          %mul3A_1121 = arith.mulf %gather3A_786, %get3A_1120 : vector<16xf32>
          %add3A_1122 = arith.addf %scan3A_777, %mul3A_1121 : vector<16xf32>
          scf.yield %add3A_793, %add3A_800, %add3A_807, %add3A_814, %add3A_821, %add3A_828, %add3A_835, %add3A_842, %add3A_849, %add3A_856, %add3A_863, %add3A_870, %add3A_877, %add3A_884, %add3A_891, %add3A_898, %add3A_905, %add3A_912, %add3A_919, %add3A_926, %add3A_933, %add3A_940, %add3A_947, %add3A_954, %add3A_961, %add3A_968, %add3A_975, %add3A_982, %add3A_989, %add3A_996, %add3A_1003, %add3A_1010, %add3A_1017, %add3A_1024, %add3A_1031, %add3A_1038, %add3A_1045, %add3A_1052, %add3A_1059, %add3A_1066, %add3A_1073, %add3A_1080, %add3A_1087, %add3A_1094, %add3A_1101, %add3A_1108, %add3A_1115, %add3A_1122 : vector<16xf32>, vector<16xf32>, vector<16xf32>, vector<16xf32>, vector<16xf32>, vector<16xf32>, vector<16xf32>, vector<16xf32>, vector<16xf32>, vector<16xf32>, vector<16xf32>, vector<16xf32>, vector<16xf32>, vector<16xf32>, vector<16xf32>, vector<16xf32>, vector<16xf32>, vector<16xf32>, vector<16xf32>, vector<16xf32>, vector<16xf32>, vector<16xf32>, vector<16xf32>, vector<16xf32>, vector<16xf32>, vector<16xf32>, vector<16xf32>, vector<16xf32>, vector<16xf32>, vector<16xf32>, vector<16xf32>, vector<16xf32>, vector<16xf32>, vector<16xf32>, vector<16xf32>, vector<16xf32>, vector<16xf32>, vector<16xf32>, vector<16xf32>, vector<16xf32>, vector<16xf32>, vector<16xf32>, vector<16xf32>, vector<16xf32>, vector<16xf32>, vector<16xf32>, vector<16xf32>, vector<16xf32>
        }
        %scan3A_629 = arith.constant 64 : i32
        %swap3A_630 = arith.constant 0 : index
        %swap3A_631 = tpu.vector_load %arg15[%swap3A_630] {strides = array<i32>} : memref<768xf32, #tpu.memory_space<vmem>>, vector<16xf32>,
        tpu.vector_store %arg15[%swap3A_630], %scan3A_628#0 {strides = array<i32>} : memref<768xf32, #tpu.memory_space<vmem>>, vector<16xf32>,
        %swap3A_632 = arith.constant 16 : index
        %swap3A_633 = tpu.vector_load %arg15[%swap3A_632] {strides = array<i32>} : memref<768xf32, #tpu.memory_space<vmem>>, vector<16xf32>,
        tpu.vector_store %arg15[%swap3A_632], %scan3A_628#1 {strides = array<i32>} : memref<768xf32, #tpu.memory_space<vmem>>, vector<16xf32>,
        %swap3A_634 = arith.constant 32 : index
        %swap3A_635 = tpu.vector_load %arg15[%swap3A_634] {strides = array<i32>} : memref<768xf32, #tpu.memory_space<vmem>>, vector<16xf32>,
        tpu.vector_store %arg15[%swap3A_634], %scan3A_628#2 {strides = array<i32>} : memref<768xf32, #tpu.memory_space<vmem>>, vector<16xf32>,
        %swap3A_636 = arith.constant 48 : index
        %swap3A_637 = tpu.vector_load %arg15[%swap3A_636] {strides = array<i32>} : memref<768xf32, #tpu.memory_space<vmem>>, vector<16xf32>,
        tpu.vector_store %arg15[%swap3A_636], %scan3A_628#3 {strides = array<i32>} : memref<768xf32, #tpu.memory_space<vmem>>, vector<16xf32>,
        %swap3A_638 = arith.constant 64 : index
        %swap3A_639 = tpu.vector_load %arg15[%swap3A_638] {strides = array<i32>} : memref<768xf32, #tpu.memory_space<vmem>>, vector<16xf32>,
        tpu.vector_store %arg15[%swap3A_638], %scan3A_628#4 {strides = array<i32>} : memref<768xf32, #tpu.memory_space<vmem>>, vector<16xf32>,
        %swap3A_640 = arith.constant 80 : index
        %swap3A_641 = tpu.vector_load %arg15[%swap3A_640] {strides = array<i32>} : memref<768xf32, #tpu.memory_space<vmem>>, vector<16xf32>,
        tpu.vector_store %arg15[%swap3A_640], %scan3A_628#5 {strides = array<i32>} : memref<768xf32, #tpu.memory_space<vmem>>, vector<16xf32>,
        %swap3A_642 = arith.constant 96 : index
        %swap3A_643 = tpu.vector_load %arg15[%swap3A_642] {strides = array<i32>} : memref<768xf32, #tpu.memory_space<vmem>>, vector<16xf32>,
        tpu.vector_store %arg15[%swap3A_642], %scan3A_628#6 {strides = array<i32>} : memref<768xf32, #tpu.memory_space<vmem>>, vector<16xf32>,
        %swap3A_644 = arith.constant 112 : index
        %swap3A_645 = tpu.vector_load %arg15[%swap3A_644] {strides = array<i32>} : memref<768xf32, #tpu.memory_space<vmem>>, vector<16xf32>,
        tpu.vector_store %arg15[%swap3A_644], %scan3A_628#7 {strides = array<i32>} : memref<768xf32, #tpu.memory_space<vmem>>, vector<16xf32>,
        %swap3A_646 = arith.constant 128 : index
        %swap3A_647 = tpu.vector_load %arg15[%swap3A_646] {strides = array<i32>} : memref<768xf32, #tpu.memory_space<vmem>>, vector<16xf32>,
        tpu.vector_store %arg15[%swap3A_646], %scan3A_628#8 {strides = array<i32>} : memref<768xf32, #tpu.memory_space<vmem>>, vector<16xf32>,
        %swap3A_648 = arith.constant 144 : index
        %swap3A_649 = tpu.vector_load %arg15[%swap3A_648] {strides = array<i32>} : memref<768xf32, #tpu.memory_space<vmem>>, vector<16xf32>,
        tpu.vector_store %arg15[%swap3A_648], %scan3A_628#9 {strides = array<i32>} : memref<768xf32, #tpu.memory_space<vmem>>, vector<16xf32>,
        %swap3A_650 = arith.constant 160 : index
        %swap3A_651 = tpu.vector_load %arg15[%swap3A_650] {strides = array<i32>} : memref<768xf32, #tpu.memory_space<vmem>>, vector<16xf32>,
        tpu.vector_store %arg15[%swap3A_650], %scan3A_628#10 {strides = array<i32>} : memref<768xf32, #tpu.memory_space<vmem>>, vector<16xf32>,
        %swap3A_652 = arith.constant 176 : index
        %swap3A_653 = tpu.vector_load %arg15[%swap3A_652] {strides = array<i32>} : memref<768xf32, #tpu.memory_space<vmem>>, vector<16xf32>,
        tpu.vector_store %arg15[%swap3A_652], %scan3A_628#11 {strides = array<i32>} : memref<768xf32, #tpu.memory_space<vmem>>, vector<16xf32>,
        %swap3A_654 = arith.constant 192 : index
        %swap3A_655 = tpu.vector_load %arg15[%swap3A_654] {strides = array<i32>} : memref<768xf32, #tpu.memory_space<vmem>>, vector<16xf32>,
        tpu.vector_store %arg15[%swap3A_654], %scan3A_628#12 {strides = array<i32>} : memref<768xf32, #tpu.memory_space<vmem>>, vector<16xf32>,
        %swap3A_656 = arith.constant 208 : index
        %swap3A_657 = tpu.vector_load %arg15[%swap3A_656] {strides = array<i32>} : memref<768xf32, #tpu.memory_space<vmem>>, vector<16xf32>,
        tpu.vector_store %arg15[%swap3A_656], %scan3A_628#13 {strides = array<i32>} : memref<768xf32, #tpu.memory_space<vmem>>, vector<16xf32>,
        %swap3A_658 = arith.constant 224 : index
        %swap3A_659 = tpu.vector_load %arg15[%swap3A_658] {strides = array<i32>} : memref<768xf32, #tpu.memory_space<vmem>>, vector<16xf32>,
        tpu.vector_store %arg15[%swap3A_658], %scan3A_628#14 {strides = array<i32>} : memref<768xf32, #tpu.memory_space<vmem>>, vector<16xf32>,
        %swap3A_660 = arith.constant 240 : index
        %swap3A_661 = tpu.vector_load %arg15[%swap3A_660] {strides = array<i32>} : memref<768xf32, #tpu.memory_space<vmem>>, vector<16xf32>,
        tpu.vector_store %arg15[%swap3A_660], %scan3A_628#15 {strides = array<i32>} : memref<768xf32, #tpu.memory_space<vmem>>, vector<16xf32>,
        %swap3A_662 = arith.constant 256 : index
        %swap3A_663 = tpu.vector_load %arg15[%swap3A_662] {strides = array<i32>} : memref<768xf32, #tpu.memory_space<vmem>>, vector<16xf32>,
        tpu.vector_store %arg15[%swap3A_662], %scan3A_628#16 {strides = array<i32>} : memref<768xf32, #tpu.memory_space<vmem>>, vector<16xf32>,
        %swap3A_664 = arith.constant 272 : index
        %swap3A_665 = tpu.vector_load %arg15[%swap3A_664] {strides = array<i32>} : memref<768xf32, #tpu.memory_space<vmem>>, vector<16xf32>,
        tpu.vector_store %arg15[%swap3A_664], %scan3A_628#17 {strides = array<i32>} : memref<768xf32, #tpu.memory_space<vmem>>, vector<16xf32>,
        %swap3A_666 = arith.constant 288 : index
        %swap3A_667 = tpu.vector_load %arg15[%swap3A_666] {strides = array<i32>} : memref<768xf32, #tpu.memory_space<vmem>>, vector<16xf32>,
        tpu.vector_store %arg15[%swap3A_666], %scan3A_628#18 {strides = array<i32>} : memref<768xf32, #tpu.memory_space<vmem>>, vector<16xf32>,
        %swap3A_668 = arith.constant 304 : index
        %swap3A_669 = tpu.vector_load %arg15[%swap3A_668] {strides = array<i32>} : memref<768xf32, #tpu.memory_space<vmem>>, vector<16xf32>,
        tpu.vector_store %arg15[%swap3A_668], %scan3A_628#19 {strides = array<i32>} : memref<768xf32, #tpu.memory_space<vmem>>, vector<16xf32>,
        %swap3A_670 = arith.constant 320 : index
        %swap3A_671 = tpu.vector_load %arg15[%swap3A_670] {strides = array<i32>} : memref<768xf32, #tpu.memory_space<vmem>>, vector<16xf32>,
        tpu.vector_store %arg15[%swap3A_670], %scan3A_628#20 {strides = array<i32>} : memref<768xf32, #tpu.memory_space<vmem>>, vector<16xf32>,
        %swap3A_672 = arith.constant 336 : index
        %swap3A_673 = tpu.vector_load %arg15[%swap3A_672] {strides = array<i32>} : memref<768xf32, #tpu.memory_space<vmem>>, vector<16xf32>,
        tpu.vector_store %arg15[%swap3A_672], %scan3A_628#21 {strides = array<i32>} : memref<768xf32, #tpu.memory_space<vmem>>, vector<16xf32>,
        %swap3A_674 = arith.constant 352 : index
        %swap3A_675 = tpu.vector_load %arg15[%swap3A_674] {strides = array<i32>} : memref<768xf32, #tpu.memory_space<vmem>>, vector<16xf32>,
        tpu.vector_store %arg15[%swap3A_674], %scan3A_628#22 {strides = array<i32>} : memref<768xf32, #tpu.memory_space<vmem>>, vector<16xf32>,
        %swap3A_676 = arith.constant 368 : index
        %swap3A_677 = tpu.vector_load %arg15[%swap3A_676] {strides = array<i32>} : memref<768xf32, #tpu.memory_space<vmem>>, vector<16xf32>,
        tpu.vector_store %arg15[%swap3A_676], %scan3A_628#23 {strides = array<i32>} : memref<768xf32, #tpu.memory_space<vmem>>, vector<16xf32>,
        %swap3A_678 = arith.constant 384 : index
        %swap3A_679 = tpu.vector_load %arg15[%swap3A_678] {strides = array<i32>} : memref<768xf32, #tpu.memory_space<vmem>>, vector<16xf32>,
        tpu.vector_store %arg15[%swap3A_678], %scan3A_628#24 {strides = array<i32>} : memref<768xf32, #tpu.memory_space<vmem>>, vector<16xf32>,
        %swap3A_680 = arith.constant 400 : index
        %swap3A_681 = tpu.vector_load %arg15[%swap3A_680] {strides = array<i32>} : memref<768xf32, #tpu.memory_space<vmem>>, vector<16xf32>,
        tpu.vector_store %arg15[%swap3A_680], %scan3A_628#25 {strides = array<i32>} : memref<768xf32, #tpu.memory_space<vmem>>, vector<16xf32>,
        %swap3A_682 = arith.constant 416 : index
        %swap3A_683 = tpu.vector_load %arg15[%swap3A_682] {strides = array<i32>} : memref<768xf32, #tpu.memory_space<vmem>>, vector<16xf32>,
        tpu.vector_store %arg15[%swap3A_682], %scan3A_628#26 {strides = array<i32>} : memref<768xf32, #tpu.memory_space<vmem>>, vector<16xf32>,
        %swap3A_684 = arith.constant 432 : index
        %swap3A_685 = tpu.vector_load %arg15[%swap3A_684] {strides = array<i32>} : memref<768xf32, #tpu.memory_space<vmem>>, vector<16xf32>,
        tpu.vector_store %arg15[%swap3A_684], %scan3A_628#27 {strides = array<i32>} : memref<768xf32, #tpu.memory_space<vmem>>, vector<16xf32>,
        %swap3A_686 = arith.constant 448 : index
        %swap3A_687 = tpu.vector_load %arg15[%swap3A_686] {strides = array<i32>} : memref<768xf32, #tpu.memory_space<vmem>>, vector<16xf32>,
        tpu.vector_store %arg15[%swap3A_686], %scan3A_628#28 {strides = array<i32>} : memref<768xf32, #tpu.memory_space<vmem>>, vector<16xf32>,
        %swap3A_688 = arith.constant 464 : index
        %swap3A_689 = tpu.vector_load %arg15[%swap3A_688] {strides = array<i32>} : memref<768xf32, #tpu.memory_space<vmem>>, vector<16xf32>,
        tpu.vector_store %arg15[%swap3A_688], %scan3A_628#29 {strides = array<i32>} : memref<768xf32, #tpu.memory_space<vmem>>, vector<16xf32>,
        %swap3A_690 = arith.constant 480 : index
        %swap3A_691 = tpu.vector_load %arg15[%swap3A_690] {strides = array<i32>} : memref<768xf32, #tpu.memory_space<vmem>>, vector<16xf32>,
        tpu.vector_store %arg15[%swap3A_690], %scan3A_628#30 {strides = array<i32>} : memref<768xf32, #tpu.memory_space<vmem>>, vector<16xf32>,
        %swap3A_692 = arith.constant 496 : index
        %swap3A_693 = tpu.vector_load %arg15[%swap3A_692] {strides = array<i32>} : memref<768xf32, #tpu.memory_space<vmem>>, vector<16xf32>,
        tpu.vector_store %arg15[%swap3A_692], %scan3A_628#31 {strides = array<i32>} : memref<768xf32, #tpu.memory_space<vmem>>, vector<16xf32>,
        %swap3A_694 = arith.constant 512 : index
        %swap3A_695 = tpu.vector_load %arg15[%swap3A_694] {strides = array<i32>} : memref<768xf32, #tpu.memory_space<vmem>>, vector<16xf32>,
        tpu.vector_store %arg15[%swap3A_694], %scan3A_628#32 {strides = array<i32>} : memref<768xf32, #tpu.memory_space<vmem>>, vector<16xf32>,
        %swap3A_696 = arith.constant 528 : index
        %swap3A_697 = tpu.vector_load %arg15[%swap3A_696] {strides = array<i32>} : memref<768xf32, #tpu.memory_space<vmem>>, vector<16xf32>,
        tpu.vector_store %arg15[%swap3A_696], %scan3A_628#33 {strides = array<i32>} : memref<768xf32, #tpu.memory_space<vmem>>, vector<16xf32>,
        %swap3A_698 = arith.constant 544 : index
        %swap3A_699 = tpu.vector_load %arg15[%swap3A_698] {strides = array<i32>} : memref<768xf32, #tpu.memory_space<vmem>>, vector<16xf32>,
        tpu.vector_store %arg15[%swap3A_698], %scan3A_628#34 {strides = array<i32>} : memref<768xf32, #tpu.memory_space<vmem>>, vector<16xf32>,
        %swap3A_700 = arith.constant 560 : index
        %swap3A_701 = tpu.vector_load %arg15[%swap3A_700] {strides = array<i32>} : memref<768xf32, #tpu.memory_space<vmem>>, vector<16xf32>,
        tpu.vector_store %arg15[%swap3A_700], %scan3A_628#35 {strides = array<i32>} : memref<768xf32, #tpu.memory_space<vmem>>, vector<16xf32>,
        %swap3A_702 = arith.constant 576 : index
        %swap3A_703 = tpu.vector_load %arg15[%swap3A_702] {strides = array<i32>} : memref<768xf32, #tpu.memory_space<vmem>>, vector<16xf32>,
        tpu.vector_store %arg15[%swap3A_702], %scan3A_628#36 {strides = array<i32>} : memref<768xf32, #tpu.memory_space<vmem>>, vector<16xf32>,
        %swap3A_704 = arith.constant 592 : index
        %swap3A_705 = tpu.vector_load %arg15[%swap3A_704] {strides = array<i32>} : memref<768xf32, #tpu.memory_space<vmem>>, vector<16xf32>,
        tpu.vector_store %arg15[%swap3A_704], %scan3A_628#37 {strides = array<i32>} : memref<768xf32, #tpu.memory_space<vmem>>, vector<16xf32>,
        %swap3A_706 = arith.constant 608 : index
        %swap3A_707 = tpu.vector_load %arg15[%swap3A_706] {strides = array<i32>} : memref<768xf32, #tpu.memory_space<vmem>>, vector<16xf32>,
        tpu.vector_store %arg15[%swap3A_706], %scan3A_628#38 {strides = array<i32>} : memref<768xf32, #tpu.memory_space<vmem>>, vector<16xf32>,
        %swap3A_708 = arith.constant 624 : index
        %swap3A_709 = tpu.vector_load %arg15[%swap3A_708] {strides = array<i32>} : memref<768xf32, #tpu.memory_space<vmem>>, vector<16xf32>,
        tpu.vector_store %arg15[%swap3A_708], %scan3A_628#39 {strides = array<i32>} : memref<768xf32, #tpu.memory_space<vmem>>, vector<16xf32>,
        %swap3A_710 = arith.constant 640 : index
        %swap3A_711 = tpu.vector_load %arg15[%swap3A_710] {strides = array<i32>} : memref<768xf32, #tpu.memory_space<vmem>>, vector<16xf32>,
        tpu.vector_store %arg15[%swap3A_710], %scan3A_628#40 {strides = array<i32>} : memref<768xf32, #tpu.memory_space<vmem>>, vector<16xf32>,
        %swap3A_712 = arith.constant 656 : index
        %swap3A_713 = tpu.vector_load %arg15[%swap3A_712] {strides = array<i32>} : memref<768xf32, #tpu.memory_space<vmem>>, vector<16xf32>,
        tpu.vector_store %arg15[%swap3A_712], %scan3A_628#41 {strides = array<i32>} : memref<768xf32, #tpu.memory_space<vmem>>, vector<16xf32>,
        %swap3A_714 = arith.constant 672 : index
        %swap3A_715 = tpu.vector_load %arg15[%swap3A_714] {strides = array<i32>} : memref<768xf32, #tpu.memory_space<vmem>>, vector<16xf32>,
        tpu.vector_store %arg15[%swap3A_714], %scan3A_628#42 {strides = array<i32>} : memref<768xf32, #tpu.memory_space<vmem>>, vector<16xf32>,
        %swap3A_716 = arith.constant 688 : index
        %swap3A_717 = tpu.vector_load %arg15[%swap3A_716] {strides = array<i32>} : memref<768xf32, #tpu.memory_space<vmem>>, vector<16xf32>,
        tpu.vector_store %arg15[%swap3A_716], %scan3A_628#43 {strides = array<i32>} : memref<768xf32, #tpu.memory_space<vmem>>, vector<16xf32>,
        %swap3A_718 = arith.constant 704 : index
        %swap3A_719 = tpu.vector_load %arg15[%swap3A_718] {strides = array<i32>} : memref<768xf32, #tpu.memory_space<vmem>>, vector<16xf32>,
        tpu.vector_store %arg15[%swap3A_718], %scan3A_628#44 {strides = array<i32>} : memref<768xf32, #tpu.memory_space<vmem>>, vector<16xf32>,
        %swap3A_720 = arith.constant 720 : index
        %swap3A_721 = tpu.vector_load %arg15[%swap3A_720] {strides = array<i32>} : memref<768xf32, #tpu.memory_space<vmem>>, vector<16xf32>,
        tpu.vector_store %arg15[%swap3A_720], %scan3A_628#45 {strides = array<i32>} : memref<768xf32, #tpu.memory_space<vmem>>, vector<16xf32>,
        %swap3A_722 = arith.constant 736 : index
        %swap3A_723 = tpu.vector_load %arg15[%swap3A_722] {strides = array<i32>} : memref<768xf32, #tpu.memory_space<vmem>>, vector<16xf32>,
        tpu.vector_store %arg15[%swap3A_722], %scan3A_628#46 {strides = array<i32>} : memref<768xf32, #tpu.memory_space<vmem>>, vector<16xf32>,
        %swap3A_724 = arith.constant 752 : index
        %swap3A_725 = tpu.vector_load %arg15[%swap3A_724] {strides = array<i32>} : memref<768xf32, #tpu.memory_space<vmem>>, vector<16xf32>,
        tpu.vector_store %arg15[%swap3A_724], %scan3A_628#47 {strides = array<i32>} : memref<768xf32, #tpu.memory_space<vmem>>, vector<16xf32>,
        %mul3A_726 = arith.constant 256 : i32
        %mul3A_727 = arith.muli %add3A, %mul3A_726 : i32
        %add3A_728 = arith.addi %mul3A_727, %sub3A_527 : i32
        "tpu.region"() ({
          %run_scoped3A = tpu.sem_alloc : memref<!tpu.dma_semaphore, #tpu.memory_space<semaphore_mem>>
          %dma_start3A_729 = arith.constant 0 : i32
          %dma_start3A_730 = tpu.memref_slice %arg7[%add3A_728, %dma_start3A_729] : memref<8192x768xf32, #tpu.memory_space<hbm>> -> memref<1x768xf32, #tpu.memory_space<hbm>>
          %dma_start3A_731 = tpu.memref_squeeze %dma_start3A_730 : memref<1x768xf32, #tpu.memory_space<hbm>> -> memref<768xf32, #tpu.memory_space<hbm>>
          %dma_start3A_732 = arith.constant 0 : i32
          %dma_start3A_733 = tpu.memref_slice %arg7[%add3A_728, %dma_start3A_732] : memref<8192x768xf32, #tpu.memory_space<hbm>> -> memref<1x768xf32, #tpu.memory_space<hbm>>
          %dma_start3A_734 = tpu.memref_squeeze %dma_start3A_733 : memref<1x768xf32, #tpu.memory_space<hbm>> -> memref<768xf32, #tpu.memory_space<hbm>>
          tpu.enqueue_dma source(%arg15 : memref<768xf32, #tpu.memory_space<vmem>>) target(%dma_start3A_734 : memref<768xf32, #tpu.memory_space<hbm>>) target_semaphore(%run_scoped3A : memref<!tpu.dma_semaphore, #tpu.memory_space<semaphore_mem>>)
          %dma_wait3A_735 = arith.constant 0 : i32
          %dma_wait3A_736 = tpu.memref_slice %arg7[%add3A_728, %dma_wait3A_735] : memref<8192x768xf32, #tpu.memory_space<hbm>> -> memref<1x768xf32, #tpu.memory_space<hbm>>
          %dma_wait3A_737 = tpu.memref_squeeze %dma_wait3A_736 : memref<1x768xf32, #tpu.memory_space<hbm>> -> memref<768xf32, #tpu.memory_space<hbm>>
          %dma_wait3A_738 = arith.constant 0 : i32
          %dma_wait3A_739 = tpu.memref_slice %arg7[%add3A_728, %dma_wait3A_738] : memref<8192x768xf32, #tpu.memory_space<hbm>> -> memref<1x768xf32, #tpu.memory_space<hbm>>
          %dma_wait3A_740 = tpu.memref_squeeze %dma_wait3A_739 : memref<1x768xf32, #tpu.memory_space<hbm>> -> memref<768xf32, #tpu.memory_space<hbm>>
          tpu.wait_dma2 semaphore(%run_scoped3A : memref<!tpu.dma_semaphore, #tpu.memory_space<semaphore_mem>>) src(%arg15 : memref<768xf32, #tpu.memory_space<vmem>>) dst(%dma_wait3A_740 : memref<768xf32, #tpu.memory_space<hbm>>)
          tpu.yield
        }) : () -> ()
      } else {
      }
      %add3A_379 = arith.constant 2 : i32
      %add3A_380 = arith.addi %mul3A_267, %add3A_379 : i32
      %lt3A = arith.constant 256 : i32
      %lt3A_381 = arith.cmpi slt, %add3A_380, %lt3A : i32
      %convert_element_type3A_382 = arith.extui %lt3A_381 : i1 to i32
      %cond3A_383 = arith.constant 0 : i32
      %cond3A_384 = arith.cmpi ne, %convert_element_type3A_382, %cond3A_383 : i32
      scf.if %cond3A_384 {
        %add3A_512 = arith.constant 2 : i32
        %add3A_513 = arith.addi %mul3A_267, %add3A_512 : i32
        %mul3A_514 = arith.constant 256 : i32
        %mul3A_515 = arith.muli %add3A, %mul3A_514 : i32
        %add3A_516 = arith.addi %mul3A_515, %add3A_513 : i32
        %dma_start3A_517 = arith.constant 0 : i32
        %dma_start3A_518 = arith.constant 0 : i32
        %dma_start3A_519 = arith.constant 0 : i32
        %dma_start3A_520 = tpu.memref_slice %arg8[%dma_start3A_517, %dma_start3A_519] : memref<2x3072xf32, #tpu.memory_space<vmem>> -> memref<1x3072xf32, #tpu.memory_space<vmem>>
        %dma_start3A_521 = tpu.memref_squeeze %dma_start3A_520 : memref<1x3072xf32, #tpu.memory_space<vmem>> -> memref<3072xf32, #tpu.memory_space<vmem>>
        %dma_start3A_522 = arith.constant 0 : i32
        %dma_start3A_523 = tpu.memref_slice %arg2[%add3A_516, %dma_start3A_522] : memref<8192x3072xf32, #tpu.memory_space<hbm>> -> memref<1x3072xf32, #tpu.memory_space<hbm>>
        %dma_start3A_524 = tpu.memref_squeeze %dma_start3A_523 : memref<1x3072xf32, #tpu.memory_space<hbm>> -> memref<3072xf32, #tpu.memory_space<hbm>>
        %dma_start3A_525 = tpu.memref_slice %arg16[%dma_start3A_518] : memref<2x!tpu.dma_semaphore, #tpu.memory_space<semaphore_mem>> -> memref<1x!tpu.dma_semaphore, #tpu.memory_space<semaphore_mem>>
        %dma_start3A_526 = tpu.memref_squeeze %dma_start3A_525 : memref<1x!tpu.dma_semaphore, #tpu.memory_space<semaphore_mem>> -> memref<!tpu.dma_semaphore, #tpu.memory_space<semaphore_mem>>
        %dma_start3A_527 = arith.constant 0 : i32
        %dma_start3A_528 = tpu.memref_slice %arg8[%dma_start3A_517, %dma_start3A_527] : memref<2x3072xf32, #tpu.memory_space<vmem>> -> memref<1x3072xf32, #tpu.memory_space<vmem>>
        %dma_start3A_529 = tpu.memref_squeeze %dma_start3A_528 : memref<1x3072xf32, #tpu.memory_space<vmem>> -> memref<3072xf32, #tpu.memory_space<vmem>>
        %dma_start3A_530 = arith.constant 0 : i32
        %dma_start3A_531 = tpu.memref_slice %arg2[%add3A_516, %dma_start3A_530] : memref<8192x3072xf32, #tpu.memory_space<hbm>> -> memref<1x3072xf32, #tpu.memory_space<hbm>>
        %dma_start3A_532 = tpu.memref_squeeze %dma_start3A_531 : memref<1x3072xf32, #tpu.memory_space<hbm>> -> memref<3072xf32, #tpu.memory_space<hbm>>
        tpu.enqueue_dma source(%dma_start3A_532 : memref<3072xf32, #tpu.memory_space<hbm>>) target(%dma_start3A_529 : memref<3072xf32, #tpu.memory_space<vmem>>) target_semaphore(%dma_start3A_526 : memref<!tpu.dma_semaphore, #tpu.memory_space<semaphore_mem>>)
      } else {
      }
      %mul3A_385 = arith.constant 2 : i32
      %mul3A_386 = arith.muli %mul3A_385, %scan3A_265 : i32
      %add3A_387 = arith.constant 1 : i32
      %add3A_388 = arith.addi %mul3A_386, %add3A_387 : i32
      %mul3A_389 = arith.constant 256 : i32
      %mul3A_390 = arith.muli %add3A, %mul3A_389 : i32
      %add3A_391 = arith.addi %mul3A_390, %add3A_388 : i32
      %dma_wait3A_392 = arith.constant 1 : i32
      %dma_wait3A_393 = arith.constant 1 : i32
      %dma_wait3A_394 = arith.constant 0 : i32
      %dma_wait3A_395 = tpu.memref_slice %arg8[%dma_wait3A_392, %dma_wait3A_394] : memref<2x3072xf32, #tpu.memory_space<vmem>> -> memref<1x3072xf32, #tpu.memory_space<vmem>>
      %dma_wait3A_396 = tpu.memref_squeeze %dma_wait3A_395 : memref<1x3072xf32, #tpu.memory_space<vmem>> -> memref<3072xf32, #tpu.memory_space<vmem>>
      %dma_wait3A_397 = arith.constant 0 : i32
      %dma_wait3A_398 = tpu.memref_slice %arg2[%add3A_391, %dma_wait3A_397] : memref<8192x3072xf32, #tpu.memory_space<hbm>> -> memref<1x3072xf32, #tpu.memory_space<hbm>>
      %dma_wait3A_399 = tpu.memref_squeeze %dma_wait3A_398 : memref<1x3072xf32, #tpu.memory_space<hbm>> -> memref<3072xf32, #tpu.memory_space<hbm>>
      %dma_wait3A_400 = tpu.memref_slice %arg16[%dma_wait3A_393] : memref<2x!tpu.dma_semaphore, #tpu.memory_space<semaphore_mem>> -> memref<1x!tpu.dma_semaphore, #tpu.memory_space<semaphore_mem>>
      %dma_wait3A_401 = tpu.memref_squeeze %dma_wait3A_400 : memref<1x!tpu.dma_semaphore, #tpu.memory_space<semaphore_mem>> -> memref<!tpu.dma_semaphore, #tpu.memory_space<semaphore_mem>>
      %dma_wait3A_402 = arith.constant 0 : i32
      %dma_wait3A_403 = tpu.memref_slice %arg8[%dma_wait3A_392, %dma_wait3A_402] : memref<2x3072xf32, #tpu.memory_space<vmem>> -> memref<1x3072xf32, #tpu.memory_space<vmem>>
      %dma_wait3A_404 = tpu.memref_squeeze %dma_wait3A_403 : memref<1x3072xf32, #tpu.memory_space<vmem>> -> memref<3072xf32, #tpu.memory_space<vmem>>
      %dma_wait3A_405 = arith.constant 0 : i32
      %dma_wait3A_406 = tpu.memref_slice %arg2[%add3A_391, %dma_wait3A_405] : memref<8192x3072xf32, #tpu.memory_space<hbm>> -> memref<1x3072xf32, #tpu.memory_space<hbm>>
      %dma_wait3A_407 = tpu.memref_squeeze %dma_wait3A_406 : memref<1x3072xf32, #tpu.memory_space<hbm>> -> memref<3072xf32, #tpu.memory_space<hbm>>
      tpu.wait_dma2 semaphore(%dma_wait3A_401 : memref<!tpu.dma_semaphore, #tpu.memory_space<semaphore_mem>>) src(%dma_wait3A_407 : memref<3072xf32, #tpu.memory_space<hbm>>) dst(%dma_wait3A_404 : memref<3072xf32, #tpu.memory_space<vmem>>)
      %broadcast_in_dim3A_408 = arith.constant 0.000000e+00 : f32
      %broadcast_in_dim3A_409 = vector.broadcast %broadcast_in_dim3A_408 : f32 to vector<16xf32>
      %swap3A_410 = arith.constant 1 : i32
      %swap3A_411 = arith.index_cast %swap3A_410 : i32 to index
      %swap3A_412 = arith.constant 0 : index
      %swap3A_413 = tpu.vector_load %arg11[%swap3A_411, %swap3A_412] {strides = array<i32>} : memref<2x64xf32, #tpu.memory_space<vmem>>, vector<16xf32>,
      tpu.vector_store %arg11[%swap3A_411, %swap3A_412], %broadcast_in_dim3A_409 {strides = array<i32>} : memref<2x64xf32, #tpu.memory_space<vmem>>, vector<16xf32>,
      %broadcast_in_dim3A_414 = arith.constant 0 : i32
      %broadcast_in_dim3A_415 = vector.broadcast %broadcast_in_dim3A_414 : i32 to vector<16xi32>
      %swap3A_416 = arith.constant 1 : i32
      %swap3A_417 = arith.index_cast %swap3A_416 : i32 to index
      %swap3A_418 = arith.constant 0 : index
      %swap3A_419 = tpu.vector_load %arg12[%swap3A_417, %swap3A_418] {strides = array<i32>} : memref<2x64xi32, #tpu.memory_space<vmem>>, vector<16xi32>,
      tpu.vector_store %arg12[%swap3A_417, %swap3A_418], %broadcast_in_dim3A_415 {strides = array<i32>} : memref<2x64xi32, #tpu.memory_space<vmem>>, vector<16xi32>,
      %broadcast_in_dim3A_420 = arith.constant 0.000000e+00 : f32
      %broadcast_in_dim3A_421 = vector.broadcast %broadcast_in_dim3A_420 : f32 to vector<16xf32>
      %swap3A_422 = arith.constant 1 : i32
      %swap3A_423 = arith.index_cast %swap3A_422 : i32 to index
      %swap3A_424 = arith.constant 16 : index
      %swap3A_425 = tpu.vector_load %arg11[%swap3A_423, %swap3A_424] {strides = array<i32>} : memref<2x64xf32, #tpu.memory_space<vmem>>, vector<16xf32>,
      tpu.vector_store %arg11[%swap3A_423, %swap3A_424], %broadcast_in_dim3A_421 {strides = array<i32>} : memref<2x64xf32, #tpu.memory_space<vmem>>, vector<16xf32>,
      %broadcast_in_dim3A_426 = arith.constant 0 : i32
      %broadcast_in_dim3A_427 = vector.broadcast %broadcast_in_dim3A_426 : i32 to vector<16xi32>
      %swap3A_428 = arith.constant 1 : i32
      %swap3A_429 = arith.index_cast %swap3A_428 : i32 to index
      %swap3A_430 = arith.constant 16 : index
      %swap3A_431 = tpu.vector_load %arg12[%swap3A_429, %swap3A_430] {strides = array<i32>} : memref<2x64xi32, #tpu.memory_space<vmem>>, vector<16xi32>,
      tpu.vector_store %arg12[%swap3A_429, %swap3A_430], %broadcast_in_dim3A_427 {strides = array<i32>} : memref<2x64xi32, #tpu.memory_space<vmem>>, vector<16xi32>,
      %broadcast_in_dim3A_432 = arith.constant 0.000000e+00 : f32
      %broadcast_in_dim3A_433 = vector.broadcast %broadcast_in_dim3A_432 : f32 to vector<16xf32>
      %swap3A_434 = arith.constant 1 : i32
      %swap3A_435 = arith.index_cast %swap3A_434 : i32 to index
      %swap3A_436 = arith.constant 32 : index
      %swap3A_437 = tpu.vector_load %arg11[%swap3A_435, %swap3A_436] {strides = array<i32>} : memref<2x64xf32, #tpu.memory_space<vmem>>, vector<16xf32>,
      tpu.vector_store %arg11[%swap3A_435, %swap3A_436], %broadcast_in_dim3A_433 {strides = array<i32>} : memref<2x64xf32, #tpu.memory_space<vmem>>, vector<16xf32>,
      %broadcast_in_dim3A_438 = arith.constant 0 : i32
      %broadcast_in_dim3A_439 = vector.broadcast %broadcast_in_dim3A_438 : i32 to vector<16xi32>
      %swap3A_440 = arith.constant 1 : i32
      %swap3A_441 = arith.index_cast %swap3A_440 : i32 to index
      %swap3A_442 = arith.constant 32 : index
      %swap3A_443 = tpu.vector_load %arg12[%swap3A_441, %swap3A_442] {strides = array<i32>} : memref<2x64xi32, #tpu.memory_space<vmem>>, vector<16xi32>,
      tpu.vector_store %arg12[%swap3A_441, %swap3A_442], %broadcast_in_dim3A_439 {strides = array<i32>} : memref<2x64xi32, #tpu.memory_space<vmem>>, vector<16xi32>,
      %broadcast_in_dim3A_444 = arith.constant 0.000000e+00 : f32
      %broadcast_in_dim3A_445 = vector.broadcast %broadcast_in_dim3A_444 : f32 to vector<16xf32>
      %swap3A_446 = arith.constant 1 : i32
      %swap3A_447 = arith.index_cast %swap3A_446 : i32 to index
      %swap3A_448 = arith.constant 48 : index
      %swap3A_449 = tpu.vector_load %arg11[%swap3A_447, %swap3A_448] {strides = array<i32>} : memref<2x64xf32, #tpu.memory_space<vmem>>, vector<16xf32>,
      tpu.vector_store %arg11[%swap3A_447, %swap3A_448], %broadcast_in_dim3A_445 {strides = array<i32>} : memref<2x64xf32, #tpu.memory_space<vmem>>, vector<16xf32>,
      %broadcast_in_dim3A_450 = arith.constant 0 : i32
      %broadcast_in_dim3A_451 = vector.broadcast %broadcast_in_dim3A_450 : i32 to vector<16xi32>
      %swap3A_452 = arith.constant 1 : i32
      %swap3A_453 = arith.index_cast %swap3A_452 : i32 to index
      %swap3A_454 = arith.constant 48 : index
      %swap3A_455 = tpu.vector_load %arg12[%swap3A_453, %swap3A_454] {strides = array<i32>} : memref<2x64xi32, #tpu.memory_space<vmem>>, vector<16xi32>,
      tpu.vector_store %arg12[%swap3A_453, %swap3A_454], %broadcast_in_dim3A_451 {strides = array<i32>} : memref<2x64xi32, #tpu.memory_space<vmem>>, vector<16xi32>,
      %broadcast_in_dim3A_456 = arith.constant 0 : i32
      %broadcast_in_dim3A_457 = vector.broadcast %broadcast_in_dim3A_456 : i32 to vector<16xi32>
      %add3A_458 = vector.broadcast %add3A_388 : i32 to vector<16xi32>
      %add3A_459 = arith.addi %broadcast_in_dim3A_457, %add3A_458 : vector<16xi32>
      %gather3A_460 = tpu.vector_load_idx %arg9[%add3A_459] : memref<256xi32, #tpu.memory_space<vmem>>[vector<16xi32>], vector<16xi32>,
      %broadcast_in_dim3A_461 = arith.constant 0 : i32
      %broadcast_in_dim3A_462 = vector.broadcast %broadcast_in_dim3A_461 : i32 to vector<16xi32>
      %mul3A_463 = arith.constant 2 : i32
      %mul3A_464 = arith.muli %mul3A_463, %add3A_388 : i32
      %add3A_465 = vector.broadcast %mul3A_464 : i32 to vector<16xi32>
      %add3A_466 = arith.addi %broadcast_in_dim3A_462, %add3A_465 : vector<16xi32>
      %gather3A_467 = tpu.vector_load_idx %arg10[%add3A_466] : memref<512xi32, #tpu.memory_space<vmem>>[vector<16xi32>], vector<16xi32>,
      %broadcast_in_dim3A_468 = arith.constant 0 : i32
      %broadcast_in_dim3A_469 = vector.broadcast %broadcast_in_dim3A_468 : i32 to vector<16xi32>
      %mul3A_470 = arith.constant 2 : i32
      %mul3A_471 = arith.muli %mul3A_470, %add3A_388 : i32
      %add3A_472 = vector.broadcast %mul3A_471 : i32 to vector<16xi32>
      %add3A_473 = arith.addi %broadcast_in_dim3A_469, %add3A_472 : vector<16xi32>
      %add3A_474 = arith.constant 1 : i32
      %add3A_475 = vector.broadcast %add3A_474 : i32 to vector<16xi32>
      %add3A_476 = arith.addi %add3A_473, %add3A_475 : vector<16xi32>
      %gather3A_477 = tpu.vector_load_idx %arg10[%add3A_476] : memref<512xi32, #tpu.memory_space<vmem>>[vector<16xi32>], vector<16xi32>,
      %scan3A_478 = arith.constant 0 : i32
      %scan3A_479 = arith.constant 0 : i32
      %scan3A_480 = arith.constant 48 : i32
      %scan3A_481 = arith.addi %scan3A_479, %scan3A_480 : i32
      %scan3A_482 = arith.constant 1 : i32
      %scan3A_483 = scf.for %scan3A_512 = %scan3A_479 to %scan3A_481 step %scan3A_482 iter_args(%scan3A_513 = %scan3A_478) -> (i32)  : i32 {
        %mul3A_514 = arith.constant 64 : i32
        %mul3A_515 = arith.muli %scan3A_512, %mul3A_514 : i32
        %add3A_516 = arith.constant 0 : i32
        %add3A_517 = arith.addi %mul3A_515, %add3A_516 : i32
        %get3A_518 = arith.constant 1 : i32
        %get3A_519 = arith.index_cast %get3A_518 : i32 to index
        %get3A_520 = arith.index_cast %add3A_517 : i32 to index
        %get3A_521 = tpu.vector_load %arg8[%get3A_519, %get3A_520] {strides = array<i32>} : memref<2x3072xf32, #tpu.memory_space<vmem>>, vector<16xf32>,
        %bitcast3A = vector.bitcast %get3A_521 : vector<16xf32> to vector<16xi32>
        %ge3A_522 = arith.cmpi sge, %bitcast3A, %gather3A_460 : vector<16xi32>
        %gt3A = arith.constant 0 : i32
        %gt3A_523 = vector.broadcast %gt3A : i32 to vector<16xi32>
        %gt3A_524 = arith.cmpi sgt, %bitcast3A, %gt3A_523 : vector<16xi32>
        %and3A = arith.andi %ge3A_522, %gt3A_524 : vector<16xi1>
        %convert_element_type3A_525 = arith.extui %and3A : vector<16xi1> to vector<16xi32>
        %reduce_sum3A = arith.constant true
        %reduce_sum3A_526 = vector.broadcast %reduce_sum3A : i1 to vector<16xi1>
        %reduce_sum3A_527 = tpu.scan <sum>, %convert_element_type3A_525 masked %reduce_sum3A_526 : vector<16xi32>, vector<16xi1> -> vector<16xi32>
        %reduce_sum3A_528 = vector.extract %reduce_sum3A_527[15] : i32 from vector<16xi32>
        %convert_element_type3A_529 = arith.extui %and3A : vector<16xi1> to vector<16xi32>
        %broadcast_in_dim3A_530 = arith.constant true
        %broadcast_in_dim3A_531 = vector.broadcast %broadcast_in_dim3A_530 : i1 to vector<16xi1>
        %masked_cumsum3A = tpu.scan <sum>, %convert_element_type3A_529 masked %broadcast_in_dim3A_531 : vector<16xi32>, vector<16xi1> -> vector<16xi32>
        %mul3A_532 = arith.constant 64 : i32
        %mul3A_533 = arith.muli %scan3A_512, %mul3A_532 : i32
        %add3A_534 = arith.constant 16 : i32
        %add3A_535 = arith.addi %mul3A_533, %add3A_534 : i32
        %get3A_536 = arith.constant 1 : i32
        %get3A_537 = arith.index_cast %get3A_536 : i32 to index
        %get3A_538 = arith.index_cast %add3A_535 : i32 to index
        %get3A_539 = tpu.vector_load %arg8[%get3A_537, %get3A_538] {strides = array<i32>} : memref<2x3072xf32, #tpu.memory_space<vmem>>, vector<16xf32>,
        %bitcast3A_540 = vector.bitcast %get3A_539 : vector<16xf32> to vector<16xi32>
        %ge3A_541 = arith.cmpi sge, %bitcast3A_540, %gather3A_460 : vector<16xi32>
        %gt3A_542 = arith.constant 0 : i32
        %gt3A_543 = vector.broadcast %gt3A_542 : i32 to vector<16xi32>
        %gt3A_544 = arith.cmpi sgt, %bitcast3A_540, %gt3A_543 : vector<16xi32>
        %and3A_545 = arith.andi %ge3A_541, %gt3A_544 : vector<16xi1>
        %convert_element_type3A_546 = arith.extui %and3A_545 : vector<16xi1> to vector<16xi32>
        %reduce_sum3A_547 = arith.constant true
        %reduce_sum3A_548 = vector.broadcast %reduce_sum3A_547 : i1 to vector<16xi1>
        %reduce_sum3A_549 = tpu.scan <sum>, %convert_element_type3A_546 masked %reduce_sum3A_548 : vector<16xi32>, vector<16xi1> -> vector<16xi32>
        %reduce_sum3A_550 = vector.extract %reduce_sum3A_549[15] : i32 from vector<16xi32>
        %convert_element_type3A_551 = arith.extui %and3A_545 : vector<16xi1> to vector<16xi32>
        %broadcast_in_dim3A_552 = arith.constant true
        %broadcast_in_dim3A_553 = vector.broadcast %broadcast_in_dim3A_552 : i1 to vector<16xi1>
        %masked_cumsum3A_554 = tpu.scan <sum>, %convert_element_type3A_551 masked %broadcast_in_dim3A_553 : vector<16xi32>, vector<16xi1> -> vector<16xi32>
        %mul3A_555 = arith.constant 64 : i32
        %mul3A_556 = arith.muli %scan3A_512, %mul3A_555 : i32
        %add3A_557 = arith.constant 32 : i32
        %add3A_558 = arith.addi %mul3A_556, %add3A_557 : i32
        %get3A_559 = arith.constant 1 : i32
        %get3A_560 = arith.index_cast %get3A_559 : i32 to index
        %get3A_561 = arith.index_cast %add3A_558 : i32 to index
        %get3A_562 = tpu.vector_load %arg8[%get3A_560, %get3A_561] {strides = array<i32>} : memref<2x3072xf32, #tpu.memory_space<vmem>>, vector<16xf32>,
        %bitcast3A_563 = vector.bitcast %get3A_562 : vector<16xf32> to vector<16xi32>
        %ge3A_564 = arith.cmpi sge, %bitcast3A_563, %gather3A_460 : vector<16xi32>
        %gt3A_565 = arith.constant 0 : i32
        %gt3A_566 = vector.broadcast %gt3A_565 : i32 to vector<16xi32>
        %gt3A_567 = arith.cmpi sgt, %bitcast3A_563, %gt3A_566 : vector<16xi32>
        %and3A_568 = arith.andi %ge3A_564, %gt3A_567 : vector<16xi1>
        %convert_element_type3A_569 = arith.extui %and3A_568 : vector<16xi1> to vector<16xi32>
        %reduce_sum3A_570 = arith.constant true
        %reduce_sum3A_571 = vector.broadcast %reduce_sum3A_570 : i1 to vector<16xi1>
        %reduce_sum3A_572 = tpu.scan <sum>, %convert_element_type3A_569 masked %reduce_sum3A_571 : vector<16xi32>, vector<16xi1> -> vector<16xi32>
        %reduce_sum3A_573 = vector.extract %reduce_sum3A_572[15] : i32 from vector<16xi32>
        %convert_element_type3A_574 = arith.extui %and3A_568 : vector<16xi1> to vector<16xi32>
        %broadcast_in_dim3A_575 = arith.constant true
        %broadcast_in_dim3A_576 = vector.broadcast %broadcast_in_dim3A_575 : i1 to vector<16xi1>
        %masked_cumsum3A_577 = tpu.scan <sum>, %convert_element_type3A_574 masked %broadcast_in_dim3A_576 : vector<16xi32>, vector<16xi1> -> vector<16xi32>
        %mul3A_578 = arith.constant 64 : i32
        %mul3A_579 = arith.muli %scan3A_512, %mul3A_578 : i32
        %add3A_580 = arith.constant 48 : i32
        %add3A_581 = arith.addi %mul3A_579, %add3A_580 : i32
        %get3A_582 = arith.constant 1 : i32
        %get3A_583 = arith.index_cast %get3A_582 : i32 to index
        %get3A_584 = arith.index_cast %add3A_581 : i32 to index
        %get3A_585 = tpu.vector_load %arg8[%get3A_583, %get3A_584] {strides = array<i32>} : memref<2x3072xf32, #tpu.memory_space<vmem>>, vector<16xf32>,
        %bitcast3A_586 = vector.bitcast %get3A_585 : vector<16xf32> to vector<16xi32>
        %ge3A_587 = arith.cmpi sge, %bitcast3A_586, %gather3A_460 : vector<16xi32>
        %gt3A_588 = arith.constant 0 : i32
        %gt3A_589 = vector.broadcast %gt3A_588 : i32 to vector<16xi32>
        %gt3A_590 = arith.cmpi sgt, %bitcast3A_586, %gt3A_589 : vector<16xi32>
        %and3A_591 = arith.andi %ge3A_587, %gt3A_590 : vector<16xi1>
        %convert_element_type3A_592 = arith.extui %and3A_591 : vector<16xi1> to vector<16xi32>
        %reduce_sum3A_593 = arith.constant true
        %reduce_sum3A_594 = vector.broadcast %reduce_sum3A_593 : i1 to vector<16xi1>
        %reduce_sum3A_595 = tpu.scan <sum>, %convert_element_type3A_592 masked %reduce_sum3A_594 : vector<16xi32>, vector<16xi1> -> vector<16xi32>
        %reduce_sum3A_596 = vector.extract %reduce_sum3A_595[15] : i32 from vector<16xi32>
        %convert_element_type3A_597 = arith.extui %and3A_591 : vector<16xi1> to vector<16xi32>
        %broadcast_in_dim3A_598 = arith.constant true
        %broadcast_in_dim3A_599 = vector.broadcast %broadcast_in_dim3A_598 : i1 to vector<16xi1>
        %masked_cumsum3A_600 = tpu.scan <sum>, %convert_element_type3A_597 masked %broadcast_in_dim3A_599 : vector<16xi32>, vector<16xi1> -> vector<16xi32>
        %lt3A_601 = arith.constant 64 : i32
        %lt3A_602 = arith.cmpi slt, %scan3A_513, %lt3A_601 : i32
        %convert_element_type3A_603 = arith.extui %lt3A_602 : i1 to i32
        %cond3A_604 = arith.constant 0 : i32
        %cond3A_605 = arith.cmpi ne, %convert_element_type3A_603, %cond3A_604 : i32
        scf.if %cond3A_605 {
          %mul3A_610 = arith.constant 4 : i32
          %mul3A_611 = arith.muli %scan3A_512, %mul3A_610 : i32
          %add3A_612 = arith.constant 0 : i32
          %add3A_613 = arith.addi %mul3A_611, %add3A_612 : i32
          %ge3A_614 = arith.constant 96 : i32
          %ge3A_615 = arith.cmpi sge, %add3A_613, %ge3A_614 : i32
          %convert_element_type3A_616 = arith.extui %ge3A_615 : i1 to i32
          %sub3A = arith.subi %gather3A_477, %gather3A_467 : vector<16xi32>
          %mul3A_617 = vector.broadcast %convert_element_type3A_616 : i32 to vector<16xi32>
          %mul3A_618 = arith.muli %mul3A_617, %sub3A : vector<16xi32>
          %add3A_619 = arith.addi %gather3A_467, %mul3A_618 : vector<16xi32>
          %mul3A_620 = arith.constant 16 : i32
          %mul3A_621 = arith.muli %add3A_613, %mul3A_620 : i32
          %add3A_622 = vector.broadcast %mul3A_621 : i32 to vector<16xi32>
          %add3A_623 = arith.addi %iota3A, %add3A_622 : vector<16xi32>
          %mul3A_624 = arith.constant 1536 : i32
          %mul3A_625 = arith.muli %convert_element_type3A_616, %mul3A_624 : i32
          %sub3A_626 = vector.broadcast %mul3A_625 : i32 to vector<16xi32>
          %sub3A_627 = arith.subi %add3A_623, %sub3A_626 : vector<16xi32>
          %add3A_628 = arith.addi %add3A_619, %sub3A_627 : vector<16xi32>
          %add3A_629 = vector.broadcast %scan3A_513 : i32 to vector<16xi32>
          %add3A_630 = arith.addi %add3A_629, %masked_cumsum3A : vector<16xi32>
          %sub3A_631 = arith.constant 1 : i32
          %sub3A_632 = vector.broadcast %sub3A_631 : i32 to vector<16xi32>
          %sub3A_633 = arith.subi %add3A_630, %sub3A_632 : vector<16xi32>
          %lt3A_634 = arith.constant 64 : i32
          %lt3A_635 = vector.broadcast %lt3A_634 : i32 to vector<16xi32>
          %lt3A_636 = arith.cmpi slt, %sub3A_633, %lt3A_635 : vector<16xi32>
          %and3A_637 = arith.andi %and3A, %lt3A_636 : vector<16xi1>
          %scatter3A = arith.constant 1 : i32
          %scatter3A_638 = arith.constant 0 : i32
          %scatter3A_639 = tpu.memref_slice %arg11[%scatter3A, %scatter3A_638] : memref<2x64xf32, #tpu.memory_space<vmem>> -> memref<1x64xf32, #tpu.memory_space<vmem>>
          %scatter3A_640 = tpu.memref_squeeze %scatter3A_639 : memref<1x64xf32, #tpu.memory_space<vmem>> -> memref<64xf32, #tpu.memory_space<vmem>>
          tpu.vector_store_idx %scatter3A_640[%sub3A_633], %get3A_521 masked %and3A_637 : memref<64xf32, #tpu.memory_space<vmem>>[vector<16xi32>], vector<16xf32>, vector<16xi1>
          %scatter3A_641 = arith.constant 1 : i32
          %scatter3A_642 = arith.constant 0 : i32
          %scatter3A_643 = tpu.memref_slice %arg12[%scatter3A_641, %scatter3A_642] : memref<2x64xi32, #tpu.memory_space<vmem>> -> memref<1x64xi32, #tpu.memory_space<vmem>>
          %scatter3A_644 = tpu.memref_squeeze %scatter3A_643 : memref<1x64xi32, #tpu.memory_space<vmem>> -> memref<64xi32, #tpu.memory_space<vmem>>
          tpu.vector_store_idx %scatter3A_644[%sub3A_633], %add3A_628 masked %and3A_637 : memref<64xi32, #tpu.memory_space<vmem>>[vector<16xi32>], vector<16xi32>, vector<16xi1>
          %add3A_645 = arith.addi %scan3A_513, %reduce_sum3A_528 : i32
          %mul3A_646 = arith.constant 4 : i32
          %mul3A_647 = arith.muli %scan3A_512, %mul3A_646 : i32
          %add3A_648 = arith.constant 1 : i32
          %add3A_649 = arith.addi %mul3A_647, %add3A_648 : i32
          %ge3A_650 = arith.constant 96 : i32
          %ge3A_651 = arith.cmpi sge, %add3A_649, %ge3A_650 : i32
          %convert_element_type3A_652 = arith.extui %ge3A_651 : i1 to i32
          %sub3A_653 = arith.subi %gather3A_477, %gather3A_467 : vector<16xi32>
          %mul3A_654 = vector.broadcast %convert_element_type3A_652 : i32 to vector<16xi32>
          %mul3A_655 = arith.muli %mul3A_654, %sub3A_653 : vector<16xi32>
          %add3A_656 = arith.addi %gather3A_467, %mul3A_655 : vector<16xi32>
          %mul3A_657 = arith.constant 16 : i32
          %mul3A_658 = arith.muli %add3A_649, %mul3A_657 : i32
          %add3A_659 = vector.broadcast %mul3A_658 : i32 to vector<16xi32>
          %add3A_660 = arith.addi %iota3A, %add3A_659 : vector<16xi32>
          %mul3A_661 = arith.constant 1536 : i32
          %mul3A_662 = arith.muli %convert_element_type3A_652, %mul3A_661 : i32
          %sub3A_663 = vector.broadcast %mul3A_662 : i32 to vector<16xi32>
          %sub3A_664 = arith.subi %add3A_660, %sub3A_663 : vector<16xi32>
          %add3A_665 = arith.addi %add3A_656, %sub3A_664 : vector<16xi32>
          %add3A_666 = vector.broadcast %add3A_645 : i32 to vector<16xi32>
          %add3A_667 = arith.addi %add3A_666, %masked_cumsum3A_554 : vector<16xi32>
          %sub3A_668 = arith.constant 1 : i32
          %sub3A_669 = vector.broadcast %sub3A_668 : i32 to vector<16xi32>
          %sub3A_670 = arith.subi %add3A_667, %sub3A_669 : vector<16xi32>
          %lt3A_671 = arith.constant 64 : i32
          %lt3A_672 = vector.broadcast %lt3A_671 : i32 to vector<16xi32>
          %lt3A_673 = arith.cmpi slt, %sub3A_670, %lt3A_672 : vector<16xi32>
          %and3A_674 = arith.andi %and3A_545, %lt3A_673 : vector<16xi1>
          %scatter3A_675 = arith.constant 1 : i32
          %scatter3A_676 = arith.constant 0 : i32
          %scatter3A_677 = tpu.memref_slice %arg11[%scatter3A_675, %scatter3A_676] : memref<2x64xf32, #tpu.memory_space<vmem>> -> memref<1x64xf32, #tpu.memory_space<vmem>>
          %scatter3A_678 = tpu.memref_squeeze %scatter3A_677 : memref<1x64xf32, #tpu.memory_space<vmem>> -> memref<64xf32, #tpu.memory_space<vmem>>
          tpu.vector_store_idx %scatter3A_678[%sub3A_670], %get3A_539 masked %and3A_674 : memref<64xf32, #tpu.memory_space<vmem>>[vector<16xi32>], vector<16xf32>, vector<16xi1>
          %scatter3A_679 = arith.constant 1 : i32
          %scatter3A_680 = arith.constant 0 : i32
          %scatter3A_681 = tpu.memref_slice %arg12[%scatter3A_679, %scatter3A_680] : memref<2x64xi32, #tpu.memory_space<vmem>> -> memref<1x64xi32, #tpu.memory_space<vmem>>
          %scatter3A_682 = tpu.memref_squeeze %scatter3A_681 : memref<1x64xi32, #tpu.memory_space<vmem>> -> memref<64xi32, #tpu.memory_space<vmem>>
          tpu.vector_store_idx %scatter3A_682[%sub3A_670], %add3A_665 masked %and3A_674 : memref<64xi32, #tpu.memory_space<vmem>>[vector<16xi32>], vector<16xi32>, vector<16xi1>
          %add3A_683 = arith.addi %add3A_645, %reduce_sum3A_550 : i32
          %mul3A_684 = arith.constant 4 : i32
          %mul3A_685 = arith.muli %scan3A_512, %mul3A_684 : i32
          %add3A_686 = arith.constant 2 : i32
          %add3A_687 = arith.addi %mul3A_685, %add3A_686 : i32
          %ge3A_688 = arith.constant 96 : i32
          %ge3A_689 = arith.cmpi sge, %add3A_687, %ge3A_688 : i32
          %convert_element_type3A_690 = arith.extui %ge3A_689 : i1 to i32
          %sub3A_691 = arith.subi %gather3A_477, %gather3A_467 : vector<16xi32>
          %mul3A_692 = vector.broadcast %convert_element_type3A_690 : i32 to vector<16xi32>
          %mul3A_693 = arith.muli %mul3A_692, %sub3A_691 : vector<16xi32>
          %add3A_694 = arith.addi %gather3A_467, %mul3A_693 : vector<16xi32>
          %mul3A_695 = arith.constant 16 : i32
          %mul3A_696 = arith.muli %add3A_687, %mul3A_695 : i32
          %add3A_697 = vector.broadcast %mul3A_696 : i32 to vector<16xi32>
          %add3A_698 = arith.addi %iota3A, %add3A_697 : vector<16xi32>
          %mul3A_699 = arith.constant 1536 : i32
          %mul3A_700 = arith.muli %convert_element_type3A_690, %mul3A_699 : i32
          %sub3A_701 = vector.broadcast %mul3A_700 : i32 to vector<16xi32>
          %sub3A_702 = arith.subi %add3A_698, %sub3A_701 : vector<16xi32>
          %add3A_703 = arith.addi %add3A_694, %sub3A_702 : vector<16xi32>
          %add3A_704 = vector.broadcast %add3A_683 : i32 to vector<16xi32>
          %add3A_705 = arith.addi %add3A_704, %masked_cumsum3A_577 : vector<16xi32>
          %sub3A_706 = arith.constant 1 : i32
          %sub3A_707 = vector.broadcast %sub3A_706 : i32 to vector<16xi32>
          %sub3A_708 = arith.subi %add3A_705, %sub3A_707 : vector<16xi32>
          %lt3A_709 = arith.constant 64 : i32
          %lt3A_710 = vector.broadcast %lt3A_709 : i32 to vector<16xi32>
          %lt3A_711 = arith.cmpi slt, %sub3A_708, %lt3A_710 : vector<16xi32>
          %and3A_712 = arith.andi %and3A_568, %lt3A_711 : vector<16xi1>
          %scatter3A_713 = arith.constant 1 : i32
          %scatter3A_714 = arith.constant 0 : i32
          %scatter3A_715 = tpu.memref_slice %arg11[%scatter3A_713, %scatter3A_714] : memref<2x64xf32, #tpu.memory_space<vmem>> -> memref<1x64xf32, #tpu.memory_space<vmem>>
          %scatter3A_716 = tpu.memref_squeeze %scatter3A_715 : memref<1x64xf32, #tpu.memory_space<vmem>> -> memref<64xf32, #tpu.memory_space<vmem>>
          tpu.vector_store_idx %scatter3A_716[%sub3A_708], %get3A_562 masked %and3A_712 : memref<64xf32, #tpu.memory_space<vmem>>[vector<16xi32>], vector<16xf32>, vector<16xi1>
          %scatter3A_717 = arith.constant 1 : i32
          %scatter3A_718 = arith.constant 0 : i32
          %scatter3A_719 = tpu.memref_slice %arg12[%scatter3A_717, %scatter3A_718] : memref<2x64xi32, #tpu.memory_space<vmem>> -> memref<1x64xi32, #tpu.memory_space<vmem>>
          %scatter3A_720 = tpu.memref_squeeze %scatter3A_719 : memref<1x64xi32, #tpu.memory_space<vmem>> -> memref<64xi32, #tpu.memory_space<vmem>>
          tpu.vector_store_idx %scatter3A_720[%sub3A_708], %add3A_703 masked %and3A_712 : memref<64xi32, #tpu.memory_space<vmem>>[vector<16xi32>], vector<16xi32>, vector<16xi1>
          %add3A_721 = arith.addi %add3A_683, %reduce_sum3A_573 : i32
          %mul3A_722 = arith.constant 4 : i32
          %mul3A_723 = arith.muli %scan3A_512, %mul3A_722 : i32
          %add3A_724 = arith.constant 3 : i32
          %add3A_725 = arith.addi %mul3A_723, %add3A_724 : i32
          %ge3A_726 = arith.constant 96 : i32
          %ge3A_727 = arith.cmpi sge, %add3A_725, %ge3A_726 : i32
          %convert_element_type3A_728 = arith.extui %ge3A_727 : i1 to i32
          %sub3A_729 = arith.subi %gather3A_477, %gather3A_467 : vector<16xi32>
          %mul3A_730 = vector.broadcast %convert_element_type3A_728 : i32 to vector<16xi32>
          %mul3A_731 = arith.muli %mul3A_730, %sub3A_729 : vector<16xi32>
          %add3A_732 = arith.addi %gather3A_467, %mul3A_731 : vector<16xi32>
          %mul3A_733 = arith.constant 16 : i32
          %mul3A_734 = arith.muli %add3A_725, %mul3A_733 : i32
          %add3A_735 = vector.broadcast %mul3A_734 : i32 to vector<16xi32>
          %add3A_736 = arith.addi %iota3A, %add3A_735 : vector<16xi32>
          %mul3A_737 = arith.constant 1536 : i32
          %mul3A_738 = arith.muli %convert_element_type3A_728, %mul3A_737 : i32
          %sub3A_739 = vector.broadcast %mul3A_738 : i32 to vector<16xi32>
          %sub3A_740 = arith.subi %add3A_736, %sub3A_739 : vector<16xi32>
          %add3A_741 = arith.addi %add3A_732, %sub3A_740 : vector<16xi32>
          %add3A_742 = vector.broadcast %add3A_721 : i32 to vector<16xi32>
          %add3A_743 = arith.addi %add3A_742, %masked_cumsum3A_600 : vector<16xi32>
          %sub3A_744 = arith.constant 1 : i32
          %sub3A_745 = vector.broadcast %sub3A_744 : i32 to vector<16xi32>
          %sub3A_746 = arith.subi %add3A_743, %sub3A_745 : vector<16xi32>
          %lt3A_747 = arith.constant 64 : i32
          %lt3A_748 = vector.broadcast %lt3A_747 : i32 to vector<16xi32>
          %lt3A_749 = arith.cmpi slt, %sub3A_746, %lt3A_748 : vector<16xi32>
          %and3A_750 = arith.andi %and3A_591, %lt3A_749 : vector<16xi1>
          %scatter3A_751 = arith.constant 1 : i32
          %scatter3A_752 = arith.constant 0 : i32
          %scatter3A_753 = tpu.memref_slice %arg11[%scatter3A_751, %scatter3A_752] : memref<2x64xf32, #tpu.memory_space<vmem>> -> memref<1x64xf32, #tpu.memory_space<vmem>>
          %scatter3A_754 = tpu.memref_squeeze %scatter3A_753 : memref<1x64xf32, #tpu.memory_space<vmem>> -> memref<64xf32, #tpu.memory_space<vmem>>
          tpu.vector_store_idx %scatter3A_754[%sub3A_746], %get3A_585 masked %and3A_750 : memref<64xf32, #tpu.memory_space<vmem>>[vector<16xi32>], vector<16xf32>, vector<16xi1>
          %scatter3A_755 = arith.constant 1 : i32
          %scatter3A_756 = arith.constant 0 : i32
          %scatter3A_757 = tpu.memref_slice %arg12[%scatter3A_755, %scatter3A_756] : memref<2x64xi32, #tpu.memory_space<vmem>> -> memref<1x64xi32, #tpu.memory_space<vmem>>
          %scatter3A_758 = tpu.memref_squeeze %scatter3A_757 : memref<1x64xi32, #tpu.memory_space<vmem>> -> memref<64xi32, #tpu.memory_space<vmem>>
          tpu.vector_store_idx %scatter3A_758[%sub3A_746], %add3A_741 masked %and3A_750 : memref<64xi32, #tpu.memory_space<vmem>>[vector<16xi32>], vector<16xi32>, vector<16xi1>
          %add3A_759 = arith.addi %add3A_721, %reduce_sum3A_596 : i32
        } else {
        }
        %add3A_606 = arith.addi %scan3A_513, %reduce_sum3A_528 : i32
        %add3A_607 = arith.addi %add3A_606, %reduce_sum3A_550 : i32
        %add3A_608 = arith.addi %add3A_607, %reduce_sum3A_573 : i32
        %add3A_609 = arith.addi %add3A_608, %reduce_sum3A_596 : i32
        scf.yield %add3A_609 : i32
      }
      %scan3A_484 = arith.constant 48 : i32
      %dma_start3A_485 = arith.constant 1 : i32
      %dma_start3A_486 = arith.constant 1 : i32
      %dma_start3A_487 = arith.constant 1 : i32
      %dma_start3A_488 = arith.constant 0 : i32
      %dma_start3A_489 = arith.constant 0 : i32
      %dma_start3A_490 = tpu.memref_slice %arg13[%dma_start3A_486, %dma_start3A_488, %dma_start3A_489] : memref<2x64x768xf32, #tpu.memory_space<vmem>> -> memref<1x64x768xf32, #tpu.memory_space<vmem>>
      %dma_start3A_491 = tpu.memref_squeeze %dma_start3A_490 : memref<1x64x768xf32, #tpu.memory_space<vmem>> -> memref<64x768xf32, #tpu.memory_space<vmem>>
      %dma_start3A_492 = arith.constant 0 : i32
      %dma_start3A_493 = tpu.memref_slice %arg12[%dma_start3A_485, %dma_start3A_492] : memref<2x64xi32, #tpu.memory_space<vmem>> -> memref<1x64xi32, #tpu.memory_space<vmem>>
      %dma_start3A_494 = tpu.memref_squeeze %dma_start3A_493 : memref<1x64xi32, #tpu.memory_space<vmem>> -> memref<64xi32, #tpu.memory_space<vmem>>
      %dma_start3A_495 = arith.constant 0 : i32
      %dma_start3A_496 = arith.constant 0 : i32
      %dma_start3A_497 = tpu.memref_slice %arg5[%dma_start3A_495, %dma_start3A_496] : memref<24576x768xf32, #tpu.memory_space<hbm>> -> memref<24576x768xf32, #tpu.memory_space<hbm>>
      %dma_start3A_498 = tpu.memref_slice %arg17[%dma_start3A_487] : memref<2x!tpu.dma_semaphore, #tpu.memory_space<semaphore_mem>> -> memref<1x!tpu.dma_semaphore, #tpu.memory_space<semaphore_mem>>
      %dma_start3A_499 = tpu.memref_squeeze %dma_start3A_498 : memref<1x!tpu.dma_semaphore, #tpu.memory_space<semaphore_mem>> -> memref<!tpu.dma_semaphore, #tpu.memory_space<semaphore_mem>>
      tpu.enqueue_indirect_dma source(%dma_start3A_497 : memref<24576x768xf32, #tpu.memory_space<hbm>>) target(%dma_start3A_491 : memref<64x768xf32, #tpu.memory_space<vmem>>) offsets(%dma_start3A_494 : memref<64xi32, #tpu.memory_space<vmem>>) semaphore(%dma_start3A_499 : memref<!tpu.dma_semaphore, #tpu.memory_space<semaphore_mem>>)
      %ge3A_500 = arith.constant 1 : i32
      %ge3A_501 = arith.cmpi sge, %add3A_388, %ge3A_500 : i32
      %convert_element_type3A_502 = arith.extui %ge3A_501 : i1 to i32
      %cond3A_503 = arith.constant 0 : i32
      %cond3A_504 = arith.cmpi ne, %convert_element_type3A_502, %cond3A_503 : i32
      scf.if %cond3A_504 {
        %dma_wait3A_512 = arith.constant 0 : i32
        %dma_wait3A_513 = arith.constant 0 : i32
        %dma_wait3A_514 = arith.constant 0 : i32
        %dma_wait3A_515 = arith.constant 0 : i32
        %dma_wait3A_516 = arith.constant 0 : i32
        %dma_wait3A_517 = tpu.memref_slice %arg13[%dma_wait3A_513, %dma_wait3A_515, %dma_wait3A_516] : memref<2x64x768xf32, #tpu.memory_space<vmem>> -> memref<1x64x768xf32, #tpu.memory_space<vmem>>
        %dma_wait3A_518 = tpu.memref_squeeze %dma_wait3A_517 : memref<1x64x768xf32, #tpu.memory_space<vmem>> -> memref<64x768xf32, #tpu.memory_space<vmem>>
        %dma_wait3A_519 = arith.constant 0 : i32
        %dma_wait3A_520 = tpu.memref_slice %arg12[%dma_wait3A_512, %dma_wait3A_519] : memref<2x64xi32, #tpu.memory_space<vmem>> -> memref<1x64xi32, #tpu.memory_space<vmem>>
        %dma_wait3A_521 = tpu.memref_squeeze %dma_wait3A_520 : memref<1x64xi32, #tpu.memory_space<vmem>> -> memref<64xi32, #tpu.memory_space<vmem>>
        %dma_wait3A_522 = arith.constant 0 : i32
        %dma_wait3A_523 = arith.constant 0 : i32
        %dma_wait3A_524 = tpu.memref_slice %arg5[%dma_wait3A_522, %dma_wait3A_523] : memref<24576x768xf32, #tpu.memory_space<hbm>> -> memref<24576x768xf32, #tpu.memory_space<hbm>>
        %dma_wait3A_525 = tpu.memref_slice %arg17[%dma_wait3A_514] : memref<2x!tpu.dma_semaphore, #tpu.memory_space<semaphore_mem>> -> memref<1x!tpu.dma_semaphore, #tpu.memory_space<semaphore_mem>>
        %dma_wait3A_526 = tpu.memref_squeeze %dma_wait3A_525 : memref<1x!tpu.dma_semaphore, #tpu.memory_space<semaphore_mem>> -> memref<!tpu.dma_semaphore, #tpu.memory_space<semaphore_mem>>
        tpu.wait_indirect_dma semaphore(%dma_wait3A_526 : memref<!tpu.dma_semaphore, #tpu.memory_space<semaphore_mem>>) src(%dma_wait3A_524 : memref<24576x768xf32, #tpu.memory_space<hbm>>) dst(%dma_wait3A_518 : memref<64x768xf32, #tpu.memory_space<vmem>>)
        %sub3A = arith.constant 1 : i32
        %sub3A_527 = arith.subi %add3A_388, %sub3A : i32
        %get3A_528 = arith.constant 0 : index
        %get3A_529 = tpu.vector_load %arg14[%get3A_528] {strides = array<i32>} : memref<768xf32, #tpu.memory_space<vmem>>, vector<16xf32>,
        %get3A_530 = arith.constant 16 : index
        %get3A_531 = tpu.vector_load %arg14[%get3A_530] {strides = array<i32>} : memref<768xf32, #tpu.memory_space<vmem>>, vector<16xf32>,
        %get3A_532 = arith.constant 32 : index
        %get3A_533 = tpu.vector_load %arg14[%get3A_532] {strides = array<i32>} : memref<768xf32, #tpu.memory_space<vmem>>, vector<16xf32>,
        %get3A_534 = arith.constant 48 : index
        %get3A_535 = tpu.vector_load %arg14[%get3A_534] {strides = array<i32>} : memref<768xf32, #tpu.memory_space<vmem>>, vector<16xf32>,
        %get3A_536 = arith.constant 64 : index
        %get3A_537 = tpu.vector_load %arg14[%get3A_536] {strides = array<i32>} : memref<768xf32, #tpu.memory_space<vmem>>, vector<16xf32>,
        %get3A_538 = arith.constant 80 : index
        %get3A_539 = tpu.vector_load %arg14[%get3A_538] {strides = array<i32>} : memref<768xf32, #tpu.memory_space<vmem>>, vector<16xf32>,
        %get3A_540 = arith.constant 96 : index
        %get3A_541 = tpu.vector_load %arg14[%get3A_540] {strides = array<i32>} : memref<768xf32, #tpu.memory_space<vmem>>, vector<16xf32>,
        %get3A_542 = arith.constant 112 : index
        %get3A_543 = tpu.vector_load %arg14[%get3A_542] {strides = array<i32>} : memref<768xf32, #tpu.memory_space<vmem>>, vector<16xf32>,
        %get3A_544 = arith.constant 128 : index
        %get3A_545 = tpu.vector_load %arg14[%get3A_544] {strides = array<i32>} : memref<768xf32, #tpu.memory_space<vmem>>, vector<16xf32>,
        %get3A_546 = arith.constant 144 : index
        %get3A_547 = tpu.vector_load %arg14[%get3A_546] {strides = array<i32>} : memref<768xf32, #tpu.memory_space<vmem>>, vector<16xf32>,
        %get3A_548 = arith.constant 160 : index
        %get3A_549 = tpu.vector_load %arg14[%get3A_548] {strides = array<i32>} : memref<768xf32, #tpu.memory_space<vmem>>, vector<16xf32>,
        %get3A_550 = arith.constant 176 : index
        %get3A_551 = tpu.vector_load %arg14[%get3A_550] {strides = array<i32>} : memref<768xf32, #tpu.memory_space<vmem>>, vector<16xf32>,
        %get3A_552 = arith.constant 192 : index
        %get3A_553 = tpu.vector_load %arg14[%get3A_552] {strides = array<i32>} : memref<768xf32, #tpu.memory_space<vmem>>, vector<16xf32>,
        %get3A_554 = arith.constant 208 : index
        %get3A_555 = tpu.vector_load %arg14[%get3A_554] {strides = array<i32>} : memref<768xf32, #tpu.memory_space<vmem>>, vector<16xf32>,
        %get3A_556 = arith.constant 224 : index
        %get3A_557 = tpu.vector_load %arg14[%get3A_556] {strides = array<i32>} : memref<768xf32, #tpu.memory_space<vmem>>, vector<16xf32>,
        %get3A_558 = arith.constant 240 : index
        %get3A_559 = tpu.vector_load %arg14[%get3A_558] {strides = array<i32>} : memref<768xf32, #tpu.memory_space<vmem>>, vector<16xf32>,
        %get3A_560 = arith.constant 256 : index
        %get3A_561 = tpu.vector_load %arg14[%get3A_560] {strides = array<i32>} : memref<768xf32, #tpu.memory_space<vmem>>, vector<16xf32>,
        %get3A_562 = arith.constant 272 : index
        %get3A_563 = tpu.vector_load %arg14[%get3A_562] {strides = array<i32>} : memref<768xf32, #tpu.memory_space<vmem>>, vector<16xf32>,
        %get3A_564 = arith.constant 288 : index
        %get3A_565 = tpu.vector_load %arg14[%get3A_564] {strides = array<i32>} : memref<768xf32, #tpu.memory_space<vmem>>, vector<16xf32>,
        %get3A_566 = arith.constant 304 : index
        %get3A_567 = tpu.vector_load %arg14[%get3A_566] {strides = array<i32>} : memref<768xf32, #tpu.memory_space<vmem>>, vector<16xf32>,
        %get3A_568 = arith.constant 320 : index
        %get3A_569 = tpu.vector_load %arg14[%get3A_568] {strides = array<i32>} : memref<768xf32, #tpu.memory_space<vmem>>, vector<16xf32>,
        %get3A_570 = arith.constant 336 : index
        %get3A_571 = tpu.vector_load %arg14[%get3A_570] {strides = array<i32>} : memref<768xf32, #tpu.memory_space<vmem>>, vector<16xf32>,
        %get3A_572 = arith.constant 352 : index
        %get3A_573 = tpu.vector_load %arg14[%get3A_572] {strides = array<i32>} : memref<768xf32, #tpu.memory_space<vmem>>, vector<16xf32>,
        %get3A_574 = arith.constant 368 : index
        %get3A_575 = tpu.vector_load %arg14[%get3A_574] {strides = array<i32>} : memref<768xf32, #tpu.memory_space<vmem>>, vector<16xf32>,
        %get3A_576 = arith.constant 384 : index
        %get3A_577 = tpu.vector_load %arg14[%get3A_576] {strides = array<i32>} : memref<768xf32, #tpu.memory_space<vmem>>, vector<16xf32>,
        %get3A_578 = arith.constant 400 : index
        %get3A_579 = tpu.vector_load %arg14[%get3A_578] {strides = array<i32>} : memref<768xf32, #tpu.memory_space<vmem>>, vector<16xf32>,
        %get3A_580 = arith.constant 416 : index
        %get3A_581 = tpu.vector_load %arg14[%get3A_580] {strides = array<i32>} : memref<768xf32, #tpu.memory_space<vmem>>, vector<16xf32>,
        %get3A_582 = arith.constant 432 : index
        %get3A_583 = tpu.vector_load %arg14[%get3A_582] {strides = array<i32>} : memref<768xf32, #tpu.memory_space<vmem>>, vector<16xf32>,
        %get3A_584 = arith.constant 448 : index
        %get3A_585 = tpu.vector_load %arg14[%get3A_584] {strides = array<i32>} : memref<768xf32, #tpu.memory_space<vmem>>, vector<16xf32>,
        %get3A_586 = arith.constant 464 : index
        %get3A_587 = tpu.vector_load %arg14[%get3A_586] {strides = array<i32>} : memref<768xf32, #tpu.memory_space<vmem>>, vector<16xf32>,
        %get3A_588 = arith.constant 480 : index
        %get3A_589 = tpu.vector_load %arg14[%get3A_588] {strides = array<i32>} : memref<768xf32, #tpu.memory_space<vmem>>, vector<16xf32>,
        %get3A_590 = arith.constant 496 : index
        %get3A_591 = tpu.vector_load %arg14[%get3A_590] {strides = array<i32>} : memref<768xf32, #tpu.memory_space<vmem>>, vector<16xf32>,
        %get3A_592 = arith.constant 512 : index
        %get3A_593 = tpu.vector_load %arg14[%get3A_592] {strides = array<i32>} : memref<768xf32, #tpu.memory_space<vmem>>, vector<16xf32>,
        %get3A_594 = arith.constant 528 : index
        %get3A_595 = tpu.vector_load %arg14[%get3A_594] {strides = array<i32>} : memref<768xf32, #tpu.memory_space<vmem>>, vector<16xf32>,
        %get3A_596 = arith.constant 544 : index
        %get3A_597 = tpu.vector_load %arg14[%get3A_596] {strides = array<i32>} : memref<768xf32, #tpu.memory_space<vmem>>, vector<16xf32>,
        %get3A_598 = arith.constant 560 : index
        %get3A_599 = tpu.vector_load %arg14[%get3A_598] {strides = array<i32>} : memref<768xf32, #tpu.memory_space<vmem>>, vector<16xf32>,
        %get3A_600 = arith.constant 576 : index
        %get3A_601 = tpu.vector_load %arg14[%get3A_600] {strides = array<i32>} : memref<768xf32, #tpu.memory_space<vmem>>, vector<16xf32>,
        %get3A_602 = arith.constant 592 : index
        %get3A_603 = tpu.vector_load %arg14[%get3A_602] {strides = array<i32>} : memref<768xf32, #tpu.memory_space<vmem>>, vector<16xf32>,
        %get3A_604 = arith.constant 608 : index
        %get3A_605 = tpu.vector_load %arg14[%get3A_604] {strides = array<i32>} : memref<768xf32, #tpu.memory_space<vmem>>, vector<16xf32>,
        %get3A_606 = arith.constant 624 : index
        %get3A_607 = tpu.vector_load %arg14[%get3A_606] {strides = array<i32>} : memref<768xf32, #tpu.memory_space<vmem>>, vector<16xf32>,
        %get3A_608 = arith.constant 640 : index
        %get3A_609 = tpu.vector_load %arg14[%get3A_608] {strides = array<i32>} : memref<768xf32, #tpu.memory_space<vmem>>, vector<16xf32>,
        %get3A_610 = arith.constant 656 : index
        %get3A_611 = tpu.vector_load %arg14[%get3A_610] {strides = array<i32>} : memref<768xf32, #tpu.memory_space<vmem>>, vector<16xf32>,
        %get3A_612 = arith.constant 672 : index
        %get3A_613 = tpu.vector_load %arg14[%get3A_612] {strides = array<i32>} : memref<768xf32, #tpu.memory_space<vmem>>, vector<16xf32>,
        %get3A_614 = arith.constant 688 : index
        %get3A_615 = tpu.vector_load %arg14[%get3A_614] {strides = array<i32>} : memref<768xf32, #tpu.memory_space<vmem>>, vector<16xf32>,
        %get3A_616 = arith.constant 704 : index
        %get3A_617 = tpu.vector_load %arg14[%get3A_616] {strides = array<i32>} : memref<768xf32, #tpu.memory_space<vmem>>, vector<16xf32>,
        %get3A_618 = arith.constant 720 : index
        %get3A_619 = tpu.vector_load %arg14[%get3A_618] {strides = array<i32>} : memref<768xf32, #tpu.memory_space<vmem>>, vector<16xf32>,
        %get3A_620 = arith.constant 736 : index
        %get3A_621 = tpu.vector_load %arg14[%get3A_620] {strides = array<i32>} : memref<768xf32, #tpu.memory_space<vmem>>, vector<16xf32>,
        %get3A_622 = arith.constant 752 : index
        %get3A_623 = tpu.vector_load %arg14[%get3A_622] {strides = array<i32>} : memref<768xf32, #tpu.memory_space<vmem>>, vector<16xf32>,
        %scan3A_624 = arith.constant 0 : i32
        %scan3A_625 = arith.constant 64 : i32
        %scan3A_626 = arith.addi %scan3A_624, %scan3A_625 : i32
        %scan3A_627 = arith.constant 1 : i32
        %scan3A_628:48 = scf.for %scan3A_729 = %scan3A_624 to %scan3A_626 step %scan3A_627 iter_args(%scan3A_730 = %get3A_529, %scan3A_731 = %get3A_531, %scan3A_732 = %get3A_533, %scan3A_733 = %get3A_535, %scan3A_734 = %get3A_537, %scan3A_735 = %get3A_539, %scan3A_736 = %get3A_541, %scan3A_737 = %get3A_543, %scan3A_738 = %get3A_545, %scan3A_739 = %get3A_547, %scan3A_740 = %get3A_549, %scan3A_741 = %get3A_551, %scan3A_742 = %get3A_553, %scan3A_743 = %get3A_555, %scan3A_744 = %get3A_557, %scan3A_745 = %get3A_559, %scan3A_746 = %get3A_561, %scan3A_747 = %get3A_563, %scan3A_748 = %get3A_565, %scan3A_749 = %get3A_567, %scan3A_750 = %get3A_569, %scan3A_751 = %get3A_571, %scan3A_752 = %get3A_573, %scan3A_753 = %get3A_575, %scan3A_754 = %get3A_577, %scan3A_755 = %get3A_579, %scan3A_756 = %get3A_581, %scan3A_757 = %get3A_583, %scan3A_758 = %get3A_585, %scan3A_759 = %get3A_587, %scan3A_760 = %get3A_589, %scan3A_761 = %get3A_591, %scan3A_762 = %get3A_593, %scan3A_763 = %get3A_595, %scan3A_764 = %get3A_597, %scan3A_765 = %get3A_599, %scan3A_766 = %get3A_601, %scan3A_767 = %get3A_603, %scan3A_768 = %get3A_605, %scan3A_769 = %get3A_607, %scan3A_770 = %get3A_609, %scan3A_771 = %get3A_611, %scan3A_772 = %get3A_613, %scan3A_773 = %get3A_615, %scan3A_774 = %get3A_617, %scan3A_775 = %get3A_619, %scan3A_776 = %get3A_621, %scan3A_777 = %get3A_623) -> (vector<16xf32>, vector<16xf32>, vector<16xf32>, vector<16xf32>, vector<16xf32>, vector<16xf32>, vector<16xf32>, vector<16xf32>, vector<16xf32>, vector<16xf32>, vector<16xf32>, vector<16xf32>, vector<16xf32>, vector<16xf32>, vector<16xf32>, vector<16xf32>, vector<16xf32>, vector<16xf32>, vector<16xf32>, vector<16xf32>, vector<16xf32>, vector<16xf32>, vector<16xf32>, vector<16xf32>, vector<16xf32>, vector<16xf32>, vector<16xf32>, vector<16xf32>, vector<16xf32>, vector<16xf32>, vector<16xf32>, vector<16xf32>, vector<16xf32>, vector<16xf32>, vector<16xf32>, vector<16xf32>, vector<16xf32>, vector<16xf32>, vector<16xf32>, vector<16xf32>, vector<16xf32>, vector<16xf32>, vector<16xf32>, vector<16xf32>, vector<16xf32>, vector<16xf32>, vector<16xf32>, vector<16xf32>)  : i32 {
          %broadcast_in_dim3A_778 = arith.constant 0 : i32
          %broadcast_in_dim3A_779 = vector.broadcast %broadcast_in_dim3A_778 : i32 to vector<16xi32>
          %add3A_780 = vector.broadcast %scan3A_729 : i32 to vector<16xi32>
          %add3A_781 = arith.addi %broadcast_in_dim3A_779, %add3A_780 : vector<16xi32>
          %gather3A_782 = arith.constant 0 : i32
          %gather3A_783 = arith.constant 0 : i32
          %gather3A_784 = tpu.memref_slice %arg11[%gather3A_782, %gather3A_783] : memref<2x64xf32, #tpu.memory_space<vmem>> -> memref<1x64xf32, #tpu.memory_space<vmem>>
          %gather3A_785 = tpu.memref_squeeze %gather3A_784 : memref<1x64xf32, #tpu.memory_space<vmem>> -> memref<64xf32, #tpu.memory_space<vmem>>
          %gather3A_786 = tpu.vector_load_idx %gather3A_785[%add3A_781] : memref<64xf32, #tpu.memory_space<vmem>>[vector<16xi32>], vector<16xf32>,
          %get3A_787 = arith.constant 0 : i32
          %get3A_788 = arith.index_cast %get3A_787 : i32 to index
          %get3A_789 = arith.index_cast %scan3A_729 : i32 to index
          %get3A_790 = arith.constant 0 : index
          %get3A_791 = tpu.vector_load %arg13[%get3A_788, %get3A_789, %get3A_790] {strides = array<i32>} : memref<2x64x768xf32, #tpu.memory_space<vmem>>, vector<16xf32>,
          %mul3A_792 = arith.mulf %gather3A_786, %get3A_791 : vector<16xf32>
          %add3A_793 = arith.addf %scan3A_730, %mul3A_792 : vector<16xf32>
          %get3A_794 = arith.constant 0 : i32
          %get3A_795 = arith.index_cast %get3A_794 : i32 to index
          %get3A_796 = arith.index_cast %scan3A_729 : i32 to index
          %get3A_797 = arith.constant 16 : index
          %get3A_798 = tpu.vector_load %arg13[%get3A_795, %get3A_796, %get3A_797] {strides = array<i32>} : memref<2x64x768xf32, #tpu.memory_space<vmem>>, vector<16xf32>,
          %mul3A_799 = arith.mulf %gather3A_786, %get3A_798 : vector<16xf32>
          %add3A_800 = arith.addf %scan3A_731, %mul3A_799 : vector<16xf32>
          %get3A_801 = arith.constant 0 : i32
          %get3A_802 = arith.index_cast %get3A_801 : i32 to index
          %get3A_803 = arith.index_cast %scan3A_729 : i32 to index
          %get3A_804 = arith.constant 32 : index
          %get3A_805 = tpu.vector_load %arg13[%get3A_802, %get3A_803, %get3A_804] {strides = array<i32>} : memref<2x64x768xf32, #tpu.memory_space<vmem>>, vector<16xf32>,
          %mul3A_806 = arith.mulf %gather3A_786, %get3A_805 : vector<16xf32>
          %add3A_807 = arith.addf %scan3A_732, %mul3A_806 : vector<16xf32>
          %get3A_808 = arith.constant 0 : i32
          %get3A_809 = arith.index_cast %get3A_808 : i32 to index
          %get3A_810 = arith.index_cast %scan3A_729 : i32 to index
          %get3A_811 = arith.constant 48 : index
          %get3A_812 = tpu.vector_load %arg13[%get3A_809, %get3A_810, %get3A_811] {strides = array<i32>} : memref<2x64x768xf32, #tpu.memory_space<vmem>>, vector<16xf32>,
          %mul3A_813 = arith.mulf %gather3A_786, %get3A_812 : vector<16xf32>
          %add3A_814 = arith.addf %scan3A_733, %mul3A_813 : vector<16xf32>
          %get3A_815 = arith.constant 0 : i32
          %get3A_816 = arith.index_cast %get3A_815 : i32 to index
          %get3A_817 = arith.index_cast %scan3A_729 : i32 to index
          %get3A_818 = arith.constant 64 : index
          %get3A_819 = tpu.vector_load %arg13[%get3A_816, %get3A_817, %get3A_818] {strides = array<i32>} : memref<2x64x768xf32, #tpu.memory_space<vmem>>, vector<16xf32>,
          %mul3A_820 = arith.mulf %gather3A_786, %get3A_819 : vector<16xf32>
          %add3A_821 = arith.addf %scan3A_734, %mul3A_820 : vector<16xf32>
          %get3A_822 = arith.constant 0 : i32
          %get3A_823 = arith.index_cast %get3A_822 : i32 to index
          %get3A_824 = arith.index_cast %scan3A_729 : i32 to index
          %get3A_825 = arith.constant 80 : index
          %get3A_826 = tpu.vector_load %arg13[%get3A_823, %get3A_824, %get3A_825] {strides = array<i32>} : memref<2x64x768xf32, #tpu.memory_space<vmem>>, vector<16xf32>,
          %mul3A_827 = arith.mulf %gather3A_786, %get3A_826 : vector<16xf32>
          %add3A_828 = arith.addf %scan3A_735, %mul3A_827 : vector<16xf32>
          %get3A_829 = arith.constant 0 : i32
          %get3A_830 = arith.index_cast %get3A_829 : i32 to index
          %get3A_831 = arith.index_cast %scan3A_729 : i32 to index
          %get3A_832 = arith.constant 96 : index
          %get3A_833 = tpu.vector_load %arg13[%get3A_830, %get3A_831, %get3A_832] {strides = array<i32>} : memref<2x64x768xf32, #tpu.memory_space<vmem>>, vector<16xf32>,
          %mul3A_834 = arith.mulf %gather3A_786, %get3A_833 : vector<16xf32>
          %add3A_835 = arith.addf %scan3A_736, %mul3A_834 : vector<16xf32>
          %get3A_836 = arith.constant 0 : i32
          %get3A_837 = arith.index_cast %get3A_836 : i32 to index
          %get3A_838 = arith.index_cast %scan3A_729 : i32 to index
          %get3A_839 = arith.constant 112 : index
          %get3A_840 = tpu.vector_load %arg13[%get3A_837, %get3A_838, %get3A_839] {strides = array<i32>} : memref<2x64x768xf32, #tpu.memory_space<vmem>>, vector<16xf32>,
          %mul3A_841 = arith.mulf %gather3A_786, %get3A_840 : vector<16xf32>
          %add3A_842 = arith.addf %scan3A_737, %mul3A_841 : vector<16xf32>
          %get3A_843 = arith.constant 0 : i32
          %get3A_844 = arith.index_cast %get3A_843 : i32 to index
          %get3A_845 = arith.index_cast %scan3A_729 : i32 to index
          %get3A_846 = arith.constant 128 : index
          %get3A_847 = tpu.vector_load %arg13[%get3A_844, %get3A_845, %get3A_846] {strides = array<i32>} : memref<2x64x768xf32, #tpu.memory_space<vmem>>, vector<16xf32>,
          %mul3A_848 = arith.mulf %gather3A_786, %get3A_847 : vector<16xf32>
          %add3A_849 = arith.addf %scan3A_738, %mul3A_848 : vector<16xf32>
          %get3A_850 = arith.constant 0 : i32
          %get3A_851 = arith.index_cast %get3A_850 : i32 to index
          %get3A_852 = arith.index_cast %scan3A_729 : i32 to index
          %get3A_853 = arith.constant 144 : index
          %get3A_854 = tpu.vector_load %arg13[%get3A_851, %get3A_852, %get3A_853] {strides = array<i32>} : memref<2x64x768xf32, #tpu.memory_space<vmem>>, vector<16xf32>,
          %mul3A_855 = arith.mulf %gather3A_786, %get3A_854 : vector<16xf32>
          %add3A_856 = arith.addf %scan3A_739, %mul3A_855 : vector<16xf32>
          %get3A_857 = arith.constant 0 : i32
          %get3A_858 = arith.index_cast %get3A_857 : i32 to index
          %get3A_859 = arith.index_cast %scan3A_729 : i32 to index
          %get3A_860 = arith.constant 160 : index
          %get3A_861 = tpu.vector_load %arg13[%get3A_858, %get3A_859, %get3A_860] {strides = array<i32>} : memref<2x64x768xf32, #tpu.memory_space<vmem>>, vector<16xf32>,
          %mul3A_862 = arith.mulf %gather3A_786, %get3A_861 : vector<16xf32>
          %add3A_863 = arith.addf %scan3A_740, %mul3A_862 : vector<16xf32>
          %get3A_864 = arith.constant 0 : i32
          %get3A_865 = arith.index_cast %get3A_864 : i32 to index
          %get3A_866 = arith.index_cast %scan3A_729 : i32 to index
          %get3A_867 = arith.constant 176 : index
          %get3A_868 = tpu.vector_load %arg13[%get3A_865, %get3A_866, %get3A_867] {strides = array<i32>} : memref<2x64x768xf32, #tpu.memory_space<vmem>>, vector<16xf32>,
          %mul3A_869 = arith.mulf %gather3A_786, %get3A_868 : vector<16xf32>
          %add3A_870 = arith.addf %scan3A_741, %mul3A_869 : vector<16xf32>
          %get3A_871 = arith.constant 0 : i32
          %get3A_872 = arith.index_cast %get3A_871 : i32 to index
          %get3A_873 = arith.index_cast %scan3A_729 : i32 to index
          %get3A_874 = arith.constant 192 : index
          %get3A_875 = tpu.vector_load %arg13[%get3A_872, %get3A_873, %get3A_874] {strides = array<i32>} : memref<2x64x768xf32, #tpu.memory_space<vmem>>, vector<16xf32>,
          %mul3A_876 = arith.mulf %gather3A_786, %get3A_875 : vector<16xf32>
          %add3A_877 = arith.addf %scan3A_742, %mul3A_876 : vector<16xf32>
          %get3A_878 = arith.constant 0 : i32
          %get3A_879 = arith.index_cast %get3A_878 : i32 to index
          %get3A_880 = arith.index_cast %scan3A_729 : i32 to index
          %get3A_881 = arith.constant 208 : index
          %get3A_882 = tpu.vector_load %arg13[%get3A_879, %get3A_880, %get3A_881] {strides = array<i32>} : memref<2x64x768xf32, #tpu.memory_space<vmem>>, vector<16xf32>,
          %mul3A_883 = arith.mulf %gather3A_786, %get3A_882 : vector<16xf32>
          %add3A_884 = arith.addf %scan3A_743, %mul3A_883 : vector<16xf32>
          %get3A_885 = arith.constant 0 : i32
          %get3A_886 = arith.index_cast %get3A_885 : i32 to index
          %get3A_887 = arith.index_cast %scan3A_729 : i32 to index
          %get3A_888 = arith.constant 224 : index
          %get3A_889 = tpu.vector_load %arg13[%get3A_886, %get3A_887, %get3A_888] {strides = array<i32>} : memref<2x64x768xf32, #tpu.memory_space<vmem>>, vector<16xf32>,
          %mul3A_890 = arith.mulf %gather3A_786, %get3A_889 : vector<16xf32>
          %add3A_891 = arith.addf %scan3A_744, %mul3A_890 : vector<16xf32>
          %get3A_892 = arith.constant 0 : i32
          %get3A_893 = arith.index_cast %get3A_892 : i32 to index
          %get3A_894 = arith.index_cast %scan3A_729 : i32 to index
          %get3A_895 = arith.constant 240 : index
          %get3A_896 = tpu.vector_load %arg13[%get3A_893, %get3A_894, %get3A_895] {strides = array<i32>} : memref<2x64x768xf32, #tpu.memory_space<vmem>>, vector<16xf32>,
          %mul3A_897 = arith.mulf %gather3A_786, %get3A_896 : vector<16xf32>
          %add3A_898 = arith.addf %scan3A_745, %mul3A_897 : vector<16xf32>
          %get3A_899 = arith.constant 0 : i32
          %get3A_900 = arith.index_cast %get3A_899 : i32 to index
          %get3A_901 = arith.index_cast %scan3A_729 : i32 to index
          %get3A_902 = arith.constant 256 : index
          %get3A_903 = tpu.vector_load %arg13[%get3A_900, %get3A_901, %get3A_902] {strides = array<i32>} : memref<2x64x768xf32, #tpu.memory_space<vmem>>, vector<16xf32>,
          %mul3A_904 = arith.mulf %gather3A_786, %get3A_903 : vector<16xf32>
          %add3A_905 = arith.addf %scan3A_746, %mul3A_904 : vector<16xf32>
          %get3A_906 = arith.constant 0 : i32
          %get3A_907 = arith.index_cast %get3A_906 : i32 to index
          %get3A_908 = arith.index_cast %scan3A_729 : i32 to index
          %get3A_909 = arith.constant 272 : index
          %get3A_910 = tpu.vector_load %arg13[%get3A_907, %get3A_908, %get3A_909] {strides = array<i32>} : memref<2x64x768xf32, #tpu.memory_space<vmem>>, vector<16xf32>,
          %mul3A_911 = arith.mulf %gather3A_786, %get3A_910 : vector<16xf32>
          %add3A_912 = arith.addf %scan3A_747, %mul3A_911 : vector<16xf32>
          %get3A_913 = arith.constant 0 : i32
          %get3A_914 = arith.index_cast %get3A_913 : i32 to index
          %get3A_915 = arith.index_cast %scan3A_729 : i32 to index
          %get3A_916 = arith.constant 288 : index
          %get3A_917 = tpu.vector_load %arg13[%get3A_914, %get3A_915, %get3A_916] {strides = array<i32>} : memref<2x64x768xf32, #tpu.memory_space<vmem>>, vector<16xf32>,
          %mul3A_918 = arith.mulf %gather3A_786, %get3A_917 : vector<16xf32>
          %add3A_919 = arith.addf %scan3A_748, %mul3A_918 : vector<16xf32>
          %get3A_920 = arith.constant 0 : i32
          %get3A_921 = arith.index_cast %get3A_920 : i32 to index
          %get3A_922 = arith.index_cast %scan3A_729 : i32 to index
          %get3A_923 = arith.constant 304 : index
          %get3A_924 = tpu.vector_load %arg13[%get3A_921, %get3A_922, %get3A_923] {strides = array<i32>} : memref<2x64x768xf32, #tpu.memory_space<vmem>>, vector<16xf32>,
          %mul3A_925 = arith.mulf %gather3A_786, %get3A_924 : vector<16xf32>
          %add3A_926 = arith.addf %scan3A_749, %mul3A_925 : vector<16xf32>
          %get3A_927 = arith.constant 0 : i32
          %get3A_928 = arith.index_cast %get3A_927 : i32 to index
          %get3A_929 = arith.index_cast %scan3A_729 : i32 to index
          %get3A_930 = arith.constant 320 : index
          %get3A_931 = tpu.vector_load %arg13[%get3A_928, %get3A_929, %get3A_930] {strides = array<i32>} : memref<2x64x768xf32, #tpu.memory_space<vmem>>, vector<16xf32>,
          %mul3A_932 = arith.mulf %gather3A_786, %get3A_931 : vector<16xf32>
          %add3A_933 = arith.addf %scan3A_750, %mul3A_932 : vector<16xf32>
          %get3A_934 = arith.constant 0 : i32
          %get3A_935 = arith.index_cast %get3A_934 : i32 to index
          %get3A_936 = arith.index_cast %scan3A_729 : i32 to index
          %get3A_937 = arith.constant 336 : index
          %get3A_938 = tpu.vector_load %arg13[%get3A_935, %get3A_936, %get3A_937] {strides = array<i32>} : memref<2x64x768xf32, #tpu.memory_space<vmem>>, vector<16xf32>,
          %mul3A_939 = arith.mulf %gather3A_786, %get3A_938 : vector<16xf32>
          %add3A_940 = arith.addf %scan3A_751, %mul3A_939 : vector<16xf32>
          %get3A_941 = arith.constant 0 : i32
          %get3A_942 = arith.index_cast %get3A_941 : i32 to index
          %get3A_943 = arith.index_cast %scan3A_729 : i32 to index
          %get3A_944 = arith.constant 352 : index
          %get3A_945 = tpu.vector_load %arg13[%get3A_942, %get3A_943, %get3A_944] {strides = array<i32>} : memref<2x64x768xf32, #tpu.memory_space<vmem>>, vector<16xf32>,
          %mul3A_946 = arith.mulf %gather3A_786, %get3A_945 : vector<16xf32>
          %add3A_947 = arith.addf %scan3A_752, %mul3A_946 : vector<16xf32>
          %get3A_948 = arith.constant 0 : i32
          %get3A_949 = arith.index_cast %get3A_948 : i32 to index
          %get3A_950 = arith.index_cast %scan3A_729 : i32 to index
          %get3A_951 = arith.constant 368 : index
          %get3A_952 = tpu.vector_load %arg13[%get3A_949, %get3A_950, %get3A_951] {strides = array<i32>} : memref<2x64x768xf32, #tpu.memory_space<vmem>>, vector<16xf32>,
          %mul3A_953 = arith.mulf %gather3A_786, %get3A_952 : vector<16xf32>
          %add3A_954 = arith.addf %scan3A_753, %mul3A_953 : vector<16xf32>
          %get3A_955 = arith.constant 0 : i32
          %get3A_956 = arith.index_cast %get3A_955 : i32 to index
          %get3A_957 = arith.index_cast %scan3A_729 : i32 to index
          %get3A_958 = arith.constant 384 : index
          %get3A_959 = tpu.vector_load %arg13[%get3A_956, %get3A_957, %get3A_958] {strides = array<i32>} : memref<2x64x768xf32, #tpu.memory_space<vmem>>, vector<16xf32>,
          %mul3A_960 = arith.mulf %gather3A_786, %get3A_959 : vector<16xf32>
          %add3A_961 = arith.addf %scan3A_754, %mul3A_960 : vector<16xf32>
          %get3A_962 = arith.constant 0 : i32
          %get3A_963 = arith.index_cast %get3A_962 : i32 to index
          %get3A_964 = arith.index_cast %scan3A_729 : i32 to index
          %get3A_965 = arith.constant 400 : index
          %get3A_966 = tpu.vector_load %arg13[%get3A_963, %get3A_964, %get3A_965] {strides = array<i32>} : memref<2x64x768xf32, #tpu.memory_space<vmem>>, vector<16xf32>,
          %mul3A_967 = arith.mulf %gather3A_786, %get3A_966 : vector<16xf32>
          %add3A_968 = arith.addf %scan3A_755, %mul3A_967 : vector<16xf32>
          %get3A_969 = arith.constant 0 : i32
          %get3A_970 = arith.index_cast %get3A_969 : i32 to index
          %get3A_971 = arith.index_cast %scan3A_729 : i32 to index
          %get3A_972 = arith.constant 416 : index
          %get3A_973 = tpu.vector_load %arg13[%get3A_970, %get3A_971, %get3A_972] {strides = array<i32>} : memref<2x64x768xf32, #tpu.memory_space<vmem>>, vector<16xf32>,
          %mul3A_974 = arith.mulf %gather3A_786, %get3A_973 : vector<16xf32>
          %add3A_975 = arith.addf %scan3A_756, %mul3A_974 : vector<16xf32>
          %get3A_976 = arith.constant 0 : i32
          %get3A_977 = arith.index_cast %get3A_976 : i32 to index
          %get3A_978 = arith.index_cast %scan3A_729 : i32 to index
          %get3A_979 = arith.constant 432 : index
          %get3A_980 = tpu.vector_load %arg13[%get3A_977, %get3A_978, %get3A_979] {strides = array<i32>} : memref<2x64x768xf32, #tpu.memory_space<vmem>>, vector<16xf32>,
          %mul3A_981 = arith.mulf %gather3A_786, %get3A_980 : vector<16xf32>
          %add3A_982 = arith.addf %scan3A_757, %mul3A_981 : vector<16xf32>
          %get3A_983 = arith.constant 0 : i32
          %get3A_984 = arith.index_cast %get3A_983 : i32 to index
          %get3A_985 = arith.index_cast %scan3A_729 : i32 to index
          %get3A_986 = arith.constant 448 : index
          %get3A_987 = tpu.vector_load %arg13[%get3A_984, %get3A_985, %get3A_986] {strides = array<i32>} : memref<2x64x768xf32, #tpu.memory_space<vmem>>, vector<16xf32>,
          %mul3A_988 = arith.mulf %gather3A_786, %get3A_987 : vector<16xf32>
          %add3A_989 = arith.addf %scan3A_758, %mul3A_988 : vector<16xf32>
          %get3A_990 = arith.constant 0 : i32
          %get3A_991 = arith.index_cast %get3A_990 : i32 to index
          %get3A_992 = arith.index_cast %scan3A_729 : i32 to index
          %get3A_993 = arith.constant 464 : index
          %get3A_994 = tpu.vector_load %arg13[%get3A_991, %get3A_992, %get3A_993] {strides = array<i32>} : memref<2x64x768xf32, #tpu.memory_space<vmem>>, vector<16xf32>,
          %mul3A_995 = arith.mulf %gather3A_786, %get3A_994 : vector<16xf32>
          %add3A_996 = arith.addf %scan3A_759, %mul3A_995 : vector<16xf32>
          %get3A_997 = arith.constant 0 : i32
          %get3A_998 = arith.index_cast %get3A_997 : i32 to index
          %get3A_999 = arith.index_cast %scan3A_729 : i32 to index
          %get3A_1000 = arith.constant 480 : index
          %get3A_1001 = tpu.vector_load %arg13[%get3A_998, %get3A_999, %get3A_1000] {strides = array<i32>} : memref<2x64x768xf32, #tpu.memory_space<vmem>>, vector<16xf32>,
          %mul3A_1002 = arith.mulf %gather3A_786, %get3A_1001 : vector<16xf32>
          %add3A_1003 = arith.addf %scan3A_760, %mul3A_1002 : vector<16xf32>
          %get3A_1004 = arith.constant 0 : i32
          %get3A_1005 = arith.index_cast %get3A_1004 : i32 to index
          %get3A_1006 = arith.index_cast %scan3A_729 : i32 to index
          %get3A_1007 = arith.constant 496 : index
          %get3A_1008 = tpu.vector_load %arg13[%get3A_1005, %get3A_1006, %get3A_1007] {strides = array<i32>} : memref<2x64x768xf32, #tpu.memory_space<vmem>>, vector<16xf32>,
          %mul3A_1009 = arith.mulf %gather3A_786, %get3A_1008 : vector<16xf32>
          %add3A_1010 = arith.addf %scan3A_761, %mul3A_1009 : vector<16xf32>
          %get3A_1011 = arith.constant 0 : i32
          %get3A_1012 = arith.index_cast %get3A_1011 : i32 to index
          %get3A_1013 = arith.index_cast %scan3A_729 : i32 to index
          %get3A_1014 = arith.constant 512 : index
          %get3A_1015 = tpu.vector_load %arg13[%get3A_1012, %get3A_1013, %get3A_1014] {strides = array<i32>} : memref<2x64x768xf32, #tpu.memory_space<vmem>>, vector<16xf32>,
          %mul3A_1016 = arith.mulf %gather3A_786, %get3A_1015 : vector<16xf32>
          %add3A_1017 = arith.addf %scan3A_762, %mul3A_1016 : vector<16xf32>
          %get3A_1018 = arith.constant 0 : i32
          %get3A_1019 = arith.index_cast %get3A_1018 : i32 to index
          %get3A_1020 = arith.index_cast %scan3A_729 : i32 to index
          %get3A_1021 = arith.constant 528 : index
          %get3A_1022 = tpu.vector_load %arg13[%get3A_1019, %get3A_1020, %get3A_1021] {strides = array<i32>} : memref<2x64x768xf32, #tpu.memory_space<vmem>>, vector<16xf32>,
          %mul3A_1023 = arith.mulf %gather3A_786, %get3A_1022 : vector<16xf32>
          %add3A_1024 = arith.addf %scan3A_763, %mul3A_1023 : vector<16xf32>
          %get3A_1025 = arith.constant 0 : i32
          %get3A_1026 = arith.index_cast %get3A_1025 : i32 to index
          %get3A_1027 = arith.index_cast %scan3A_729 : i32 to index
          %get3A_1028 = arith.constant 544 : index
          %get3A_1029 = tpu.vector_load %arg13[%get3A_1026, %get3A_1027, %get3A_1028] {strides = array<i32>} : memref<2x64x768xf32, #tpu.memory_space<vmem>>, vector<16xf32>,
          %mul3A_1030 = arith.mulf %gather3A_786, %get3A_1029 : vector<16xf32>
          %add3A_1031 = arith.addf %scan3A_764, %mul3A_1030 : vector<16xf32>
          %get3A_1032 = arith.constant 0 : i32
          %get3A_1033 = arith.index_cast %get3A_1032 : i32 to index
          %get3A_1034 = arith.index_cast %scan3A_729 : i32 to index
          %get3A_1035 = arith.constant 560 : index
          %get3A_1036 = tpu.vector_load %arg13[%get3A_1033, %get3A_1034, %get3A_1035] {strides = array<i32>} : memref<2x64x768xf32, #tpu.memory_space<vmem>>, vector<16xf32>,
          %mul3A_1037 = arith.mulf %gather3A_786, %get3A_1036 : vector<16xf32>
          %add3A_1038 = arith.addf %scan3A_765, %mul3A_1037 : vector<16xf32>
          %get3A_1039 = arith.constant 0 : i32
          %get3A_1040 = arith.index_cast %get3A_1039 : i32 to index
          %get3A_1041 = arith.index_cast %scan3A_729 : i32 to index
          %get3A_1042 = arith.constant 576 : index
          %get3A_1043 = tpu.vector_load %arg13[%get3A_1040, %get3A_1041, %get3A_1042] {strides = array<i32>} : memref<2x64x768xf32, #tpu.memory_space<vmem>>, vector<16xf32>,
          %mul3A_1044 = arith.mulf %gather3A_786, %get3A_1043 : vector<16xf32>
          %add3A_1045 = arith.addf %scan3A_766, %mul3A_1044 : vector<16xf32>
          %get3A_1046 = arith.constant 0 : i32
          %get3A_1047 = arith.index_cast %get3A_1046 : i32 to index
          %get3A_1048 = arith.index_cast %scan3A_729 : i32 to index
          %get3A_1049 = arith.constant 592 : index
          %get3A_1050 = tpu.vector_load %arg13[%get3A_1047, %get3A_1048, %get3A_1049] {strides = array<i32>} : memref<2x64x768xf32, #tpu.memory_space<vmem>>, vector<16xf32>,
          %mul3A_1051 = arith.mulf %gather3A_786, %get3A_1050 : vector<16xf32>
          %add3A_1052 = arith.addf %scan3A_767, %mul3A_1051 : vector<16xf32>
          %get3A_1053 = arith.constant 0 : i32
          %get3A_1054 = arith.index_cast %get3A_1053 : i32 to index
          %get3A_1055 = arith.index_cast %scan3A_729 : i32 to index
          %get3A_1056 = arith.constant 608 : index
          %get3A_1057 = tpu.vector_load %arg13[%get3A_1054, %get3A_1055, %get3A_1056] {strides = array<i32>} : memref<2x64x768xf32, #tpu.memory_space<vmem>>, vector<16xf32>,
          %mul3A_1058 = arith.mulf %gather3A_786, %get3A_1057 : vector<16xf32>
          %add3A_1059 = arith.addf %scan3A_768, %mul3A_1058 : vector<16xf32>
          %get3A_1060 = arith.constant 0 : i32
          %get3A_1061 = arith.index_cast %get3A_1060 : i32 to index
          %get3A_1062 = arith.index_cast %scan3A_729 : i32 to index
          %get3A_1063 = arith.constant 624 : index
          %get3A_1064 = tpu.vector_load %arg13[%get3A_1061, %get3A_1062, %get3A_1063] {strides = array<i32>} : memref<2x64x768xf32, #tpu.memory_space<vmem>>, vector<16xf32>,
          %mul3A_1065 = arith.mulf %gather3A_786, %get3A_1064 : vector<16xf32>
          %add3A_1066 = arith.addf %scan3A_769, %mul3A_1065 : vector<16xf32>
          %get3A_1067 = arith.constant 0 : i32
          %get3A_1068 = arith.index_cast %get3A_1067 : i32 to index
          %get3A_1069 = arith.index_cast %scan3A_729 : i32 to index
          %get3A_1070 = arith.constant 640 : index
          %get3A_1071 = tpu.vector_load %arg13[%get3A_1068, %get3A_1069, %get3A_1070] {strides = array<i32>} : memref<2x64x768xf32, #tpu.memory_space<vmem>>, vector<16xf32>,
          %mul3A_1072 = arith.mulf %gather3A_786, %get3A_1071 : vector<16xf32>
          %add3A_1073 = arith.addf %scan3A_770, %mul3A_1072 : vector<16xf32>
          %get3A_1074 = arith.constant 0 : i32
          %get3A_1075 = arith.index_cast %get3A_1074 : i32 to index
          %get3A_1076 = arith.index_cast %scan3A_729 : i32 to index
          %get3A_1077 = arith.constant 656 : index
          %get3A_1078 = tpu.vector_load %arg13[%get3A_1075, %get3A_1076, %get3A_1077] {strides = array<i32>} : memref<2x64x768xf32, #tpu.memory_space<vmem>>, vector<16xf32>,
          %mul3A_1079 = arith.mulf %gather3A_786, %get3A_1078 : vector<16xf32>
          %add3A_1080 = arith.addf %scan3A_771, %mul3A_1079 : vector<16xf32>
          %get3A_1081 = arith.constant 0 : i32
          %get3A_1082 = arith.index_cast %get3A_1081 : i32 to index
          %get3A_1083 = arith.index_cast %scan3A_729 : i32 to index
          %get3A_1084 = arith.constant 672 : index
          %get3A_1085 = tpu.vector_load %arg13[%get3A_1082, %get3A_1083, %get3A_1084] {strides = array<i32>} : memref<2x64x768xf32, #tpu.memory_space<vmem>>, vector<16xf32>,
          %mul3A_1086 = arith.mulf %gather3A_786, %get3A_1085 : vector<16xf32>
          %add3A_1087 = arith.addf %scan3A_772, %mul3A_1086 : vector<16xf32>
          %get3A_1088 = arith.constant 0 : i32
          %get3A_1089 = arith.index_cast %get3A_1088 : i32 to index
          %get3A_1090 = arith.index_cast %scan3A_729 : i32 to index
          %get3A_1091 = arith.constant 688 : index
          %get3A_1092 = tpu.vector_load %arg13[%get3A_1089, %get3A_1090, %get3A_1091] {strides = array<i32>} : memref<2x64x768xf32, #tpu.memory_space<vmem>>, vector<16xf32>,
          %mul3A_1093 = arith.mulf %gather3A_786, %get3A_1092 : vector<16xf32>
          %add3A_1094 = arith.addf %scan3A_773, %mul3A_1093 : vector<16xf32>
          %get3A_1095 = arith.constant 0 : i32
          %get3A_1096 = arith.index_cast %get3A_1095 : i32 to index
          %get3A_1097 = arith.index_cast %scan3A_729 : i32 to index
          %get3A_1098 = arith.constant 704 : index
          %get3A_1099 = tpu.vector_load %arg13[%get3A_1096, %get3A_1097, %get3A_1098] {strides = array<i32>} : memref<2x64x768xf32, #tpu.memory_space<vmem>>, vector<16xf32>,
          %mul3A_1100 = arith.mulf %gather3A_786, %get3A_1099 : vector<16xf32>
          %add3A_1101 = arith.addf %scan3A_774, %mul3A_1100 : vector<16xf32>
          %get3A_1102 = arith.constant 0 : i32
          %get3A_1103 = arith.index_cast %get3A_1102 : i32 to index
          %get3A_1104 = arith.index_cast %scan3A_729 : i32 to index
          %get3A_1105 = arith.constant 720 : index
          %get3A_1106 = tpu.vector_load %arg13[%get3A_1103, %get3A_1104, %get3A_1105] {strides = array<i32>} : memref<2x64x768xf32, #tpu.memory_space<vmem>>, vector<16xf32>,
          %mul3A_1107 = arith.mulf %gather3A_786, %get3A_1106 : vector<16xf32>
          %add3A_1108 = arith.addf %scan3A_775, %mul3A_1107 : vector<16xf32>
          %get3A_1109 = arith.constant 0 : i32
          %get3A_1110 = arith.index_cast %get3A_1109 : i32 to index
          %get3A_1111 = arith.index_cast %scan3A_729 : i32 to index
          %get3A_1112 = arith.constant 736 : index
          %get3A_1113 = tpu.vector_load %arg13[%get3A_1110, %get3A_1111, %get3A_1112] {strides = array<i32>} : memref<2x64x768xf32, #tpu.memory_space<vmem>>, vector<16xf32>,
          %mul3A_1114 = arith.mulf %gather3A_786, %get3A_1113 : vector<16xf32>
          %add3A_1115 = arith.addf %scan3A_776, %mul3A_1114 : vector<16xf32>
          %get3A_1116 = arith.constant 0 : i32
          %get3A_1117 = arith.index_cast %get3A_1116 : i32 to index
          %get3A_1118 = arith.index_cast %scan3A_729 : i32 to index
          %get3A_1119 = arith.constant 752 : index
          %get3A_1120 = tpu.vector_load %arg13[%get3A_1117, %get3A_1118, %get3A_1119] {strides = array<i32>} : memref<2x64x768xf32, #tpu.memory_space<vmem>>, vector<16xf32>,
          %mul3A_1121 = arith.mulf %gather3A_786, %get3A_1120 : vector<16xf32>
          %add3A_1122 = arith.addf %scan3A_777, %mul3A_1121 : vector<16xf32>
          scf.yield %add3A_793, %add3A_800, %add3A_807, %add3A_814, %add3A_821, %add3A_828, %add3A_835, %add3A_842, %add3A_849, %add3A_856, %add3A_863, %add3A_870, %add3A_877, %add3A_884, %add3A_891, %add3A_898, %add3A_905, %add3A_912, %add3A_919, %add3A_926, %add3A_933, %add3A_940, %add3A_947, %add3A_954, %add3A_961, %add3A_968, %add3A_975, %add3A_982, %add3A_989, %add3A_996, %add3A_1003, %add3A_1010, %add3A_1017, %add3A_1024, %add3A_1031, %add3A_1038, %add3A_1045, %add3A_1052, %add3A_1059, %add3A_1066, %add3A_1073, %add3A_1080, %add3A_1087, %add3A_1094, %add3A_1101, %add3A_1108, %add3A_1115, %add3A_1122 : vector<16xf32>, vector<16xf32>, vector<16xf32>, vector<16xf32>, vector<16xf32>, vector<16xf32>, vector<16xf32>, vector<16xf32>, vector<16xf32>, vector<16xf32>, vector<16xf32>, vector<16xf32>, vector<16xf32>, vector<16xf32>, vector<16xf32>, vector<16xf32>, vector<16xf32>, vector<16xf32>, vector<16xf32>, vector<16xf32>, vector<16xf32>, vector<16xf32>, vector<16xf32>, vector<16xf32>, vector<16xf32>, vector<16xf32>, vector<16xf32>, vector<16xf32>, vector<16xf32>, vector<16xf32>, vector<16xf32>, vector<16xf32>, vector<16xf32>, vector<16xf32>, vector<16xf32>, vector<16xf32>, vector<16xf32>, vector<16xf32>, vector<16xf32>, vector<16xf32>, vector<16xf32>, vector<16xf32>, vector<16xf32>, vector<16xf32>, vector<16xf32>, vector<16xf32>, vector<16xf32>, vector<16xf32>
        }
        %scan3A_629 = arith.constant 64 : i32
        %swap3A_630 = arith.constant 0 : index
        %swap3A_631 = tpu.vector_load %arg15[%swap3A_630] {strides = array<i32>} : memref<768xf32, #tpu.memory_space<vmem>>, vector<16xf32>,
        tpu.vector_store %arg15[%swap3A_630], %scan3A_628#0 {strides = array<i32>} : memref<768xf32, #tpu.memory_space<vmem>>, vector<16xf32>,
        %swap3A_632 = arith.constant 16 : index
        %swap3A_633 = tpu.vector_load %arg15[%swap3A_632] {strides = array<i32>} : memref<768xf32, #tpu.memory_space<vmem>>, vector<16xf32>,
        tpu.vector_store %arg15[%swap3A_632], %scan3A_628#1 {strides = array<i32>} : memref<768xf32, #tpu.memory_space<vmem>>, vector<16xf32>,
        %swap3A_634 = arith.constant 32 : index
        %swap3A_635 = tpu.vector_load %arg15[%swap3A_634] {strides = array<i32>} : memref<768xf32, #tpu.memory_space<vmem>>, vector<16xf32>,
        tpu.vector_store %arg15[%swap3A_634], %scan3A_628#2 {strides = array<i32>} : memref<768xf32, #tpu.memory_space<vmem>>, vector<16xf32>,
        %swap3A_636 = arith.constant 48 : index
        %swap3A_637 = tpu.vector_load %arg15[%swap3A_636] {strides = array<i32>} : memref<768xf32, #tpu.memory_space<vmem>>, vector<16xf32>,
        tpu.vector_store %arg15[%swap3A_636], %scan3A_628#3 {strides = array<i32>} : memref<768xf32, #tpu.memory_space<vmem>>, vector<16xf32>,
        %swap3A_638 = arith.constant 64 : index
        %swap3A_639 = tpu.vector_load %arg15[%swap3A_638] {strides = array<i32>} : memref<768xf32, #tpu.memory_space<vmem>>, vector<16xf32>,
        tpu.vector_store %arg15[%swap3A_638], %scan3A_628#4 {strides = array<i32>} : memref<768xf32, #tpu.memory_space<vmem>>, vector<16xf32>,
        %swap3A_640 = arith.constant 80 : index
        %swap3A_641 = tpu.vector_load %arg15[%swap3A_640] {strides = array<i32>} : memref<768xf32, #tpu.memory_space<vmem>>, vector<16xf32>,
        tpu.vector_store %arg15[%swap3A_640], %scan3A_628#5 {strides = array<i32>} : memref<768xf32, #tpu.memory_space<vmem>>, vector<16xf32>,
        %swap3A_642 = arith.constant 96 : index
        %swap3A_643 = tpu.vector_load %arg15[%swap3A_642] {strides = array<i32>} : memref<768xf32, #tpu.memory_space<vmem>>, vector<16xf32>,
        tpu.vector_store %arg15[%swap3A_642], %scan3A_628#6 {strides = array<i32>} : memref<768xf32, #tpu.memory_space<vmem>>, vector<16xf32>,
        %swap3A_644 = arith.constant 112 : index
        %swap3A_645 = tpu.vector_load %arg15[%swap3A_644] {strides = array<i32>} : memref<768xf32, #tpu.memory_space<vmem>>, vector<16xf32>,
        tpu.vector_store %arg15[%swap3A_644], %scan3A_628#7 {strides = array<i32>} : memref<768xf32, #tpu.memory_space<vmem>>, vector<16xf32>,
        %swap3A_646 = arith.constant 128 : index
        %swap3A_647 = tpu.vector_load %arg15[%swap3A_646] {strides = array<i32>} : memref<768xf32, #tpu.memory_space<vmem>>, vector<16xf32>,
        tpu.vector_store %arg15[%swap3A_646], %scan3A_628#8 {strides = array<i32>} : memref<768xf32, #tpu.memory_space<vmem>>, vector<16xf32>,
        %swap3A_648 = arith.constant 144 : index
        %swap3A_649 = tpu.vector_load %arg15[%swap3A_648] {strides = array<i32>} : memref<768xf32, #tpu.memory_space<vmem>>, vector<16xf32>,
        tpu.vector_store %arg15[%swap3A_648], %scan3A_628#9 {strides = array<i32>} : memref<768xf32, #tpu.memory_space<vmem>>, vector<16xf32>,
        %swap3A_650 = arith.constant 160 : index
        %swap3A_651 = tpu.vector_load %arg15[%swap3A_650] {strides = array<i32>} : memref<768xf32, #tpu.memory_space<vmem>>, vector<16xf32>,
        tpu.vector_store %arg15[%swap3A_650], %scan3A_628#10 {strides = array<i32>} : memref<768xf32, #tpu.memory_space<vmem>>, vector<16xf32>,
        %swap3A_652 = arith.constant 176 : index
        %swap3A_653 = tpu.vector_load %arg15[%swap3A_652] {strides = array<i32>} : memref<768xf32, #tpu.memory_space<vmem>>, vector<16xf32>,
        tpu.vector_store %arg15[%swap3A_652], %scan3A_628#11 {strides = array<i32>} : memref<768xf32, #tpu.memory_space<vmem>>, vector<16xf32>,
        %swap3A_654 = arith.constant 192 : index
        %swap3A_655 = tpu.vector_load %arg15[%swap3A_654] {strides = array<i32>} : memref<768xf32, #tpu.memory_space<vmem>>, vector<16xf32>,
        tpu.vector_store %arg15[%swap3A_654], %scan3A_628#12 {strides = array<i32>} : memref<768xf32, #tpu.memory_space<vmem>>, vector<16xf32>,
        %swap3A_656 = arith.constant 208 : index
        %swap3A_657 = tpu.vector_load %arg15[%swap3A_656] {strides = array<i32>} : memref<768xf32, #tpu.memory_space<vmem>>, vector<16xf32>,
        tpu.vector_store %arg15[%swap3A_656], %scan3A_628#13 {strides = array<i32>} : memref<768xf32, #tpu.memory_space<vmem>>, vector<16xf32>,
        %swap3A_658 = arith.constant 224 : index
        %swap3A_659 = tpu.vector_load %arg15[%swap3A_658] {strides = array<i32>} : memref<768xf32, #tpu.memory_space<vmem>>, vector<16xf32>,
        tpu.vector_store %arg15[%swap3A_658], %scan3A_628#14 {strides = array<i32>} : memref<768xf32, #tpu.memory_space<vmem>>, vector<16xf32>,
        %swap3A_660 = arith.constant 240 : index
        %swap3A_661 = tpu.vector_load %arg15[%swap3A_660] {strides = array<i32>} : memref<768xf32, #tpu.memory_space<vmem>>, vector<16xf32>,
        tpu.vector_store %arg15[%swap3A_660], %scan3A_628#15 {strides = array<i32>} : memref<768xf32, #tpu.memory_space<vmem>>, vector<16xf32>,
        %swap3A_662 = arith.constant 256 : index
        %swap3A_663 = tpu.vector_load %arg15[%swap3A_662] {strides = array<i32>} : memref<768xf32, #tpu.memory_space<vmem>>, vector<16xf32>,
        tpu.vector_store %arg15[%swap3A_662], %scan3A_628#16 {strides = array<i32>} : memref<768xf32, #tpu.memory_space<vmem>>, vector<16xf32>,
        %swap3A_664 = arith.constant 272 : index
        %swap3A_665 = tpu.vector_load %arg15[%swap3A_664] {strides = array<i32>} : memref<768xf32, #tpu.memory_space<vmem>>, vector<16xf32>,
        tpu.vector_store %arg15[%swap3A_664], %scan3A_628#17 {strides = array<i32>} : memref<768xf32, #tpu.memory_space<vmem>>, vector<16xf32>,
        %swap3A_666 = arith.constant 288 : index
        %swap3A_667 = tpu.vector_load %arg15[%swap3A_666] {strides = array<i32>} : memref<768xf32, #tpu.memory_space<vmem>>, vector<16xf32>,
        tpu.vector_store %arg15[%swap3A_666], %scan3A_628#18 {strides = array<i32>} : memref<768xf32, #tpu.memory_space<vmem>>, vector<16xf32>,
        %swap3A_668 = arith.constant 304 : index
        %swap3A_669 = tpu.vector_load %arg15[%swap3A_668] {strides = array<i32>} : memref<768xf32, #tpu.memory_space<vmem>>, vector<16xf32>,
        tpu.vector_store %arg15[%swap3A_668], %scan3A_628#19 {strides = array<i32>} : memref<768xf32, #tpu.memory_space<vmem>>, vector<16xf32>,
        %swap3A_670 = arith.constant 320 : index
        %swap3A_671 = tpu.vector_load %arg15[%swap3A_670] {strides = array<i32>} : memref<768xf32, #tpu.memory_space<vmem>>, vector<16xf32>,
        tpu.vector_store %arg15[%swap3A_670], %scan3A_628#20 {strides = array<i32>} : memref<768xf32, #tpu.memory_space<vmem>>, vector<16xf32>,
        %swap3A_672 = arith.constant 336 : index
        %swap3A_673 = tpu.vector_load %arg15[%swap3A_672] {strides = array<i32>} : memref<768xf32, #tpu.memory_space<vmem>>, vector<16xf32>,
        tpu.vector_store %arg15[%swap3A_672], %scan3A_628#21 {strides = array<i32>} : memref<768xf32, #tpu.memory_space<vmem>>, vector<16xf32>,
        %swap3A_674 = arith.constant 352 : index
        %swap3A_675 = tpu.vector_load %arg15[%swap3A_674] {strides = array<i32>} : memref<768xf32, #tpu.memory_space<vmem>>, vector<16xf32>,
        tpu.vector_store %arg15[%swap3A_674], %scan3A_628#22 {strides = array<i32>} : memref<768xf32, #tpu.memory_space<vmem>>, vector<16xf32>,
        %swap3A_676 = arith.constant 368 : index
        %swap3A_677 = tpu.vector_load %arg15[%swap3A_676] {strides = array<i32>} : memref<768xf32, #tpu.memory_space<vmem>>, vector<16xf32>,
        tpu.vector_store %arg15[%swap3A_676], %scan3A_628#23 {strides = array<i32>} : memref<768xf32, #tpu.memory_space<vmem>>, vector<16xf32>,
        %swap3A_678 = arith.constant 384 : index
        %swap3A_679 = tpu.vector_load %arg15[%swap3A_678] {strides = array<i32>} : memref<768xf32, #tpu.memory_space<vmem>>, vector<16xf32>,
        tpu.vector_store %arg15[%swap3A_678], %scan3A_628#24 {strides = array<i32>} : memref<768xf32, #tpu.memory_space<vmem>>, vector<16xf32>,
        %swap3A_680 = arith.constant 400 : index
        %swap3A_681 = tpu.vector_load %arg15[%swap3A_680] {strides = array<i32>} : memref<768xf32, #tpu.memory_space<vmem>>, vector<16xf32>,
        tpu.vector_store %arg15[%swap3A_680], %scan3A_628#25 {strides = array<i32>} : memref<768xf32, #tpu.memory_space<vmem>>, vector<16xf32>,
        %swap3A_682 = arith.constant 416 : index
        %swap3A_683 = tpu.vector_load %arg15[%swap3A_682] {strides = array<i32>} : memref<768xf32, #tpu.memory_space<vmem>>, vector<16xf32>,
        tpu.vector_store %arg15[%swap3A_682], %scan3A_628#26 {strides = array<i32>} : memref<768xf32, #tpu.memory_space<vmem>>, vector<16xf32>,
        %swap3A_684 = arith.constant 432 : index
        %swap3A_685 = tpu.vector_load %arg15[%swap3A_684] {strides = array<i32>} : memref<768xf32, #tpu.memory_space<vmem>>, vector<16xf32>,
        tpu.vector_store %arg15[%swap3A_684], %scan3A_628#27 {strides = array<i32>} : memref<768xf32, #tpu.memory_space<vmem>>, vector<16xf32>,
        %swap3A_686 = arith.constant 448 : index
        %swap3A_687 = tpu.vector_load %arg15[%swap3A_686] {strides = array<i32>} : memref<768xf32, #tpu.memory_space<vmem>>, vector<16xf32>,
        tpu.vector_store %arg15[%swap3A_686], %scan3A_628#28 {strides = array<i32>} : memref<768xf32, #tpu.memory_space<vmem>>, vector<16xf32>,
        %swap3A_688 = arith.constant 464 : index
        %swap3A_689 = tpu.vector_load %arg15[%swap3A_688] {strides = array<i32>} : memref<768xf32, #tpu.memory_space<vmem>>, vector<16xf32>,
        tpu.vector_store %arg15[%swap3A_688], %scan3A_628#29 {strides = array<i32>} : memref<768xf32, #tpu.memory_space<vmem>>, vector<16xf32>,
        %swap3A_690 = arith.constant 480 : index
        %swap3A_691 = tpu.vector_load %arg15[%swap3A_690] {strides = array<i32>} : memref<768xf32, #tpu.memory_space<vmem>>, vector<16xf32>,
        tpu.vector_store %arg15[%swap3A_690], %scan3A_628#30 {strides = array<i32>} : memref<768xf32, #tpu.memory_space<vmem>>, vector<16xf32>,
        %swap3A_692 = arith.constant 496 : index
        %swap3A_693 = tpu.vector_load %arg15[%swap3A_692] {strides = array<i32>} : memref<768xf32, #tpu.memory_space<vmem>>, vector<16xf32>,
        tpu.vector_store %arg15[%swap3A_692], %scan3A_628#31 {strides = array<i32>} : memref<768xf32, #tpu.memory_space<vmem>>, vector<16xf32>,
        %swap3A_694 = arith.constant 512 : index
        %swap3A_695 = tpu.vector_load %arg15[%swap3A_694] {strides = array<i32>} : memref<768xf32, #tpu.memory_space<vmem>>, vector<16xf32>,
        tpu.vector_store %arg15[%swap3A_694], %scan3A_628#32 {strides = array<i32>} : memref<768xf32, #tpu.memory_space<vmem>>, vector<16xf32>,
        %swap3A_696 = arith.constant 528 : index
        %swap3A_697 = tpu.vector_load %arg15[%swap3A_696] {strides = array<i32>} : memref<768xf32, #tpu.memory_space<vmem>>, vector<16xf32>,
        tpu.vector_store %arg15[%swap3A_696], %scan3A_628#33 {strides = array<i32>} : memref<768xf32, #tpu.memory_space<vmem>>, vector<16xf32>,
        %swap3A_698 = arith.constant 544 : index
        %swap3A_699 = tpu.vector_load %arg15[%swap3A_698] {strides = array<i32>} : memref<768xf32, #tpu.memory_space<vmem>>, vector<16xf32>,
        tpu.vector_store %arg15[%swap3A_698], %scan3A_628#34 {strides = array<i32>} : memref<768xf32, #tpu.memory_space<vmem>>, vector<16xf32>,
        %swap3A_700 = arith.constant 560 : index
        %swap3A_701 = tpu.vector_load %arg15[%swap3A_700] {strides = array<i32>} : memref<768xf32, #tpu.memory_space<vmem>>, vector<16xf32>,
        tpu.vector_store %arg15[%swap3A_700], %scan3A_628#35 {strides = array<i32>} : memref<768xf32, #tpu.memory_space<vmem>>, vector<16xf32>,
        %swap3A_702 = arith.constant 576 : index
        %swap3A_703 = tpu.vector_load %arg15[%swap3A_702] {strides = array<i32>} : memref<768xf32, #tpu.memory_space<vmem>>, vector<16xf32>,
        tpu.vector_store %arg15[%swap3A_702], %scan3A_628#36 {strides = array<i32>} : memref<768xf32, #tpu.memory_space<vmem>>, vector<16xf32>,
        %swap3A_704 = arith.constant 592 : index
        %swap3A_705 = tpu.vector_load %arg15[%swap3A_704] {strides = array<i32>} : memref<768xf32, #tpu.memory_space<vmem>>, vector<16xf32>,
        tpu.vector_store %arg15[%swap3A_704], %scan3A_628#37 {strides = array<i32>} : memref<768xf32, #tpu.memory_space<vmem>>, vector<16xf32>,
        %swap3A_706 = arith.constant 608 : index
        %swap3A_707 = tpu.vector_load %arg15[%swap3A_706] {strides = array<i32>} : memref<768xf32, #tpu.memory_space<vmem>>, vector<16xf32>,
        tpu.vector_store %arg15[%swap3A_706], %scan3A_628#38 {strides = array<i32>} : memref<768xf32, #tpu.memory_space<vmem>>, vector<16xf32>,
        %swap3A_708 = arith.constant 624 : index
        %swap3A_709 = tpu.vector_load %arg15[%swap3A_708] {strides = array<i32>} : memref<768xf32, #tpu.memory_space<vmem>>, vector<16xf32>,
        tpu.vector_store %arg15[%swap3A_708], %scan3A_628#39 {strides = array<i32>} : memref<768xf32, #tpu.memory_space<vmem>>, vector<16xf32>,
        %swap3A_710 = arith.constant 640 : index
        %swap3A_711 = tpu.vector_load %arg15[%swap3A_710] {strides = array<i32>} : memref<768xf32, #tpu.memory_space<vmem>>, vector<16xf32>,
        tpu.vector_store %arg15[%swap3A_710], %scan3A_628#40 {strides = array<i32>} : memref<768xf32, #tpu.memory_space<vmem>>, vector<16xf32>,
        %swap3A_712 = arith.constant 656 : index
        %swap3A_713 = tpu.vector_load %arg15[%swap3A_712] {strides = array<i32>} : memref<768xf32, #tpu.memory_space<vmem>>, vector<16xf32>,
        tpu.vector_store %arg15[%swap3A_712], %scan3A_628#41 {strides = array<i32>} : memref<768xf32, #tpu.memory_space<vmem>>, vector<16xf32>,
        %swap3A_714 = arith.constant 672 : index
        %swap3A_715 = tpu.vector_load %arg15[%swap3A_714] {strides = array<i32>} : memref<768xf32, #tpu.memory_space<vmem>>, vector<16xf32>,
        tpu.vector_store %arg15[%swap3A_714], %scan3A_628#42 {strides = array<i32>} : memref<768xf32, #tpu.memory_space<vmem>>, vector<16xf32>,
        %swap3A_716 = arith.constant 688 : index
        %swap3A_717 = tpu.vector_load %arg15[%swap3A_716] {strides = array<i32>} : memref<768xf32, #tpu.memory_space<vmem>>, vector<16xf32>,
        tpu.vector_store %arg15[%swap3A_716], %scan3A_628#43 {strides = array<i32>} : memref<768xf32, #tpu.memory_space<vmem>>, vector<16xf32>,
        %swap3A_718 = arith.constant 704 : index
        %swap3A_719 = tpu.vector_load %arg15[%swap3A_718] {strides = array<i32>} : memref<768xf32, #tpu.memory_space<vmem>>, vector<16xf32>,
        tpu.vector_store %arg15[%swap3A_718], %scan3A_628#44 {strides = array<i32>} : memref<768xf32, #tpu.memory_space<vmem>>, vector<16xf32>,
        %swap3A_720 = arith.constant 720 : index
        %swap3A_721 = tpu.vector_load %arg15[%swap3A_720] {strides = array<i32>} : memref<768xf32, #tpu.memory_space<vmem>>, vector<16xf32>,
        tpu.vector_store %arg15[%swap3A_720], %scan3A_628#45 {strides = array<i32>} : memref<768xf32, #tpu.memory_space<vmem>>, vector<16xf32>,
        %swap3A_722 = arith.constant 736 : index
        %swap3A_723 = tpu.vector_load %arg15[%swap3A_722] {strides = array<i32>} : memref<768xf32, #tpu.memory_space<vmem>>, vector<16xf32>,
        tpu.vector_store %arg15[%swap3A_722], %scan3A_628#46 {strides = array<i32>} : memref<768xf32, #tpu.memory_space<vmem>>, vector<16xf32>,
        %swap3A_724 = arith.constant 752 : index
        %swap3A_725 = tpu.vector_load %arg15[%swap3A_724] {strides = array<i32>} : memref<768xf32, #tpu.memory_space<vmem>>, vector<16xf32>,
        tpu.vector_store %arg15[%swap3A_724], %scan3A_628#47 {strides = array<i32>} : memref<768xf32, #tpu.memory_space<vmem>>, vector<16xf32>,
        %mul3A_726 = arith.constant 256 : i32
        %mul3A_727 = arith.muli %add3A, %mul3A_726 : i32
        %add3A_728 = arith.addi %mul3A_727, %sub3A_527 : i32
        "tpu.region"() ({
          %run_scoped3A = tpu.sem_alloc : memref<!tpu.dma_semaphore, #tpu.memory_space<semaphore_mem>>
          %dma_start3A_729 = arith.constant 0 : i32
          %dma_start3A_730 = tpu.memref_slice %arg7[%add3A_728, %dma_start3A_729] : memref<8192x768xf32, #tpu.memory_space<hbm>> -> memref<1x768xf32, #tpu.memory_space<hbm>>
          %dma_start3A_731 = tpu.memref_squeeze %dma_start3A_730 : memref<1x768xf32, #tpu.memory_space<hbm>> -> memref<768xf32, #tpu.memory_space<hbm>>
          %dma_start3A_732 = arith.constant 0 : i32
          %dma_start3A_733 = tpu.memref_slice %arg7[%add3A_728, %dma_start3A_732] : memref<8192x768xf32, #tpu.memory_space<hbm>> -> memref<1x768xf32, #tpu.memory_space<hbm>>
          %dma_start3A_734 = tpu.memref_squeeze %dma_start3A_733 : memref<1x768xf32, #tpu.memory_space<hbm>> -> memref<768xf32, #tpu.memory_space<hbm>>
          tpu.enqueue_dma source(%arg15 : memref<768xf32, #tpu.memory_space<vmem>>) target(%dma_start3A_734 : memref<768xf32, #tpu.memory_space<hbm>>) target_semaphore(%run_scoped3A : memref<!tpu.dma_semaphore, #tpu.memory_space<semaphore_mem>>)
          %dma_wait3A_735 = arith.constant 0 : i32
          %dma_wait3A_736 = tpu.memref_slice %arg7[%add3A_728, %dma_wait3A_735] : memref<8192x768xf32, #tpu.memory_space<hbm>> -> memref<1x768xf32, #tpu.memory_space<hbm>>
          %dma_wait3A_737 = tpu.memref_squeeze %dma_wait3A_736 : memref<1x768xf32, #tpu.memory_space<hbm>> -> memref<768xf32, #tpu.memory_space<hbm>>
          %dma_wait3A_738 = arith.constant 0 : i32
          %dma_wait3A_739 = tpu.memref_slice %arg7[%add3A_728, %dma_wait3A_738] : memref<8192x768xf32, #tpu.memory_space<hbm>> -> memref<1x768xf32, #tpu.memory_space<hbm>>
          %dma_wait3A_740 = tpu.memref_squeeze %dma_wait3A_739 : memref<1x768xf32, #tpu.memory_space<hbm>> -> memref<768xf32, #tpu.memory_space<hbm>>
          tpu.wait_dma2 semaphore(%run_scoped3A : memref<!tpu.dma_semaphore, #tpu.memory_space<semaphore_mem>>) src(%arg15 : memref<768xf32, #tpu.memory_space<vmem>>) dst(%dma_wait3A_740 : memref<768xf32, #tpu.memory_space<hbm>>)
          tpu.yield
        }) : () -> ()
      } else {
      }
      %add3A_505 = arith.constant 2 : i32
      %add3A_506 = arith.addi %add3A_388, %add3A_505 : i32
      %lt3A_507 = arith.constant 256 : i32
      %lt3A_508 = arith.cmpi slt, %add3A_506, %lt3A_507 : i32
      %convert_element_type3A_509 = arith.extui %lt3A_508 : i1 to i32
      %cond3A_510 = arith.constant 0 : i32
      %cond3A_511 = arith.cmpi ne, %convert_element_type3A_509, %cond3A_510 : i32
      scf.if %cond3A_511 {
        %add3A_512 = arith.constant 2 : i32
        %add3A_513 = arith.addi %add3A_388, %add3A_512 : i32
        %mul3A_514 = arith.constant 256 : i32
        %mul3A_515 = arith.muli %add3A, %mul3A_514 : i32
        %add3A_516 = arith.addi %mul3A_515, %add3A_513 : i32
        %dma_start3A_517 = arith.constant 1 : i32
        %dma_start3A_518 = arith.constant 1 : i32
        %dma_start3A_519 = arith.constant 0 : i32
        %dma_start3A_520 = tpu.memref_slice %arg8[%dma_start3A_517, %dma_start3A_519] : memref<2x3072xf32, #tpu.memory_space<vmem>> -> memref<1x3072xf32, #tpu.memory_space<vmem>>
        %dma_start3A_521 = tpu.memref_squeeze %dma_start3A_520 : memref<1x3072xf32, #tpu.memory_space<vmem>> -> memref<3072xf32, #tpu.memory_space<vmem>>
        %dma_start3A_522 = arith.constant 0 : i32
        %dma_start3A_523 = tpu.memref_slice %arg2[%add3A_516, %dma_start3A_522] : memref<8192x3072xf32, #tpu.memory_space<hbm>> -> memref<1x3072xf32, #tpu.memory_space<hbm>>
        %dma_start3A_524 = tpu.memref_squeeze %dma_start3A_523 : memref<1x3072xf32, #tpu.memory_space<hbm>> -> memref<3072xf32, #tpu.memory_space<hbm>>
        %dma_start3A_525 = tpu.memref_slice %arg16[%dma_start3A_518] : memref<2x!tpu.dma_semaphore, #tpu.memory_space<semaphore_mem>> -> memref<1x!tpu.dma_semaphore, #tpu.memory_space<semaphore_mem>>
        %dma_start3A_526 = tpu.memref_squeeze %dma_start3A_525 : memref<1x!tpu.dma_semaphore, #tpu.memory_space<semaphore_mem>> -> memref<!tpu.dma_semaphore, #tpu.memory_space<semaphore_mem>>
        %dma_start3A_527 = arith.constant 0 : i32
        %dma_start3A_528 = tpu.memref_slice %arg8[%dma_start3A_517, %dma_start3A_527] : memref<2x3072xf32, #tpu.memory_space<vmem>> -> memref<1x3072xf32, #tpu.memory_space<vmem>>
        %dma_start3A_529 = tpu.memref_squeeze %dma_start3A_528 : memref<1x3072xf32, #tpu.memory_space<vmem>> -> memref<3072xf32, #tpu.memory_space<vmem>>
        %dma_start3A_530 = arith.constant 0 : i32
        %dma_start3A_531 = tpu.memref_slice %arg2[%add3A_516, %dma_start3A_530] : memref<8192x3072xf32, #tpu.memory_space<hbm>> -> memref<1x3072xf32, #tpu.memory_space<hbm>>
        %dma_start3A_532 = tpu.memref_squeeze %dma_start3A_531 : memref<1x3072xf32, #tpu.memory_space<hbm>> -> memref<3072xf32, #tpu.memory_space<hbm>>
        tpu.enqueue_dma source(%dma_start3A_532 : memref<3072xf32, #tpu.memory_space<hbm>>) target(%dma_start3A_529 : memref<3072xf32, #tpu.memory_space<vmem>>) target_semaphore(%dma_start3A_526 : memref<!tpu.dma_semaphore, #tpu.memory_space<semaphore_mem>>)
      } else {
      }
    }
    %scan3A_50 = arith.constant 128 : i32
    %dma_wait3A = arith.constant 1 : i32
    %dma_wait3A_51 = arith.constant 1 : i32
    %dma_wait3A_52 = arith.constant 1 : i32
    %dma_wait3A_53 = arith.constant 0 : i32
    %dma_wait3A_54 = arith.constant 0 : i32
    %dma_wait3A_55 = tpu.memref_slice %arg13[%dma_wait3A_51, %dma_wait3A_53, %dma_wait3A_54] : memref<2x64x768xf32, #tpu.memory_space<vmem>> -> memref<1x64x768xf32, #tpu.memory_space<vmem>>
    %dma_wait3A_56 = tpu.memref_squeeze %dma_wait3A_55 : memref<1x64x768xf32, #tpu.memory_space<vmem>> -> memref<64x768xf32, #tpu.memory_space<vmem>>
    %dma_wait3A_57 = arith.constant 0 : i32
    %dma_wait3A_58 = tpu.memref_slice %arg12[%dma_wait3A, %dma_wait3A_57] : memref<2x64xi32, #tpu.memory_space<vmem>> -> memref<1x64xi32, #tpu.memory_space<vmem>>
    %dma_wait3A_59 = tpu.memref_squeeze %dma_wait3A_58 : memref<1x64xi32, #tpu.memory_space<vmem>> -> memref<64xi32, #tpu.memory_space<vmem>>
    %dma_wait3A_60 = arith.constant 0 : i32
    %dma_wait3A_61 = arith.constant 0 : i32
    %dma_wait3A_62 = tpu.memref_slice %arg5[%dma_wait3A_60, %dma_wait3A_61] : memref<24576x768xf32, #tpu.memory_space<hbm>> -> memref<24576x768xf32, #tpu.memory_space<hbm>>
    %dma_wait3A_63 = tpu.memref_slice %arg17[%dma_wait3A_52] : memref<2x!tpu.dma_semaphore, #tpu.memory_space<semaphore_mem>> -> memref<1x!tpu.dma_semaphore, #tpu.memory_space<semaphore_mem>>
    %dma_wait3A_64 = tpu.memref_squeeze %dma_wait3A_63 : memref<1x!tpu.dma_semaphore, #tpu.memory_space<semaphore_mem>> -> memref<!tpu.dma_semaphore, #tpu.memory_space<semaphore_mem>>
    tpu.wait_indirect_dma semaphore(%dma_wait3A_64 : memref<!tpu.dma_semaphore, #tpu.memory_space<semaphore_mem>>) src(%dma_wait3A_62 : memref<24576x768xf32, #tpu.memory_space<hbm>>) dst(%dma_wait3A_56 : memref<64x768xf32, #tpu.memory_space<vmem>>)
    %get3A = arith.constant 0 : index
    %get3A_65 = tpu.vector_load %arg14[%get3A] {strides = array<i32>} : memref<768xf32, #tpu.memory_space<vmem>>, vector<16xf32>,
    %get3A_66 = arith.constant 16 : index
    %get3A_67 = tpu.vector_load %arg14[%get3A_66] {strides = array<i32>} : memref<768xf32, #tpu.memory_space<vmem>>, vector<16xf32>,
    %get3A_68 = arith.constant 32 : index
    %get3A_69 = tpu.vector_load %arg14[%get3A_68] {strides = array<i32>} : memref<768xf32, #tpu.memory_space<vmem>>, vector<16xf32>,
    %get3A_70 = arith.constant 48 : index
    %get3A_71 = tpu.vector_load %arg14[%get3A_70] {strides = array<i32>} : memref<768xf32, #tpu.memory_space<vmem>>, vector<16xf32>,
    %get3A_72 = arith.constant 64 : index
    %get3A_73 = tpu.vector_load %arg14[%get3A_72] {strides = array<i32>} : memref<768xf32, #tpu.memory_space<vmem>>, vector<16xf32>,
    %get3A_74 = arith.constant 80 : index
    %get3A_75 = tpu.vector_load %arg14[%get3A_74] {strides = array<i32>} : memref<768xf32, #tpu.memory_space<vmem>>, vector<16xf32>,
    %get3A_76 = arith.constant 96 : index
    %get3A_77 = tpu.vector_load %arg14[%get3A_76] {strides = array<i32>} : memref<768xf32, #tpu.memory_space<vmem>>, vector<16xf32>,
    %get3A_78 = arith.constant 112 : index
    %get3A_79 = tpu.vector_load %arg14[%get3A_78] {strides = array<i32>} : memref<768xf32, #tpu.memory_space<vmem>>, vector<16xf32>,
    %get3A_80 = arith.constant 128 : index
    %get3A_81 = tpu.vector_load %arg14[%get3A_80] {strides = array<i32>} : memref<768xf32, #tpu.memory_space<vmem>>, vector<16xf32>,
    %get3A_82 = arith.constant 144 : index
    %get3A_83 = tpu.vector_load %arg14[%get3A_82] {strides = array<i32>} : memref<768xf32, #tpu.memory_space<vmem>>, vector<16xf32>,
    %get3A_84 = arith.constant 160 : index
    %get3A_85 = tpu.vector_load %arg14[%get3A_84] {strides = array<i32>} : memref<768xf32, #tpu.memory_space<vmem>>, vector<16xf32>,
    %get3A_86 = arith.constant 176 : index
    %get3A_87 = tpu.vector_load %arg14[%get3A_86] {strides = array<i32>} : memref<768xf32, #tpu.memory_space<vmem>>, vector<16xf32>,
    %get3A_88 = arith.constant 192 : index
    %get3A_89 = tpu.vector_load %arg14[%get3A_88] {strides = array<i32>} : memref<768xf32, #tpu.memory_space<vmem>>, vector<16xf32>,
    %get3A_90 = arith.constant 208 : index
    %get3A_91 = tpu.vector_load %arg14[%get3A_90] {strides = array<i32>} : memref<768xf32, #tpu.memory_space<vmem>>, vector<16xf32>,
    %get3A_92 = arith.constant 224 : index
    %get3A_93 = tpu.vector_load %arg14[%get3A_92] {strides = array<i32>} : memref<768xf32, #tpu.memory_space<vmem>>, vector<16xf32>,
    %get3A_94 = arith.constant 240 : index
    %get3A_95 = tpu.vector_load %arg14[%get3A_94] {strides = array<i32>} : memref<768xf32, #tpu.memory_space<vmem>>, vector<16xf32>,
    %get3A_96 = arith.constant 256 : index
    %get3A_97 = tpu.vector_load %arg14[%get3A_96] {strides = array<i32>} : memref<768xf32, #tpu.memory_space<vmem>>, vector<16xf32>,
    %get3A_98 = arith.constant 272 : index
    %get3A_99 = tpu.vector_load %arg14[%get3A_98] {strides = array<i32>} : memref<768xf32, #tpu.memory_space<vmem>>, vector<16xf32>,
    %get3A_100 = arith.constant 288 : index
    %get3A_101 = tpu.vector_load %arg14[%get3A_100] {strides = array<i32>} : memref<768xf32, #tpu.memory_space<vmem>>, vector<16xf32>,
    %get3A_102 = arith.constant 304 : index
    %get3A_103 = tpu.vector_load %arg14[%get3A_102] {strides = array<i32>} : memref<768xf32, #tpu.memory_space<vmem>>, vector<16xf32>,
    %get3A_104 = arith.constant 320 : index
    %get3A_105 = tpu.vector_load %arg14[%get3A_104] {strides = array<i32>} : memref<768xf32, #tpu.memory_space<vmem>>, vector<16xf32>,
    %get3A_106 = arith.constant 336 : index
    %get3A_107 = tpu.vector_load %arg14[%get3A_106] {strides = array<i32>} : memref<768xf32, #tpu.memory_space<vmem>>, vector<16xf32>,
    %get3A_108 = arith.constant 352 : index
    %get3A_109 = tpu.vector_load %arg14[%get3A_108] {strides = array<i32>} : memref<768xf32, #tpu.memory_space<vmem>>, vector<16xf32>,
    %get3A_110 = arith.constant 368 : index
    %get3A_111 = tpu.vector_load %arg14[%get3A_110] {strides = array<i32>} : memref<768xf32, #tpu.memory_space<vmem>>, vector<16xf32>,
    %get3A_112 = arith.constant 384 : index
    %get3A_113 = tpu.vector_load %arg14[%get3A_112] {strides = array<i32>} : memref<768xf32, #tpu.memory_space<vmem>>, vector<16xf32>,
    %get3A_114 = arith.constant 400 : index
    %get3A_115 = tpu.vector_load %arg14[%get3A_114] {strides = array<i32>} : memref<768xf32, #tpu.memory_space<vmem>>, vector<16xf32>,
    %get3A_116 = arith.constant 416 : index
    %get3A_117 = tpu.vector_load %arg14[%get3A_116] {strides = array<i32>} : memref<768xf32, #tpu.memory_space<vmem>>, vector<16xf32>,
    %get3A_118 = arith.constant 432 : index
    %get3A_119 = tpu.vector_load %arg14[%get3A_118] {strides = array<i32>} : memref<768xf32, #tpu.memory_space<vmem>>, vector<16xf32>,
    %get3A_120 = arith.constant 448 : index
    %get3A_121 = tpu.vector_load %arg14[%get3A_120] {strides = array<i32>} : memref<768xf32, #tpu.memory_space<vmem>>, vector<16xf32>,
    %get3A_122 = arith.constant 464 : index
    %get3A_123 = tpu.vector_load %arg14[%get3A_122] {strides = array<i32>} : memref<768xf32, #tpu.memory_space<vmem>>, vector<16xf32>,
    %get3A_124 = arith.constant 480 : index
    %get3A_125 = tpu.vector_load %arg14[%get3A_124] {strides = array<i32>} : memref<768xf32, #tpu.memory_space<vmem>>, vector<16xf32>,
    %get3A_126 = arith.constant 496 : index
    %get3A_127 = tpu.vector_load %arg14[%get3A_126] {strides = array<i32>} : memref<768xf32, #tpu.memory_space<vmem>>, vector<16xf32>,
    %get3A_128 = arith.constant 512 : index
    %get3A_129 = tpu.vector_load %arg14[%get3A_128] {strides = array<i32>} : memref<768xf32, #tpu.memory_space<vmem>>, vector<16xf32>,
    %get3A_130 = arith.constant 528 : index
    %get3A_131 = tpu.vector_load %arg14[%get3A_130] {strides = array<i32>} : memref<768xf32, #tpu.memory_space<vmem>>, vector<16xf32>,
    %get3A_132 = arith.constant 544 : index
    %get3A_133 = tpu.vector_load %arg14[%get3A_132] {strides = array<i32>} : memref<768xf32, #tpu.memory_space<vmem>>, vector<16xf32>,
    %get3A_134 = arith.constant 560 : index
    %get3A_135 = tpu.vector_load %arg14[%get3A_134] {strides = array<i32>} : memref<768xf32, #tpu.memory_space<vmem>>, vector<16xf32>,
    %get3A_136 = arith.constant 576 : index
    %get3A_137 = tpu.vector_load %arg14[%get3A_136] {strides = array<i32>} : memref<768xf32, #tpu.memory_space<vmem>>, vector<16xf32>,
    %get3A_138 = arith.constant 592 : index
    %get3A_139 = tpu.vector_load %arg14[%get3A_138] {strides = array<i32>} : memref<768xf32, #tpu.memory_space<vmem>>, vector<16xf32>,
    %get3A_140 = arith.constant 608 : index
    %get3A_141 = tpu.vector_load %arg14[%get3A_140] {strides = array<i32>} : memref<768xf32, #tpu.memory_space<vmem>>, vector<16xf32>,
    %get3A_142 = arith.constant 624 : index
    %get3A_143 = tpu.vector_load %arg14[%get3A_142] {strides = array<i32>} : memref<768xf32, #tpu.memory_space<vmem>>, vector<16xf32>,
    %get3A_144 = arith.constant 640 : index
    %get3A_145 = tpu.vector_load %arg14[%get3A_144] {strides = array<i32>} : memref<768xf32, #tpu.memory_space<vmem>>, vector<16xf32>,
    %get3A_146 = arith.constant 656 : index
    %get3A_147 = tpu.vector_load %arg14[%get3A_146] {strides = array<i32>} : memref<768xf32, #tpu.memory_space<vmem>>, vector<16xf32>,
    %get3A_148 = arith.constant 672 : index
    %get3A_149 = tpu.vector_load %arg14[%get3A_148] {strides = array<i32>} : memref<768xf32, #tpu.memory_space<vmem>>, vector<16xf32>,
    %get3A_150 = arith.constant 688 : index
    %get3A_151 = tpu.vector_load %arg14[%get3A_150] {strides = array<i32>} : memref<768xf32, #tpu.memory_space<vmem>>, vector<16xf32>,
    %get3A_152 = arith.constant 704 : index
    %get3A_153 = tpu.vector_load %arg14[%get3A_152] {strides = array<i32>} : memref<768xf32, #tpu.memory_space<vmem>>, vector<16xf32>,
    %get3A_154 = arith.constant 720 : index
    %get3A_155 = tpu.vector_load %arg14[%get3A_154] {strides = array<i32>} : memref<768xf32, #tpu.memory_space<vmem>>, vector<16xf32>,
    %get3A_156 = arith.constant 736 : index
    %get3A_157 = tpu.vector_load %arg14[%get3A_156] {strides = array<i32>} : memref<768xf32, #tpu.memory_space<vmem>>, vector<16xf32>,
    %get3A_158 = arith.constant 752 : index
    %get3A_159 = tpu.vector_load %arg14[%get3A_158] {strides = array<i32>} : memref<768xf32, #tpu.memory_space<vmem>>, vector<16xf32>,
    %scan3A_160 = arith.constant 0 : i32
    %scan3A_161 = arith.constant 64 : i32
    %scan3A_162 = arith.addi %scan3A_160, %scan3A_161 : i32
    %scan3A_163 = arith.constant 1 : i32
    %scan3A_164:48 = scf.for %scan3A_265 = %scan3A_160 to %scan3A_162 step %scan3A_163 iter_args(%scan3A_266 = %get3A_65, %scan3A_267 = %get3A_67, %scan3A_268 = %get3A_69, %scan3A_269 = %get3A_71, %scan3A_270 = %get3A_73, %scan3A_271 = %get3A_75, %scan3A_272 = %get3A_77, %scan3A_273 = %get3A_79, %scan3A_274 = %get3A_81, %scan3A_275 = %get3A_83, %scan3A_276 = %get3A_85, %scan3A_277 = %get3A_87, %scan3A_278 = %get3A_89, %scan3A_279 = %get3A_91, %scan3A_280 = %get3A_93, %scan3A_281 = %get3A_95, %scan3A_282 = %get3A_97, %scan3A_283 = %get3A_99, %scan3A_284 = %get3A_101, %scan3A_285 = %get3A_103, %scan3A_286 = %get3A_105, %scan3A_287 = %get3A_107, %scan3A_288 = %get3A_109, %scan3A_289 = %get3A_111, %scan3A_290 = %get3A_113, %scan3A_291 = %get3A_115, %scan3A_292 = %get3A_117, %scan3A_293 = %get3A_119, %scan3A_294 = %get3A_121, %scan3A_295 = %get3A_123, %scan3A_296 = %get3A_125, %scan3A_297 = %get3A_127, %scan3A_298 = %get3A_129, %scan3A_299 = %get3A_131, %scan3A_300 = %get3A_133, %scan3A_301 = %get3A_135, %scan3A_302 = %get3A_137, %scan3A_303 = %get3A_139, %scan3A_304 = %get3A_141, %scan3A_305 = %get3A_143, %scan3A_306 = %get3A_145, %scan3A_307 = %get3A_147, %scan3A_308 = %get3A_149, %scan3A_309 = %get3A_151, %scan3A_310 = %get3A_153, %scan3A_311 = %get3A_155, %scan3A_312 = %get3A_157, %scan3A_313 = %get3A_159) -> (vector<16xf32>, vector<16xf32>, vector<16xf32>, vector<16xf32>, vector<16xf32>, vector<16xf32>, vector<16xf32>, vector<16xf32>, vector<16xf32>, vector<16xf32>, vector<16xf32>, vector<16xf32>, vector<16xf32>, vector<16xf32>, vector<16xf32>, vector<16xf32>, vector<16xf32>, vector<16xf32>, vector<16xf32>, vector<16xf32>, vector<16xf32>, vector<16xf32>, vector<16xf32>, vector<16xf32>, vector<16xf32>, vector<16xf32>, vector<16xf32>, vector<16xf32>, vector<16xf32>, vector<16xf32>, vector<16xf32>, vector<16xf32>, vector<16xf32>, vector<16xf32>, vector<16xf32>, vector<16xf32>, vector<16xf32>, vector<16xf32>, vector<16xf32>, vector<16xf32>, vector<16xf32>, vector<16xf32>, vector<16xf32>, vector<16xf32>, vector<16xf32>, vector<16xf32>, vector<16xf32>, vector<16xf32>)  : i32 {
      %broadcast_in_dim3A = arith.constant 0 : i32
      %broadcast_in_dim3A_314 = vector.broadcast %broadcast_in_dim3A : i32 to vector<16xi32>
      %add3A_315 = vector.broadcast %scan3A_265 : i32 to vector<16xi32>
      %add3A_316 = arith.addi %broadcast_in_dim3A_314, %add3A_315 : vector<16xi32>
      %gather3A = arith.constant 1 : i32
      %gather3A_317 = arith.constant 0 : i32
      %gather3A_318 = tpu.memref_slice %arg11[%gather3A, %gather3A_317] : memref<2x64xf32, #tpu.memory_space<vmem>> -> memref<1x64xf32, #tpu.memory_space<vmem>>
      %gather3A_319 = tpu.memref_squeeze %gather3A_318 : memref<1x64xf32, #tpu.memory_space<vmem>> -> memref<64xf32, #tpu.memory_space<vmem>>
      %gather3A_320 = tpu.vector_load_idx %gather3A_319[%add3A_316] : memref<64xf32, #tpu.memory_space<vmem>>[vector<16xi32>], vector<16xf32>,
      %get3A_321 = arith.constant 1 : i32
      %get3A_322 = arith.index_cast %get3A_321 : i32 to index
      %get3A_323 = arith.index_cast %scan3A_265 : i32 to index
      %get3A_324 = arith.constant 0 : index
      %get3A_325 = tpu.vector_load %arg13[%get3A_322, %get3A_323, %get3A_324] {strides = array<i32>} : memref<2x64x768xf32, #tpu.memory_space<vmem>>, vector<16xf32>,
      %mul3A_326 = arith.mulf %gather3A_320, %get3A_325 : vector<16xf32>
      %add3A_327 = arith.addf %scan3A_266, %mul3A_326 : vector<16xf32>
      %get3A_328 = arith.constant 1 : i32
      %get3A_329 = arith.index_cast %get3A_328 : i32 to index
      %get3A_330 = arith.index_cast %scan3A_265 : i32 to index
      %get3A_331 = arith.constant 16 : index
      %get3A_332 = tpu.vector_load %arg13[%get3A_329, %get3A_330, %get3A_331] {strides = array<i32>} : memref<2x64x768xf32, #tpu.memory_space<vmem>>, vector<16xf32>,
      %mul3A_333 = arith.mulf %gather3A_320, %get3A_332 : vector<16xf32>
      %add3A_334 = arith.addf %scan3A_267, %mul3A_333 : vector<16xf32>
      %get3A_335 = arith.constant 1 : i32
      %get3A_336 = arith.index_cast %get3A_335 : i32 to index
      %get3A_337 = arith.index_cast %scan3A_265 : i32 to index
      %get3A_338 = arith.constant 32 : index
      %get3A_339 = tpu.vector_load %arg13[%get3A_336, %get3A_337, %get3A_338] {strides = array<i32>} : memref<2x64x768xf32, #tpu.memory_space<vmem>>, vector<16xf32>,
      %mul3A_340 = arith.mulf %gather3A_320, %get3A_339 : vector<16xf32>
      %add3A_341 = arith.addf %scan3A_268, %mul3A_340 : vector<16xf32>
      %get3A_342 = arith.constant 1 : i32
      %get3A_343 = arith.index_cast %get3A_342 : i32 to index
      %get3A_344 = arith.index_cast %scan3A_265 : i32 to index
      %get3A_345 = arith.constant 48 : index
      %get3A_346 = tpu.vector_load %arg13[%get3A_343, %get3A_344, %get3A_345] {strides = array<i32>} : memref<2x64x768xf32, #tpu.memory_space<vmem>>, vector<16xf32>,
      %mul3A_347 = arith.mulf %gather3A_320, %get3A_346 : vector<16xf32>
      %add3A_348 = arith.addf %scan3A_269, %mul3A_347 : vector<16xf32>
      %get3A_349 = arith.constant 1 : i32
      %get3A_350 = arith.index_cast %get3A_349 : i32 to index
      %get3A_351 = arith.index_cast %scan3A_265 : i32 to index
      %get3A_352 = arith.constant 64 : index
      %get3A_353 = tpu.vector_load %arg13[%get3A_350, %get3A_351, %get3A_352] {strides = array<i32>} : memref<2x64x768xf32, #tpu.memory_space<vmem>>, vector<16xf32>,
      %mul3A_354 = arith.mulf %gather3A_320, %get3A_353 : vector<16xf32>
      %add3A_355 = arith.addf %scan3A_270, %mul3A_354 : vector<16xf32>
      %get3A_356 = arith.constant 1 : i32
      %get3A_357 = arith.index_cast %get3A_356 : i32 to index
      %get3A_358 = arith.index_cast %scan3A_265 : i32 to index
      %get3A_359 = arith.constant 80 : index
      %get3A_360 = tpu.vector_load %arg13[%get3A_357, %get3A_358, %get3A_359] {strides = array<i32>} : memref<2x64x768xf32, #tpu.memory_space<vmem>>, vector<16xf32>,
      %mul3A_361 = arith.mulf %gather3A_320, %get3A_360 : vector<16xf32>
      %add3A_362 = arith.addf %scan3A_271, %mul3A_361 : vector<16xf32>
      %get3A_363 = arith.constant 1 : i32
      %get3A_364 = arith.index_cast %get3A_363 : i32 to index
      %get3A_365 = arith.index_cast %scan3A_265 : i32 to index
      %get3A_366 = arith.constant 96 : index
      %get3A_367 = tpu.vector_load %arg13[%get3A_364, %get3A_365, %get3A_366] {strides = array<i32>} : memref<2x64x768xf32, #tpu.memory_space<vmem>>, vector<16xf32>,
      %mul3A_368 = arith.mulf %gather3A_320, %get3A_367 : vector<16xf32>
      %add3A_369 = arith.addf %scan3A_272, %mul3A_368 : vector<16xf32>
      %get3A_370 = arith.constant 1 : i32
      %get3A_371 = arith.index_cast %get3A_370 : i32 to index
      %get3A_372 = arith.index_cast %scan3A_265 : i32 to index
      %get3A_373 = arith.constant 112 : index
      %get3A_374 = tpu.vector_load %arg13[%get3A_371, %get3A_372, %get3A_373] {strides = array<i32>} : memref<2x64x768xf32, #tpu.memory_space<vmem>>, vector<16xf32>,
      %mul3A_375 = arith.mulf %gather3A_320, %get3A_374 : vector<16xf32>
      %add3A_376 = arith.addf %scan3A_273, %mul3A_375 : vector<16xf32>
      %get3A_377 = arith.constant 1 : i32
      %get3A_378 = arith.index_cast %get3A_377 : i32 to index
      %get3A_379 = arith.index_cast %scan3A_265 : i32 to index
      %get3A_380 = arith.constant 128 : index
      %get3A_381 = tpu.vector_load %arg13[%get3A_378, %get3A_379, %get3A_380] {strides = array<i32>} : memref<2x64x768xf32, #tpu.memory_space<vmem>>, vector<16xf32>,
      %mul3A_382 = arith.mulf %gather3A_320, %get3A_381 : vector<16xf32>
      %add3A_383 = arith.addf %scan3A_274, %mul3A_382 : vector<16xf32>
      %get3A_384 = arith.constant 1 : i32
      %get3A_385 = arith.index_cast %get3A_384 : i32 to index
      %get3A_386 = arith.index_cast %scan3A_265 : i32 to index
      %get3A_387 = arith.constant 144 : index
      %get3A_388 = tpu.vector_load %arg13[%get3A_385, %get3A_386, %get3A_387] {strides = array<i32>} : memref<2x64x768xf32, #tpu.memory_space<vmem>>, vector<16xf32>,
      %mul3A_389 = arith.mulf %gather3A_320, %get3A_388 : vector<16xf32>
      %add3A_390 = arith.addf %scan3A_275, %mul3A_389 : vector<16xf32>
      %get3A_391 = arith.constant 1 : i32
      %get3A_392 = arith.index_cast %get3A_391 : i32 to index
      %get3A_393 = arith.index_cast %scan3A_265 : i32 to index
      %get3A_394 = arith.constant 160 : index
      %get3A_395 = tpu.vector_load %arg13[%get3A_392, %get3A_393, %get3A_394] {strides = array<i32>} : memref<2x64x768xf32, #tpu.memory_space<vmem>>, vector<16xf32>,
      %mul3A_396 = arith.mulf %gather3A_320, %get3A_395 : vector<16xf32>
      %add3A_397 = arith.addf %scan3A_276, %mul3A_396 : vector<16xf32>
      %get3A_398 = arith.constant 1 : i32
      %get3A_399 = arith.index_cast %get3A_398 : i32 to index
      %get3A_400 = arith.index_cast %scan3A_265 : i32 to index
      %get3A_401 = arith.constant 176 : index
      %get3A_402 = tpu.vector_load %arg13[%get3A_399, %get3A_400, %get3A_401] {strides = array<i32>} : memref<2x64x768xf32, #tpu.memory_space<vmem>>, vector<16xf32>,
      %mul3A_403 = arith.mulf %gather3A_320, %get3A_402 : vector<16xf32>
      %add3A_404 = arith.addf %scan3A_277, %mul3A_403 : vector<16xf32>
      %get3A_405 = arith.constant 1 : i32
      %get3A_406 = arith.index_cast %get3A_405 : i32 to index
      %get3A_407 = arith.index_cast %scan3A_265 : i32 to index
      %get3A_408 = arith.constant 192 : index
      %get3A_409 = tpu.vector_load %arg13[%get3A_406, %get3A_407, %get3A_408] {strides = array<i32>} : memref<2x64x768xf32, #tpu.memory_space<vmem>>, vector<16xf32>,
      %mul3A_410 = arith.mulf %gather3A_320, %get3A_409 : vector<16xf32>
      %add3A_411 = arith.addf %scan3A_278, %mul3A_410 : vector<16xf32>
      %get3A_412 = arith.constant 1 : i32
      %get3A_413 = arith.index_cast %get3A_412 : i32 to index
      %get3A_414 = arith.index_cast %scan3A_265 : i32 to index
      %get3A_415 = arith.constant 208 : index
      %get3A_416 = tpu.vector_load %arg13[%get3A_413, %get3A_414, %get3A_415] {strides = array<i32>} : memref<2x64x768xf32, #tpu.memory_space<vmem>>, vector<16xf32>,
      %mul3A_417 = arith.mulf %gather3A_320, %get3A_416 : vector<16xf32>
      %add3A_418 = arith.addf %scan3A_279, %mul3A_417 : vector<16xf32>
      %get3A_419 = arith.constant 1 : i32
      %get3A_420 = arith.index_cast %get3A_419 : i32 to index
      %get3A_421 = arith.index_cast %scan3A_265 : i32 to index
      %get3A_422 = arith.constant 224 : index
      %get3A_423 = tpu.vector_load %arg13[%get3A_420, %get3A_421, %get3A_422] {strides = array<i32>} : memref<2x64x768xf32, #tpu.memory_space<vmem>>, vector<16xf32>,
      %mul3A_424 = arith.mulf %gather3A_320, %get3A_423 : vector<16xf32>
      %add3A_425 = arith.addf %scan3A_280, %mul3A_424 : vector<16xf32>
      %get3A_426 = arith.constant 1 : i32
      %get3A_427 = arith.index_cast %get3A_426 : i32 to index
      %get3A_428 = arith.index_cast %scan3A_265 : i32 to index
      %get3A_429 = arith.constant 240 : index
      %get3A_430 = tpu.vector_load %arg13[%get3A_427, %get3A_428, %get3A_429] {strides = array<i32>} : memref<2x64x768xf32, #tpu.memory_space<vmem>>, vector<16xf32>,
      %mul3A_431 = arith.mulf %gather3A_320, %get3A_430 : vector<16xf32>
      %add3A_432 = arith.addf %scan3A_281, %mul3A_431 : vector<16xf32>
      %get3A_433 = arith.constant 1 : i32
      %get3A_434 = arith.index_cast %get3A_433 : i32 to index
      %get3A_435 = arith.index_cast %scan3A_265 : i32 to index
      %get3A_436 = arith.constant 256 : index
      %get3A_437 = tpu.vector_load %arg13[%get3A_434, %get3A_435, %get3A_436] {strides = array<i32>} : memref<2x64x768xf32, #tpu.memory_space<vmem>>, vector<16xf32>,
      %mul3A_438 = arith.mulf %gather3A_320, %get3A_437 : vector<16xf32>
      %add3A_439 = arith.addf %scan3A_282, %mul3A_438 : vector<16xf32>
      %get3A_440 = arith.constant 1 : i32
      %get3A_441 = arith.index_cast %get3A_440 : i32 to index
      %get3A_442 = arith.index_cast %scan3A_265 : i32 to index
      %get3A_443 = arith.constant 272 : index
      %get3A_444 = tpu.vector_load %arg13[%get3A_441, %get3A_442, %get3A_443] {strides = array<i32>} : memref<2x64x768xf32, #tpu.memory_space<vmem>>, vector<16xf32>,
      %mul3A_445 = arith.mulf %gather3A_320, %get3A_444 : vector<16xf32>
      %add3A_446 = arith.addf %scan3A_283, %mul3A_445 : vector<16xf32>
      %get3A_447 = arith.constant 1 : i32
      %get3A_448 = arith.index_cast %get3A_447 : i32 to index
      %get3A_449 = arith.index_cast %scan3A_265 : i32 to index
      %get3A_450 = arith.constant 288 : index
      %get3A_451 = tpu.vector_load %arg13[%get3A_448, %get3A_449, %get3A_450] {strides = array<i32>} : memref<2x64x768xf32, #tpu.memory_space<vmem>>, vector<16xf32>,
      %mul3A_452 = arith.mulf %gather3A_320, %get3A_451 : vector<16xf32>
      %add3A_453 = arith.addf %scan3A_284, %mul3A_452 : vector<16xf32>
      %get3A_454 = arith.constant 1 : i32
      %get3A_455 = arith.index_cast %get3A_454 : i32 to index
      %get3A_456 = arith.index_cast %scan3A_265 : i32 to index
      %get3A_457 = arith.constant 304 : index
      %get3A_458 = tpu.vector_load %arg13[%get3A_455, %get3A_456, %get3A_457] {strides = array<i32>} : memref<2x64x768xf32, #tpu.memory_space<vmem>>, vector<16xf32>,
      %mul3A_459 = arith.mulf %gather3A_320, %get3A_458 : vector<16xf32>
      %add3A_460 = arith.addf %scan3A_285, %mul3A_459 : vector<16xf32>
      %get3A_461 = arith.constant 1 : i32
      %get3A_462 = arith.index_cast %get3A_461 : i32 to index
      %get3A_463 = arith.index_cast %scan3A_265 : i32 to index
      %get3A_464 = arith.constant 320 : index
      %get3A_465 = tpu.vector_load %arg13[%get3A_462, %get3A_463, %get3A_464] {strides = array<i32>} : memref<2x64x768xf32, #tpu.memory_space<vmem>>, vector<16xf32>,
      %mul3A_466 = arith.mulf %gather3A_320, %get3A_465 : vector<16xf32>
      %add3A_467 = arith.addf %scan3A_286, %mul3A_466 : vector<16xf32>
      %get3A_468 = arith.constant 1 : i32
      %get3A_469 = arith.index_cast %get3A_468 : i32 to index
      %get3A_470 = arith.index_cast %scan3A_265 : i32 to index
      %get3A_471 = arith.constant 336 : index
      %get3A_472 = tpu.vector_load %arg13[%get3A_469, %get3A_470, %get3A_471] {strides = array<i32>} : memref<2x64x768xf32, #tpu.memory_space<vmem>>, vector<16xf32>,
      %mul3A_473 = arith.mulf %gather3A_320, %get3A_472 : vector<16xf32>
      %add3A_474 = arith.addf %scan3A_287, %mul3A_473 : vector<16xf32>
      %get3A_475 = arith.constant 1 : i32
      %get3A_476 = arith.index_cast %get3A_475 : i32 to index
      %get3A_477 = arith.index_cast %scan3A_265 : i32 to index
      %get3A_478 = arith.constant 352 : index
      %get3A_479 = tpu.vector_load %arg13[%get3A_476, %get3A_477, %get3A_478] {strides = array<i32>} : memref<2x64x768xf32, #tpu.memory_space<vmem>>, vector<16xf32>,
      %mul3A_480 = arith.mulf %gather3A_320, %get3A_479 : vector<16xf32>
      %add3A_481 = arith.addf %scan3A_288, %mul3A_480 : vector<16xf32>
      %get3A_482 = arith.constant 1 : i32
      %get3A_483 = arith.index_cast %get3A_482 : i32 to index
      %get3A_484 = arith.index_cast %scan3A_265 : i32 to index
      %get3A_485 = arith.constant 368 : index
      %get3A_486 = tpu.vector_load %arg13[%get3A_483, %get3A_484, %get3A_485] {strides = array<i32>} : memref<2x64x768xf32, #tpu.memory_space<vmem>>, vector<16xf32>,
      %mul3A_487 = arith.mulf %gather3A_320, %get3A_486 : vector<16xf32>
      %add3A_488 = arith.addf %scan3A_289, %mul3A_487 : vector<16xf32>
      %get3A_489 = arith.constant 1 : i32
      %get3A_490 = arith.index_cast %get3A_489 : i32 to index
      %get3A_491 = arith.index_cast %scan3A_265 : i32 to index
      %get3A_492 = arith.constant 384 : index
      %get3A_493 = tpu.vector_load %arg13[%get3A_490, %get3A_491, %get3A_492] {strides = array<i32>} : memref<2x64x768xf32, #tpu.memory_space<vmem>>, vector<16xf32>,
      %mul3A_494 = arith.mulf %gather3A_320, %get3A_493 : vector<16xf32>
      %add3A_495 = arith.addf %scan3A_290, %mul3A_494 : vector<16xf32>
      %get3A_496 = arith.constant 1 : i32
      %get3A_497 = arith.index_cast %get3A_496 : i32 to index
      %get3A_498 = arith.index_cast %scan3A_265 : i32 to index
      %get3A_499 = arith.constant 400 : index
      %get3A_500 = tpu.vector_load %arg13[%get3A_497, %get3A_498, %get3A_499] {strides = array<i32>} : memref<2x64x768xf32, #tpu.memory_space<vmem>>, vector<16xf32>,
      %mul3A_501 = arith.mulf %gather3A_320, %get3A_500 : vector<16xf32>
      %add3A_502 = arith.addf %scan3A_291, %mul3A_501 : vector<16xf32>
      %get3A_503 = arith.constant 1 : i32
      %get3A_504 = arith.index_cast %get3A_503 : i32 to index
      %get3A_505 = arith.index_cast %scan3A_265 : i32 to index
      %get3A_506 = arith.constant 416 : index
      %get3A_507 = tpu.vector_load %arg13[%get3A_504, %get3A_505, %get3A_506] {strides = array<i32>} : memref<2x64x768xf32, #tpu.memory_space<vmem>>, vector<16xf32>,
      %mul3A_508 = arith.mulf %gather3A_320, %get3A_507 : vector<16xf32>
      %add3A_509 = arith.addf %scan3A_292, %mul3A_508 : vector<16xf32>
      %get3A_510 = arith.constant 1 : i32
      %get3A_511 = arith.index_cast %get3A_510 : i32 to index
      %get3A_512 = arith.index_cast %scan3A_265 : i32 to index
      %get3A_513 = arith.constant 432 : index
      %get3A_514 = tpu.vector_load %arg13[%get3A_511, %get3A_512, %get3A_513] {strides = array<i32>} : memref<2x64x768xf32, #tpu.memory_space<vmem>>, vector<16xf32>,
      %mul3A_515 = arith.mulf %gather3A_320, %get3A_514 : vector<16xf32>
      %add3A_516 = arith.addf %scan3A_293, %mul3A_515 : vector<16xf32>
      %get3A_517 = arith.constant 1 : i32
      %get3A_518 = arith.index_cast %get3A_517 : i32 to index
      %get3A_519 = arith.index_cast %scan3A_265 : i32 to index
      %get3A_520 = arith.constant 448 : index
      %get3A_521 = tpu.vector_load %arg13[%get3A_518, %get3A_519, %get3A_520] {strides = array<i32>} : memref<2x64x768xf32, #tpu.memory_space<vmem>>, vector<16xf32>,
      %mul3A_522 = arith.mulf %gather3A_320, %get3A_521 : vector<16xf32>
      %add3A_523 = arith.addf %scan3A_294, %mul3A_522 : vector<16xf32>
      %get3A_524 = arith.constant 1 : i32
      %get3A_525 = arith.index_cast %get3A_524 : i32 to index
      %get3A_526 = arith.index_cast %scan3A_265 : i32 to index
      %get3A_527 = arith.constant 464 : index
      %get3A_528 = tpu.vector_load %arg13[%get3A_525, %get3A_526, %get3A_527] {strides = array<i32>} : memref<2x64x768xf32, #tpu.memory_space<vmem>>, vector<16xf32>,
      %mul3A_529 = arith.mulf %gather3A_320, %get3A_528 : vector<16xf32>
      %add3A_530 = arith.addf %scan3A_295, %mul3A_529 : vector<16xf32>
      %get3A_531 = arith.constant 1 : i32
      %get3A_532 = arith.index_cast %get3A_531 : i32 to index
      %get3A_533 = arith.index_cast %scan3A_265 : i32 to index
      %get3A_534 = arith.constant 480 : index
      %get3A_535 = tpu.vector_load %arg13[%get3A_532, %get3A_533, %get3A_534] {strides = array<i32>} : memref<2x64x768xf32, #tpu.memory_space<vmem>>, vector<16xf32>,
      %mul3A_536 = arith.mulf %gather3A_320, %get3A_535 : vector<16xf32>
      %add3A_537 = arith.addf %scan3A_296, %mul3A_536 : vector<16xf32>
      %get3A_538 = arith.constant 1 : i32
      %get3A_539 = arith.index_cast %get3A_538 : i32 to index
      %get3A_540 = arith.index_cast %scan3A_265 : i32 to index
      %get3A_541 = arith.constant 496 : index
      %get3A_542 = tpu.vector_load %arg13[%get3A_539, %get3A_540, %get3A_541] {strides = array<i32>} : memref<2x64x768xf32, #tpu.memory_space<vmem>>, vector<16xf32>,
      %mul3A_543 = arith.mulf %gather3A_320, %get3A_542 : vector<16xf32>
      %add3A_544 = arith.addf %scan3A_297, %mul3A_543 : vector<16xf32>
      %get3A_545 = arith.constant 1 : i32
      %get3A_546 = arith.index_cast %get3A_545 : i32 to index
      %get3A_547 = arith.index_cast %scan3A_265 : i32 to index
      %get3A_548 = arith.constant 512 : index
      %get3A_549 = tpu.vector_load %arg13[%get3A_546, %get3A_547, %get3A_548] {strides = array<i32>} : memref<2x64x768xf32, #tpu.memory_space<vmem>>, vector<16xf32>,
      %mul3A_550 = arith.mulf %gather3A_320, %get3A_549 : vector<16xf32>
      %add3A_551 = arith.addf %scan3A_298, %mul3A_550 : vector<16xf32>
      %get3A_552 = arith.constant 1 : i32
      %get3A_553 = arith.index_cast %get3A_552 : i32 to index
      %get3A_554 = arith.index_cast %scan3A_265 : i32 to index
      %get3A_555 = arith.constant 528 : index
      %get3A_556 = tpu.vector_load %arg13[%get3A_553, %get3A_554, %get3A_555] {strides = array<i32>} : memref<2x64x768xf32, #tpu.memory_space<vmem>>, vector<16xf32>,
      %mul3A_557 = arith.mulf %gather3A_320, %get3A_556 : vector<16xf32>
      %add3A_558 = arith.addf %scan3A_299, %mul3A_557 : vector<16xf32>
      %get3A_559 = arith.constant 1 : i32
      %get3A_560 = arith.index_cast %get3A_559 : i32 to index
      %get3A_561 = arith.index_cast %scan3A_265 : i32 to index
      %get3A_562 = arith.constant 544 : index
      %get3A_563 = tpu.vector_load %arg13[%get3A_560, %get3A_561, %get3A_562] {strides = array<i32>} : memref<2x64x768xf32, #tpu.memory_space<vmem>>, vector<16xf32>,
      %mul3A_564 = arith.mulf %gather3A_320, %get3A_563 : vector<16xf32>
      %add3A_565 = arith.addf %scan3A_300, %mul3A_564 : vector<16xf32>
      %get3A_566 = arith.constant 1 : i32
      %get3A_567 = arith.index_cast %get3A_566 : i32 to index
      %get3A_568 = arith.index_cast %scan3A_265 : i32 to index
      %get3A_569 = arith.constant 560 : index
      %get3A_570 = tpu.vector_load %arg13[%get3A_567, %get3A_568, %get3A_569] {strides = array<i32>} : memref<2x64x768xf32, #tpu.memory_space<vmem>>, vector<16xf32>,
      %mul3A_571 = arith.mulf %gather3A_320, %get3A_570 : vector<16xf32>
      %add3A_572 = arith.addf %scan3A_301, %mul3A_571 : vector<16xf32>
      %get3A_573 = arith.constant 1 : i32
      %get3A_574 = arith.index_cast %get3A_573 : i32 to index
      %get3A_575 = arith.index_cast %scan3A_265 : i32 to index
      %get3A_576 = arith.constant 576 : index
      %get3A_577 = tpu.vector_load %arg13[%get3A_574, %get3A_575, %get3A_576] {strides = array<i32>} : memref<2x64x768xf32, #tpu.memory_space<vmem>>, vector<16xf32>,
      %mul3A_578 = arith.mulf %gather3A_320, %get3A_577 : vector<16xf32>
      %add3A_579 = arith.addf %scan3A_302, %mul3A_578 : vector<16xf32>
      %get3A_580 = arith.constant 1 : i32
      %get3A_581 = arith.index_cast %get3A_580 : i32 to index
      %get3A_582 = arith.index_cast %scan3A_265 : i32 to index
      %get3A_583 = arith.constant 592 : index
      %get3A_584 = tpu.vector_load %arg13[%get3A_581, %get3A_582, %get3A_583] {strides = array<i32>} : memref<2x64x768xf32, #tpu.memory_space<vmem>>, vector<16xf32>,
      %mul3A_585 = arith.mulf %gather3A_320, %get3A_584 : vector<16xf32>
      %add3A_586 = arith.addf %scan3A_303, %mul3A_585 : vector<16xf32>
      %get3A_587 = arith.constant 1 : i32
      %get3A_588 = arith.index_cast %get3A_587 : i32 to index
      %get3A_589 = arith.index_cast %scan3A_265 : i32 to index
      %get3A_590 = arith.constant 608 : index
      %get3A_591 = tpu.vector_load %arg13[%get3A_588, %get3A_589, %get3A_590] {strides = array<i32>} : memref<2x64x768xf32, #tpu.memory_space<vmem>>, vector<16xf32>,
      %mul3A_592 = arith.mulf %gather3A_320, %get3A_591 : vector<16xf32>
      %add3A_593 = arith.addf %scan3A_304, %mul3A_592 : vector<16xf32>
      %get3A_594 = arith.constant 1 : i32
      %get3A_595 = arith.index_cast %get3A_594 : i32 to index
      %get3A_596 = arith.index_cast %scan3A_265 : i32 to index
      %get3A_597 = arith.constant 624 : index
      %get3A_598 = tpu.vector_load %arg13[%get3A_595, %get3A_596, %get3A_597] {strides = array<i32>} : memref<2x64x768xf32, #tpu.memory_space<vmem>>, vector<16xf32>,
      %mul3A_599 = arith.mulf %gather3A_320, %get3A_598 : vector<16xf32>
      %add3A_600 = arith.addf %scan3A_305, %mul3A_599 : vector<16xf32>
      %get3A_601 = arith.constant 1 : i32
      %get3A_602 = arith.index_cast %get3A_601 : i32 to index
      %get3A_603 = arith.index_cast %scan3A_265 : i32 to index
      %get3A_604 = arith.constant 640 : index
      %get3A_605 = tpu.vector_load %arg13[%get3A_602, %get3A_603, %get3A_604] {strides = array<i32>} : memref<2x64x768xf32, #tpu.memory_space<vmem>>, vector<16xf32>,
      %mul3A_606 = arith.mulf %gather3A_320, %get3A_605 : vector<16xf32>
      %add3A_607 = arith.addf %scan3A_306, %mul3A_606 : vector<16xf32>
      %get3A_608 = arith.constant 1 : i32
      %get3A_609 = arith.index_cast %get3A_608 : i32 to index
      %get3A_610 = arith.index_cast %scan3A_265 : i32 to index
      %get3A_611 = arith.constant 656 : index
      %get3A_612 = tpu.vector_load %arg13[%get3A_609, %get3A_610, %get3A_611] {strides = array<i32>} : memref<2x64x768xf32, #tpu.memory_space<vmem>>, vector<16xf32>,
      %mul3A_613 = arith.mulf %gather3A_320, %get3A_612 : vector<16xf32>
      %add3A_614 = arith.addf %scan3A_307, %mul3A_613 : vector<16xf32>
      %get3A_615 = arith.constant 1 : i32
      %get3A_616 = arith.index_cast %get3A_615 : i32 to index
      %get3A_617 = arith.index_cast %scan3A_265 : i32 to index
      %get3A_618 = arith.constant 672 : index
      %get3A_619 = tpu.vector_load %arg13[%get3A_616, %get3A_617, %get3A_618] {strides = array<i32>} : memref<2x64x768xf32, #tpu.memory_space<vmem>>, vector<16xf32>,
      %mul3A_620 = arith.mulf %gather3A_320, %get3A_619 : vector<16xf32>
      %add3A_621 = arith.addf %scan3A_308, %mul3A_620 : vector<16xf32>
      %get3A_622 = arith.constant 1 : i32
      %get3A_623 = arith.index_cast %get3A_622 : i32 to index
      %get3A_624 = arith.index_cast %scan3A_265 : i32 to index
      %get3A_625 = arith.constant 688 : index
      %get3A_626 = tpu.vector_load %arg13[%get3A_623, %get3A_624, %get3A_625] {strides = array<i32>} : memref<2x64x768xf32, #tpu.memory_space<vmem>>, vector<16xf32>,
      %mul3A_627 = arith.mulf %gather3A_320, %get3A_626 : vector<16xf32>
      %add3A_628 = arith.addf %scan3A_309, %mul3A_627 : vector<16xf32>
      %get3A_629 = arith.constant 1 : i32
      %get3A_630 = arith.index_cast %get3A_629 : i32 to index
      %get3A_631 = arith.index_cast %scan3A_265 : i32 to index
      %get3A_632 = arith.constant 704 : index
      %get3A_633 = tpu.vector_load %arg13[%get3A_630, %get3A_631, %get3A_632] {strides = array<i32>} : memref<2x64x768xf32, #tpu.memory_space<vmem>>, vector<16xf32>,
      %mul3A_634 = arith.mulf %gather3A_320, %get3A_633 : vector<16xf32>
      %add3A_635 = arith.addf %scan3A_310, %mul3A_634 : vector<16xf32>
      %get3A_636 = arith.constant 1 : i32
      %get3A_637 = arith.index_cast %get3A_636 : i32 to index
      %get3A_638 = arith.index_cast %scan3A_265 : i32 to index
      %get3A_639 = arith.constant 720 : index
      %get3A_640 = tpu.vector_load %arg13[%get3A_637, %get3A_638, %get3A_639] {strides = array<i32>} : memref<2x64x768xf32, #tpu.memory_space<vmem>>, vector<16xf32>,
      %mul3A_641 = arith.mulf %gather3A_320, %get3A_640 : vector<16xf32>
      %add3A_642 = arith.addf %scan3A_311, %mul3A_641 : vector<16xf32>
      %get3A_643 = arith.constant 1 : i32
      %get3A_644 = arith.index_cast %get3A_643 : i32 to index
      %get3A_645 = arith.index_cast %scan3A_265 : i32 to index
      %get3A_646 = arith.constant 736 : index
      %get3A_647 = tpu.vector_load %arg13[%get3A_644, %get3A_645, %get3A_646] {strides = array<i32>} : memref<2x64x768xf32, #tpu.memory_space<vmem>>, vector<16xf32>,
      %mul3A_648 = arith.mulf %gather3A_320, %get3A_647 : vector<16xf32>
      %add3A_649 = arith.addf %scan3A_312, %mul3A_648 : vector<16xf32>
      %get3A_650 = arith.constant 1 : i32
      %get3A_651 = arith.index_cast %get3A_650 : i32 to index
      %get3A_652 = arith.index_cast %scan3A_265 : i32 to index
      %get3A_653 = arith.constant 752 : index
      %get3A_654 = tpu.vector_load %arg13[%get3A_651, %get3A_652, %get3A_653] {strides = array<i32>} : memref<2x64x768xf32, #tpu.memory_space<vmem>>, vector<16xf32>,
      %mul3A_655 = arith.mulf %gather3A_320, %get3A_654 : vector<16xf32>
      %add3A_656 = arith.addf %scan3A_313, %mul3A_655 : vector<16xf32>
      scf.yield %add3A_327, %add3A_334, %add3A_341, %add3A_348, %add3A_355, %add3A_362, %add3A_369, %add3A_376, %add3A_383, %add3A_390, %add3A_397, %add3A_404, %add3A_411, %add3A_418, %add3A_425, %add3A_432, %add3A_439, %add3A_446, %add3A_453, %add3A_460, %add3A_467, %add3A_474, %add3A_481, %add3A_488, %add3A_495, %add3A_502, %add3A_509, %add3A_516, %add3A_523, %add3A_530, %add3A_537, %add3A_544, %add3A_551, %add3A_558, %add3A_565, %add3A_572, %add3A_579, %add3A_586, %add3A_593, %add3A_600, %add3A_607, %add3A_614, %add3A_621, %add3A_628, %add3A_635, %add3A_642, %add3A_649, %add3A_656 : vector<16xf32>, vector<16xf32>, vector<16xf32>, vector<16xf32>, vector<16xf32>, vector<16xf32>, vector<16xf32>, vector<16xf32>, vector<16xf32>, vector<16xf32>, vector<16xf32>, vector<16xf32>, vector<16xf32>, vector<16xf32>, vector<16xf32>, vector<16xf32>, vector<16xf32>, vector<16xf32>, vector<16xf32>, vector<16xf32>, vector<16xf32>, vector<16xf32>, vector<16xf32>, vector<16xf32>, vector<16xf32>, vector<16xf32>, vector<16xf32>, vector<16xf32>, vector<16xf32>, vector<16xf32>, vector<16xf32>, vector<16xf32>, vector<16xf32>, vector<16xf32>, vector<16xf32>, vector<16xf32>, vector<16xf32>, vector<16xf32>, vector<16xf32>, vector<16xf32>, vector<16xf32>, vector<16xf32>, vector<16xf32>, vector<16xf32>, vector<16xf32>, vector<16xf32>, vector<16xf32>, vector<16xf32>
    }
    %scan3A_165 = arith.constant 64 : i32
    %swap3A = arith.constant 0 : index
    %swap3A_166 = tpu.vector_load %arg15[%swap3A] {strides = array<i32>} : memref<768xf32, #tpu.memory_space<vmem>>, vector<16xf32>,
    tpu.vector_store %arg15[%swap3A], %scan3A_164#0 {strides = array<i32>} : memref<768xf32, #tpu.memory_space<vmem>>, vector<16xf32>,
    %swap3A_167 = arith.constant 16 : index
    %swap3A_168 = tpu.vector_load %arg15[%swap3A_167] {strides = array<i32>} : memref<768xf32, #tpu.memory_space<vmem>>, vector<16xf32>,
    tpu.vector_store %arg15[%swap3A_167], %scan3A_164#1 {strides = array<i32>} : memref<768xf32, #tpu.memory_space<vmem>>, vector<16xf32>,
    %swap3A_169 = arith.constant 32 : index
    %swap3A_170 = tpu.vector_load %arg15[%swap3A_169] {strides = array<i32>} : memref<768xf32, #tpu.memory_space<vmem>>, vector<16xf32>,
    tpu.vector_store %arg15[%swap3A_169], %scan3A_164#2 {strides = array<i32>} : memref<768xf32, #tpu.memory_space<vmem>>, vector<16xf32>,
    %swap3A_171 = arith.constant 48 : index
    %swap3A_172 = tpu.vector_load %arg15[%swap3A_171] {strides = array<i32>} : memref<768xf32, #tpu.memory_space<vmem>>, vector<16xf32>,
    tpu.vector_store %arg15[%swap3A_171], %scan3A_164#3 {strides = array<i32>} : memref<768xf32, #tpu.memory_space<vmem>>, vector<16xf32>,
    %swap3A_173 = arith.constant 64 : index
    %swap3A_174 = tpu.vector_load %arg15[%swap3A_173] {strides = array<i32>} : memref<768xf32, #tpu.memory_space<vmem>>, vector<16xf32>,
    tpu.vector_store %arg15[%swap3A_173], %scan3A_164#4 {strides = array<i32>} : memref<768xf32, #tpu.memory_space<vmem>>, vector<16xf32>,
    %swap3A_175 = arith.constant 80 : index
    %swap3A_176 = tpu.vector_load %arg15[%swap3A_175] {strides = array<i32>} : memref<768xf32, #tpu.memory_space<vmem>>, vector<16xf32>,
    tpu.vector_store %arg15[%swap3A_175], %scan3A_164#5 {strides = array<i32>} : memref<768xf32, #tpu.memory_space<vmem>>, vector<16xf32>,
    %swap3A_177 = arith.constant 96 : index
    %swap3A_178 = tpu.vector_load %arg15[%swap3A_177] {strides = array<i32>} : memref<768xf32, #tpu.memory_space<vmem>>, vector<16xf32>,
    tpu.vector_store %arg15[%swap3A_177], %scan3A_164#6 {strides = array<i32>} : memref<768xf32, #tpu.memory_space<vmem>>, vector<16xf32>,
    %swap3A_179 = arith.constant 112 : index
    %swap3A_180 = tpu.vector_load %arg15[%swap3A_179] {strides = array<i32>} : memref<768xf32, #tpu.memory_space<vmem>>, vector<16xf32>,
    tpu.vector_store %arg15[%swap3A_179], %scan3A_164#7 {strides = array<i32>} : memref<768xf32, #tpu.memory_space<vmem>>, vector<16xf32>,
    %swap3A_181 = arith.constant 128 : index
    %swap3A_182 = tpu.vector_load %arg15[%swap3A_181] {strides = array<i32>} : memref<768xf32, #tpu.memory_space<vmem>>, vector<16xf32>,
    tpu.vector_store %arg15[%swap3A_181], %scan3A_164#8 {strides = array<i32>} : memref<768xf32, #tpu.memory_space<vmem>>, vector<16xf32>,
    %swap3A_183 = arith.constant 144 : index
    %swap3A_184 = tpu.vector_load %arg15[%swap3A_183] {strides = array<i32>} : memref<768xf32, #tpu.memory_space<vmem>>, vector<16xf32>,
    tpu.vector_store %arg15[%swap3A_183], %scan3A_164#9 {strides = array<i32>} : memref<768xf32, #tpu.memory_space<vmem>>, vector<16xf32>,
    %swap3A_185 = arith.constant 160 : index
    %swap3A_186 = tpu.vector_load %arg15[%swap3A_185] {strides = array<i32>} : memref<768xf32, #tpu.memory_space<vmem>>, vector<16xf32>,
    tpu.vector_store %arg15[%swap3A_185], %scan3A_164#10 {strides = array<i32>} : memref<768xf32, #tpu.memory_space<vmem>>, vector<16xf32>,
    %swap3A_187 = arith.constant 176 : index
    %swap3A_188 = tpu.vector_load %arg15[%swap3A_187] {strides = array<i32>} : memref<768xf32, #tpu.memory_space<vmem>>, vector<16xf32>,
    tpu.vector_store %arg15[%swap3A_187], %scan3A_164#11 {strides = array<i32>} : memref<768xf32, #tpu.memory_space<vmem>>, vector<16xf32>,
    %swap3A_189 = arith.constant 192 : index
    %swap3A_190 = tpu.vector_load %arg15[%swap3A_189] {strides = array<i32>} : memref<768xf32, #tpu.memory_space<vmem>>, vector<16xf32>,
    tpu.vector_store %arg15[%swap3A_189], %scan3A_164#12 {strides = array<i32>} : memref<768xf32, #tpu.memory_space<vmem>>, vector<16xf32>,
    %swap3A_191 = arith.constant 208 : index
    %swap3A_192 = tpu.vector_load %arg15[%swap3A_191] {strides = array<i32>} : memref<768xf32, #tpu.memory_space<vmem>>, vector<16xf32>,
    tpu.vector_store %arg15[%swap3A_191], %scan3A_164#13 {strides = array<i32>} : memref<768xf32, #tpu.memory_space<vmem>>, vector<16xf32>,
    %swap3A_193 = arith.constant 224 : index
    %swap3A_194 = tpu.vector_load %arg15[%swap3A_193] {strides = array<i32>} : memref<768xf32, #tpu.memory_space<vmem>>, vector<16xf32>,
    tpu.vector_store %arg15[%swap3A_193], %scan3A_164#14 {strides = array<i32>} : memref<768xf32, #tpu.memory_space<vmem>>, vector<16xf32>,
    %swap3A_195 = arith.constant 240 : index
    %swap3A_196 = tpu.vector_load %arg15[%swap3A_195] {strides = array<i32>} : memref<768xf32, #tpu.memory_space<vmem>>, vector<16xf32>,
    tpu.vector_store %arg15[%swap3A_195], %scan3A_164#15 {strides = array<i32>} : memref<768xf32, #tpu.memory_space<vmem>>, vector<16xf32>,
    %swap3A_197 = arith.constant 256 : index
    %swap3A_198 = tpu.vector_load %arg15[%swap3A_197] {strides = array<i32>} : memref<768xf32, #tpu.memory_space<vmem>>, vector<16xf32>,
    tpu.vector_store %arg15[%swap3A_197], %scan3A_164#16 {strides = array<i32>} : memref<768xf32, #tpu.memory_space<vmem>>, vector<16xf32>,
    %swap3A_199 = arith.constant 272 : index
    %swap3A_200 = tpu.vector_load %arg15[%swap3A_199] {strides = array<i32>} : memref<768xf32, #tpu.memory_space<vmem>>, vector<16xf32>,
    tpu.vector_store %arg15[%swap3A_199], %scan3A_164#17 {strides = array<i32>} : memref<768xf32, #tpu.memory_space<vmem>>, vector<16xf32>,
    %swap3A_201 = arith.constant 288 : index
    %swap3A_202 = tpu.vector_load %arg15[%swap3A_201] {strides = array<i32>} : memref<768xf32, #tpu.memory_space<vmem>>, vector<16xf32>,
    tpu.vector_store %arg15[%swap3A_201], %scan3A_164#18 {strides = array<i32>} : memref<768xf32, #tpu.memory_space<vmem>>, vector<16xf32>,
    %swap3A_203 = arith.constant 304 : index
    %swap3A_204 = tpu.vector_load %arg15[%swap3A_203] {strides = array<i32>} : memref<768xf32, #tpu.memory_space<vmem>>, vector<16xf32>,
    tpu.vector_store %arg15[%swap3A_203], %scan3A_164#19 {strides = array<i32>} : memref<768xf32, #tpu.memory_space<vmem>>, vector<16xf32>,
    %swap3A_205 = arith.constant 320 : index
    %swap3A_206 = tpu.vector_load %arg15[%swap3A_205] {strides = array<i32>} : memref<768xf32, #tpu.memory_space<vmem>>, vector<16xf32>,
    tpu.vector_store %arg15[%swap3A_205], %scan3A_164#20 {strides = array<i32>} : memref<768xf32, #tpu.memory_space<vmem>>, vector<16xf32>,
    %swap3A_207 = arith.constant 336 : index
    %swap3A_208 = tpu.vector_load %arg15[%swap3A_207] {strides = array<i32>} : memref<768xf32, #tpu.memory_space<vmem>>, vector<16xf32>,
    tpu.vector_store %arg15[%swap3A_207], %scan3A_164#21 {strides = array<i32>} : memref<768xf32, #tpu.memory_space<vmem>>, vector<16xf32>,
    %swap3A_209 = arith.constant 352 : index
    %swap3A_210 = tpu.vector_load %arg15[%swap3A_209] {strides = array<i32>} : memref<768xf32, #tpu.memory_space<vmem>>, vector<16xf32>,
    tpu.vector_store %arg15[%swap3A_209], %scan3A_164#22 {strides = array<i32>} : memref<768xf32, #tpu.memory_space<vmem>>, vector<16xf32>,
    %swap3A_211 = arith.constant 368 : index
    %swap3A_212 = tpu.vector_load %arg15[%swap3A_211] {strides = array<i32>} : memref<768xf32, #tpu.memory_space<vmem>>, vector<16xf32>,
    tpu.vector_store %arg15[%swap3A_211], %scan3A_164#23 {strides = array<i32>} : memref<768xf32, #tpu.memory_space<vmem>>, vector<16xf32>,
    %swap3A_213 = arith.constant 384 : index
    %swap3A_214 = tpu.vector_load %arg15[%swap3A_213] {strides = array<i32>} : memref<768xf32, #tpu.memory_space<vmem>>, vector<16xf32>,
    tpu.vector_store %arg15[%swap3A_213], %scan3A_164#24 {strides = array<i32>} : memref<768xf32, #tpu.memory_space<vmem>>, vector<16xf32>,
    %swap3A_215 = arith.constant 400 : index
    %swap3A_216 = tpu.vector_load %arg15[%swap3A_215] {strides = array<i32>} : memref<768xf32, #tpu.memory_space<vmem>>, vector<16xf32>,
    tpu.vector_store %arg15[%swap3A_215], %scan3A_164#25 {strides = array<i32>} : memref<768xf32, #tpu.memory_space<vmem>>, vector<16xf32>,
    %swap3A_217 = arith.constant 416 : index
    %swap3A_218 = tpu.vector_load %arg15[%swap3A_217] {strides = array<i32>} : memref<768xf32, #tpu.memory_space<vmem>>, vector<16xf32>,
    tpu.vector_store %arg15[%swap3A_217], %scan3A_164#26 {strides = array<i32>} : memref<768xf32, #tpu.memory_space<vmem>>, vector<16xf32>,
    %swap3A_219 = arith.constant 432 : index
    %swap3A_220 = tpu.vector_load %arg15[%swap3A_219] {strides = array<i32>} : memref<768xf32, #tpu.memory_space<vmem>>, vector<16xf32>,
    tpu.vector_store %arg15[%swap3A_219], %scan3A_164#27 {strides = array<i32>} : memref<768xf32, #tpu.memory_space<vmem>>, vector<16xf32>,
    %swap3A_221 = arith.constant 448 : index
    %swap3A_222 = tpu.vector_load %arg15[%swap3A_221] {strides = array<i32>} : memref<768xf32, #tpu.memory_space<vmem>>, vector<16xf32>,
    tpu.vector_store %arg15[%swap3A_221], %scan3A_164#28 {strides = array<i32>} : memref<768xf32, #tpu.memory_space<vmem>>, vector<16xf32>,
    %swap3A_223 = arith.constant 464 : index
    %swap3A_224 = tpu.vector_load %arg15[%swap3A_223] {strides = array<i32>} : memref<768xf32, #tpu.memory_space<vmem>>, vector<16xf32>,
    tpu.vector_store %arg15[%swap3A_223], %scan3A_164#29 {strides = array<i32>} : memref<768xf32, #tpu.memory_space<vmem>>, vector<16xf32>,
    %swap3A_225 = arith.constant 480 : index
    %swap3A_226 = tpu.vector_load %arg15[%swap3A_225] {strides = array<i32>} : memref<768xf32, #tpu.memory_space<vmem>>, vector<16xf32>,
    tpu.vector_store %arg15[%swap3A_225], %scan3A_164#30 {strides = array<i32>} : memref<768xf32, #tpu.memory_space<vmem>>, vector<16xf32>,
    %swap3A_227 = arith.constant 496 : index
    %swap3A_228 = tpu.vector_load %arg15[%swap3A_227] {strides = array<i32>} : memref<768xf32, #tpu.memory_space<vmem>>, vector<16xf32>,
    tpu.vector_store %arg15[%swap3A_227], %scan3A_164#31 {strides = array<i32>} : memref<768xf32, #tpu.memory_space<vmem>>, vector<16xf32>,
    %swap3A_229 = arith.constant 512 : index
    %swap3A_230 = tpu.vector_load %arg15[%swap3A_229] {strides = array<i32>} : memref<768xf32, #tpu.memory_space<vmem>>, vector<16xf32>,
    tpu.vector_store %arg15[%swap3A_229], %scan3A_164#32 {strides = array<i32>} : memref<768xf32, #tpu.memory_space<vmem>>, vector<16xf32>,
    %swap3A_231 = arith.constant 528 : index
    %swap3A_232 = tpu.vector_load %arg15[%swap3A_231] {strides = array<i32>} : memref<768xf32, #tpu.memory_space<vmem>>, vector<16xf32>,
    tpu.vector_store %arg15[%swap3A_231], %scan3A_164#33 {strides = array<i32>} : memref<768xf32, #tpu.memory_space<vmem>>, vector<16xf32>,
    %swap3A_233 = arith.constant 544 : index
    %swap3A_234 = tpu.vector_load %arg15[%swap3A_233] {strides = array<i32>} : memref<768xf32, #tpu.memory_space<vmem>>, vector<16xf32>,
    tpu.vector_store %arg15[%swap3A_233], %scan3A_164#34 {strides = array<i32>} : memref<768xf32, #tpu.memory_space<vmem>>, vector<16xf32>,
    %swap3A_235 = arith.constant 560 : index
    %swap3A_236 = tpu.vector_load %arg15[%swap3A_235] {strides = array<i32>} : memref<768xf32, #tpu.memory_space<vmem>>, vector<16xf32>,
    tpu.vector_store %arg15[%swap3A_235], %scan3A_164#35 {strides = array<i32>} : memref<768xf32, #tpu.memory_space<vmem>>, vector<16xf32>,
    %swap3A_237 = arith.constant 576 : index
    %swap3A_238 = tpu.vector_load %arg15[%swap3A_237] {strides = array<i32>} : memref<768xf32, #tpu.memory_space<vmem>>, vector<16xf32>,
    tpu.vector_store %arg15[%swap3A_237], %scan3A_164#36 {strides = array<i32>} : memref<768xf32, #tpu.memory_space<vmem>>, vector<16xf32>,
    %swap3A_239 = arith.constant 592 : index
    %swap3A_240 = tpu.vector_load %arg15[%swap3A_239] {strides = array<i32>} : memref<768xf32, #tpu.memory_space<vmem>>, vector<16xf32>,
    tpu.vector_store %arg15[%swap3A_239], %scan3A_164#37 {strides = array<i32>} : memref<768xf32, #tpu.memory_space<vmem>>, vector<16xf32>,
    %swap3A_241 = arith.constant 608 : index
    %swap3A_242 = tpu.vector_load %arg15[%swap3A_241] {strides = array<i32>} : memref<768xf32, #tpu.memory_space<vmem>>, vector<16xf32>,
    tpu.vector_store %arg15[%swap3A_241], %scan3A_164#38 {strides = array<i32>} : memref<768xf32, #tpu.memory_space<vmem>>, vector<16xf32>,
    %swap3A_243 = arith.constant 624 : index
    %swap3A_244 = tpu.vector_load %arg15[%swap3A_243] {strides = array<i32>} : memref<768xf32, #tpu.memory_space<vmem>>, vector<16xf32>,
    tpu.vector_store %arg15[%swap3A_243], %scan3A_164#39 {strides = array<i32>} : memref<768xf32, #tpu.memory_space<vmem>>, vector<16xf32>,
    %swap3A_245 = arith.constant 640 : index
    %swap3A_246 = tpu.vector_load %arg15[%swap3A_245] {strides = array<i32>} : memref<768xf32, #tpu.memory_space<vmem>>, vector<16xf32>,
    tpu.vector_store %arg15[%swap3A_245], %scan3A_164#40 {strides = array<i32>} : memref<768xf32, #tpu.memory_space<vmem>>, vector<16xf32>,
    %swap3A_247 = arith.constant 656 : index
    %swap3A_248 = tpu.vector_load %arg15[%swap3A_247] {strides = array<i32>} : memref<768xf32, #tpu.memory_space<vmem>>, vector<16xf32>,
    tpu.vector_store %arg15[%swap3A_247], %scan3A_164#41 {strides = array<i32>} : memref<768xf32, #tpu.memory_space<vmem>>, vector<16xf32>,
    %swap3A_249 = arith.constant 672 : index
    %swap3A_250 = tpu.vector_load %arg15[%swap3A_249] {strides = array<i32>} : memref<768xf32, #tpu.memory_space<vmem>>, vector<16xf32>,
    tpu.vector_store %arg15[%swap3A_249], %scan3A_164#42 {strides = array<i32>} : memref<768xf32, #tpu.memory_space<vmem>>, vector<16xf32>,
    %swap3A_251 = arith.constant 688 : index
    %swap3A_252 = tpu.vector_load %arg15[%swap3A_251] {strides = array<i32>} : memref<768xf32, #tpu.memory_space<vmem>>, vector<16xf32>,
    tpu.vector_store %arg15[%swap3A_251], %scan3A_164#43 {strides = array<i32>} : memref<768xf32, #tpu.memory_space<vmem>>, vector<16xf32>,
    %swap3A_253 = arith.constant 704 : index
    %swap3A_254 = tpu.vector_load %arg15[%swap3A_253] {strides = array<i32>} : memref<768xf32, #tpu.memory_space<vmem>>, vector<16xf32>,
    tpu.vector_store %arg15[%swap3A_253], %scan3A_164#44 {strides = array<i32>} : memref<768xf32, #tpu.memory_space<vmem>>, vector<16xf32>,
    %swap3A_255 = arith.constant 720 : index
    %swap3A_256 = tpu.vector_load %arg15[%swap3A_255] {strides = array<i32>} : memref<768xf32, #tpu.memory_space<vmem>>, vector<16xf32>,
    tpu.vector_store %arg15[%swap3A_255], %scan3A_164#45 {strides = array<i32>} : memref<768xf32, #tpu.memory_space<vmem>>, vector<16xf32>,
    %swap3A_257 = arith.constant 736 : index
    %swap3A_258 = tpu.vector_load %arg15[%swap3A_257] {strides = array<i32>} : memref<768xf32, #tpu.memory_space<vmem>>, vector<16xf32>,
    tpu.vector_store %arg15[%swap3A_257], %scan3A_164#46 {strides = array<i32>} : memref<768xf32, #tpu.memory_space<vmem>>, vector<16xf32>,
    %swap3A_259 = arith.constant 752 : index
    %swap3A_260 = tpu.vector_load %arg15[%swap3A_259] {strides = array<i32>} : memref<768xf32, #tpu.memory_space<vmem>>, vector<16xf32>,
    tpu.vector_store %arg15[%swap3A_259], %scan3A_164#47 {strides = array<i32>} : memref<768xf32, #tpu.memory_space<vmem>>, vector<16xf32>,
    %mul3A_261 = arith.constant 256 : i32
    %mul3A_262 = arith.muli %add3A, %mul3A_261 : i32
    %add3A_263 = arith.constant 255 : i32
    %add3A_264 = arith.addi %mul3A_262, %add3A_263 : i32
    "tpu.region"() ({
      %run_scoped3A = tpu.sem_alloc : memref<!tpu.dma_semaphore, #tpu.memory_space<semaphore_mem>>
      %dma_start3A_265 = arith.constant 0 : i32
      %dma_start3A_266 = tpu.memref_slice %arg7[%add3A_264, %dma_start3A_265] : memref<8192x768xf32, #tpu.memory_space<hbm>> -> memref<1x768xf32, #tpu.memory_space<hbm>>
      %dma_start3A_267 = tpu.memref_squeeze %dma_start3A_266 : memref<1x768xf32, #tpu.memory_space<hbm>> -> memref<768xf32, #tpu.memory_space<hbm>>
      %dma_start3A_268 = arith.constant 0 : i32
      %dma_start3A_269 = tpu.memref_slice %arg7[%add3A_264, %dma_start3A_268] : memref<8192x768xf32, #tpu.memory_space<hbm>> -> memref<1x768xf32, #tpu.memory_space<hbm>>
      %dma_start3A_270 = tpu.memref_squeeze %dma_start3A_269 : memref<1x768xf32, #tpu.memory_space<hbm>> -> memref<768xf32, #tpu.memory_space<hbm>>
      tpu.enqueue_dma source(%arg15 : memref<768xf32, #tpu.memory_space<vmem>>) target(%dma_start3A_270 : memref<768xf32, #tpu.memory_space<hbm>>) target_semaphore(%run_scoped3A : memref<!tpu.dma_semaphore, #tpu.memory_space<semaphore_mem>>)
      %dma_wait3A_271 = arith.constant 0 : i32
      %dma_wait3A_272 = tpu.memref_slice %arg7[%add3A_264, %dma_wait3A_271] : memref<8192x768xf32, #tpu.memory_space<hbm>> -> memref<1x768xf32, #tpu.memory_space<hbm>>
      %dma_wait3A_273 = tpu.memref_squeeze %dma_wait3A_272 : memref<1x768xf32, #tpu.memory_space<hbm>> -> memref<768xf32, #tpu.memory_space<hbm>>
      %dma_wait3A_274 = arith.constant 0 : i32
      %dma_wait3A_275 = tpu.memref_slice %arg7[%add3A_264, %dma_wait3A_274] : memref<8192x768xf32, #tpu.memory_space<hbm>> -> memref<1x768xf32, #tpu.memory_space<hbm>>
      %dma_wait3A_276 = tpu.memref_squeeze %dma_wait3A_275 : memref<1x768xf32, #tpu.memory_space<hbm>> -> memref<768xf32, #tpu.memory_space<hbm>>
      tpu.wait_dma2 semaphore(%run_scoped3A : memref<!tpu.dma_semaphore, #tpu.memory_space<semaphore_mem>>) src(%arg15 : memref<768xf32, #tpu.memory_space<vmem>>) dst(%dma_wait3A_276 : memref<768xf32, #tpu.memory_space<hbm>>)
      tpu.yield
    }) : () -> ()
    return
  }
}

#map = affine_map<(d0, d1) -> (0, 0)>
#map1 = affine_map<(d0, d1) -> (0)>
module attributes {stable_mosaic.version = 14 : i64} {
  func.func @k(%arg0: i32, %arg1: i32, %arg2: memref<8192x768xf32, #tpu.memory_space<hbm>>, %arg3: memref<18432xi32, #tpu.memory_space<hbm>>, %arg4: memref<18432x768xf32, #tpu.memory_space<hbm>>, %arg5: memref<576xi32, #tpu.memory_space<vmem>>, %arg6: memref<96x768xf32, #tpu.memory_space<vmem>>, %arg7: memref<!tpu.dma_semaphore, #tpu.memory_space<semaphore_mem>>) attributes {dimension_semantics = [#tpu.dimension_semantics<core_parallel>, #tpu.dimension_semantics<subcore_parallel>], iteration_bounds = array<i64: 2, 16>, scalar_prefetch = 0 : i64, scratch_operands = 3 : i64, tpu.core_type = #tpu.core_type<sc_vector_subcore>, window_params = [{transform_indices = #map}, {transform_indices = #map1}, {transform_indices = #map}]} {
    %mul3A = arith.constant 2 : i32
    %mul3A_0 = arith.muli %arg1, %mul3A : i32
    %add3A = arith.addi %mul3A_0, %arg0 : i32
    %mul3A_1 = arith.constant 576 : i32
    %mul3A_2 = arith.muli %add3A, %mul3A_1 : i32
    "tpu.region"() ({
      %run_scoped3A = tpu.sem_alloc : memref<!tpu.dma_semaphore, #tpu.memory_space<semaphore_mem>>
      %dma_start3A = tpu.memref_slice %arg3[%mul3A_2] : memref<18432xi32, #tpu.memory_space<hbm>> -> memref<576xi32, #tpu.memory_space<hbm>>
      %dma_start3A_8 = tpu.memref_slice %arg3[%mul3A_2] : memref<18432xi32, #tpu.memory_space<hbm>> -> memref<576xi32, #tpu.memory_space<hbm>>
      tpu.enqueue_dma source(%dma_start3A_8 : memref<576xi32, #tpu.memory_space<hbm>>) target(%arg5 : memref<576xi32, #tpu.memory_space<vmem>>) target_semaphore(%run_scoped3A : memref<!tpu.dma_semaphore, #tpu.memory_space<semaphore_mem>>)
      %dma_wait3A = tpu.memref_slice %arg3[%mul3A_2] : memref<18432xi32, #tpu.memory_space<hbm>> -> memref<576xi32, #tpu.memory_space<hbm>>
      %dma_wait3A_9 = tpu.memref_slice %arg3[%mul3A_2] : memref<18432xi32, #tpu.memory_space<hbm>> -> memref<576xi32, #tpu.memory_space<hbm>>
      tpu.wait_dma2 semaphore(%run_scoped3A : memref<!tpu.dma_semaphore, #tpu.memory_space<semaphore_mem>>) src(%dma_wait3A_9 : memref<576xi32, #tpu.memory_space<hbm>>) dst(%arg5 : memref<576xi32, #tpu.memory_space<vmem>>)
      tpu.yield
    }) : () -> ()
    %scan3A = arith.constant 0 : i32
    %scan3A_3 = arith.constant 0 : i32
    %scan3A_4 = arith.constant 6 : i32
    %scan3A_5 = arith.addi %scan3A_3, %scan3A_4 : i32
    %scan3A_6 = arith.constant 1 : i32
    scf.for %scan3A_8 = %scan3A_3 to %scan3A_5 step %scan3A_6  : i32 {
      %mul3A_9 = arith.constant 96 : i32
      %mul3A_10 = arith.muli %scan3A_8, %mul3A_9 : i32
      %dma_start3A = tpu.memref_slice %arg5[%mul3A_10] : memref<576xi32, #tpu.memory_space<vmem>> -> memref<96xi32, #tpu.memory_space<vmem>>
      %dma_start3A_11 = arith.constant 0 : i32
      %dma_start3A_12 = arith.constant 0 : i32
      %dma_start3A_13 = tpu.memref_slice %arg2[%dma_start3A_11, %dma_start3A_12] : memref<8192x768xf32, #tpu.memory_space<hbm>> -> memref<8192x768xf32, #tpu.memory_space<hbm>>
      tpu.enqueue_indirect_dma source(%dma_start3A_13 : memref<8192x768xf32, #tpu.memory_space<hbm>>) target(%arg6 : memref<96x768xf32, #tpu.memory_space<vmem>>) offsets(%dma_start3A : memref<96xi32, #tpu.memory_space<vmem>>) semaphore(%arg7 : memref<!tpu.dma_semaphore, #tpu.memory_space<semaphore_mem>>)
      %dma_wait3A = tpu.memref_slice %arg5[%mul3A_10] : memref<576xi32, #tpu.memory_space<vmem>> -> memref<96xi32, #tpu.memory_space<vmem>>
      %dma_wait3A_14 = arith.constant 0 : i32
      %dma_wait3A_15 = arith.constant 0 : i32
      %dma_wait3A_16 = tpu.memref_slice %arg2[%dma_wait3A_14, %dma_wait3A_15] : memref<8192x768xf32, #tpu.memory_space<hbm>> -> memref<8192x768xf32, #tpu.memory_space<hbm>>
      tpu.wait_indirect_dma semaphore(%arg7 : memref<!tpu.dma_semaphore, #tpu.memory_space<semaphore_mem>>) src(%dma_wait3A_16 : memref<8192x768xf32, #tpu.memory_space<hbm>>) dst(%arg6 : memref<96x768xf32, #tpu.memory_space<vmem>>)
      %mul3A_17 = arith.constant 96 : i32
      %mul3A_18 = arith.muli %scan3A_8, %mul3A_17 : i32
      %add3A_19 = arith.addi %mul3A_2, %mul3A_18 : i32
      "tpu.region"() ({
        %run_scoped3A = tpu.sem_alloc : memref<!tpu.dma_semaphore, #tpu.memory_space<semaphore_mem>>
        %dma_start3A_20 = arith.constant 0 : i32
        %dma_start3A_21 = tpu.memref_slice %arg4[%add3A_19, %dma_start3A_20] : memref<18432x768xf32, #tpu.memory_space<hbm>> -> memref<96x768xf32, #tpu.memory_space<hbm>>
        %dma_start3A_22 = arith.constant 0 : i32
        %dma_start3A_23 = tpu.memref_slice %arg4[%add3A_19, %dma_start3A_22] : memref<18432x768xf32, #tpu.memory_space<hbm>> -> memref<96x768xf32, #tpu.memory_space<hbm>>
        tpu.enqueue_dma source(%arg6 : memref<96x768xf32, #tpu.memory_space<vmem>>) target(%dma_start3A_23 : memref<96x768xf32, #tpu.memory_space<hbm>>) target_semaphore(%run_scoped3A : memref<!tpu.dma_semaphore, #tpu.memory_space<semaphore_mem>>)
        %dma_wait3A_24 = arith.constant 0 : i32
        %dma_wait3A_25 = tpu.memref_slice %arg4[%add3A_19, %dma_wait3A_24] : memref<18432x768xf32, #tpu.memory_space<hbm>> -> memref<96x768xf32, #tpu.memory_space<hbm>>
        %dma_wait3A_26 = arith.constant 0 : i32
        %dma_wait3A_27 = tpu.memref_slice %arg4[%add3A_19, %dma_wait3A_26] : memref<18432x768xf32, #tpu.memory_space<hbm>> -> memref<96x768xf32, #tpu.memory_space<hbm>>
        tpu.wait_dma2 semaphore(%run_scoped3A : memref<!tpu.dma_semaphore, #tpu.memory_space<semaphore_mem>>) src(%arg6 : memref<96x768xf32, #tpu.memory_space<vmem>>) dst(%dma_wait3A_27 : memref<96x768xf32, #tpu.memory_space<hbm>>)
        tpu.yield
      }) : () -> ()
    }
    %scan3A_7 = arith.constant 6 : i32
    return
  }
}

module attributes {stable_mosaic.version = 14 : i64} {
  func.func @_gate_body(%arg0: i32, %arg1: memref<256x768xf32, #tpu.memory_space<vmem>>, %arg2: memref<768x16xf32, #tpu.memory_space<vmem>>, %arg3: memref<1x16xf32, #tpu.memory_space<vmem>>, %arg4: memref<1x768xf32, #tpu.memory_space<vmem>>, %arg5: memref<256x2xi32, #tpu.memory_space<vmem>>, %arg6: memref<256x2xf32, #tpu.memory_space<vmem>>) attributes {dimension_semantics = [#tpu.dimension_semantics<arbitrary>], iteration_bounds = array<i64: 32>, scalar_prefetch = 0 : i64, scratch_operands = 0 : i64, tpu.core_type = #tpu.core_type<tc>, window_params = [{transform_indices = @transform_0, window_bounds = array<i64: 256, 768>}, {pipeline_mode = #tpu.pipeline_mode<synchronous>, transform_indices = @transform_1, window_bounds = array<i64: 768, 16>}, {pipeline_mode = #tpu.pipeline_mode<synchronous>, transform_indices = @transform_2, window_bounds = array<i64: 1, 16>}, {pipeline_mode = #tpu.pipeline_mode<synchronous>, transform_indices = @transform_3, window_bounds = array<i64: 1, 768>}, {transform_indices = @transform_4, window_bounds = array<i64: 256, 2>}, {transform_indices = @transform_5, window_bounds = array<i64: 256, 2>}]} {
    %get3A = arith.constant 0 : index
    %get3A_0 = arith.constant 0 : index
    %get3A_1 = vector.load %arg1[%get3A, %get3A_0] : memref<256x768xf32, #tpu.memory_space<vmem>>, vector<256x768xf32>
    %get3A_2 = arith.constant 0 : index
    %get3A_3 = arith.constant 0 : index
    %get3A_4 = vector.load %arg4[%get3A_2, %get3A_3] : memref<1x768xf32, #tpu.memory_space<vmem>>, vector<1x768xf32>
    %sub3A = vector.broadcast %get3A_4 : vector<1x768xf32> to vector<256x768xf32>
    %sub3A_5 = arith.subf %get3A_1, %sub3A : vector<256x768xf32>
    %get3A_6 = arith.constant 0 : index
    %get3A_7 = arith.constant 0 : index
    %get3A_8 = vector.load %arg2[%get3A_6, %get3A_7] : memref<768x16xf32, #tpu.memory_space<vmem>>, vector<768x16xf32>
    %dot_general3A = arith.constant dense<0.000000e+00> : vector<256x16xf32>
    %dot_general3A_9 = tpu.matmul %sub3A_5, %get3A_8, %dot_general3A {dimension_numbers = #tpu.dot_dimension_numbers<[1], [0], [0], [1], [0, 0, 1, 1], [], []>, transpose_lhs_hint = false} : vector<256x768xf32>, vector<768x16xf32>, vector<256x16xf32> -> vector<256x16xf32>
    %get3A_10 = arith.constant 0 : index
    %get3A_11 = arith.constant 0 : index
    %get3A_12 = vector.load %arg3[%get3A_10, %get3A_11] : memref<1x16xf32, #tpu.memory_space<vmem>>, vector<1x16xf32>
    %add3A = vector.broadcast %get3A_12 : vector<1x16xf32> to vector<256x16xf32>
    %add3A_13 = arith.addf %dot_general3A_9, %add3A : vector<256x16xf32>
    %reduce_max3A = arith.constant dense<0xFF800000> : vector<256xf32>
    %reduce_max3A_14 = vector.multi_reduction <maximumf>, %add3A_13, %reduce_max3A [1] : vector<256x16xf32> to vector<256xf32>
    %max3A = arith.constant 0xFF800000 : f32
    %max3A_15 = vector.broadcast %max3A : f32 to vector<256xf32>
    %max3A_16 = arith.maximumf %max3A_15, %reduce_max3A_14 : vector<256xf32>
    %broadcast_in_dim3A = vector.shape_cast %max3A_16 : vector<256xf32> to vector<256x1xf32>
    %sub3A_17 = vector.broadcast %broadcast_in_dim3A : vector<256x1xf32> to vector<256x16xf32>
    %sub3A_18 = arith.subf %add3A_13, %sub3A_17 : vector<256x16xf32>
    %exp3A = math.exp %sub3A_18 : vector<256x16xf32>
    %reduce_sum3A = arith.constant dense<0.000000e+00> : vector<256xf32>
    %reduce_sum3A_19 = vector.multi_reduction <add>, %exp3A, %reduce_sum3A [1] : vector<256x16xf32> to vector<256xf32>
    %broadcast_in_dim3A_20 = vector.shape_cast %reduce_sum3A_19 : vector<256xf32> to vector<256x1xf32>
    %div3A = vector.broadcast %broadcast_in_dim3A_20 : vector<256x1xf32> to vector<256x16xf32>
    %div3A_21 = arith.divf %exp3A, %div3A : vector<256x16xf32>
    %iota3A = tpu.iota {dimensions = array<i32: 1>} : vector<256x16xi32>
    %reduce_max3A_22 = arith.constant dense<0xFF800000> : vector<256xf32>
    %reduce_max3A_23 = vector.multi_reduction <maximumf>, %div3A_21, %reduce_max3A_22 [1] : vector<256x16xf32> to vector<256xf32>
    %broadcast_in_dim3A_24 = vector.shape_cast %reduce_max3A_23 : vector<256xf32> to vector<256x1xf32>
    %ge3A = vector.broadcast %broadcast_in_dim3A_24 : vector<256x1xf32> to vector<256x16xf32>
    %ge3A_25 = arith.cmpf oge, %div3A_21, %ge3A : vector<256x16xf32>
    %jit3A = arith.constant 16 : i32
    %broadcast_in_dim3A_26 = vector.broadcast %jit3A : i32 to vector<256x16xi32>
    %select_n3A = arith.select %ge3A_25, %iota3A, %broadcast_in_dim3A_26 : vector<256x16xi1>, vector<256x16xi32>
    %reduce_min3A = arith.constant dense<2147483647> : vector<256xi32>
    %reduce_min3A_27 = vector.multi_reduction <minsi>, %select_n3A, %reduce_min3A [1] : vector<256x16xi32> to vector<256xi32>
    %broadcast_in_dim3A_28 = vector.shape_cast %reduce_min3A_27 : vector<256xi32> to vector<256x1xi32>
    %eq3A = vector.broadcast %broadcast_in_dim3A_28 : vector<256x1xi32> to vector<256x16xi32>
    %eq3A_29 = arith.cmpi eq, %iota3A, %eq3A : vector<256x16xi32>
    %jit3A_30 = arith.constant 0xFF800000 : f32
    %broadcast_in_dim3A_31 = vector.broadcast %jit3A_30 : f32 to vector<256x16xf32>
    %select_n3A_32 = arith.select %eq3A_29, %broadcast_in_dim3A_31, %div3A_21 : vector<256x16xi1>, vector<256x16xf32>
    %reduce_max3A_33 = arith.constant dense<0xFF800000> : vector<256xf32>
    %reduce_max3A_34 = vector.multi_reduction <maximumf>, %select_n3A_32, %reduce_max3A_33 [1] : vector<256x16xf32> to vector<256xf32>
    %broadcast_in_dim3A_35 = vector.shape_cast %reduce_max3A_34 : vector<256xf32> to vector<256x1xf32>
    %ge3A_36 = vector.broadcast %broadcast_in_dim3A_35 : vector<256x1xf32> to vector<256x16xf32>
    %ge3A_37 = arith.cmpf oge, %select_n3A_32, %ge3A_36 : vector<256x16xf32>
    %jit3A_38 = arith.constant 16 : i32
    %broadcast_in_dim3A_39 = vector.broadcast %jit3A_38 : i32 to vector<256x16xi32>
    %select_n3A_40 = arith.select %ge3A_37, %iota3A, %broadcast_in_dim3A_39 : vector<256x16xi1>, vector<256x16xi32>
    %reduce_min3A_41 = arith.constant dense<2147483647> : vector<256xi32>
    %reduce_min3A_42 = vector.multi_reduction <minsi>, %select_n3A_40, %reduce_min3A_41 [1] : vector<256x16xi32> to vector<256xi32>
    %broadcast_in_dim3A_43 = vector.shape_cast %reduce_min3A_42 : vector<256xi32> to vector<256x1xi32>
    %sub3A_44 = arith.subf %broadcast_in_dim3A_35, %broadcast_in_dim3A_24 : vector<256x1xf32>
    %exp3A_45 = math.exp %sub3A_44 : vector<256x1xf32>
    %add3A_46 = arith.constant 1.000000e+00 : f32
    %add3A_47 = vector.broadcast %add3A_46 : f32 to vector<256x1xf32>
    %add3A_48 = arith.addf %add3A_47, %exp3A_45 : vector<256x1xf32>
    %div3A_49 = arith.constant 1.000000e+00 : f32
    %div3A_50 = vector.broadcast %div3A_49 : f32 to vector<256x1xf32>
    %div3A_51 = arith.divf %div3A_50, %add3A_48 : vector<256x1xf32>
    %add3A_52 = arith.constant 1.000000e+00 : f32
    %add3A_53 = vector.broadcast %add3A_52 : f32 to vector<256x1xf32>
    %add3A_54 = arith.addf %add3A_53, %exp3A_45 : vector<256x1xf32>
    %div3A_55 = arith.divf %exp3A_45, %add3A_54 : vector<256x1xf32>
    %concatenate3A = tpu.concatenate %broadcast_in_dim3A_28, %broadcast_in_dim3A_43 in 1 : vector<256x1xi32>, vector<256x1xi32> -> vector<256x2xi32>
    %swap3A = arith.constant 0 : index
    %swap3A_56 = arith.constant 0 : index
    %swap3A_57 = vector.load %arg5[%swap3A, %swap3A_56] : memref<256x2xi32, #tpu.memory_space<vmem>>, vector<256x2xi32>
    tpu.vector_store %arg5[%swap3A, %swap3A_56], %concatenate3A {strides = array<i32>} : memref<256x2xi32, #tpu.memory_space<vmem>>, vector<256x2xi32>,
    %concatenate3A_58 = tpu.concatenate %div3A_51, %div3A_55 in 1 : vector<256x1xf32>, vector<256x1xf32> -> vector<256x2xf32>
    %swap3A_59 = arith.constant 0 : index
    %swap3A_60 = arith.constant 0 : index
    %swap3A_61 = vector.load %arg6[%swap3A_59, %swap3A_60] : memref<256x2xf32, #tpu.memory_space<vmem>>, vector<256x2xf32>
    tpu.vector_store %arg6[%swap3A_59, %swap3A_60], %concatenate3A_58 {strides = array<i32>} : memref<256x2xf32, #tpu.memory_space<vmem>>, vector<256x2xf32>,
    return
  }
  func.func @transform_0(%arg0: i32) -> (i32, i32) {
    %c0_i32 = arith.constant 0 : i32
    %c0_i32_0 = arith.constant 0 : i32
    return %arg0, %c0_i32 : i32, i32
  }
  func.func @transform_1(%arg0: i32) -> (i32, i32) {
    %c0_i32 = arith.constant 0 : i32
    %c0_i32_0 = arith.constant 0 : i32
    %c0_i32_1 = arith.constant 0 : i32
    return %c0_i32, %c0_i32_0 : i32, i32
  }
  func.func @transform_2(%arg0: i32) -> (i32, i32) {
    %c0_i32 = arith.constant 0 : i32
    %c0_i32_0 = arith.constant 0 : i32
    %c0_i32_1 = arith.constant 0 : i32
    return %c0_i32, %c0_i32_0 : i32, i32
  }
  func.func @transform_3(%arg0: i32) -> (i32, i32) {
    %c0_i32 = arith.constant 0 : i32
    %c0_i32_0 = arith.constant 0 : i32
    %c0_i32_1 = arith.constant 0 : i32
    return %c0_i32, %c0_i32_0 : i32, i32
  }
  func.func @transform_4(%arg0: i32) -> (i32, i32) {
    %c0_i32 = arith.constant 0 : i32
    %c0_i32_0 = arith.constant 0 : i32
    return %arg0, %c0_i32 : i32, i32
  }
  func.func @transform_5(%arg0: i32) -> (i32, i32) {
    %c0_i32 = arith.constant 0 : i32
    %c0_i32_0 = arith.constant 0 : i32
    return %arg0, %c0_i32 : i32, i32
  }
}

module attributes {stable_mosaic.version = 14 : i64} {
  func.func @_gemm_body(%arg0: i32, %arg1: memref<144xi32, #tpu.memory_space<smem>>, %arg2: memref<128x768xf32, #tpu.memory_space<vmem>>, %arg3: memref<128x1xf32, #tpu.memory_space<vmem>>, %arg4: memref<1x1536x768xf32, #tpu.memory_space<vmem>>, %arg5: memref<1x1x1536xf32, #tpu.memory_space<vmem>>, %arg6: memref<1x768xf32, #tpu.memory_space<vmem>>, %arg7: memref<128x1536xf32, #tpu.memory_space<vmem>>) attributes {dimension_semantics = [#tpu.dimension_semantics<arbitrary>], iteration_bounds = array<i64: 144>, scalar_prefetch = 1 : i64, scratch_operands = 0 : i64, tpu.core_type = #tpu.core_type<tc>, window_params = [{transform_indices = @transform_0, window_bounds = array<i64: 128, 768>}, {transform_indices = @transform_1, window_bounds = array<i64: 128, 1>}, {transform_indices = @transform_2, window_bounds = array<i64: 1, 1536, 768>}, {transform_indices = @transform_3, window_bounds = array<i64: 1, 1, 1536>}, {pipeline_mode = #tpu.pipeline_mode<synchronous>, transform_indices = @transform_4, window_bounds = array<i64: 1, 768>}, {transform_indices = @transform_5, window_bounds = array<i64: 128, 1536>}]} {
    %get3A = arith.constant 0 : index
    %get3A_0 = arith.constant 0 : index
    %get3A_1 = vector.load %arg2[%get3A, %get3A_0] : memref<128x768xf32, #tpu.memory_space<vmem>>, vector<128x768xf32>
    %get3A_2 = arith.constant 0 : index
    %get3A_3 = arith.constant 0 : index
    %get3A_4 = vector.load %arg6[%get3A_2, %get3A_3] : memref<1x768xf32, #tpu.memory_space<vmem>>, vector<1x768xf32>
    %sub3A = vector.broadcast %get3A_4 : vector<1x768xf32> to vector<128x768xf32>
    %sub3A_5 = arith.subf %get3A_1, %sub3A : vector<128x768xf32>
    %get3A_6 = arith.constant 0 : index
    %get3A_7 = arith.constant 0 : index
    %get3A_8 = arith.constant 0 : index
    %get3A_9 = vector.load %arg4[%get3A_6, %get3A_7, %get3A_8] : memref<1x1536x768xf32, #tpu.memory_space<vmem>>, vector<1x1536x768xf32>
    %get3A_10 = vector.shape_cast %get3A_9 : vector<1x1536x768xf32> to vector<1536x768xf32>
    %dot_general3A = arith.constant dense<0.000000e+00> : vector<128x1536xf32>
    %dot_general3A_11 = tpu.matmul %sub3A_5, %get3A_10, %dot_general3A {dimension_numbers = #tpu.dot_dimension_numbers<[1], [1], [0], [0], [0, 0, 1, 0], [], []>, transpose_lhs_hint = false} : vector<128x768xf32>, vector<1536x768xf32>, vector<128x1536xf32> -> vector<128x1536xf32>
    %get3A_12 = arith.constant 0 : index
    %get3A_13 = arith.constant 0 : index
    %get3A_14 = arith.constant 0 : index
    %get3A_15 = vector.load %arg5[%get3A_12, %get3A_13, %get3A_14] : memref<1x1x1536xf32, #tpu.memory_space<vmem>>, vector<1x1x1536xf32>
    %get3A_16 = vector.shape_cast %get3A_15 : vector<1x1x1536xf32> to vector<1x1536xf32>
    %add3A = vector.broadcast %get3A_16 : vector<1x1536xf32> to vector<128x1536xf32>
    %add3A_17 = arith.addf %dot_general3A_11, %add3A : vector<128x1536xf32>
    %max3A = arith.constant 0.000000e+00 : f32
    %max3A_18 = vector.broadcast %max3A : f32 to vector<128x1536xf32>
    %max3A_19 = arith.maximumf %add3A_17, %max3A_18 : vector<128x1536xf32>
    %get3A_20 = arith.constant 0 : index
    %get3A_21 = arith.constant 0 : index
    %get3A_22 = vector.load %arg3[%get3A_20, %get3A_21] : memref<128x1xf32, #tpu.memory_space<vmem>>, vector<128x1xf32>
    %mul3A = vector.broadcast %get3A_22 : vector<128x1xf32> to vector<128x1536xf32>
    %mul3A_23 = arith.mulf %max3A_19, %mul3A : vector<128x1536xf32>
    %swap3A = arith.constant 0 : index
    %swap3A_24 = arith.constant 0 : index
    %swap3A_25 = vector.load %arg7[%swap3A, %swap3A_24] : memref<128x1536xf32, #tpu.memory_space<vmem>>, vector<128x1536xf32>
    tpu.vector_store %arg7[%swap3A, %swap3A_24], %mul3A_23 {strides = array<i32>} : memref<128x1536xf32, #tpu.memory_space<vmem>>, vector<128x1536xf32>,
    return
  }
  func.func @transform_0(%arg0: i32, %arg1: memref<144xi32, #tpu.memory_space<smem>>) -> (i32, i32) {
    %c0_i32 = arith.constant 0 : i32
    %c0_i32_0 = arith.constant 0 : i32
    return %arg0, %c0_i32 : i32, i32
  }
  func.func @transform_1(%arg0: i32, %arg1: memref<144xi32, #tpu.memory_space<smem>>) -> (i32, i32) {
    %c0_i32 = arith.constant 0 : i32
    %c0_i32_0 = arith.constant 0 : i32
    return %arg0, %c0_i32 : i32, i32
  }
  func.func @transform_2(%arg0: i32, %arg1: memref<144xi32, #tpu.memory_space<smem>>) -> (i32, i32, i32) {
    %get3A = arith.index_cast %arg0 : i32 to index
    %get3A_0 = memref.load %arg1[%get3A] : memref<144xi32, #tpu.memory_space<smem>>
    %c0_i32 = arith.constant 0 : i32
    %c0_i32_1 = arith.constant 0 : i32
    %c0_i32_2 = arith.constant 0 : i32
    return %get3A_0, %c0_i32, %c0_i32_1 : i32, i32, i32
  }
  func.func @transform_3(%arg0: i32, %arg1: memref<144xi32, #tpu.memory_space<smem>>) -> (i32, i32, i32) {
    %get3A = arith.index_cast %arg0 : i32 to index
    %get3A_0 = memref.load %arg1[%get3A] : memref<144xi32, #tpu.memory_space<smem>>
    %c0_i32 = arith.constant 0 : i32
    %c0_i32_1 = arith.constant 0 : i32
    %c0_i32_2 = arith.constant 0 : i32
    return %get3A_0, %c0_i32, %c0_i32_1 : i32, i32, i32
  }
  func.func @transform_4(%arg0: i32, %arg1: memref<144xi32, #tpu.memory_space<smem>>) -> (i32, i32) {
    %c0_i32 = arith.constant 0 : i32
    %c0_i32_0 = arith.constant 0 : i32
    %c0_i32_1 = arith.constant 0 : i32
    return %c0_i32, %c0_i32_0 : i32, i32
  }
  func.func @transform_5(%arg0: i32, %arg1: memref<144xi32, #tpu.memory_space<smem>>) -> (i32, i32) {
    %c0_i32 = arith.constant 0 : i32
    %c0_i32_0 = arith.constant 0 : i32
    return %arg0, %c0_i32 : i32, i32
  }
}

module attributes {stable_mosaic.version = 14 : i64} {
  func.func @_thr_body(%arg0: i32, %arg1: memref<256x3072xi32, #tpu.memory_space<vmem>>, %arg2: memref<1x1x256xi32, #tpu.memory_space<vmem>>) attributes {dimension_semantics = [#tpu.dimension_semantics<arbitrary>], iteration_bounds = array<i64: 32>, scalar_prefetch = 0 : i64, scratch_operands = 0 : i64, tpu.core_type = #tpu.core_type<tc>, window_params = [{transform_indices = @transform_0, window_bounds = array<i64: 256, 3072>}, {transform_indices = @transform_1, window_bounds = array<i64: 1, 1, 256>}]} {
    %get3A = arith.constant 0 : index
    %get3A_0 = arith.constant 0 : index
    %get3A_1 = vector.load %arg1[%get3A, %get3A_0] : memref<256x3072xi32, #tpu.memory_space<vmem>>, vector<256x3072xi32>
    %broadcast_in_dim3A = arith.constant -1 : i32
    %broadcast_in_dim3A_2 = vector.broadcast %broadcast_in_dim3A : i32 to vector<256x1xi32>
    %broadcast_in_dim3A_3 = arith.constant 2139095039 : i32
    %broadcast_in_dim3A_4 = vector.broadcast %broadcast_in_dim3A_3 : i32 to vector<256x1xi32>
    %scan3A = arith.constant 0 : i32
    %scan3A_5 = arith.constant 31 : i32
    %scan3A_6 = arith.addi %scan3A, %scan3A_5 : i32
    %scan3A_7 = arith.constant 1 : i32
    %scan3A_8:2 = scf.for %scan3A_14 = %scan3A to %scan3A_6 step %scan3A_7 iter_args(%scan3A_15 = %broadcast_in_dim3A_2, %scan3A_16 = %broadcast_in_dim3A_4) -> (vector<256x1xi32>, vector<256x1xi32>)  : i32 {
      %sub3A = arith.subi %scan3A_16, %scan3A_15 : vector<256x1xi32>
      %jit3A = arith.constant 2 : i32
      %div3A = vector.broadcast %jit3A : i32 to vector<256x1xi32>
      %div3A_17 = arith.divsi %sub3A, %div3A : vector<256x1xi32>
      %sign3A = arith.constant 0 : i32
      %sign3A_18 = vector.broadcast %sign3A : i32 to vector<256x1xi32>
      %sign3A_19 = arith.cmpi sgt, %sub3A, %sign3A_18 : vector<256x1xi32>
      %sign3A_20 = arith.extui %sign3A_19 : vector<256x1xi1> to vector<256x1xi32>
      %sign3A_21 = arith.constant 0 : i32
      %sign3A_22 = vector.broadcast %sign3A_21 : i32 to vector<256x1xi32>
      %sign3A_23 = arith.cmpi slt, %sub3A, %sign3A_22 : vector<256x1xi32>
      %sign3A_24 = arith.extui %sign3A_23 : vector<256x1xi1> to vector<256x1xi32>
      %sign3A_25 = arith.subi %sign3A_20, %sign3A_24 : vector<256x1xi32>
      %sign3A_26 = arith.constant 0 : i32
      %sign3A_27 = arith.cmpi sgt, %jit3A, %sign3A_26 : i32
      %sign3A_28 = arith.extui %sign3A_27 : i1 to i32
      %sign3A_29 = arith.constant 0 : i32
      %sign3A_30 = arith.cmpi slt, %jit3A, %sign3A_29 : i32
      %sign3A_31 = arith.extui %sign3A_30 : i1 to i32
      %sign3A_32 = arith.subi %sign3A_28, %sign3A_31 : i32
      %ne3A = vector.broadcast %sign3A_32 : i32 to vector<256x1xi32>
      %ne3A_33 = arith.cmpi ne, %sign3A_25, %ne3A : vector<256x1xi32>
      %rem3A = vector.broadcast %jit3A : i32 to vector<256x1xi32>
      %rem3A_34 = arith.remsi %sub3A, %rem3A : vector<256x1xi32>
      %ne3A_35 = arith.constant 0 : i32
      %ne3A_36 = vector.broadcast %ne3A_35 : i32 to vector<256x1xi32>
      %ne3A_37 = arith.cmpi ne, %rem3A_34, %ne3A_36 : vector<256x1xi32>
      %and3A = arith.andi %ne3A_33, %ne3A_37 : vector<256x1xi1>
      %sub3A_38 = arith.constant 1 : i32
      %sub3A_39 = vector.broadcast %sub3A_38 : i32 to vector<256x1xi32>
      %sub3A_40 = arith.subi %div3A_17, %sub3A_39 : vector<256x1xi32>
      %select_n3A = arith.select %and3A, %sub3A_40, %div3A_17 : vector<256x1xi1>, vector<256x1xi32>
      %add3A = arith.addi %scan3A_15, %select_n3A : vector<256x1xi32>
      %gt3A = vector.broadcast %add3A : vector<256x1xi32> to vector<256x3072xi32>
      %gt3A_41 = arith.cmpi sgt, %get3A_1, %gt3A : vector<256x3072xi32>
      %convert_element_type3A = arith.extui %gt3A_41 : vector<256x3072xi1> to vector<256x3072xi32>
      %reduce_sum3A = arith.constant dense<0> : vector<256xi32>
      %reduce_sum3A_42 = vector.multi_reduction <add>, %convert_element_type3A, %reduce_sum3A [1] : vector<256x3072xi32> to vector<256xi32>
      %broadcast_in_dim3A_43 = vector.shape_cast %reduce_sum3A_42 : vector<256xi32> to vector<256x1xi32>
      %lt3A = arith.constant 64 : i32
      %lt3A_44 = vector.broadcast %lt3A : i32 to vector<256x1xi32>
      %lt3A_45 = arith.cmpi slt, %broadcast_in_dim3A_43, %lt3A_44 : vector<256x1xi32>
      %add3A_46 = arith.constant 1 : i32
      %add3A_47 = vector.broadcast %add3A_46 : i32 to vector<256x1xi32>
      %add3A_48 = arith.addi %add3A, %add3A_47 : vector<256x1xi32>
      %select_n3A_49 = arith.select %lt3A_45, %scan3A_15, %add3A_48 : vector<256x1xi1>, vector<256x1xi32>
      %select_n3A_50 = arith.select %lt3A_45, %add3A, %scan3A_16 : vector<256x1xi1>, vector<256x1xi32>
      scf.yield %select_n3A_49, %select_n3A_50 : vector<256x1xi32>, vector<256x1xi32>
    }
    %reshape3A = vector.shape_cast %scan3A_8#1 : vector<256x1xi32> to vector<1x256xi32>
    %swap3A = arith.constant 0 : index
    %swap3A_9 = arith.constant 0 : index
    %swap3A_10 = arith.constant 0 : index
    %swap3A_11 = vector.load %arg2[%swap3A, %swap3A_9, %swap3A_10] : memref<1x1x256xi32, #tpu.memory_space<vmem>>, vector<1x1x256xi32>
    %swap3A_12 = vector.shape_cast %swap3A_11 : vector<1x1x256xi32> to vector<1x256xi32>
    %swap3A_13 = vector.shape_cast %reshape3A : vector<1x256xi32> to vector<1x1x256xi32>
    tpu.vector_store %arg2[%swap3A, %swap3A_9, %swap3A_10], %swap3A_13 {strides = array<i32>} : memref<1x1x256xi32, #tpu.memory_space<vmem>>, vector<1x1x256xi32>,
    return
  }
  func.func @transform_0(%arg0: i32) -> (i32, i32) {
    %c0_i32 = arith.constant 0 : i32
    %c0_i32_0 = arith.constant 0 : i32
    return %arg0, %c0_i32 : i32, i32
  }
  func.func @transform_1(%arg0: i32) -> (i32, i32, i32) {
    %c0_i32 = arith.constant 0 : i32
    %c0_i32_0 = arith.constant 0 : i32
    %c0_i32_1 = arith.constant 0 : i32
    return %arg0, %c0_i32, %c0_i32_0 : i32, i32, i32
  }
}

</mosaic_0001>

<sc_bundles>
// kernel: kernel.11.cloned.1.call-start
scs
__scs_entry_jumppad:
0x0: {  	(pc) =	sbr.rel $0x88, $3  }
0x1: {  	(tag) =	ssettag $0x0;
	lr =	simm.s32 $0x1  }
0x2: {  	[smem:$0x3F99] =	sst lr;
	_ =	strace $0xD0000000  }
0x3: {  	_ = 	snop  }
0x4: {  	_ = 	snop  }
0x5: {  	_ = 	snop  }
0x6: {  	_ = 	snop  }
0x7: {  	_ = 	snop  }
__scs_overlays_trampoline_lowered:
0x8: {  	[smem:$0x3FA8] =	sst s0  }
0x9: {  	[smem:$0x3FA9] =	sst s1  }
0xa: {  	[smem:$0x3FAA] =	sst s2  }
0xb: {  	[smem:$0x3FAB] =	sst s3  }
0xc: {  	[smem:$0x3FAC] =	sst s4  }
0xd: {  	[smem:$0x3FAD] =	sst s5  }
0xe: {  	[smem:$0x3FAE] =	sst s6  }
0xf: {  	[smem:$0x3FAF] =	sst s7  }
0x10: {  	[smem:$0x3FB0] =	sst s8  }
0x11: {  	[smem:$0x3FB1] =	sst s9;
	s0 =	simm.s32 @!p0 $0x0  }
0x12: {  	s1 =	sld [smem:$0x3F97];
	s0 =	simm.s32 @p0 $0x1  }
0x13: {  	[smem:$0x3FB2] =	sst s0;
	s0 =	simm.s32 @!p1 $0x0  }
0x14: {  	s2 =	sld [smem:$0x3F96];
	s0 =	simm.s32 @p1 $0x1  }
0x15: {  	[smem:$0x3FB3] =	sst s0;
	s0 =	simm.s32 @!p2 $0x0  }
0x16: {  	s3 =	sld [smem:$0x3FDB];
	s0 =	simm.s32 @p2 $0x1  }
0x17: {  	s4 =	simm.s32 $0x1BF5;
	[smem:$0x3FB5] =	sst s0  }
0x18: {  	s0 =	sld [smem:$0x3F98];
	_ =	swait.ge [sflag:s4], $0x0  }
0x19: {  	s7 =	sld [smem:$0x3F99]  }
0x1a: {  	s8 =	sadd.s32 $0xFFFFE003, lr  }
0x1b: {  	s9 =	sadd.s32 $0xFFFFFEF7, lr;
	s5 =	simm.s32 $0xFFFFFFFF;
	p2 =	slt.u32 s8, $0xFFFFF086  }
0x1c: {  	p1 =	slt.u32 s9, $0xF7A;
	s5 =	simm.s32 @!p2 $0x0  }
0x1d: {  	s5 =	simm.s32 @p1 $0x1;
	p0 =	seq.s32 s7, s2  }
0x1e: {  	s7 =	smul.u32 @!p0 $0xF7A, s2;
	p2 =	seq.s32 @!p0 s5, $0x0  }
0x1f: {  	s9 =	smul.u32 $0xF7A, s1;
	s8 =	simm.s32 @!p0 $0x1BF5;
	p2 =	por !p2, p0  }
0x20: {  	[sflag:s8] =	ssyncset.s32 @!p0 $0xFFFFF086;
	s6 =	sadd.s32 @!p0 s3, s7;
	s7 =	simm.s32 @!p0 $0x108  }
0x21: {  	s3 =	sadd.s32 s3, s9;
	s6 =	sadd.s32 @!p0 $0x88, s6;
	s7 =	simm.s32 @p2 $0x1082  }
0x22: {  	[simem:s7], [sflag:s8] =	dma.local @!p0 [hbm:s6], $0xF7A  }
0x23: {  	s9 =	sor.u32 $0xD0000000, s2;
	s6 =	simm.s32 $0x108;
	_ =	swait.ge @!p0 [sflag:s8], $0x0  }
0x24: {  	s3 =	sadd.s32 $0x88, s3;
	s6 =	simm.s32 @!p1 $0x1082;
	[sflag:s4] =	ssyncset.s32 $0xFFFFF086  }
0x25: {  	[simem:s6], [sflag:s4] =	dma.local [hbm:s3], $0xF7A  }
0x26: {  	[smem:$0x3F99] =	sst s1;
	(tag) =	ssettag s2;
	_ =	strace s9  }
0x27: {  	s1 =	sld [smem:$0x3FA9]  }
0x28: {  	s2 =	sld [smem:$0x3FAA]  }
0x29: {  	s4 =	sld [smem:$0x3FAC]  }
0x2a: {  	p0 =	seq.s32 s5, $0x0;
	s5 =	sld [smem:$0x3FAD]  }
0x2b: {  	s6 =	sld [smem:$0x3FAE]  }
0x2c: {  	s7 =	sld [smem:$0x3FAF]  }
0x2d: {  	s3 =	simm.s32 $0x108;
	s8 =	sld [smem:$0x3FB0]  }
0x2e: {  	s3 =	simm.s32 @!p0 $0x1082;
	s9 =	sld [smem:$0x3FB1]  }
0x2f: {  	lr =	sadd.s32 s0, s3;
	s0 =	sld [smem:$0x3FA8]  }
0x30: {  	s3 =	sld [smem:$0x3FAB]  }
0x31: {  	[smem:$0x3FB4] =	sst s10  }
0x32: {  	s10 =	sld [smem:$0x3FB2];
	_ =	sdelay $0x3  }
0x33: {  	p0 =	seq.s32 s10, $0x1;
	s10 =	sld [smem:$0x3FB4];
	_ =	sdelay $0x3  }
0x34: {  	[smem:$0x3FB4] =	sst s10  }
0x35: {  	s10 =	sld [smem:$0x3FB3];
	_ =	sdelay $0x3  }
0x36: {  	p1 =	seq.s32 s10, $0x1;
	s10 =	sld [smem:$0x3FB4];
	_ =	sdelay $0x3  }
0x37: {  	[smem:$0x3FB4] =	sst s10  }
0x38: {  	s10 =	sld [smem:$0x3FB5]  }
0x39: {  	_ = 	snop;
	(pc) =	sbr.ind lr, $3  }
0x3a: {  	_ = 	snop  }
0x3b: {  	_ = 	snop  }
0x3c: {  	p2 =	seq.s32 s10, $0x1;
	s10 =	sld [smem:$0x3FB4]  }
0x3d: {  	_ =	shalt  }
0x3e: {  	_ =	shalt  }
0x3f: {  	_ =	shalt  }
0x40: {  	_ =	shalt  }
0x41: {  	_ =	shalt  }
0x42: {  	_ =	shalt  }
0x43: {  	_ =	shalt  }
0x44: {  	_ =	shalt  }
0x45: {  	_ =	shalt  }
0x46: {  	_ =	shalt  }
0x47: {  	_ =	shalt  }
0x48: {  	_ =	shalt  }
0x49: {  	_ =	shalt  }
0x4a: {  	_ =	shalt  }
0x4b: {  	_ =	shalt  }
0x4c: {  	_ =	shalt  }
0x4d: {  	_ =	shalt  }
0x4e: {  	_ =	shalt  }
0x4f: {  	_ =	shalt  }
0x50: {  	_ =	shalt  }
0x51: {  	_ =	shalt  }
0x52: {  	_ =	shalt  }
0x53: {  	_ =	shalt  }
0x54: {  	_ =	shalt  }
0x55: {  	_ =	shalt  }
0x56: {  	_ =	shalt  }
0x57: {  	_ =	shalt  }
0x58: {  	_ =	shalt  }
0x59: {  	_ =	shalt  }
0x5a: {  	_ =	shalt  }
0x5b: {  	_ =	shalt  }
0x5c: {  	_ =	shalt  }
0x5d: {  	_ =	shalt  }
0x5e: {  	_ =	shalt  }
0x5f: {  	_ =	shalt  }
0x60: {  	_ =	shalt  }
0x61: {  	_ =	shalt  }
0x62: {  	_ =	shalt  }
0x63: {  	_ =	shalt  }
0x64: {  	_ =	shalt  }
0x65: {  	_ =	shalt  }
0x66: {  	_ =	shalt  }
0x67: {  	_ =	shalt  }
0x68: {  	_ =	shalt  }
0x69: {  	_ =	shalt  }
0x6a: {  	_ =	shalt  }
0x6b: {  	_ =	shalt  }
0x6c: {  	_ =	shalt  }
0x6d: {  	_ =	shalt  }
0x6e: {  	_ =	shalt  }
0x6f: {  	_ =	shalt  }
0x70: {  	_ =	shalt  }
0x71: {  	_ =	shalt  }
0x72: {  	_ =	shalt  }
0x73: {  	_ =	shalt  }
0x74: {  	_ =	shalt  }
0x75: {  	_ =	shalt  }
0x76: {  	_ =	shalt  }
0x77: {  	_ =	shalt  }
0x78: {  	_ =	shalt  }
0x79: {  	_ =	shalt  }
0x7a: {  	_ =	shalt  }
0x7b: {  	_ =	shalt  }
0x7c: {  	_ =	shalt  }
0x7d: {  	_ =	shalt  }
0x7e: {  	_ =	shalt  }
0x7f: {  	_ =	shalt  }
0x80: {  	_ =	shalt  }
0x81: {  	_ =	shalt  }
0x82: {  	_ =	shalt  }
0x83: {  	_ =	shalt  }
0x84: {  	_ =	shalt  }
0x85: {  	_ =	shalt  }
0x86: {  	_ =	shalt  }
0x87: {  	_ =	shalt  }
.Lfunc_end0:
.L_simem_size_0:
called_computation.1_lowered:
.L_overlay_start_0:
0x88: {  	s2 =	sld [smem:$0x3FD9]  }
0x89: {  	s3 =	sld [smem:$0x3FFE];
	_ =	sdelay $0x1  }
0x8a: {  	s1 =	srdreg.scid  }
0x8b: {  	s0 =	sand.u32 $0x1, s1  }
0x8c: {  	s16 =	sshll.u32 s0, $0xA;
	s2 =	sadd.s32 s3, s2  }
0x8d: {  	s2 =	sadd.s32 s2, s16  }
0x8e: {  	[smem:$0x3FC0] =	sst s2  }
0x8f: {  	_ = 	snop  }
0x90: {  	(tm) =	ssettm $0x1  }
0x91: {  	s17 =	sld [smem:$0x3FFB];
	_ =	sdelay $0x3  }
0x92: {  	_ =	strace s17  }
0x93: {  	s2 =	sld [smem:$0x3FFC];
	_ =	sdelay $0x3  }
0x94: {  	_ =	strace s2  }
0x95: {  	s2 =	sld [smem:$0x3FFD];
	_ =	sdelay $0x3  }
0x96: {  	_ =	strace s2  }
0x97: {  	_ =	strace $0x8FFFFFFF  }
0x98: {  	s18 =	sld [smem:$0x3FDB];
	_ =	sdelay $0x1  }
0x99: {  	s19 =	simm.s32 $_scs_section_size  }
0x9a: {  	s4 =	simm.s32 $_size__tile_overlayer_lowered;
	s5 =	simm.s32 $_tile_overlayer_lowered  }
0x9b: {  	s22 =	simm.s32 $0x1BFF;
	s21 =	sshll.u32 s5, $0x1;
	s2 =	sadd.s32 s19, s18  }
0x9c: {  	s6 =	simm.s32 $0x0;
	s20 =	sshll.u32 s4, $0x1;
	s4 =	sadd.s32 s21, s2  }
0x9d: {  	[timem:s6], [sflag:s22] =	dma.local [hbm:s4], s20  }
0x9e: {  	_ =	swait.ge [sflag:s22], s20  }
0x9f: {  	s3 =	ssub.s32 $0x0, s20;
	[sflag:s22] =	ssyncset.done $0x0  }
0xa0: {  	[sflag:s22] =	ssyncadd.s32 s3;
	_ =	sdelay $0x1  }
0xa1: {  	s23 =	simm.s32 $0x1B8B  }
0xa2: {  	_ =	swait.ge [sflag:s23], $0x1  }
0xa3: {  	[sflag:s23] =	ssyncset.done $0x0  }
0xa4: {  	s25 =	simm.s32 $0x1B8E;
	s24 =	sld [smem:$0x3FFE];
	[sflag:s23] =	ssyncadd.s32 $0xFFFFFFFF  }
0xa5: {  	s26 =	simm.s32 $execute0_lowered;
	[smem:$0x3FD2] =	sst s25  }
0xa6: {  	s4 =	sshll.u32 s26, $0x1;
	_ =	strace $0x80000049;
	[dreg:$0x1] =	wrdreg $0xFFFFFFFF  }
0xa7: {  	s28 =	simm.s32 $_size_execute0_lowered;
	s2 =	sadd.s32 s2, s4;
	[dreg:$0x0] =	wrdreg $0x0  }
0xa8: {  	s4 =	sshll.u32 s28, $0x1;
	[dreg:$0x2] =	wrdreg s2  }
0xa9: {  	[dreg:$0x3] =	wrdreg s4  }
0xaa: {  	[dreg:$0x4] =	wrdreg $0xC0  }
0xab: {  	_ =	task [dreg:s6], $0x5FFFF  }
0xac: {  	[dreg:$0x1] =	wrdreg $0xFFFFFFFF  }
0xad: {  	[dreg:$0x0] =	wrdreg $0x60  }
0xae: {  	[dreg:$0x2] =	wrdreg s24  }
0xaf: {  	[dreg:$0x3] =	wrdreg $0x9  }
0xb0: {  	_ =	task.clear_ibuf [dreg:s6], $0x4FFFF;
	_ =	strace $0x90000049  }
0xb1: {  	s29 =	simm.s32 $0x9;
	_ =	strace $0x8000004B  }
0xb2: {  	_ =	swait.ge [sflag:s29], $0x1  }
0xb3: {  	[sflag:s29] =	ssyncadd.s32 $0xFFFFFFFF  }
0xb4: {  	_ =	strace $0x9000004B  }
0xb5: {  	_ =	sfence  }
0xb6: {  	s30 =	sld [smem:$0x0];
	_ =	sdelay $0x2  }
0xb7: {  	s31 =	sshll.u32 s1, $0xD;
	s1 =	sshrl.u32 s1, $0x2  }
0xb8: {  	s3 =	sand.u32 $0x4000, s31;
	s1 =	sadd.s32 s1, s30  }
0xb9: {  	s0 =	sor.u32 s3, s0;
	s1 =	sshll.u32 s1, $0x11  }
0xba: {  	s0 =	sor.u32 s1, s0  }
0xbb: {  	s0 =	sadd.s32 $0x8F2B, s0  }
0xbc: {  	[sflag:s0] =	ssyncadd.remote.s32 $0x1  }
0xbd: {  	_ =	sfence.sel $0xFFFF  }
0xbe: {  	[dreg:$0x0] =	wrdreg $0xFFFFFFFF;
	(pc) =	sbr.abs _section_cstart, $3  }
0xbf: {  	[dreg:$0x1] =	wrdreg $0xFFFFFFFF  }
0xc0: {  	_ =	task.clear_ibuf [dreg:s6], $0x2FFFF;
	_ =	strace $0x9FFFFFFF  }
0xc1: {  	(tm) =	ssettm $0x7FFFFFFF  }
tec
execute0_lowered:
.L_overlay_start_1:
0x0: {  	(tag) =	ssettag $0x1  }
0x1: {  	s0 =	srdreg.scid  }
0x2: {  	s2 =	stileid.u32;
	s1 =	sand.u32 $0x1, s0  }
0x3: {  	s21 =	sshll.u32 s2, $0xA;
	s2 =	simm.s32 $0x0;
	s22 =	sshll.u32 s1, $0x9  }
0x4: {  	[smem:$0x7FF] =	sst s2;
	s0 =	sor.u32 s22, s21  }
0x5: {  	s23 =	simm.s32 $0xA00;
	s4 =	sshrl.u32 s0, $0x3;
	s0 =	rddreg [dreg:$0x0]  }
0x6: {  	s24 =	simm.s32 $0x1200;
	_ =	strace $0x8000004A;
	[dreg:$0x3] =	wrdreg s23  }
0x7: {  	s25 =	simm.s32 $0x1A00;
	[dreg:$0x4] =	wrdreg s24  }
0x8: {  	s26 =	simm.s32 $0x2200;
	[dreg:$0x5] =	wrdreg s25  }
0x9: {  	s5 =	simm.s32 $0x2A00;
	[dreg:$0x6] =	wrdreg s26  }
0xa: {  	s6 =	simm.s32 $0x3200;
	[dreg:$0x7] =	wrdreg s5  }
0xb: {  	s7 =	simm.s32 $0x3A00;
	[dreg:$0x8] =	wrdreg s6  }
0xc: {  	s8 =	simm.s32 $0x4200;
	[dreg:$0x9] =	wrdreg s7  }
0xd: {  	s9 =	simm.s32 $0x4A00;
	[dreg:$0xa] =	wrdreg s8  }
0xe: {  	s10 =	simm.s32 $0x5200;
	[dreg:$0xb] =	wrdreg s9  }
0xf: {  	s11 =	simm.s32 $0x5A00;
	[dreg:$0xc] =	wrdreg s10  }
0x10: {  	s12 =	simm.s32 $0x6200;
	[dreg:$0xd] =	wrdreg s11  }
0x11: {  	s13 =	simm.s32 $0x6A00;
	[dreg:$0xe] =	wrdreg s12  }
0x12: {  	s14 =	simm.s32 $0x7200;
	[dreg:$0xf] =	wrdreg s13  }
0x13: {  	s15 =	simm.s32 $0x7A00;
	[dreg:$0x10] =	wrdreg s14  }
0x14: {  	s16 =	simm.s32 $0x8200;
	[dreg:$0x11] =	wrdreg s15  }
0x15: {  	s17 =	simm.s32 $0x8A00;
	[dreg:$0x12] =	wrdreg s16  }
0x16: {  	s18 =	simm.s32 $0x9200;
	s19 =	simm.s32 $0x9A00;
	[dreg:$0x13] =	wrdreg s17  }
0x17: {  	s20 =	simm.s32 $0xAA00;
	s28 =	simm.s32 $0x17200;
	[dreg:$0x14] =	wrdreg s18  }
0x18: {  	s29 =	simm.s32 $0x17A00;
	s30 =	simm.s32 $0x1;
	[dreg:$0x15] =	wrdreg s19  }
0x19: {  	s31 =	simm.s32 $0x0;
	s21 =	simm.s32 $0xB200;
	[dreg:$0x17] =	wrdreg s20  }
0x1a: {  	s1 =	ssub.s32 $0x2, s1;
	s22 =	simm.s32 $0xBA00;
	[dreg:$0x18] =	wrdreg s21  }
0x1b: {  	s5 =	simm.s32 $0xA200;
	s6 =	sshrl.u32 s1, $0x1;
	[dreg:$0x19] =	wrdreg s22  }
0x1c: {  	s23 =	simm.s32 $0xC200;
	s24 =	simm.s32 $0xCA00;
	s7 =	simm.s32 $0xD200  }
0x1d: {  	s8 =	simm.s32 $0xDA00;
	s9 =	simm.s32 $0xE200;
	s10 =	simm.s32 $0xEA00  }
0x1e: {  	s25 =	simm.s32 $0xF200;
	s26 =	simm.s32 $0xFA00;
	s11 =	simm.s32 $0x2  }
0x1f: {  	s12 =	simm.s32 $0x200;
	s13 =	simm.s32 $0x10200;
	s14 =	simm.s32 $0x10A00  }
0x20: {  	s15 =	simm.s32 $0x11200;
	s16 =	simm.s32 $0x11A00;
	[dreg:$0x16] =	wrdreg s5  }
0x21: {  	s17 =	simm.s32 $0x12200;
	s18 =	simm.s32 $0x12A00;
	[dreg:$0x1a] =	wrdreg s23  }
0x22: {  	s19 =	simm.s32 $0x13200;
	s20 =	simm.s32 $0x13A00;
	[dreg:$0x1b] =	wrdreg s24  }
0x23: {  	s21 =	simm.s32 $0x14200;
	s22 =	simm.s32 $0x14A00;
	[dreg:$0x1c] =	wrdreg s7  }
0x24: {  	s3 =	smul.u32 $0x600, s4;
	s1 =	ssub.s32 s1, s6;
	[dreg:$0x1d] =	wrdreg s8  }
0x25: {  	s5 =	sadd.s32 $0x1B1300, s0;
	s6 =	sadd.s32 $0x1B1400, s0;
	[dreg:$0x1e] =	wrdreg s9  }
0x26: {  	s7 =	sadd.s32 $0x1B1500, s0;
	s8 =	sadd.s32 $0x1B1600, s0;
	[dreg:$0x1f] =	wrdreg s10  }
0x27: {  	s4 =	sadd.s32 s0, s4;
	s9 =	sadd.s32 $0x1B1700, s0;
	[smem:$0x7FC] =	sst s25  }
0x28: {  	[smem:$0x7FD] =	sst s26;
	s23 =	simm.s32 $0x15200;
	s24 =	simm.s32 $0x15A00  }
0x29: {  	v2 =	vlaneseq.u32;
	[smem:$0x7FA] =	sst s4;
	s1 =	smax.u32 s1, $0x1;
	s3 =	sadd.s32 s3, s0  }
0x2a: {  	vm0 =	vmmov $0xffff;
	v1 =	vshrl.u32 v2, $0x3;
	s25 =	simm.s32 $0x16200;
	[smem:$0x7FB] =	sst s1;
	s3 =	sadd.s32 $0x511200, s3  }
0x2b: {  	v0 =	vand.u32 $0x7, v2;
	v2 =	vor.u32 $0x8, v2;
	v1 =	vmul.u32 $0x8, v1;
	s26 =	simm.s32 $0x16A00;
	[dreg:$0x2] =	wrdreg s3;
	s3 =	sadd.s32 $0x1B1200, s0  }
.LBB2_1:
0x2c: {  	s0 =	sld [smem:$0x7FA];
	_ =	sdelay $0x2  }
0x2d: {  	[tilespmem:s2], [sflag:$0x2] =	stream.linear.gather [hbm4b:s0+s2], $0x200, $0x38;
	[tilespmem:$0x18200] =	vst v63  }
0x2e: {  	_ =	swait.ge [sflag:s11], $0x200  }
0x2f: {  	[sflag:s11] =	ssyncset.done $0x0  }
0x30: {  	s1 =	simm.s32 $0x20;
	s0 =	simm.s32 $0x0;
	[sflag:s11] =	ssyncadd.s32 $0xFFFFFE00  }
.LBB2_2:
0x31: {  	v3 =	vld [tilespmem:s1+$0xFFFFFFE0];
	_ =	sdelay $0x4  }
0x32: {  	v4 =	vshrl.u32 v3, $0x3  }
0x33: {  	v4 =	vmul.u32 $0x60, v4  }
0x34: {  	v3 =	vand.u32 $0x7, v3  }
0x35: {  	v3 =	vor.u32 v3, v4  }
0x36: {  	v4 =	vperm.xlane v3, v0;
	_ =	sdelay $0x1  }
0x37: {  	v4 =	vadd.s32 v1, v4;
	_ =	sdelay $0x4  }
0x38: {  	[tilespmem:s12], [sflag:$0x1] =	stream.indirect_vreg.gather [hbm4b:s3+s2], $0x80, v4, vm0, $0xb8;
	[tilespmem:$0x18200] =	vst v63  }
0x39: {  	s4 =	rddreg [dreg:$0x3]  }
0x3a: {  	[tilespmem:s4], [sflag:$0x1] =	stream.indirect_vreg.gather [hbm4b:s5+s2], $0x80, v4, vm0, $0xb8;
	[tilespmem:$0x18200] =	vst v63  }
0x3b: {  	s10 =	rddreg [dreg:$0x4]  }
0x3c: {  	[tilespmem:s10], [sflag:$0x1] =	stream.indirect_vreg.gather [hbm4b:s6+s2], $0x80, v4, vm0, $0xb8;
	[tilespmem:$0x18200] =	vst v63  }
0x3d: {  	v3 =	vperm.xlane v3, v2;
	s4 =	rddreg [dreg:$0x5]  }
0x3e: {  	[tilespmem:s4], [sflag:$0x1] =	stream.indirect_vreg.gather [hbm4b:s7+s2], $0x80, v4, vm0, $0xb8;
	[tilespmem:$0x18200] =	vst v63  }
0x3f: {  	v3 =	vadd.s32 v1, v3;
	s10 =	rddreg [dreg:$0x6]  }
0x40: {  	[tilespmem:s10], [sflag:$0x1] =	stream.indirect_vreg.gather [hbm4b:s8+s2], $0x80, v4, vm0, $0xb8;
	[tilespmem:$0x18200] =	vst v63  }
0x41: {  	s4 =	rddreg [dreg:$0x7]  }
0x42: {  	[tilespmem:s4], [sflag:$0x1] =	stream.indirect_vreg.gather [hbm4b:s9+s2], $0x80, v4, vm0, $0xb8;
	[tilespmem:$0x18200] =	vst v63  }
0x43: {  	s10 =	rddreg [dreg:$0x8]  }
0x44: {  	[tilespmem:s10], [sflag:$0x1] =	stream.indirect_vreg.gather [hbm4b:s3+s2], $0x80, v3, vm0, $0xb8;
	[tilespmem:$0x18200] =	vst v63  }
0x45: {  	s4 =	rddreg [dreg:$0x9]  }
0x46: {  	[tilespmem:s4], [sflag:$0x1] =	stream.indirect_vreg.gather [hbm4b:s5+s2], $0x80, v3, vm0, $0xb8;
	[tilespmem:$0x18200] =	vst v63  }
0x47: {  	s10 =	rddreg [dreg:$0xa]  }
0x48: {  	[tilespmem:s10], [sflag:$0x1] =	stream.indirect_vreg.gather [hbm4b:s6+s2], $0x80, v3, vm0, $0xb8;
	[tilespmem:$0x18200] =	vst v63  }
0x49: {  	s4 =	rddreg [dreg:$0xb]  }
0x4a: {  	[tilespmem:s4], [sflag:$0x1] =	stream.indirect_vreg.gather [hbm4b:s7+s2], $0x80, v3, vm0, $0xb8;
	[tilespmem:$0x18200] =	vst v63  }
0x4b: {  	s10 =	rddreg [dreg:$0xc]  }
0x4c: {  	[tilespmem:s10], [sflag:$0x1] =	stream.indirect_vreg.gather [hbm4b:s8+s2], $0x80, v3, vm0, $0xb8;
	[tilespmem:$0x18200] =	vst v63  }
0x4d: {  	s4 =	rddreg [dreg:$0xd]  }
0x4e: {  	[tilespmem:s4], [sflag:$0x1] =	stream.indirect_vreg.gather [hbm4b:s9+s2], $0x80, v3, vm0, $0xb8;
	[tilespmem:$0x18200] =	vst v63  }
0x4f: {  	v3 =	vld [tilespmem:s1+$0xFFFFFFF0];
	_ =	sdelay $0x4  }
0x50: {  	v61 =	vshrl.u32 v3, $0x3  }
0x51: {  	v4 =	vmul.u32 $0x60, v61  }
0x52: {  	v3 =	vand.u32 $0x7, v3  }
0x53: {  	v3 =	vor.u32 v3, v4  }
0x54: {  	v4 =	vperm.xlane v3, v0;
	_ =	sdelay $0x1  }
0x55: {  	v4 =	vadd.s32 v1, v4;
	_ =	sdelay $0x3  }
0x56: {  	s4 =	rddreg [dreg:$0xe]  }
0x57: {  	[tilespmem:s4], [sflag:$0x1] =	stream.indirect_vreg.gather [hbm4b:s3+s2], $0x80, v4, vm0, $0xb8;
	[tilespmem:$0x18200] =	vst v63  }
0x58: {  	s10 =	rddreg [dreg:$0xf]  }
0x59: {  	[tilespmem:s10], [sflag:$0x1] =	stream.indirect_vreg.gather [hbm4b:s5+s2], $0x80, v4, vm0, $0xb8;
	[tilespmem:$0x18200] =	vst v63  }
0x5a: {  	s4 =	rddreg [dreg:$0x10]  }
0x5b: {  	[tilespmem:s4], [sflag:$0x1] =	stream.indirect_vreg.gather [hbm4b:s6+s2], $0x80, v4, vm0, $0xb8;
	[tilespmem:$0x18200] =	vst v63  }
0x5c: {  	v3 =	vperm.xlane v3, v2;
	s10 =	rddreg [dreg:$0x11]  }
0x5d: {  	[tilespmem:s10], [sflag:$0x1] =	stream.indirect_vreg.gather [hbm4b:s7+s2], $0x80, v4, vm0, $0xb8;
	[tilespmem:$0x18200] =	vst v63  }
0x5e: {  	v3 =	vadd.s32 v1, v3;
	s4 =	rddreg [dreg:$0x12]  }
0x5f: {  	[tilespmem:s4], [sflag:$0x1] =	stream.indirect_vreg.gather [hbm4b:s8+s2], $0x80, v4, vm0, $0xb8;
	[tilespmem:$0x18200] =	vst v63  }
0x60: {  	s10 =	rddreg [dreg:$0x13]  }
0x61: {  	[tilespmem:s10], [sflag:$0x1] =	stream.indirect_vreg.gather [hbm4b:s9+s2], $0x80, v4, vm0, $0xb8;
	[tilespmem:$0x18200] =	vst v63  }
0x62: {  	s4 =	rddreg [dreg:$0x14]  }
0x63: {  	[tilespmem:s4], [sflag:$0x1] =	stream.indirect_vreg.gather [hbm4b:s3+s2], $0x80, v3, vm0, $0xb8;
	[tilespmem:$0x18200] =	vst v63  }
0x64: {  	s10 =	rddreg [dreg:$0x15]  }
0x65: {  	[tilespmem:s10], [sflag:$0x1] =	stream.indirect_vreg.gather [hbm4b:s5+s2], $0x80, v3, vm0, $0xb8;
	[tilespmem:$0x18200] =	vst v63  }
0x66: {  	s4 =	rddreg [dreg:$0x16]  }
0x67: {  	[tilespmem:s4], [sflag:$0x1] =	stream.indirect_vreg.gather [hbm4b:s6+s2], $0x80, v3, vm0, $0xb8;
	[tilespmem:$0x18200] =	vst v63  }
0x68: {  	s10 =	rddreg [dreg:$0x17]  }
0x69: {  	[tilespmem:s10], [sflag:$0x1] =	stream.indirect_vreg.gather [hbm4b:s7+s2], $0x80, v3, vm0, $0xb8;
	[tilespmem:$0x18200] =	vst v63  }
0x6a: {  	s4 =	rddreg [dreg:$0x18]  }
0x6b: {  	[tilespmem:s4], [sflag:$0x1] =	stream.indirect_vreg.gather [hbm4b:s8+s2], $0x80, v3, vm0, $0xb8;
	[tilespmem:$0x18200] =	vst v63  }
0x6c: {  	s10 =	rddreg [dreg:$0x19]  }
0x6d: {  	[tilespmem:s10], [sflag:$0x1] =	stream.indirect_vreg.gather [hbm4b:s9+s2], $0x80, v3, vm0, $0xb8;
	[tilespmem:$0x18200] =	vst v63  }
0x6e: {  	v3 =	vld [tilespmem:s1+$0x0];
	_ =	sdelay $0x4  }
0x6f: {  	v62 =	vshrl.u32 v3, $0x3  }
0x70: {  	v4 =	vmul.u32 $0x60, v62  }
0x71: {  	v3 =	vand.u32 $0x7, v3  }
0x72: {  	v3 =	vor.u32 v3, v4  }
0x73: {  	v4 =	vperm.xlane v3, v0;
	_ =	sdelay $0x1  }
0x74: {  	v4 =	vadd.s32 v1, v4;
	_ =	sdelay $0x2  }
0x75: {  	s4 =	rddreg [dreg:$0x1a]  }
0x76: {  	s10 =	rddreg [dreg:$0x1b]  }
0x77: {  	[tilespmem:s4], [sflag:$0x1] =	stream.indirect_vreg.gather [hbm4b:s3+s2], $0x80, v4, vm0, $0xb8;
	[tilespmem:$0x18200] =	vst v63  }
0x78: {  	s4 =	rddreg [dreg:$0x1c]  }
0x79: {  	[tilespmem:s10], [sflag:$0x1] =	stream.indirect_vreg.gather [hbm4b:s5+s2], $0x80, v4, vm0, $0xb8;
	[tilespmem:$0x18200] =	vst v63  }
0x7a: {  	s10 =	rddreg [dreg:$0x1d]  }
0x7b: {  	[tilespmem:s4], [sflag:$0x1] =	stream.indirect_vreg.gather [hbm4b:s6+s2], $0x80, v4, vm0, $0xb8;
	[tilespmem:$0x18200] =	vst v63  }
0x7c: {  	v3 =	vperm.xlane v3, v2;
	s4 =	rddreg [dreg:$0x1e]  }
0x7d: {  	[tilespmem:s10], [sflag:$0x1] =	stream.indirect_vreg.gather [hbm4b:s7+s2], $0x80, v4, vm0, $0xb8;
	[tilespmem:$0x18200] =	vst v63  }
0x7e: {  	v3 =	vadd.s32 v1, v3;
	s10 =	rddreg [dreg:$0x1f]  }
0x7f: {  	[tilespmem:s4], [sflag:$0x1] =	stream.indirect_vreg.gather [hbm4b:s8+s2], $0x80, v4, vm0, $0xb8;
	[tilespmem:$0x18200] =	vst v63  }
0x80: {  	s4 =	sld [smem:$0x7FC]  }
0x81: {  	[tilespmem:s10], [sflag:$0x1] =	stream.indirect_vreg.gather [hbm4b:s9+s2], $0x80, v4, vm0, $0xb8;
	[tilespmem:$0x18200] =	vst v63  }
0x82: {  	s10 =	sld [smem:$0x7FD]  }
0x83: {  	[tilespmem:s4], [sflag:$0x1] =	stream.indirect_vreg.gather [hbm4b:s3+s2], $0x80, v3, vm0, $0xb8;
	[tilespmem:$0x18200] =	vst v63  }
0x84: {  	_ = 	snop  }
0x85: {  	[tilespmem:s10], [sflag:$0x1] =	stream.indirect_vreg.gather [hbm4b:s5+s2], $0x80, v3, vm0, $0xb8;
	[tilespmem:$0x18200] =	vst v63  }
0x86: {  	_ = 	snop  }
0x87: {  	[tilespmem:s13], [sflag:$0x1] =	stream.indirect_vreg.gather [hbm4b:s6+s2], $0x80, v3, vm0, $0xb8;
	[tilespmem:$0x18200] =	vst v63  }
0x88: {  	_ = 	snop  }
0x89: {  	[tilespmem:s14], [sflag:$0x1] =	stream.indirect_vreg.gather [hbm4b:s7+s2], $0x80, v3, vm0, $0xb8;
	[tilespmem:$0x18200] =	vst v63  }
0x8a: {  	_ = 	snop  }
0x8b: {  	[tilespmem:s15], [sflag:$0x1] =	stream.indirect_vreg.gather [hbm4b:s8+s2], $0x80, v3, vm0, $0xb8;
	[tilespmem:$0x18200] =	vst v63  }
0x8c: {  	_ = 	snop  }
0x8d: {  	[tilespmem:s16], [sflag:$0x1] =	stream.indirect_vreg.gather [hbm4b:s9+s2], $0x80, v3, vm0, $0xb8;
	[tilespmem:$0x18200] =	vst v63  }
0x8e: {  	v3 =	vld [tilespmem:s1+$0x10];
	_ =	sdelay $0x4  }
0x8f: {  	v63 =	vshrl.u32 v3, $0x3  }
0x90: {  	v4 =	vmul.u32 $0x60, v63  }
0x91: {  	v3 =	vand.u32 $0x7, v3  }
0x92: {  	v3 =	vor.u32 v3, v4  }
0x93: {  	v4 =	vperm.xlane v3, v0;
	_ =	sdelay $0x1  }
0x94: {  	v4 =	vadd.s32 v1, v4;
	_ =	sdelay $0x4  }
0x95: {  	[tilespmem:s17], [sflag:$0x1] =	stream.indirect_vreg.gather [hbm4b:s3+s2], $0x80, v4, vm0, $0xb8;
	[tilespmem:$0x18200] =	vst v63  }
0x96: {  	_ = 	snop  }
0x97: {  	[tilespmem:s18], [sflag:$0x1] =	stream.indirect_vreg.gather [hbm4b:s5+s2], $0x80, v4, vm0, $0xb8;
	[tilespmem:$0x18200] =	vst v63  }
0x98: {  	_ = 	snop  }
0x99: {  	[tilespmem:s19], [sflag:$0x1] =	stream.indirect_vreg.gather [hbm4b:s6+s2], $0x80, v4, vm0, $0xb8;
	[tilespmem:$0x18200] =	vst v63  }
0x9a: {  	v3 =	vperm.xlane v3, v2  }
0x9b: {  	[tilespmem:s20], [sflag:$0x1] =	stream.indirect_vreg.gather [hbm4b:s7+s2], $0x80, v4, vm0, $0xb8;
	[tilespmem:$0x18200] =	vst v63  }
0x9c: {  	v3 =	vadd.s32 v1, v3  }
0x9d: {  	[tilespmem:s21], [sflag:$0x1] =	stream.indirect_vreg.gather [hbm4b:s8+s2], $0x80, v4, vm0, $0xb8;
	[tilespmem:$0x18200] =	vst v63  }
0x9e: {  	_ = 	snop  }
0x9f: {  	[tilespmem:s22], [sflag:$0x1] =	stream.indirect_vreg.gather [hbm4b:s9+s2], $0x80, v4, vm0, $0xb8;
	[tilespmem:$0x18200] =	vst v63  }
0xa0: {  	_ = 	snop  }
0xa1: {  	[tilespmem:s23], [sflag:$0x1] =	stream.indirect_vreg.gather [hbm4b:s3+s2], $0x80, v3, vm0, $0xb8;
	[tilespmem:$0x18200] =	vst v63  }
0xa2: {  	_ = 	snop  }
0xa3: {  	[tilespmem:s24], [sflag:$0x1] =	stream.indirect_vreg.gather [hbm4b:s5+s2], $0x80, v3, vm0, $0xb8;
	[tilespmem:$0x18200] =	vst v63  }
0xa4: {  	_ = 	snop  }
0xa5: {  	[tilespmem:s25], [sflag:$0x1] =	stream.indirect_vreg.gather [hbm4b:s6+s2], $0x80, v3, vm0, $0xb8;
	[tilespmem:$0x18200] =	vst v63  }
0xa6: {  	_ = 	snop  }
0xa7: {  	[tilespmem:s26], [sflag:$0x1] =	stream.indirect_vreg.gather [hbm4b:s7+s2], $0x80, v3, vm0, $0xb8;
	[tilespmem:$0x18200] =	vst v63  }
0xa8: {  	_ = 	snop  }
0xa9: {  	[tilespmem:s28], [sflag:$0x1] =	stream.indirect_vreg.gather [hbm4b:s8+s2], $0x80, v3, vm0, $0xb8;
	[tilespmem:$0x18200] =	vst v63  }
0xaa: {  	_ = 	snop  }
0xab: {  	[tilespmem:s29], [sflag:$0x1] =	stream.indirect_vreg.gather [hbm4b:s9+s2], $0x80, v3, vm0, $0xb8;
	[tilespmem:$0x18200] =	vst v63  }
0xac: {  	_ =	swait.ge [sflag:s30], $0x18000  }
0xad: {  	p0 =	sne.s32 s0, $0x15000;
	s10 =	rddreg [dreg:$0x2];
	[sflag:s30] =	ssyncset.done $0x0  }
.Ltmp0:
0xae: {  	[sflag:s30] =	ssyncadd.s32 $0xFFFE8000;
	s4 =	sadd.s32 s0, s10;
	(pc) =	sbr.rel @p0 .LBB2_2-.Ltmp0, $4  }
0xaf: {  	[hbm4b:s4+s2] =	stream.linear.scatter [tilespmem:s12], [sflag:$0x2], $0x18000, $0x38;
	[tilespmem:$0x18200] =	vst v63  }
0xb0: {  	_ =	swait.ge [sflag:s11], $0x18000  }
0xb1: {  	[sflag:s11] =	ssyncset.done $0x0  }
0xb2: {  	s1 =	sadd.s32 $0x40, s1;
	s0 =	sadd.s32 $0x3000, s0;
	[sflag:s11] =	ssyncadd.s32 $0xFFFE8000  }
0xb3: {  	s0 =	sld [smem:$0x7FB];
	_ =	sdelay $0x1  }
0xb4: {  	s31 =	sadd.s32 $0x1, s31  }
0xb5: {  	p0 =	sne.s32 s31, s0  }
.Ltmp1:
0xb6: {  	_ = 	snop;
	(pc) =	sbr.rel @p0 .LBB2_1-.Ltmp1, $1  }
0xb7: {  	_ =	sdelay $0x3  }
0xb8: {  	_ =	sfence.sel $0x180000  }
0xb9: {  	[bflag:$0x0] =	sbarrier.arrive $0xFFFF  }
0xba: {  	_ =	strace $0x9000004A  }
0xbb: {  	s0 =	stileid.u32;
	[bflag:$0x2] =	sbarrier.arrive $0xFFFF  }
0xbc: {  	p0 =	sne.s32 s0, $0x0;
	s0 =	rddreg [dreg:$0x1]  }
0xbd: {  	s0 =	sadd.s32 @!p0 $0x100000, s0  }
0xbe: {  	[sflag:s0] =	ssyncadd.tile.s32 @!p0 $0x1;
	_ =	shalt  }
.Lfunc_end2:
_tile_overlayer_lowered:
.L_overlay_start_2:
0xbf: {  	(tag) =	ssettag $0x2  }
0xc0: {  	s0 =	rddreg [dreg:$0x0];
	s2 =	stileid.u32  }
0xc1: {  	s1 =	rddreg [dreg:$0x1];
	p0 =	sne.s32 s2, $0x0  }
0xc2: {  	s3 =	rddreg [dreg:$0x2];
	[bflag:$0x3] =	sbarrier.arrive $0xFFFF;
	s2 =	simm.s32 @!p0 $0x1C02  }
0xc3: {  	[timem:s3], [sflag:s2] =	dma.local @!p0 [hbm:s0], s1  }
0xc4: {  	s0 =	simm.s32 @!p0 $0x2  }
0xc5: {  	_ =	swait.ge @!p0 [sflag:s0], s1  }
0xc6: {  	s1 =	ssub.s32 @!p0 $0x0, s1;
	[sflag:s0] =	ssyncset.done @!p0 $0x0  }
0xc7: {  	[sflag:s0] =	ssyncadd.s32 @!p0 s1  }
0xc8: {  	[bflag:$0x3] =	sbarrier.arrive $0xFFFF  }
0xc9: {  	_ =	shalt  }

// kernel: kernel.14.cloned.1.call-start
scs
__scs_entry_jumppad:
0x0: {  	(pc) =	sbr.rel $0x88, $3  }
0x1: {  	(tag) =	ssettag $0x0;
	lr =	simm.s32 $0x1  }
0x2: {  	[smem:$0x3F99] =	sst lr;
	_ =	strace $0xD0000000  }
0x3: {  	_ = 	snop  }
0x4: {  	_ = 	snop  }
0x5: {  	_ = 	snop  }
0x6: {  	_ = 	snop  }
0x7: {  	_ = 	snop  }
__scs_overlays_trampoline_lowered:
0x8: {  	[smem:$0x3FA8] =	sst s0  }
0x9: {  	[smem:$0x3FA9] =	sst s1  }
0xa: {  	[smem:$0x3FAA] =	sst s2  }
0xb: {  	[smem:$0x3FAB] =	sst s3  }
0xc: {  	[smem:$0x3FAC] =	sst s4  }
0xd: {  	[smem:$0x3FAD] =	sst s5  }
0xe: {  	[smem:$0x3FAE] =	sst s6  }
0xf: {  	[smem:$0x3FAF] =	sst s7  }
0x10: {  	[smem:$0x3FB0] =	sst s8  }
0x11: {  	[smem:$0x3FB1] =	sst s9;
	s0 =	simm.s32 @!p0 $0x0  }
0x12: {  	s1 =	sld [smem:$0x3F97];
	s0 =	simm.s32 @p0 $0x1  }
0x13: {  	[smem:$0x3FB2] =	sst s0;
	s0 =	simm.s32 @!p1 $0x0  }
0x14: {  	s2 =	sld [smem:$0x3F96];
	s0 =	simm.s32 @p1 $0x1  }
0x15: {  	[smem:$0x3FB3] =	sst s0;
	s0 =	simm.s32 @!p2 $0x0  }
0x16: {  	s3 =	sld [smem:$0x3FDB];
	s0 =	simm.s32 @p2 $0x1  }
0x17: {  	s4 =	simm.s32 $0x1BF5;
	[smem:$0x3FB5] =	sst s0  }
0x18: {  	s0 =	sld [smem:$0x3F98];
	_ =	swait.ge [sflag:s4], $0x0  }
0x19: {  	s7 =	sld [smem:$0x3F99]  }
0x1a: {  	s8 =	sadd.s32 $0xFFFFE003, lr  }
0x1b: {  	s9 =	sadd.s32 $0xFFFFFEF7, lr;
	s5 =	simm.s32 $0xFFFFFFFF;
	p2 =	slt.u32 s8, $0xFFFFF086  }
0x1c: {  	p1 =	slt.u32 s9, $0xF7A;
	s5 =	simm.s32 @!p2 $0x0  }
0x1d: {  	s5 =	simm.s32 @p1 $0x1;
	p0 =	seq.s32 s7, s2  }
0x1e: {  	s7 =	smul.u32 @!p0 $0xF7A, s2;
	p2 =	seq.s32 @!p0 s5, $0x0  }
0x1f: {  	s9 =	smul.u32 $0xF7A, s1;
	s8 =	simm.s32 @!p0 $0x1BF5;
	p2 =	por !p2, p0  }
0x20: {  	[sflag:s8] =	ssyncset.s32 @!p0 $0xFFFFF086;
	s6 =	sadd.s32 @!p0 s3, s7;
	s7 =	simm.s32 @!p0 $0x108  }
0x21: {  	s3 =	sadd.s32 s3, s9;
	s6 =	sadd.s32 @!p0 $0x88, s6;
	s7 =	simm.s32 @p2 $0x1082  }
0x22: {  	[simem:s7], [sflag:s8] =	dma.local @!p0 [hbm:s6], $0xF7A  }
0x23: {  	s9 =	sor.u32 $0xD0000000, s2;
	s6 =	simm.s32 $0x108;
	_ =	swait.ge @!p0 [sflag:s8], $0x0  }
0x24: {  	s3 =	sadd.s32 $0x88, s3;
	s6 =	simm.s32 @!p1 $0x1082;
	[sflag:s4] =	ssyncset.s32 $0xFFFFF086  }
0x25: {  	[simem:s6], [sflag:s4] =	dma.local [hbm:s3], $0xF7A  }
0x26: {  	[smem:$0x3F99] =	sst s1;
	(tag) =	ssettag s2;
	_ =	strace s9  }
0x27: {  	s1 =	sld [smem:$0x3FA9]  }
0x28: {  	s2 =	sld [smem:$0x3FAA]  }
0x29: {  	s4 =	sld [smem:$0x3FAC]  }
0x2a: {  	p0 =	seq.s32 s5, $0x0;
	s5 =	sld [smem:$0x3FAD]  }
0x2b: {  	s6 =	sld [smem:$0x3FAE]  }
0x2c: {  	s7 =	sld [smem:$0x3FAF]  }
0x2d: {  	s3 =	simm.s32 $0x108;
	s8 =	sld [smem:$0x3FB0]  }
0x2e: {  	s3 =	simm.s32 @!p0 $0x1082;
	s9 =	sld [smem:$0x3FB1]  }
0x2f: {  	lr =	sadd.s32 s0, s3;
	s0 =	sld [smem:$0x3FA8]  }
0x30: {  	s3 =	sld [smem:$0x3FAB]  }
0x31: {  	[smem:$0x3FB4] =	sst s10  }
0x32: {  	s10 =	sld [smem:$0x3FB2];
	_ =	sdelay $0x3  }
0x33: {  	p0 =	seq.s32 s10, $0x1;
	s10 =	sld [smem:$0x3FB4];
	_ =	sdelay $0x3  }
0x34: {  	[smem:$0x3FB4] =	sst s10  }
0x35: {  	s10 =	sld [smem:$0x3FB3];
	_ =	sdelay $0x3  }
0x36: {  	p1 =	seq.s32 s10, $0x1;
	s10 =	sld [smem:$0x3FB4];
	_ =	sdelay $0x3  }
0x37: {  	[smem:$0x3FB4] =	sst s10  }
0x38: {  	s10 =	sld [smem:$0x3FB5]  }
0x39: {  	_ = 	snop;
	(pc) =	sbr.ind lr, $3  }
0x3a: {  	_ = 	snop  }
0x3b: {  	_ = 	snop  }
0x3c: {  	p2 =	seq.s32 s10, $0x1;
	s10 =	sld [smem:$0x3FB4]  }
0x3d: {  	_ =	shalt  }
0x3e: {  	_ =	shalt  }
0x3f: {  	_ =	shalt  }
0x40: {  	_ =	shalt  }
0x41: {  	_ =	shalt  }
0x42: {  	_ =	shalt  }
0x43: {  	_ =	shalt  }
0x44: {  	_ =	shalt  }
0x45: {  	_ =	shalt  }
0x46: {  	_ =	shalt  }
0x47: {  	_ =	shalt  }
0x48: {  	_ =	shalt  }
0x49: {  	_ =	shalt  }
0x4a: {  	_ =	shalt  }
0x4b: {  	_ =	shalt  }
0x4c: {  	_ =	shalt  }
0x4d: {  	_ =	shalt  }
0x4e: {  	_ =	shalt  }
0x4f: {  	_ =	shalt  }
0x50: {  	_ =	shalt  }
0x51: {  	_ =	shalt  }
0x52: {  	_ =	shalt  }
0x53: {  	_ =	shalt  }
0x54: {  	_ =	shalt  }
0x55: {  	_ =	shalt  }
0x56: {  	_ =	shalt  }
0x57: {  	_ =	shalt  }
0x58: {  	_ =	shalt  }
0x59: {  	_ =	shalt  }
0x5a: {  	_ =	shalt  }
0x5b: {  	_ =	shalt  }
0x5c: {  	_ =	shalt  }
0x5d: {  	_ =	shalt  }
0x5e: {  	_ =	shalt  }
0x5f: {  	_ =	shalt  }
0x60: {  	_ =	shalt  }
0x61: {  	_ =	shalt  }
0x62: {  	_ =	shalt  }
0x63: {  	_ =	shalt  }
0x64: {  	_ =	shalt  }
0x65: {  	_ =	shalt  }
0x66: {  	_ =	shalt  }
0x67: {  	_ =	shalt  }
0x68: {  	_ =	shalt  }
0x69: {  	_ =	shalt  }
0x6a: {  	_ =	shalt  }
0x6b: {  	_ =	shalt  }
0x6c: {  	_ =	shalt  }
0x6d: {  	_ =	shalt  }
0x6e: {  	_ =	shalt  }
0x6f: {  	_ =	shalt  }
0x70: {  	_ =	shalt  }
0x71: {  	_ =	shalt  }
0x72: {  	_ =	shalt  }
0x73: {  	_ =	shalt  }
0x74: {  	_ =	shalt  }
0x75: {  	_ =	shalt  }
0x76: {  	_ =	shalt  }
0x77: {  	_ =	shalt  }
0x78: {  	_ =	shalt  }
0x79: {  	_ =	shalt  }
0x7a: {  	_ =	shalt  }
0x7b: {  	_ =	shalt  }
0x7c: {  	_ =	shalt  }
0x7d: {  	_ =	shalt  }
0x7e: {  	_ =	shalt  }
0x7f: {  	_ =	shalt  }
0x80: {  	_ =	shalt  }
0x81: {  	_ =	shalt  }
0x82: {  	_ =	shalt  }
0x83: {  	_ =	shalt  }
0x84: {  	_ =	shalt  }
0x85: {  	_ =	shalt  }
0x86: {  	_ =	shalt  }
0x87: {  	_ =	shalt  }
.Lfunc_end0:
.L_simem_size_0:
called_computation.2_lowered:
.L_overlay_start_0:
0x88: {  	s2 =	sld [smem:$0x3FD9]  }
0x89: {  	s3 =	sld [smem:$0x3FFE];
	_ =	sdelay $0x1  }
0x8a: {  	s1 =	srdreg.scid  }
0x8b: {  	s0 =	sand.u32 $0x1, s1  }
0x8c: {  	s17 =	sshll.u32 s0, $0xA;
	s2 =	sadd.s32 s3, s2  }
0x8d: {  	s2 =	sadd.s32 s2, s17  }
0x8e: {  	[smem:$0x3FC0] =	sst s2  }
0x8f: {  	_ = 	snop  }
0x90: {  	s2 =	sld [smem:$0x3FC4]  }
0x91: {  	s18 =	sld [smem:$0x3FC2]  }
0x92: {  	s4 =	sld [smem:$0x3FD0];
	(tm) =	ssettm $0x1  }
0x93: {  	s5 =	sld [smem:$0x3FFB];
	_ =	sdelay $0x3  }
0x94: {  	_ =	strace s5  }
0x95: {  	s5 =	sld [smem:$0x3FFC];
	_ =	sdelay $0x3  }
0x96: {  	_ =	strace s5  }
0x97: {  	s5 =	sld [smem:$0x3FFD];
	_ =	sdelay $0x3  }
0x98: {  	_ =	strace s5  }
0x99: {  	_ =	strace $0x8FFFFFFF  }
0x9a: {  	s19 =	sld [smem:$0x3FDB];
	_ =	sdelay $0x1  }
0x9b: {  	s6 =	simm.s32 $_scs_section_size  }
0x9c: {  	s7 =	simm.s32 $_size__tile_overlayer_lowered;
	s8 =	simm.s32 $_tile_overlayer_lowered  }
0x9d: {  	s22 =	simm.s32 $0x1BFF;
	s21 =	sshll.u32 s8, $0x1;
	s5 =	sadd.s32 s6, s19  }
0x9e: {  	s9 =	simm.s32 $0x0;
	s20 =	sshll.u32 s7, $0x1;
	s7 =	sadd.s32 s21, s5  }
0x9f: {  	[timem:s9], [sflag:s22] =	dma.local [hbm:s7], s20  }
0xa0: {  	_ =	swait.ge [sflag:s22], s20  }
0xa1: {  	s6 =	ssub.s32 $0x0, s20;
	[sflag:s22] =	ssyncset.done $0x0  }
0xa2: {  	[sflag:s22] =	ssyncadd.s32 s6;
	_ =	sdelay $0x1  }
0xa3: {  	s23 =	simm.s32 $0x1B8B  }
0xa4: {  	_ =	swait.ge [sflag:s23], $0x1  }
0xa5: {  	[sflag:s23] =	ssyncset.done $0x0  }
0xa6: {  	s25 =	simm.s32 $0x1B8E;
	s24 =	sld [smem:$0x3FFE];
	[sflag:s23] =	ssyncadd.s32 $0xFFFFFFFF  }
0xa7: {  	s26 =	simm.s32 $execute0_lowered;
	[smem:$0x3FD2] =	sst s25  }
0xa8: {  	s7 =	sshll.u32 s26, $0x1;
	_ =	strace $0x8000004C;
	[dreg:$0x1] =	wrdreg $0xFFFFFFFF  }
0xa9: {  	s28 =	simm.s32 $_size_execute0_lowered;
	s5 =	sadd.s32 s5, s7;
	[dreg:$0x0] =	wrdreg $0x0  }
0xaa: {  	s7 =	sshll.u32 s28, $0x1;
	[dreg:$0x2] =	wrdreg s5  }
0xab: {  	[dreg:$0x3] =	wrdreg s7  }
0xac: {  	[dreg:$0x4] =	wrdreg $0xC0  }
0xad: {  	_ =	task [dreg:s9], $0x5FFFF  }
0xae: {  	[dreg:$0x1] =	wrdreg $0xFFFFFFFF  }
0xaf: {  	[dreg:$0x0] =	wrdreg $0x60  }
0xb0: {  	[dreg:$0x2] =	wrdreg s24  }
0xb1: {  	[dreg:$0x3] =	wrdreg s2  }
0xb2: {  	[dreg:$0x4] =	wrdreg s18  }
0xb3: {  	[dreg:$0x5] =	wrdreg s4  }
0xb4: {  	[dreg:$0x6] =	wrdreg $0x9  }
0xb5: {  	_ =	task.clear_ibuf [dreg:s9], $0x7FFFF;
	_ =	strace $0x9000004C  }
0xb6: {  	s29 =	simm.s32 $0x9;
	_ =	strace $0x8000004E  }
0xb7: {  	_ =	swait.ge [sflag:s29], $0x1  }
0xb8: {  	[sflag:s29] =	ssyncadd.s32 $0xFFFFFFFF  }
0xb9: {  	_ =	strace $0x9000004E  }
0xba: {  	_ =	sfence  }
0xbb: {  	s30 =	sld [smem:$0x0];
	_ =	sdelay $0x2  }
0xbc: {  	s31 =	sshll.u32 s1, $0xD;
	s1 =	sshrl.u32 s1, $0x2  }
0xbd: {  	s3 =	sand.u32 $0x4000, s31;
	s1 =	sadd.s32 s1, s30  }
0xbe: {  	s0 =	sor.u32 s3, s0;
	s1 =	sshll.u32 s1, $0x11  }
0xbf: {  	s0 =	sor.u32 s1, s0  }
0xc0: {  	s0 =	sadd.s32 $0x8F2B, s0  }
0xc1: {  	[sflag:s0] =	ssyncadd.remote.s32 $0x1  }
0xc2: {  	_ =	sfence.sel $0xFFFF  }
0xc3: {  	[dreg:$0x0] =	wrdreg $0xFFFFFFFF;
	(pc) =	sbr.abs _section_cstart, $3  }
0xc4: {  	[dreg:$0x1] =	wrdreg $0xFFFFFFFF  }
0xc5: {  	_ =	task.clear_ibuf [dreg:s9], $0x2FFFF;
	_ =	strace $0x9FFFFFFF  }
0xc6: {  	(tm) =	ssettm $0x7FFFFFFF  }
0xc7: {  	_ =	shalt  }
tec
execute0_lowered:
.L_overlay_start_1:
0x0: {  	(tag) =	ssettag $0x1  }
0x1: {  	s0 =	rddreg [dreg:$0x0]  }
0x2: {  	s1 =	rddreg [dreg:$0x1]  }
0x3: {  	s13 =	rddreg [dreg:$0x3]  }
0x4: {  	s2 =	srdreg.scid;
	s3 =	stileid.u32;
	s5 =	simm.s32 $0x0  }
0x5: {  	s16 =	simm.s32 $0x1800;
	s17 =	simm.s32 $0x5;
	s18 =	simm.s32 $0x1900  }
0x6: {  	s20 =	simm.s32 $0x1;
	s31 =	simm.s32 $0x1B00;
	s28 =	simm.s32 $0x2  }
0x7: {  	s14 =	simm.s32 $0x400;
	s15 =	simm.s32 $0x1A000;
	s21 =	simm.s32 $0x4  }
0x8: {  	s22 =	simm.s32 $0x1B80;
	s2 =	sand.u32 $0x1, s2;
	s3 =	sshll.u32 s3, $0x1  }
0x9: {  	[smem:$0x7FF] =	sst s5;
	s6 =	sadd.s32 $0x1000, s0;
	s12 =	sadd.s32 $0x100, s1  }
0xa: {  	s3 =	sor.u32 s2, s3;
	_ =	strace $0x8000004D;
	s2 =	ssub.s32 $0x2, s2  }
0xb: {  	[dreg:$0x5] =	wrdreg s31;
	s4 =	sshll.u32 s3, $0x6;
	s8 =	smul.u32 $0x18000, s3  }
0xc: {  	s7 =	sshrl.u32 s2, $0x1;
	s9 =	sshll.u32 s3, $0x5;
	s11 =	smul.u32 $0x30000, s3  }
0xd: {  	v0 =	vlaneseq.u32;
	s4 =	sadd.s32 s4, s0;
	s2 =	ssub.s32 s2, s7;
	s0 =	sadd.s32 s0, s9  }
0xe: {  	v2 =	vand.u32 $0x7, v0;
	s7 =	sshll.u32 s3, $0x8;
	[dreg:$0x6] =	wrdreg s0;
	s26 =	sadd.s32 $0x800, s4  }
0xf: {  	[tilespmem:$0x1FFD0] =	vst v2;
	v2 =	vshrl.u32 v0, $0x3;
	s10 =	sadd.s32 s6, s8;
	s29 =	sshrl.u32 s11, $0x3;
	s30 =	smax.u32 s2, $0x1  }
0x10: {  	v0 =	vor.u32 $0x8, v0;
	v2 =	vmul.u32 $0x8, v2;
	s8 =	simm.s32 $0x3;
	[dreg:$0x7] =	wrdreg s26;
	s0 =	sadd.s32 s13, s29  }
0x11: {  	[tilespmem:$0x1FFF0] =	vst v0;
	s2 =	simm.s32 $0x0;
	[dreg:$0x9] =	wrdreg s30;
	s0 =	sadd.s32 $0x5D70, s0  }
0x12: {  	v1 =	vimm.s32 $0x0;
	vm0 =	vmmov $0xffff;
	[tilespmem:$0x1FFE0] =	vst v2;
	s11 =	sadd.s32 $0x10, s10;
	s13 =	sadd.s32 $0x200, s1;
	[dreg:$0x8] =	wrdreg s0  }
.LBB2_1:
0x13: {  	[dreg:$0xa] =	wrdreg s2  }
0x14: {  	s0 =	rddreg [dreg:$0x6]  }
0x15: {  	[tilespmem:s16], [sflag:$0x5] =	stream.linear.gather [hbm4b:s0+s5], $0x100, $0x38;
	[tilespmem:$0x1A300] =	vst v63  }
0x16: {  	_ =	swait.ge [sflag:s17], $0x100  }
0x17: {  	[sflag:s17] =	ssyncset.done $0x0  }
0x18: {  	s29 =	rddreg [dreg:$0x7];
	[sflag:s17] =	ssyncadd.s32 $0xFFFFFF00  }
0x19: {  	[tilespmem:s18], [sflag:$0x5] =	stream.linear.gather [hbm4b:s29+s5], $0x200, $0x38;
	[tilespmem:$0x1A300] =	vst v63  }
0x1a: {  	_ =	swait.ge [sflag:s17], $0x200  }
0x1b: {  	[sflag:s17] =	ssyncset.done $0x0  }
0x1c: {  	[sflag:s17] =	ssyncadd.s32 $0xFFFFFE00  }
0x1d: {  	s31 =	simm.s32 $0x19D00;
	s30 =	rddreg [dreg:$0x2]  }
0x1e: {  	[tilespmem:s31], [sflag:$0x5] =	stream.linear.gather [hbm4b:s30+s5], $0x300, $0x38;
	[tilespmem:$0x1A300] =	vst v63  }
0x1f: {  	_ =	swait.ge [sflag:s17], $0x300  }
0x20: {  	s4 =	sadd.s32 $0x0, s10;
	s2 =	simm.s32 $0x100;
	[sflag:s17] =	ssyncset.done $0x0  }
0x21: {  	s3 =	simm.s32 $0x0;
	s0 =	simm.s32 $0x80;
	[sflag:s17] =	ssyncadd.s32 $0xFFFFFD00  }
.LBB2_2:
0x22: {  	[tilespmem:s3], [sflag:$0x1] =	stream.linear.gather [hbm4b:s4+s5], $0x80, $0x38;
	[tilespmem:$0x1A300] =	vst v63  }
0x23: {  	s4 =	smov.u32 s0;
	s3 =	smov.u32 s2;
	p0 =	sne.s32 s0, $0xB80  }
.Ltmp0:
0x24: {  	s0 =	sadd.s32 $0x80, s0;
	(pc) =	sbr.rel @p0 .LBB2_2-.Ltmp0, $2  }
0x25: {  	_ =	sdelay $0x2  }
0x26: {  	s2 =	sadd.s32 $0x100, s2;
	s4 =	sadd.s32 s4, s10  }
0x27: {  	[tilespmem:s3], [sflag:$0x1] =	stream.linear.gather [hbm4b:s4+s5], $0x80, $0x38;
	[tilespmem:$0x1A300] =	vst v63  }
0x28: {  	s23 =	simm.s32 $0x0;
	s0 =	simm.s32 $0x80  }
0x29: {  	s2 =	simm.s32 $0x80;
	s4 =	sadd.s32 $0x0, s11;
	s3 =	simm.s32 $0x180  }
.LBB2_4:
0x2a: {  	[tilespmem:s0], [sflag:$0x2] =	stream.linear.gather [hbm4b:s4+s23], $0x80, $0x38;
	[tilespmem:$0x1A300] =	vst v63  }
0x2b: {  	s4 =	smov.u32 s2;
	s0 =	smov.u32 s3;
	p0 =	sne.s32 s2, $0xB80  }
.Ltmp1:
0x2c: {  	s2 =	sadd.s32 $0x80, s2;
	(pc) =	sbr.rel @p0 .LBB2_4-.Ltmp1, $2  }
0x2d: {  	_ =	sdelay $0x2  }
0x2e: {  	s3 =	sadd.s32 $0x100, s3;
	s4 =	sadd.s32 s4, s11  }
0x2f: {  	[tilespmem:s0], [sflag:$0x2] =	stream.linear.gather [hbm4b:s4+s23], $0x80, $0x38;
	[tilespmem:$0x1A300] =	vst v63  }
.LBB2_6:
0x30: {  	_ =	swait.ge [sflag:s20], $0xC00  }
0x31: {  	[sflag:s20] =	ssyncset.done $0x0  }
0x32: {  	v2 =	vimm.f32 $0.0e+00;
	[sflag:s20] =	ssyncadd.s32 $0xFFFFF400  }
0x33: {  	s24 =	sshll.u32 s23, $0x1;
	[tilespmem:$0x1B00] =	vst v2  }
0x34: {  	v0 =	vmov s24;
	[tilespmem:$0x1C00] =	vst v1  }
0x35: {  	v0 =	vbroadcast v0, $0x0;
	[tilespmem:$0x1B10] =	vst v2  }
0x36: {  	[tilespmem:$0x1C10] =	vst v1  }
0x37: {  	[tilespmem:$0x1B20] =	vst v2  }
0x38: {  	[tilespmem:$0x1C20] =	vst v1  }
0x39: {  	s0 =	simm.s32 $0x0;
	[tilespmem:$0x1B30] =	vst v2  }
0x3a: {  	s2 =	sand.u32 $0x40, s0;
	s3 =	sand.u32 $0x1F00, s0;
	[tilespmem:$0x1C30] =	vst v1  }
0x3b: {  	s2 =	sor.u32 s2, s3;
	v5 =	vld.idx.msk [tilespmem:v0+s16+$0x0], $0xffff  }
0x3c: {  	v0 =	vld [tilespmem:s2+$0x0];
	_ =	sdelay $0x1  }
0x3d: {  	v2 =	vld [tilespmem:s2+$0x10];
	_ =	sdelay $0x1  }
0x3e: {  	v3 =	vld [tilespmem:s2+$0x20]  }
0x3f: {  	vm1 =	vle.s32 v5, v0;
	vm2 =	vgt.s32 v0, $0x0  }
0x40: {  	vm4 =	vmand vm1, vm2  }
0x41: {  	vm1 =	vle.s32 v5, v2;
	vm2 =	vgt.s32 v2, $0x0;
	v4 =	vsel vm4, $0x1, v1  }
0x42: {  	vm2 =	vmand vm1, vm2;
	(xrf0) =	vadd.scan.msk.s32 $0xffff, v4  }
0x43: {  	vm3 =	vgt.s32 v3, $0x0;
	vm1 =	vle.s32 v5, v3;
	v4 =	vsel vm2, $0x1, v1  }
0x44: {  	vm1 =	vmand vm1, vm3;
	(xrf0) =	vadd.scan.msk.s32 $0xffff, v4  }
0x45: {  	v4 =	vsel vm1, $0x1, v1  }
0x46: {  	(xrf0) =	vadd.scan.msk.s32 $0xffff, v4;
	_ =	sdelay $0x1  }
0x47: {  	v4, _, _ =	vpop (xrf0)  }
0x48: {  	(v2sf) =	vpush v4, $0xF  }
0x49: {  	v8, _, _ =	vpop (xrf0)  }
0x4a: {  	v9 =	vld [tilespmem:s2+$0x30];
	(v2sf) =	vpush v8, $0xF  }
0x4b: {  	v10, _, _ =	vpop (xrf0)  }
0x4c: {  	(v2sf) =	vpush v10, $0xF;
	_ =	sdelay $0x2  }
0x4d: {  	vm5 =	vgt.s32 v9, $0x0;
	vm3 =	vle.s32 v5, v9  }
0x4e: {  	s4 =	sshll.u32 s23, $0x2;
	vm3 =	vmand vm3, vm5  }
0x4f: {  	v6 =	vmov s4;
	v7 =	vsel vm3, $0x1, v1  }
0x50: {  	v11 =	vor.u32 $0x1, v6;
	(xrf0) =	vadd.scan.msk.s32 $0xffff, v7;
	_ =	sdelay $0x2  }
0x51: {  	p0 =	por $0x1, $0x1  }
0x52: {  	v6 =	vld.idx.msk [tilespmem:v6+s18+$0x0], $0xffff;
	v7 =	vmov @p0 s0  }
0x53: {  	v11 =	vld.idx.msk [tilespmem:v11+s18+$0x0], $0xffff;
	v7 =	vadd.s32 @p0 $0xFFFFFFFF, v7;
	s2 =	spop (v2sf)  }
0x54: {  	v7 =	vbroadcast @p0 v7, $0x0;
	v12, _, _ =	vpop (xrf0);
	s3 =	sadd.s32 @p0 $0x0, s2  }
0x55: {  	(v2sf) =	vpush v12, $0xF;
	s4 =	spop (v2sf);
	v13 =	vmov @p0 s3  }
0x56: {  	v4 =	vadd.s32 @p0 v4, v7;
	s3 =	sadd.s32 @p0 s4, s3;
	v7 =	vadd.s32 @p0 $0xFFFFFFFF, v13  }
0x57: {  	p1 =	por @p0 $0x0, $0x0;
	vm5 =	vlt.s32 @p0 v4, $0x40;
	s19 =	spop (v2sf);
	v14 =	vmov @p0 s3;
	v13 =	vbroadcast @p0 v7, $0x0  }
0x58: {  	s25 =	simm.s32 @p0 $0x1;
	p1 =	por !p1, !p0;
	vm4 =	vmand @p0 vm4, vm5;
	s30 =	sadd.s32 @p0 s19, s3;
	v7 =	vsub.s32 v11, v6;
	v11 =	vadd.s32 @p0 $0xFFFFFFFF, v14  }
0x59: {  	s25 =	simm.s32 @p1 $0x0;
	v14 =	vmov @p0 s30;
	v13 =	vadd.s32 @p0 v8, v13;
	v8 =	vbroadcast @p0 v11, $0x0  }
0x5a: {  	v14 =	vadd.s32 @p0 $0xFFFFFFFF, v14;
	v11 =	vmul.u32 @p0 s25, v7;
	vm5 =	vlt.s32 @p0 v13, $0x40  }
0x5b: {  	s3 =	simm.s32 @p0 $0xFFFFFA00;
	v14 =	vbroadcast @p0 v14, $0x0;
	vm2 =	vmand @p0 vm2, vm5;
	v10 =	vadd.s32 @p0 v10, v8  }
0x5c: {  	s3 =	simm.s32 @p1 $0x0;
	v8 =	vadd.s32 @p0 v6, v11;
	v11 =	vlaneseq.u32 @p0;
	vm5 =	vlt.s32 @p0 v10, $0x40  }
0x5d: {  	v15 =	vadd.s32 @p0 s3, v8;
	v8 =	vadd.s32 @p0 v12, v14;
	vm5 =	vmand @p0 vm1, vm5  }
0x5e: {  	s31 =	simm.s32 @p0 $0x1B00;
	v11 =	vadd.s32 @p0 v11, v15;
	vm1 =	vlt.s32 @p0 v8, $0x40  }
0x5f: {  	[tilespmem:v4+s31+$0x0] =	vst.idx.msk @p0 vm4, v0;
	s3 =	simm.s32 @p0 $0x1C00;
	v12 =	vadd.s32 @p0 s0, v11;
	vm1 =	vmand @p0 vm3, vm1  }
0x60: {  	s0 =	simm.s32 @p0 $0x10;
	[tilespmem:v4+s3+$0x0] =	vst.idx.msk @p0 vm4, v12  }
0x61: {  	s26 =	simm.s32 $0x1;
	s2 =	sadd.s32 @!p0 $0x0, s2;
	v0 =	vadd.s32 @p0 s0, v11;
	[tilespmem:v13+s31+$0x0] =	vst.idx.msk @p0 vm2, v2  }
0x62: {  	s29 =	simm.s32 $0x2;
	s0 =	sadd.s32 @!p0 s4, s2;
	s2 =	simm.s32 @p0 $0x20;
	[tilespmem:v13+s3+$0x0] =	vst.idx.msk @p0 vm2, v0  }
0x63: {  	s25 =	simm.s32 $0x40;
	s4 =	simm.s32 @p0 $0x30;
	s0 =	sadd.s32 @!p0 s19, s0;
	v0 =	vadd.s32 @p0 s2, v11;
	[tilespmem:v10+s31+$0x0] =	vst.idx.msk @p0 vm5, v3  }
0x64: {  	s0 =	smov.u32 @p0 s30;
	s9 =	spop (v2sf);
	s2 =	simm.s32 $0x80;
	[tilespmem:v10+s3+$0x0] =	vst.idx.msk @p0 vm5, v0  }
0x65: {  	v4 =	vadd.s32 @p0 s4, v11;
	s4 =	sand.u32 $0x40, s25;
	s0 =	sadd.s32 s9, s0;
	s30 =	sand.u32 $0x1F00, s2;
	[tilespmem:v8+s31+$0x0] =	vst.idx.msk @p0 vm1, v9  }
.LBB2_7:
0x66: {  	s4 =	sor.u32 s4, s30;
	[tilespmem:v8+s3+$0x0] =	vst.idx.msk @p0 vm1, v4;
	s3 =	smov.u32 s29;
	s29 =	sadd.s32 $0x1, s29  }
0x67: {  	p1 =	sne.s32 s29, $0x30;
	v8 =	vld [tilespmem:s4+$0x0]  }
0x68: {  	v3 =	vld [tilespmem:s4+$0x10];
	_ =	sdelay $0x1  }
0x69: {  	v2 =	vld [tilespmem:s4+$0x20];
	_ =	sdelay $0x1  }
0x6a: {  	vm1 =	vle.s32 v5, v8;
	vm2 =	vgt.s32 v8, $0x0;
	v0 =	vld [tilespmem:s4+$0x30]  }
0x6b: {  	vm4 =	vmand vm1, vm2;
	vm1 =	vle.s32 v5, v3;
	vm2 =	vgt.s32 v3, $0x0  }
0x6c: {  	v4 =	vsel vm4, $0x1, v1;
	vm1 =	vmand vm1, vm2  }
0x6d: {  	v9 =	vsel vm1, $0x1, v1;
	vm2 =	vle.s32 v5, v2;
	vm3 =	vgt.s32 v2, $0x0;
	(xrf0) =	vadd.scan.msk.s32 $0xffff, v4  }
0x6e: {  	vm2 =	vmand vm2, vm3  }
0x6f: {  	p0 =	slt.s32 s0, $0x40;
	v4 =	vsel vm2, $0x1, v1;
	vm3 =	vle.s32 v5, v0;
	vm5 =	vgt.s32 v0, $0x0;
	(xrf0) =	vadd.scan.msk.s32 $0xffff, v9  }
0x70: {  	p2 =	sgt.u32 @p0 s26, $0x17;
	s26 =	smov.u32 s3;
	v9 =	vmov @p0 s0;
	vm3 =	vmand vm3, vm5;
	(xrf0) =	vadd.scan.msk.s32 $0xffff, v4  }
0x71: {  	s3 =	simm.s32 @p0 $0x1;
	p2 =	por !p2, !p0;
	v9 =	vadd.s32 @p0 $0xFFFFFFFF, v9;
	v4 =	vsel vm3, $0x1, v1  }
0x72: {  	s3 =	simm.s32 @p2 $0x0;
	v9 =	vbroadcast @p0 v9, $0x0;
	(xrf0) =	vadd.scan.msk.s32 $0xffff, v4  }
0x73: {  	v4 =	vmul.u32 @p0 s3, v7;
	v10, _, _ =	vpop (xrf0)  }
0x74: {  	s3 =	simm.s32 @p0 $0xFFFFFA00;
	v9 =	vadd.s32 @p0 v10, v9;
	(v2sf) =	vpush v10, $0xF  }
0x75: {  	s3 =	simm.s32 @p2 $0x0;
	v4 =	vadd.s32 @p0 v6, v4;
	v10 =	vlaneseq.u32 @p0;
	vm5 =	vlt.s32 @p0 v9, $0x40;
	v11, _, _ =	vpop (xrf0)  }
0x76: {  	v4 =	vadd.s32 @p0 s3, v4;
	vm4 =	vmand @p0 vm4, vm5;
	(v2sf) =	vpush v11, $0xF;
	v12, _, _ =	vpop (xrf0)  }
0x77: {  	s4 =	sadd.s32 @p0 $0x20, s25;
	s3 =	sadd.s32 @p0 $0x10, s25;
	v4 =	vadd.s32 @p0 v10, v4;
	(v2sf) =	vpush v12, $0xF  }
0x78: {  	v10 =	vadd.s32 @p0 s25, v4;
	v13 =	vadd.s32 @p0 s3, v4;
	v14 =	vadd.s32 @p0 s4, v4;
	s3 =	sadd.s32 @p0 $0x30, s25;
	v15, _, _ =	vpop (xrf0)  }
0x79: {  	v4 =	vadd.s32 @p0 s3, v4;
	(v2sf) =	vpush v15, $0xF;
	_ =	sdelay $0x1  }
0x7a: {  	s19 =	simm.s32 @p0 $0x1B00  }
0x7b: {  	s3 =	simm.s32 @p0 $0x1C00;
	[tilespmem:v9+s19+$0x0] =	vst.idx.msk @p0 vm4, v8  }
0x7c: {  	[tilespmem:v9+s3+$0x0] =	vst.idx.msk @p0 vm4, v10;
	_ =	sdelay $0x5  }
0x7d: {  	s4 =	spop (v2sf)  }
0x7e: {  	s30 =	sadd.s32 @p0 s0, s4;
	s0 =	sadd.s32 @!p0 s0, s4  }
0x7f: {  	v8 =	vmov @p0 s30;
	s4 =	spop (v2sf)  }
0x80: {  	v8 =	vadd.s32 @p0 $0xFFFFFFFF, v8;
	s30 =	sadd.s32 @p0 s4, s30;
	s0 =	sadd.s32 @!p0 s4, s0;
	s4 =	spop (v2sf)  }
0x81: {  	v8 =	vbroadcast @p0 v8, $0x0;
	v9 =	vmov @p0 s30;
	s30 =	sadd.s32 @p0 s4, s30;
	s0 =	sadd.s32 @!p0 s4, s0  }
0x82: {  	v9 =	vadd.s32 @p0 $0xFFFFFFFF, v9;
	v10 =	vmov @p0 s30;
	s0 =	smov.u32 @p0 s30;
	s4 =	spop (v2sf)  }
0x83: {  	v11 =	vadd.s32 @p0 v11, v8;
	v8 =	vbroadcast @p0 v9, $0x0;
	v9 =	vadd.s32 @p0 $0xFFFFFFFF, v10;
	s0 =	sadd.s32 s4, s0  }
0x84: {  	vm4 =	vlt.s32 @p0 v11, $0x40;
	v9 =	vbroadcast @p0 v9, $0x0  }
0x85: {  	vm4 =	vmand @p0 vm1, vm4;
	v10 =	vadd.s32 @p0 v12, v8  }
0x86: {  	vm1 =	vlt.s32 @p0 v10, $0x40  }
0x87: {  	v8 =	vadd.s32 @p0 v15, v9;
	vm2 =	vmand @p0 vm2, vm1  }
0x88: {  	vm1 =	vlt.s32 @p0 v8, $0x40  }
0x89: {  	vm1 =	vmand @p0 vm3, vm1;
	_ =	sdelay $0x1  }
.Ltmp2:
0x8a: {  	[tilespmem:v11+s19+$0x0] =	vst.idx.msk @p0 vm4, v3;
	(pc) =	sbr.rel @p1 .LBB2_7-.Ltmp2, $4  }
0x8b: {  	[tilespmem:v11+s3+$0x0] =	vst.idx.msk @p0 vm4, v13  }
0x8c: {  	[tilespmem:v10+s19+$0x0] =	vst.idx.msk @p0 vm2, v2  }
0x8d: {  	s2 =	sadd.s32 $0x80, s2;
	s25 =	sadd.s32 $0x40, s25;
	[tilespmem:v10+s3+$0x0] =	vst.idx.msk @p0 vm2, v14  }
0x8e: {  	s30 =	sand.u32 $0x1F00, s2;
	s4 =	sand.u32 $0x40, s25;
	[tilespmem:v8+s19+$0x0] =	vst.idx.msk @p0 vm1, v0  }
0x8f: {  	_ =	sdelay $0x4  }
0x90: {  	s2 =	sor.u32 s4, s30;
	[tilespmem:v8+s3+$0x0] =	vst.idx.msk @p0 vm1, v4  }
0x91: {  	v0 =	vld [tilespmem:s2+$0x0];
	_ =	sdelay $0x1  }
0x92: {  	v2 =	vld [tilespmem:s2+$0x10];
	_ =	sdelay $0x1  }
0x93: {  	v3 =	vld [tilespmem:s2+$0x20]  }
0x94: {  	vm1 =	vle.s32 v5, v0;
	vm2 =	vgt.s32 v0, $0x0  }
0x95: {  	vm4 =	vmand vm1, vm2  }
0x96: {  	vm1 =	vle.s32 v5, v2;
	vm2 =	vgt.s32 v2, $0x0;
	v58 =	vsel vm4, $0x1, v1  }
0x97: {  	vm2 =	vmand vm1, vm2;
	(xrf0) =	vadd.scan.msk.s32 $0xffff, v58  }
0x98: {  	vm3 =	vgt.s32 v3, $0x0;
	vm1 =	vle.s32 v5, v3;
	v59 =	vsel vm2, $0x1, v1  }
0x99: {  	vm1 =	vmand vm1, vm3;
	(xrf0) =	vadd.scan.msk.s32 $0xffff, v59  }
0x9a: {  	v60 =	vsel vm1, $0x1, v1  }
0x9b: {  	(xrf0) =	vadd.scan.msk.s32 $0xffff, v60;
	_ =	sdelay $0x1  }
0x9c: {  	v4, _, _ =	vpop (xrf0)  }
0x9d: {  	(v2sf) =	vpush v4, $0xF  }
0x9e: {  	v8, _, _ =	vpop (xrf0)  }
0x9f: {  	(v2sf) =	vpush v8, $0xF  }
0xa0: {  	v9, _, _ =	vpop (xrf0)  }
0xa1: {  	(v2sf) =	vpush v9, $0xF;
	_ =	sdelay $0x5  }
0xa2: {  	v10 =	vld [tilespmem:s2+$0x30];
	_ =	sdelay $0x2  }
0xa3: {  	p0 =	slt.s32 s0, $0x40  }
0xa4: {  	v11 =	vmov @p0 s0  }
0xa5: {  	vm5 =	vgt.s32 v10, $0x0;
	vm3 =	vle.s32 v5, v10;
	v5 =	vadd.s32 @p0 $0xFFFFFFFF, v11;
	s2 =	spop (v2sf)  }
0xa6: {  	vm3 =	vmand vm3, vm5;
	v5 =	vbroadcast @p0 v5, $0x0;
	s0 =	sadd.s32 @p0 s0, s2  }
0xa7: {  	v61 =	vsel vm3, $0x1, v1;
	s2 =	spop (v2sf);
	v12 =	vmov @p0 s0  }
0xa8: {  	(xrf0) =	vadd.scan.msk.s32 $0xffff, v61;
	v4 =	vadd.s32 @p0 v4, v5;
	s0 =	sadd.s32 @p0 s2, s0;
	v5 =	vadd.s32 @p0 $0xFFFFFFFF, v12  }
0xa9: {  	p1 =	sgt.u32 @p0 s26, $0x17;
	vm5 =	vlt.s32 @p0 v4, $0x40;
	s2 =	spop (v2sf);
	v11 =	vmov @p0 s0;
	v5 =	vbroadcast @p0 v5, $0x0  }
0xaa: {  	s3 =	simm.s32 @p0 $0x1;
	p1 =	por !p1, !p0;
	vm4 =	vmand @p0 vm4, vm5;
	s0 =	sadd.s32 @p0 s2, s0;
	v11 =	vadd.s32 @p0 $0xFFFFFFFF, v11  }
0xab: {  	s3 =	simm.s32 @p1 $0x0;
	v12 =	vmov @p0 s0;
	v5 =	vadd.s32 @p0 v8, v5;
	v8 =	vbroadcast @p0 v11, $0x0  }
0xac: {  	v7 =	vmul.u32 @p0 s3, v7;
	v11 =	vadd.s32 @p0 $0xFFFFFFFF, v12;
	vm5 =	vlt.s32 @p0 v5, $0x40  }
0xad: {  	s0 =	simm.s32 @p0 $0xFFFFFA00;
	v11 =	vbroadcast @p0 v11, $0x0;
	vm2 =	vmand @p0 vm2, vm5;
	v8 =	vadd.s32 @p0 v9, v8  }
0xae: {  	v6 =	vadd.s32 @p0 v6, v7;
	v7 =	vlaneseq.u32 @p0;
	s0 =	simm.s32 @p1 $0x0;
	v9, _, _ =	vpop (xrf0);
	vm5 =	vlt.s32 @p0 v8, $0x40  }
0xaf: {  	v6 =	vadd.s32 @p0 s0, v6;
	v11 =	vadd.s32 @p0 v9, v11;
	vm1 =	vmand @p0 vm1, vm5  }
0xb0: {  	s0 =	simm.s32 @p0 $0x1B00;
	v6 =	vadd.s32 @p0 v7, v6;
	vm5 =	vlt.s32 @p0 v11, $0x40  }
0xb1: {  	s2 =	simm.s32 @p0 $0x1C00;
	[tilespmem:v4+s0+$0x0] =	vst.idx.msk @p0 vm4, v0;
	v7 =	vadd.s32 @p0 s25, v6;
	vm3 =	vmand @p0 vm3, vm5  }
0xb2: {  	s3 =	sadd.s32 @p0 $0x10, s25;
	[tilespmem:v4+s2+$0x0] =	vst.idx.msk @p0 vm4, v7  }
0xb3: {  	v0 =	vadd.s32 @p0 s3, v6;
	[tilespmem:v5+s0+$0x0] =	vst.idx.msk @p0 vm2, v2  }
0xb4: {  	s3 =	sadd.s32 @p0 $0x20, s25;
	[tilespmem:v5+s2+$0x0] =	vst.idx.msk @p0 vm2, v0  }
0xb5: {  	v0 =	vadd.s32 @p0 s3, v6;
	[tilespmem:v8+s0+$0x0] =	vst.idx.msk @p0 vm1, v3  }
0xb6: {  	s3 =	sadd.s32 @p0 $0x30, s25;
	[tilespmem:v8+s2+$0x0] =	vst.idx.msk @p0 vm1, v0  }
0xb7: {  	v0 =	vadd.s32 @p0 s3, v6;
	[tilespmem:v11+s0+$0x0] =	vst.idx.msk @p0 vm3, v10  }
0xb8: {  	[tilespmem:v11+s2+$0x0] =	vst.idx.msk @p0 vm3, v0  }
0xb9: {  	v0 =	vld [tilespmem:$0x1C00];
	_ =	sdelay $0x3  }
0xba: {  	v3 =	vld [tilespmem:$0x1FFD0]  }
0xbb: {  	v2 =	vshrl.u32 v0, $0x3  }
0xbc: {  	v62 =	vld [tilespmem:$0x1FFE0];
	v2 =	vmul.u32 $0x30, v2  }
0xbd: {  	v0 =	vand.u32 $0x7, v0  }
0xbe: {  	v0 =	vor.u32 v0, v2  }
0xbf: {  	v2 =	vperm.xlane v0, v3  }
0xc0: {  	v63 =	vld [tilespmem:$0x1FFF0]  }
0xc1: {  	v2 =	vadd.s32 v62, v2;
	_ =	sdelay $0x3  }
0xc2: {  	s25 =	simm.s32 $0x1D00;
	v0 =	vperm.xlane v0, v63  }
0xc3: {  	[tilespmem:s25], [sflag:$0x3] =	stream.indirect_vreg.gather [hbm4b:s1+s5], $0x80, v2, vm0, $0xb8;
	[tilespmem:$0x1A300] =	vst v63  }
0xc4: {  	s26 =	simm.s32 $0x2500;
	v0 =	vadd.s32 v62, v0  }
0xc5: {  	[tilespmem:s26], [sflag:$0x3] =	stream.indirect_vreg.gather [hbm4b:s12+s5], $0x80, v2, vm0, $0xb8;
	[tilespmem:$0x1A300] =	vst v63  }
0xc6: {  	s29 =	simm.s32 $0x2D00  }
0xc7: {  	[tilespmem:s29], [sflag:$0x3] =	stream.indirect_vreg.gather [hbm4b:s13+s5], $0x80, v2, vm0, $0xb8;
	[tilespmem:$0x1A300] =	vst v63  }
0xc8: {  	s30 =	simm.s32 $0x3500  }
0xc9: {  	[tilespmem:s30], [sflag:$0x3] =	stream.indirect_vreg.gather [hbm4b:s1+s5], $0x80, v0, vm0, $0xb8;
	[tilespmem:$0x1A300] =	vst v63  }
0xca: {  	s31 =	simm.s32 $0x3D00  }
0xcb: {  	[tilespmem:s31], [sflag:$0x3] =	stream.indirect_vreg.gather [hbm4b:s12+s5], $0x80, v0, vm0, $0xb8;
	[tilespmem:$0x1A300] =	vst v63  }
0xcc: {  	s2 =	simm.s32 $0x4500  }
0xcd: {  	[tilespmem:s2], [sflag:$0x3] =	stream.indirect_vreg.gather [hbm4b:s13+s5], $0x80, v0, vm0, $0xb8;
	[tilespmem:$0x1A300] =	vst v63  }
0xce: {  	v0 =	vld [tilespmem:$0x1C10];
	_ =	sdelay $0x4  }
0xcf: {  	v2 =	vshrl.u32 v0, $0x3  }
0xd0: {  	v2 =	vmul.u32 $0x30, v2  }
0xd1: {  	v0 =	vand.u32 $0x7, v0  }
0xd2: {  	v0 =	vor.u32 v0, v2  }
0xd3: {  	v2 =	vperm.xlane v0, v3;
	_ =	sdelay $0x1  }
0xd4: {  	v2 =	vadd.s32 v62, v2;
	_ =	sdelay $0x3  }
0xd5: {  	s3 =	simm.s32 $0x4D00;
	v0 =	vperm.xlane v0, v63  }
0xd6: {  	[tilespmem:s3], [sflag:$0x3] =	stream.indirect_vreg.gather [hbm4b:s1+s5], $0x80, v2, vm0, $0xb8;
	[tilespmem:$0x1A300] =	vst v63  }
0xd7: {  	s4 =	simm.s32 $0x5500;
	v0 =	vadd.s32 v62, v0  }
0xd8: {  	[tilespmem:s4], [sflag:$0x3] =	stream.indirect_vreg.gather [hbm4b:s12+s5], $0x80, v2, vm0, $0xb8;
	[tilespmem:$0x1A300] =	vst v63  }
0xd9: {  	s9 =	simm.s32 $0x5D00  }
0xda: {  	[tilespmem:s9], [sflag:$0x3] =	stream.indirect_vreg.gather [hbm4b:s13+s5], $0x80, v2, vm0, $0xb8;
	[tilespmem:$0x1A300] =	vst v63  }
0xdb: {  	s19 =	simm.s32 $0x6500  }
0xdc: {  	[tilespmem:s19], [sflag:$0x3] =	stream.indirect_vreg.gather [hbm4b:s1+s5], $0x80, v0, vm0, $0xb8;
	[tilespmem:$0x1A300] =	vst v63  }
0xdd: {  	s25 =	simm.s32 $0x6D00  }
0xde: {  	[tilespmem:s25], [sflag:$0x3] =	stream.indirect_vreg.gather [hbm4b:s12+s5], $0x80, v0, vm0, $0xb8;
	[tilespmem:$0x1A300] =	vst v63  }
0xdf: {  	s26 =	simm.s32 $0x7500  }
0xe0: {  	[tilespmem:s26], [sflag:$0x3] =	stream.indirect_vreg.gather [hbm4b:s13+s5], $0x80, v0, vm0, $0xb8;
	[tilespmem:$0x1A300] =	vst v63  }
0xe1: {  	v0 =	vld [tilespmem:$0x1C20];
	_ =	sdelay $0x4  }
0xe2: {  	v2 =	vshrl.u32 v0, $0x3  }
0xe3: {  	v2 =	vmul.u32 $0x30, v2  }
0xe4: {  	v0 =	vand.u32 $0x7, v0  }
0xe5: {  	v0 =	vor.u32 v0, v2  }
0xe6: {  	v2 =	vperm.xlane v0, v3;
	_ =	sdelay $0x1  }
0xe7: {  	v2 =	vadd.s32 v62, v2;
	_ =	sdelay $0x3  }
0xe8: {  	s29 =	simm.s32 $0x7D00;
	v0 =	vperm.xlane v0, v63  }
0xe9: {  	[tilespmem:s29], [sflag:$0x3] =	stream.indirect_vreg.gather [hbm4b:s1+s5], $0x80, v2, vm0, $0xb8;
	[tilespmem:$0x1A300] =	vst v63  }
0xea: {  	s30 =	simm.s32 $0x8500;
	v0 =	vadd.s32 v62, v0  }
0xeb: {  	[tilespmem:s30], [sflag:$0x3] =	stream.indirect_vreg.gather [hbm4b:s12+s5], $0x80, v2, vm0, $0xb8;
	[tilespmem:$0x1A300] =	vst v63  }
0xec: {  	s31 =	simm.s32 $0x8D00  }
0xed: {  	[tilespmem:s31], [sflag:$0x3] =	stream.indirect_vreg.gather [hbm4b:s13+s5], $0x80, v2, vm0, $0xb8;
	[tilespmem:$0x1A300] =	vst v63  }
0xee: {  	s2 =	simm.s32 $0x9500  }
0xef: {  	[tilespmem:s2], [sflag:$0x3] =	stream.indirect_vreg.gather [hbm4b:s1+s5], $0x80, v0, vm0, $0xb8;
	[tilespmem:$0x1A300] =	vst v63  }
0xf0: {  	s3 =	simm.s32 $0x9D00  }
0xf1: {  	[tilespmem:s3], [sflag:$0x3] =	stream.indirect_vreg.gather [hbm4b:s12+s5], $0x80, v0, vm0, $0xb8;
	[tilespmem:$0x1A300] =	vst v63  }
0xf2: {  	s4 =	simm.s32 $0xA500  }
0xf3: {  	[tilespmem:s4], [sflag:$0x3] =	stream.indirect_vreg.gather [hbm4b:s13+s5], $0x80, v0, vm0, $0xb8;
	[tilespmem:$0x1A300] =	vst v63  }
0xf4: {  	v0 =	vld [tilespmem:$0x1C30];
	_ =	sdelay $0x4  }
0xf5: {  	v2 =	vshrl.u32 v0, $0x3  }
0xf6: {  	v2 =	vmul.u32 $0x30, v2  }
0xf7: {  	v0 =	vand.u32 $0x7, v0  }
0xf8: {  	v0 =	vor.u32 v0, v2  }
0xf9: {  	v2 =	vperm.xlane v0, v3;
	_ =	sdelay $0x1  }
0xfa: {  	(v2sf) =	vpush v9, $0xF;
	v2 =	vadd.s32 v62, v2;
	_ =	sdelay $0x3  }
0xfb: {  	s9 =	simm.s32 $0xAD00;
	v0 =	vperm.xlane v0, v63  }
0xfc: {  	[tilespmem:s9], [sflag:$0x3] =	stream.indirect_vreg.gather [hbm4b:s1+s5], $0x80, v2, vm0, $0xb8;
	[tilespmem:$0x1A300] =	vst v63  }
0xfd: {  	s19 =	simm.s32 $0xB500;
	v0 =	vadd.s32 v62, v0  }
0xfe: {  	[tilespmem:s19], [sflag:$0x3] =	stream.indirect_vreg.gather [hbm4b:s12+s5], $0x80, v2, vm0, $0xb8;
	[tilespmem:$0x1A300] =	vst v63  }
0xff: {  	s25 =	simm.s32 $0xBD00  }
0x100: {  	[tilespmem:s25], [sflag:$0x3] =	stream.indirect_vreg.gather [hbm4b:s13+s5], $0x80, v2, vm0, $0xb8;
	[tilespmem:$0x1A300] =	vst v63  }
0x101: {  	p0 =	seq.s32 s23, $0x0;
	s26 =	simm.s32 $0xC500  }
0x102: {  	[tilespmem:s26], [sflag:$0x3] =	stream.indirect_vreg.gather [hbm4b:s1+s5], $0x80, v0, vm0, $0xb8;
	[tilespmem:$0x1A300] =	vst v63  }
.Ltmp3:
0x103: {  	_ = 	snop;
	(pc) =	sbr.rel @p0 .LBB2_12-.Ltmp3, $4  }
0x104: {  	s29 =	simm.s32 $0xCD00  }
0x105: {  	[tilespmem:s29], [sflag:$0x3] =	stream.indirect_vreg.gather [hbm4b:s12+s5], $0x80, v0, vm0, $0xb8;
	[tilespmem:$0x1A300] =	vst v63  }
0x106: {  	s30 =	simm.s32 $0xD500;
	s31 =	spop (v2sf)  }
0x107: {  	[tilespmem:s30], [sflag:$0x3] =	stream.indirect_vreg.gather [hbm4b:s13+s5], $0x80, v0, vm0, $0xb8;
	[tilespmem:$0x1A300] =	vst v63  }
0x108: {  	_ =	swait.ge [sflag:s21], $0xC000  }
0x109: {  	[sflag:s21] =	ssyncset.done $0x0  }
0x10a: {  	[sflag:s21] =	ssyncadd.s32 $0xFFFF4000  }
0x10b: {  	v0 =	vld [tilespmem:$0x19E80];
	_ =	sdelay $0x4  }
0x10c: {  	[tilespmem:$0x1FF10] =	vst v0;
	v0 =	vld [tilespmem:$0x19E90];
	_ =	sdelay $0x4  }
0x10d: {  	[tilespmem:$0x1FF20] =	vst v0;
	v0 =	vld [tilespmem:$0x19EA0];
	_ =	sdelay $0x4  }
0x10e: {  	[tilespmem:$0x1FF30] =	vst v0;
	v0 =	vld [tilespmem:$0x19EB0];
	_ =	sdelay $0x4  }
0x10f: {  	[tilespmem:$0x1FF40] =	vst v0;
	v0 =	vld [tilespmem:$0x19EC0];
	_ =	sdelay $0x1  }
0x110: {  	v20 =	vld [tilespmem:$0x19D00]  }
0x111: {  	v49 =	vld [tilespmem:$0x19D10]  }
0x112: {  	v24 =	vld [tilespmem:$0x19D20]  }
0x113: {  	[tilespmem:$0x1FF50] =	vst v0;
	v0 =	vld [tilespmem:$0x19ED0]  }
0x114: {  	v50 =	vld [tilespmem:$0x19D30]  }
0x115: {  	v27 =	vld [tilespmem:$0x19D40]  }
0x116: {  	v28 =	vld [tilespmem:$0x19D50]  }
0x117: {  	v48 =	vld [tilespmem:$0x19D60]  }
0x118: {  	[tilespmem:$0x1FF60] =	vst v0;
	v0 =	vld [tilespmem:$0x19EE0]  }
0x119: {  	v31 =	vld [tilespmem:$0x19D70]  }
0x11a: {  	v33 =	vld [tilespmem:$0x19D90]  }
0x11b: {  	v34 =	vld [tilespmem:$0x19DA0]  }
0x11c: {  	v35 =	vld [tilespmem:$0x19DB0]  }
0x11d: {  	[tilespmem:$0x1FF70] =	vst v0;
	v0 =	vld [tilespmem:$0x19EF0]  }
0x11e: {  	v36 =	vld [tilespmem:$0x19DC0]  }
0x11f: {  	v41 =	vld [tilespmem:$0x19DD0]  }
0x120: {  	v55 =	vld [tilespmem:$0x19DF0]  }
0x121: {  	v57 =	vld [tilespmem:$0x19E10]  }
0x122: {  	[tilespmem:$0x1FF80] =	vst v0;
	v0 =	vld [tilespmem:$0x19F00]  }
0x123: {  	v58 =	vld [tilespmem:$0x19E20]  }
0x124: {  	s0 =	simm.s32 $0x0;
	v59 =	vld [tilespmem:$0x19E30]  }
0x125: {  	s0 =	smul.u32 $0x6000, s0;
	v61 =	vld [tilespmem:$0x19E50]  }
0x126: {  	s25 =	simm.s32 $0x0;
	v63 =	vld [tilespmem:$0x19E70]  }
0x127: {  	s2 =	sand.u32 $0x380, s25;
	s0 =	sshra.s32 s0, $0x2;
	[tilespmem:$0x1FF90] =	vst v0;
	v0 =	vld [tilespmem:$0x19F10]  }
0x128: {  	v37 =	vld [tilespmem:$0x19FF0];
	s26 =	sor.u32 s2, s0  }
0x129: {  	v38 =	vld [tilespmem:s26+$0xDD00]  }
0x12a: {  	v39 =	vld [tilespmem:s26+$0xDD10]  }
0x12b: {  	v8 =	vmov s25;
	v40 =	vld [tilespmem:s26+$0xDD20]  }
0x12c: {  	[tilespmem:$0x1FFA0] =	vst v0;
	v0 =	vld [tilespmem:$0x19F20]  }
0x12d: {  	v42 =	vld [tilespmem:s26+$0xDD30]  }
0x12e: {  	v43 =	vld [tilespmem:s26+$0xDD40]  }
0x12f: {  	v44 =	vld [tilespmem:s26+$0xDD50]  }
0x130: {  	v10 =	vld.idx.msk [tilespmem:v8+s22+$0x0], $0xffff  }
0x131: {  	[tilespmem:$0x1FFB0] =	vst v0;
	v0 =	vld [tilespmem:$0x19F30]  }
0x132: {  	v8 =	vld [tilespmem:s26+$0xF170]  }
0x133: {  	v45 =	vld [tilespmem:s26+$0xDD60]  }
0x134: {  	v2 =	vld [tilespmem:s26+$0xE130]  }
0x135: {  	v46 =	vld [tilespmem:s26+$0xDD70]  }
0x136: {  	[tilespmem:$0x1FFC0] =	vst v0;
	v0 =	vld [tilespmem:s26+$0xE120]  }
0x137: {  	v47 =	vld [tilespmem:s26+$0xE100];
	v8 =	vmul.f32 v8, v10  }
0x138: {  	v18 =	vld [tilespmem:s26+$0xE140];
	v38 =	vmul.f32 v38, v10;
	v43 =	vmul.f32 v43, v10  }
0x139: {  	v22 =	vld [tilespmem:s26+$0xE150];
	v2 =	vmul.f32 v2, v10;
	v8 =	vadd.f32 v8, v37;
	v37 =	vmul.f32 v39, v10  }
0x13a: {  	v25 =	vld [tilespmem:s26+$0xE170];
	v39 =	vmul.f32 v40, v10;
	v52 =	vadd.f32 v38, v20;
	v20 =	vmul.f32 v42, v10  }
0x13b: {  	v51 =	vld [tilespmem:s26+$0xE110];
	v43 =	vadd.f32 v43, v27;
	v38 =	vadd.f32 v2, v35;
	v0 =	vmul.f32 v0, v10  }
0x13c: {  	v30 =	vld [tilespmem:s26+$0xE520];
	v53 =	vadd.f32 v37, v49;
	v49 =	vadd.f32 v39, v24;
	v24 =	vmul.f32 v44, v10  }
0x13d: {  	v29 =	vld [tilespmem:s26+$0xE510];
	v50 =	vadd.f32 v20, v50;
	v37 =	vadd.f32 v0, v34;
	v0 =	vmul.f32 v18, v10  }
0x13e: {  	v27 =	vld [tilespmem:s26+$0xE550];
	v20 =	vmul.f32 v45, v10;
	v44 =	vadd.f32 v24, v28;
	v24 =	vmul.f32 v46, v10  }
0x13f: {  	v23 =	vld [tilespmem:s26+$0xE530];
	v2 =	vmul.f32 v22, v10;
	v42 =	vadd.f32 v0, v36;
	v0 =	vmul.f32 v25, v10  }
0x140: {  	v48 =	vadd.f32 v20, v48;
	v20 =	vmul.f32 v51, v10;
	v51 =	vadd.f32 v24, v31;
	v24 =	vld [tilespmem:s26+$0xE900]  }
0x141: {  	v4 =	vld [tilespmem:s26+$0xE570];
	v40 =	vadd.f32 v0, v55;
	v0 =	vmul.f32 v30, v10  }
0x142: {  	v21 =	vld [tilespmem:s26+$0xE160];
	v28 =	vmul.f32 v47, v10;
	v47 =	vadd.f32 v2, v41;
	v2 =	vmul.f32 v29, v10  }
0x143: {  	v18 =	vld [tilespmem:s26+$0xE910];
	v36 =	vadd.f32 v0, v58;
	v0 =	vmul.f32 v27, v10  }
0x144: {  	v46 =	vadd.f32 v20, v33;
	v33 =	vadd.f32 v2, v57;
	v2 =	vmul.f32 v23, v10  }
0x145: {  	v35 =	vadd.f32 v0, v61;
	v0 =	vmul.f32 v24, v10;
	v24 =	vld [tilespmem:$0x1FF20]  }
0x146: {  	v41 =	vadd.f32 v2, v59;
	v2 =	vmul.f32 v4, v10  }
0x147: {  	v32 =	vld [tilespmem:$0x19D80]  }
0x148: {  	v20 =	vmul.f32 v21, v10;
	v21 =	vld [tilespmem:s26+$0xE920];
	v29 =	vadd.f32 v2, v63;
	v2 =	vmul.f32 v18, v10  }
0x149: {  	v56 =	vld [tilespmem:$0x19E00]  }
0x14a: {  	v31 =	vadd.f32 v2, v24;
	v2 =	vld [tilespmem:$0x1FF30]  }
0x14b: {  	v26 =	vld [tilespmem:s26+$0xE500]  }
0x14c: {  	v25 =	vld [tilespmem:s26+$0xE930]  }
0x14d: {  	v18 =	vmul.f32 v21, v10;
	v21 =	vld [tilespmem:$0x1FF10];
	_ =	sdelay $0x1  }
0x14e: {  	v27 =	vadd.f32 v18, v2;
	v18 =	vld [tilespmem:$0x1FF40]  }
0x14f: {  	v54 =	vld [tilespmem:$0x19DE0];
	v22 =	vmul.f32 v26, v10  }
0x150: {  	v45 =	vadd.f32 v28, v32  }
0x151: {  	v32 =	vadd.f32 v22, v56;
	v22 =	vld [tilespmem:s26+$0xE950];
	v30 =	vadd.f32 v0, v21;
	v0 =	vmul.f32 v25, v10  }
0x152: {  	v60 =	vld [tilespmem:$0x19E40]  }
0x153: {  	v26 =	vadd.f32 v0, v18;
	v18 =	vld [tilespmem:$0x1FF60]  }
0x154: {  	v39 =	vadd.f32 v20, v54;
	v20 =	vld [tilespmem:s26+$0xE940]  }
0x155: {  	v23 =	vld [tilespmem:s26+$0xE960]  }
0x156: {  	v2 =	vmul.f32 v22, v10;
	v0 =	vld [tilespmem:$0x1FF50]  }
0x157: {  	v62 =	vld [tilespmem:$0x19E60]  }
0x158: {  	v22 =	vadd.f32 v2, v18;
	v18 =	vld [tilespmem:$0x1FF70]  }
0x159: {  	v17 =	vld [tilespmem:$0x19F40];
	v20 =	vmul.f32 v20, v10  }
0x15a: {  	v16 =	vld [tilespmem:$0x19F50]  }
0x15b: {  	v54 =	vld [tilespmem:s26+$0xE970];
	v25 =	vadd.f32 v20, v0;
	v0 =	vmul.f32 v23, v10  }
0x15c: {  	v15 =	vld [tilespmem:$0x19F60]  }
0x15d: {  	v23 =	vadd.f32 v0, v18;
	v18 =	vld [tilespmem:$0x1FF80]  }
0x15e: {  	v3 =	vld [tilespmem:s26+$0xE560]  }
0x15f: {  	v14 =	vld [tilespmem:$0x19F70]  }
0x160: {  	v4 =	vld [tilespmem:s26+$0xED00];
	v2 =	vmul.f32 v54, v10  }
0x161: {  	v13 =	vld [tilespmem:$0x19F80]  }
0x162: {  	v24 =	vadd.f32 v2, v18;
	v2 =	vld [tilespmem:$0x1FF90]  }
0x163: {  	v19 =	vld [tilespmem:s26+$0xE540];
	v3 =	vmul.f32 v3, v10  }
0x164: {  	v12 =	vld [tilespmem:$0x19F90]  }
0x165: {  	v28 =	vadd.f32 v3, v62;
	v3 =	vld [tilespmem:s26+$0xED10];
	v4 =	vmul.f32 v4, v10  }
0x166: {  	v21 =	vld [tilespmem:s26+$0xED30]  }
0x167: {  	v20 =	vadd.f32 v4, v2;
	v4 =	vld [tilespmem:$0x1FFA0]  }
0x168: {  	v11 =	vld [tilespmem:$0x19FA0];
	v19 =	vmul.f32 v19, v10  }
0x169: {  	v9 =	vld [tilespmem:$0x19FB0]  }
0x16a: {  	v34 =	vadd.f32 v19, v60;
	v19 =	vld [tilespmem:s26+$0xED20];
	v0 =	vmul.f32 v3, v10  }
0x16b: {  	v7 =	vld [tilespmem:$0x19FC0]  }
0x16c: {  	v2 =	vmul.f32 v21, v10;
	v21 =	vadd.f32 v0, v4;
	v0 =	vld [tilespmem:$0x1FFB0]  }
0x16d: {  	v6 =	vld [tilespmem:$0x19FD0]  }
0x16e: {  	v5 =	vld [tilespmem:$0x19FE0]  }
0x16f: {  	v56 =	vld [tilespmem:s26+$0xED50];
	v3 =	vmul.f32 v19, v10  }
0x170: {  	v55 =	vld [tilespmem:s26+$0xED40]  }
0x171: {  	v18 =	vadd.f32 v3, v0;
	v0 =	vld [tilespmem:$0x1FFC0]  }
0x172: {  	v62 =	vld [tilespmem:s26+$0xED60]  }
0x173: {  	v61 =	vld [tilespmem:s26+$0xED70]  }
0x174: {  	v59 =	vld [tilespmem:s26+$0xF100]  }
0x175: {  	s29 =	simm.s32 $0x1;
	v57 =	vld [tilespmem:s26+$0xF110];
	v4 =	vmul.f32 v55, v10  }
0x176: {  	s0 =	simm.s32 $0x2;
	v3 =	vmov s29;
	v19 =	vadd.f32 v2, v0;
	v2 =	vmul.f32 v56, v10;
	v56 =	vld [tilespmem:s26+$0xF120]  }
.LBB2_10:
0x177: {  	p0 =	sne.s32 s0, $0x3F;
	s2 =	sshrl.u32 s29, $0x3;
	v17 =	vadd.f32 v4, v17;
	v0 =	vmul.f32 v62, v10;
	v4 =	vld [tilespmem:s26+$0xF130];
	s29 =	smov.u32 s0  }
0x178: {  	s2 =	smul.u32 $0x6000, s2;
	v16 =	vadd.f32 v2, v16;
	v2 =	vmul.f32 v61, v10;
	v54 =	vld [tilespmem:s26+$0xF140]  }
0x179: {  	s25 =	sadd.s32 $0x80, s25;
	v15 =	vadd.f32 v0, v15;
	v0 =	vmul.f32 v59, v10;
	v55 =	vld [tilespmem:s26+$0xF150]  }
0x17a: {  	s3 =	sand.u32 $0x380, s25;
	s2 =	sshra.s32 s2, $0x2;
	v14 =	vadd.f32 v2, v14;
	v2 =	vmul.f32 v57, v10;
	v57 =	vld [tilespmem:s26+$0xF160]  }
0x17b: {  	v3 =	vld.idx.msk [tilespmem:v3+s22+$0x0], $0xffff;
	s26 =	sor.u32 s3, s2;
	v13 =	vadd.f32 v0, v13;
	v0 =	vmul.f32 v56, v10  }
0x17c: {  	v56 =	vld [tilespmem:s26+$0xF170];
	v12 =	vadd.f32 v2, v12;
	v2 =	vmul.f32 v4, v10  }
0x17d: {  	v4 =	vld [tilespmem:s26+$0xDD00];
	v11 =	vadd.f32 v0, v11;
	v0 =	vmul.f32 v54, v10  }
0x17e: {  	v54 =	vld [tilespmem:s26+$0xDD10];
	v9 =	vadd.f32 v2, v9;
	v2 =	vmul.f32 v55, v10  }
0x17f: {  	v55 =	vld [tilespmem:s26+$0xDD20];
	v7 =	vadd.f32 v0, v7;
	v0 =	vmul.f32 v57, v10  }
0x180: {  	v57 =	vld [tilespmem:s26+$0xDD30];
	v6 =	vadd.f32 v2, v6  }
0x181: {  	v10 =	vmov v3;
	v2 =	vld [tilespmem:s26+$0xDD40];
	v56 =	vmul.f32 v56, v3;
	v5 =	vadd.f32 v0, v5  }
0x182: {  	v0 =	vmul.f32 v4, v10;
	v3 =	vld [tilespmem:s26+$0xDD50]  }
0x183: {  	v4 =	vmul.f32 v54, v10;
	v54 =	vld [tilespmem:s26+$0xDD60];
	v8 =	vadd.f32 v56, v8  }
0x184: {  	v52 =	vadd.f32 v0, v52;
	v0 =	vmul.f32 v55, v10;
	v55 =	vld [tilespmem:s26+$0xDD70]  }
0x185: {  	v53 =	vadd.f32 v4, v53;
	v4 =	vmul.f32 v57, v10;
	v56 =	vld [tilespmem:s26+$0xE100]  }
0x186: {  	v49 =	vadd.f32 v0, v49;
	v0 =	vmul.f32 v2, v10;
	v2 =	vld [tilespmem:s26+$0xE110]  }
0x187: {  	v50 =	vadd.f32 v4, v50;
	v3 =	vmul.f32 v3, v10;
	v4 =	vld [tilespmem:s26+$0xE120]  }
0x188: {  	v43 =	vadd.f32 v0, v43;
	v0 =	vmul.f32 v54, v10;
	v54 =	vld [tilespmem:s26+$0xE130]  }
0x189: {  	v44 =	vadd.f32 v3, v44;
	v3 =	vmul.f32 v55, v10;
	v55 =	vld [tilespmem:s26+$0xE140]  }
0x18a: {  	v48 =	vadd.f32 v0, v48;
	v0 =	vmul.f32 v56, v10;
	v56 =	vld [tilespmem:s26+$0xE150]  }
0x18b: {  	v51 =	vadd.f32 v3, v51;
	v2 =	vmul.f32 v2, v10;
	v3 =	vld [tilespmem:s26+$0xE160]  }
0x18c: {  	v45 =	vadd.f32 v0, v45;
	v0 =	vmul.f32 v4, v10;
	v4 =	vld [tilespmem:s26+$0xE170]  }
0x18d: {  	v46 =	vadd.f32 v2, v46;
	v2 =	vmul.f32 v54, v10;
	v54 =	vld [tilespmem:s26+$0xE500]  }
0x18e: {  	v37 =	vadd.f32 v0, v37;
	v0 =	vmul.f32 v55, v10;
	v55 =	vld [tilespmem:s26+$0xE510]  }
0x18f: {  	v38 =	vadd.f32 v2, v38;
	v2 =	vmul.f32 v56, v10;
	v56 =	vld [tilespmem:s26+$0xE520]  }
0x190: {  	v42 =	vadd.f32 v0, v42;
	v0 =	vmul.f32 v3, v10;
	v3 =	vld [tilespmem:s26+$0xE530]  }
0x191: {  	v47 =	vadd.f32 v2, v47;
	v2 =	vmul.f32 v4, v10;
	v4 =	vld [tilespmem:s26+$0xE540]  }
0x192: {  	v39 =	vadd.f32 v0, v39;
	v0 =	vmul.f32 v54, v10;
	v54 =	vld [tilespmem:s26+$0xE550]  }
0x193: {  	v40 =	vadd.f32 v2, v40;
	v2 =	vmul.f32 v55, v10;
	v55 =	vld [tilespmem:s26+$0xE560]  }
0x194: {  	v32 =	vadd.f32 v0, v32;
	v0 =	vmul.f32 v56, v10;
	v56 =	vld [tilespmem:s26+$0xE570]  }
0x195: {  	v33 =	vadd.f32 v2, v33;
	v2 =	vmul.f32 v3, v10;
	v3 =	vld [tilespmem:s26+$0xE900]  }
0x196: {  	v36 =	vadd.f32 v0, v36;
	v0 =	vmul.f32 v4, v10;
	v4 =	vld [tilespmem:s26+$0xE910]  }
0x197: {  	v41 =	vadd.f32 v2, v41;
	v2 =	vmul.f32 v54, v10;
	v54 =	vld [tilespmem:s26+$0xE920]  }
0x198: {  	v34 =	vadd.f32 v0, v34;
	v0 =	vmul.f32 v55, v10;
	v55 =	vld [tilespmem:s26+$0xE930]  }
0x199: {  	v35 =	vadd.f32 v2, v35;
	v2 =	vmul.f32 v56, v10;
	v56 =	vld [tilespmem:s26+$0xE940]  }
0x19a: {  	v28 =	vadd.f32 v0, v28;
	v0 =	vmul.f32 v3, v10;
	v3 =	vld [tilespmem:s26+$0xE950]  }
0x19b: {  	v29 =	vadd.f32 v2, v29;
	v2 =	vmul.f32 v4, v10;
	v4 =	vld [tilespmem:s26+$0xE960]  }
0x19c: {  	v30 =	vadd.f32 v0, v30;
	v0 =	vmul.f32 v54, v10;
	v54 =	vld [tilespmem:s26+$0xE970]  }
0x19d: {  	v31 =	vadd.f32 v2, v31;
	v2 =	vmul.f32 v55, v10;
	v55 =	vld [tilespmem:s26+$0xED00]  }
0x19e: {  	v27 =	vadd.f32 v0, v27;
	v0 =	vmul.f32 v56, v10;
	v56 =	vld [tilespmem:s26+$0xED10]  }
0x19f: {  	v26 =	vadd.f32 v2, v26;
	v2 =	vmul.f32 v3, v10;
	v3 =	vld [tilespmem:s26+$0xED20]  }
0x1a0: {  	v25 =	vadd.f32 v0, v25;
	v0 =	vmul.f32 v4, v10;
	v4 =	vld [tilespmem:s26+$0xED30]  }
0x1a1: {  	v22 =	vadd.f32 v2, v22;
	v2 =	vmul.f32 v54, v10;
	v54 =	vld [tilespmem:s26+$0xED40]  }
0x1a2: {  	v23 =	vadd.f32 v0, v23;
	v0 =	vmul.f32 v55, v10;
	v55 =	vld [tilespmem:s26+$0xED50]  }
.Ltmp4:
0x1a3: {  	v24 =	vadd.f32 v2, v24;
	v2 =	vmul.f32 v56, v10;
	v62 =	vld [tilespmem:s26+$0xED60];
	(pc) =	sbr.rel @p0 .LBB2_10-.Ltmp4, $4  }
0x1a4: {  	v20 =	vadd.f32 v0, v20;
	v0 =	vmul.f32 v3, v10;
	v61 =	vld [tilespmem:s26+$0xED70]  }
0x1a5: {  	v21 =	vadd.f32 v2, v21;
	v2 =	vmul.f32 v4, v10;
	v59 =	vld [tilespmem:s26+$0xF100]  }
0x1a6: {  	v18 =	vadd.f32 v0, v18;
	v4 =	vmul.f32 v54, v10;
	v57 =	vld [tilespmem:s26+$0xF110]  }
0x1a7: {  	s0 =	sadd.s32 $0x1, s0;
	v3 =	vmov s29;
	v19 =	vadd.f32 v2, v19;
	v2 =	vmul.f32 v55, v10;
	v56 =	vld [tilespmem:s26+$0xF120]  }
0x1a8: {  	v0 =	vld [tilespmem:s26+$0xF130];
	_ =	sdelay $0x4  }
0x1a9: {  	[tilespmem:$0x1FE50] =	vst v0;
	v0 =	vld [tilespmem:s26+$0xF140];
	_ =	sdelay $0x4  }
0x1aa: {  	[tilespmem:$0x1FE80] =	vst v0;
	v0 =	vld [tilespmem:s26+$0xF150];
	_ =	sdelay $0x4  }
0x1ab: {  	s0 =	sshrl.u32 s29, $0x3;
	[tilespmem:$0x1FEB0] =	vst v0;
	v0 =	vld [tilespmem:s26+$0xF160]  }
0x1ac: {  	s0 =	smul.u32 $0x6000, s0  }
0x1ad: {  	s2 =	sadd.s32 $0x80, s25  }
0x1ae: {  	s2 =	sand.u32 $0x380, s2;
	s0 =	sshra.s32 s0, $0x2  }
0x1af: {  	s0 =	sor.u32 s2, s0  }
0x1b0: {  	[tilespmem:$0x1FEE0] =	vst v0;
	v0 =	vld [tilespmem:s0+$0xF170];
	_ =	sdelay $0x4  }
0x1b1: {  	[tilespmem:$0x1FF00] =	vst v0;
	v0 =	vld [tilespmem:s0+$0xDD50];
	_ =	sdelay $0x4  }
0x1b2: {  	[tilespmem:$0x1FC40] =	vst v0;
	v0 =	vld [tilespmem:s0+$0xDD60];
	_ =	sdelay $0x4  }
0x1b3: {  	[tilespmem:$0x1FC50] =	vst v0;
	v0 =	vld [tilespmem:s0+$0xDD70];
	_ =	sdelay $0x4  }
0x1b4: {  	[tilespmem:$0x1FC60] =	vst v0;
	v0 =	vld [tilespmem:s0+$0xE100];
	_ =	sdelay $0x4  }
0x1b5: {  	[tilespmem:$0x1FC70] =	vst v0;
	v0 =	vld [tilespmem:s0+$0xE110];
	_ =	sdelay $0x4  }
0x1b6: {  	[tilespmem:$0x1FC80] =	vst v0;
	v0 =	vld [tilespmem:s0+$0xE120];
	_ =	sdelay $0x4  }
0x1b7: {  	[tilespmem:$0x1FC90] =	vst v0;
	v0 =	vld [tilespmem:s0+$0xE130];
	_ =	sdelay $0x4  }
0x1b8: {  	[tilespmem:$0x1FCA0] =	vst v0;
	v0 =	vld [tilespmem:s0+$0xE140];
	_ =	sdelay $0x4  }
0x1b9: {  	[tilespmem:$0x1FCB0] =	vst v0;
	v0 =	vld [tilespmem:s0+$0xE150];
	_ =	sdelay $0x4  }
0x1ba: {  	[tilespmem:$0x1FCC0] =	vst v0;
	v0 =	vld [tilespmem:s0+$0xE160];
	_ =	sdelay $0x4  }
0x1bb: {  	[tilespmem:$0x1FCD0] =	vst v0;
	v0 =	vld [tilespmem:s0+$0xE170];
	_ =	sdelay $0x4  }
0x1bc: {  	[tilespmem:$0x1FCE0] =	vst v0;
	v0 =	vld [tilespmem:s0+$0xE500];
	_ =	sdelay $0x4  }
0x1bd: {  	[tilespmem:$0x1FCF0] =	vst v0;
	v0 =	vld [tilespmem:s0+$0xE510];
	_ =	sdelay $0x4  }
0x1be: {  	[tilespmem:$0x1FD00] =	vst v0;
	v0 =	vld [tilespmem:s0+$0xE520];
	_ =	sdelay $0x4  }
0x1bf: {  	[tilespmem:$0x1FD10] =	vst v0;
	v0 =	vld [tilespmem:s0+$0xE530];
	_ =	sdelay $0x4  }
0x1c0: {  	[tilespmem:$0x1FD20] =	vst v0;
	v0 =	vld [tilespmem:s0+$0xE540];
	_ =	sdelay $0x4  }
0x1c1: {  	[tilespmem:$0x1FD30] =	vst v0;
	v0 =	vld [tilespmem:s0+$0xE550];
	_ =	sdelay $0x4  }
0x1c2: {  	[tilespmem:$0x1FD40] =	vst v0;
	v0 =	vld [tilespmem:s0+$0xE560];
	_ =	sdelay $0x4  }
0x1c3: {  	[tilespmem:$0x1FD50] =	vst v0;
	v0 =	vld [tilespmem:s0+$0xE570];
	_ =	sdelay $0x4  }
0x1c4: {  	[tilespmem:$0x1FD60] =	vst v0;
	v0 =	vld [tilespmem:s0+$0xE900];
	_ =	sdelay $0x4  }
0x1c5: {  	[tilespmem:$0x1FD70] =	vst v0;
	v0 =	vld [tilespmem:s0+$0xE910];
	_ =	sdelay $0x4  }
0x1c6: {  	[tilespmem:$0x1FD80] =	vst v0;
	v0 =	vld [tilespmem:s0+$0xE920];
	_ =	sdelay $0x4  }
0x1c7: {  	[tilespmem:$0x1FD90] =	vst v0;
	v0 =	vld [tilespmem:s0+$0xE930];
	_ =	sdelay $0x4  }
0x1c8: {  	[tilespmem:$0x1FDA0] =	vst v0;
	v0 =	vld [tilespmem:s0+$0xE940];
	_ =	sdelay $0x4  }
0x1c9: {  	[tilespmem:$0x1FDB0] =	vst v0;
	v0 =	vld [tilespmem:s0+$0xE950];
	_ =	sdelay $0x4  }
0x1ca: {  	[tilespmem:$0x1FDC0] =	vst v0;
	v0 =	vld [tilespmem:s0+$0xE960];
	_ =	sdelay $0x4  }
0x1cb: {  	[tilespmem:$0x1FDD0] =	vst v0;
	v0 =	vld [tilespmem:s0+$0xE970];
	_ =	sdelay $0x4  }
0x1cc: {  	[tilespmem:$0x1FDE0] =	vst v0;
	v0 =	vld [tilespmem:s0+$0xED00];
	_ =	sdelay $0x4  }
0x1cd: {  	[tilespmem:$0x1FDF0] =	vst v0;
	v0 =	vld [tilespmem:s0+$0xED10];
	_ =	sdelay $0x4  }
0x1ce: {  	[tilespmem:$0x1FE00] =	vst v0;
	v0 =	vld [tilespmem:s0+$0xED20];
	_ =	sdelay $0x4  }
0x1cf: {  	[tilespmem:$0x1FE10] =	vst v0;
	v0 =	vld [tilespmem:s0+$0xED30];
	_ =	sdelay $0x4  }
0x1d0: {  	[tilespmem:$0x1FE20] =	vst v0;
	v0 =	vld [tilespmem:s0+$0xED40];
	_ =	sdelay $0x4  }
0x1d1: {  	[tilespmem:$0x1FE30] =	vst v0;
	v0 =	vld [tilespmem:s0+$0xED50];
	_ =	sdelay $0x4  }
0x1d2: {  	[tilespmem:$0x1FE40] =	vst v0;
	v0 =	vld [tilespmem:s0+$0xED60];
	_ =	sdelay $0x4  }
0x1d3: {  	[tilespmem:$0x1FE60] =	vst v0;
	v0 =	vld [tilespmem:s0+$0xED70];
	_ =	sdelay $0x4  }
0x1d4: {  	[tilespmem:$0x1FE70] =	vst v0;
	v0 =	vld [tilespmem:s0+$0xF100];
	_ =	sdelay $0x4  }
0x1d5: {  	[tilespmem:$0x1FE90] =	vst v0;
	v0 =	vld [tilespmem:s0+$0xF110];
	_ =	sdelay $0x2  }
0x1d6: {  	v54 =	vld.idx.msk [tilespmem:v3+s22+$0x0], $0xffff  }
0x1d7: {  	v63 =	vld [tilespmem:s0+$0xDD00]  }
0x1d8: {  	[tilespmem:$0x1FEA0] =	vst v0;
	v0 =	vld [tilespmem:s0+$0xF120]  }
0x1d9: {  	v3 =	vld [tilespmem:s0+$0xDD10];
	_ =	sdelay $0x2  }
0x1da: {  	v55 =	vld [tilespmem:s0+$0xDD20]  }
0x1db: {  	[tilespmem:$0x1FEC0] =	vst v0;
	v0 =	vmul.f32 v63, v54;
	v63 =	vld [tilespmem:s0+$0xF130]  }
0x1dc: {  	v58 =	vld [tilespmem:s0+$0xDD30];
	v3 =	vmul.f32 v3, v54  }
0x1dd: {  	v60 =	vld [tilespmem:s0+$0xDD40]  }
0x1de: {  	v3 =	vadd.f32 v3, v53;
	v53 =	vld [tilespmem:s0+$0xF160]  }
0x1df: {  	v0 =	vadd.f32 v0, v52;
	v52 =	vld [tilespmem:s0+$0xF150]  }
0x1e0: {  	[tilespmem:$0x1FED0] =	vst v63;
	v63 =	vld [tilespmem:s0+$0xF140]  }
0x1e1: {  	[tilespmem:$0x1A010] =	vst v3;
	v3 =	vld [tilespmem:$0x1FC40];
	_ =	sdelay $0x1  }
0x1e2: {  	[tilespmem:$0x1A000] =	vst v0;
	v0 =	vmul.f32 v60, v54;
	_ =	sdelay $0x1  }
0x1e3: {  	v0 =	vadd.f32 v0, v43  }
0x1e4: {  	v3 =	vmul.f32 v3, v54  }
0x1e5: {  	[tilespmem:$0x1A040] =	vst v0;
	v0 =	vld [tilespmem:$0x1FC70]  }
0x1e6: {  	v3 =	vadd.f32 v3, v44;
	_ =	sdelay $0x1  }
0x1e7: {  	[tilespmem:$0x1A050] =	vst v3;
	v3 =	vld [tilespmem:$0x1FC80];
	_ =	sdelay $0x1  }
0x1e8: {  	v0 =	vmul.f32 v0, v54;
	_ =	sdelay $0x1  }
0x1e9: {  	v0 =	vadd.f32 v0, v45  }
0x1ea: {  	v3 =	vmul.f32 v3, v54  }
0x1eb: {  	[tilespmem:$0x1A080] =	vst v0;
	v0 =	vld [tilespmem:$0x1FCB0]  }
0x1ec: {  	v3 =	vadd.f32 v3, v46;
	_ =	sdelay $0x1  }
0x1ed: {  	[tilespmem:$0x1A090] =	vst v3;
	v3 =	vld [tilespmem:$0x1FCC0];
	_ =	sdelay $0x1  }
0x1ee: {  	v55 =	vmul.f32 v55, v54;
	v0 =	vmul.f32 v0, v54  }
0x1ef: {  	v58 =	vmul.f32 v58, v54  }
0x1f0: {  	v49 =	vadd.f32 v55, v49;
	v55 =	vld [tilespmem:$0x1FC50];
	v0 =	vadd.f32 v0, v42  }
0x1f1: {  	v50 =	vadd.f32 v58, v50;
	v58 =	vld [tilespmem:$0x1FC60];
	v3 =	vmul.f32 v3, v54  }
0x1f2: {  	[tilespmem:$0x1A0C0] =	vst v0;
	v0 =	vld [tilespmem:$0x1FCF0]  }
0x1f3: {  	v60 =	vld [tilespmem:$0x1FC90];
	v3 =	vadd.f32 v3, v47  }
0x1f4: {  	[tilespmem:$0x1A020] =	vst v49;
	v49 =	vld [tilespmem:$0x1FD10]  }
0x1f5: {  	[tilespmem:$0x1A0D0] =	vst v3;
	v3 =	vld [tilespmem:$0x1FD00]  }
0x1f6: {  	[tilespmem:$0x1A030] =	vst v50;
	v50 =	vld [tilespmem:$0x1FD20];
	v43 =	vmul.f32 v55, v54  }
0x1f7: {  	v55 =	vld [tilespmem:$0x1FD60];
	v0 =	vmul.f32 v0, v54  }
0x1f8: {  	v43 =	vadd.f32 v43, v48;
	[tilespmem:$0x1FEF0] =	vst v63;
	v63 =	vld [tilespmem:$0x1FCA0]  }
0x1f9: {  	v48 =	vld [tilespmem:$0x1FCE0];
	v44 =	vmul.f32 v58, v54;
	v0 =	vadd.f32 v0, v32  }
0x1fa: {  	[tilespmem:$0x1A060] =	vst v43;
	v43 =	vmul.f32 v60, v54;
	v60 =	vld [tilespmem:$0x1FDA0];
	v3 =	vmul.f32 v3, v54  }
0x1fb: {  	v44 =	vadd.f32 v44, v51;
	[tilespmem:$0x1A100] =	vst v0;
	v0 =	vld [tilespmem:$0x1FD30]  }
0x1fc: {  	v46 =	vld [tilespmem:$0x1FCD0];
	v3 =	vadd.f32 v3, v33  }
0x1fd: {  	v51 =	vld [tilespmem:$0x1FD50];
	[tilespmem:$0x1A070] =	vst v44;
	v44 =	vmul.f32 v63, v54  }
0x1fe: {  	v37 =	vadd.f32 v43, v37;
	v32 =	vmul.f32 v49, v54;
	[tilespmem:$0x1A110] =	vst v3;
	v3 =	vld [tilespmem:$0x1FD40]  }
0x1ff: {  	v58 =	vld [tilespmem:$0x1FD90];
	v38 =	vadd.f32 v44, v38;
	v33 =	vmul.f32 v50, v54  }
0x200: {  	v43 =	vld [tilespmem:$0x1FE30];
	[tilespmem:$0x1A0A0] =	vst v37;
	v32 =	vadd.f32 v32, v36;
	v0 =	vmul.f32 v0, v54  }
0x201: {  	v63 =	vld [tilespmem:$0x1FDB0];
	[tilespmem:$0x1A0B0] =	vst v38;
	v37 =	vmul.f32 v46, v54;
	v33 =	vadd.f32 v33, v41  }
0x202: {  	v45 =	vld [tilespmem:$0x1FE40];
	v38 =	vmul.f32 v48, v54;
	[tilespmem:$0x1A120] =	vst v32;
	v32 =	vmul.f32 v51, v54;
	v0 =	vadd.f32 v0, v34  }
0x203: {  	v48 =	vld [tilespmem:$0x1FE70];
	v37 =	vadd.f32 v37, v39;
	[tilespmem:$0x1A130] =	vst v33;
	v33 =	vmul.f32 v55, v54;
	v3 =	vmul.f32 v3, v54  }
0x204: {  	v28 =	vadd.f32 v32, v28;
	[tilespmem:$0x1A140] =	vst v0;
	v0 =	vld [tilespmem:$0x1FD70]  }
0x205: {  	[tilespmem:$0x1A0E0] =	vst v37;
	v29 =	vadd.f32 v33, v29;
	v33 =	vld [tilespmem:$0x1FDD0];
	v3 =	vadd.f32 v3, v35  }
0x206: {  	[tilespmem:$0x1A160] =	vst v28;
	v35 =	vld [tilespmem:$0x1FDF0]  }
0x207: {  	v38 =	vadd.f32 v38, v40;
	v28 =	vmul.f32 v58, v54;
	[tilespmem:$0x1A150] =	vst v3;
	v3 =	vld [tilespmem:$0x1FD80]  }
0x208: {  	v4 =	vadd.f32 v4, v17;
	v62 =	vmul.f32 v62, v10;
	v37 =	vld [tilespmem:$0x1FE00];
	[tilespmem:$0x1A170] =	vst v29;
	v29 =	vmul.f32 v63, v54  }
0x209: {  	[tilespmem:$0x1A0F0] =	vst v38;
	v38 =	vmul.f32 v57, v10;
	v57 =	vld [tilespmem:$0x1FED0];
	v27 =	vadd.f32 v28, v27;
	v0 =	vmul.f32 v0, v54  }
0x20a: {  	v15 =	vadd.f32 v62, v15;
	v41 =	vld [tilespmem:$0x1FE20];
	v32 =	vadd.f32 v29, v25;
	v25 =	vmul.f32 v33, v54  }
0x20b: {  	v17 =	vmul.f32 v60, v54;
	v42 =	vmul.f32 v56, v10;
	v56 =	vld [tilespmem:$0x1FEC0];
	[tilespmem:$0x1A1A0] =	vst v27;
	v0 =	vadd.f32 v0, v30  }
0x20c: {  	v46 =	vld [tilespmem:$0x1FE50];
	[tilespmem:$0x1A1C0] =	vst v32;
	v23 =	vadd.f32 v25, v23;
	v25 =	vmul.f32 v35, v54;
	v3 =	vmul.f32 v3, v54  }
0x20d: {  	v47 =	vld [tilespmem:$0x1FE60];
	[tilespmem:$0x1A180] =	vst v0;
	v0 =	vadd.f32 v2, v16;
	v2 =	vadd.f32 v17, v26;
	v17 =	vmul.f32 v37, v54  }
0x20e: {  	v50 =	vld [tilespmem:$0x1FE90];
	[tilespmem:$0x1A1E0] =	vst v23;
	v20 =	vadd.f32 v25, v20;
	v3 =	vadd.f32 v3, v31  }
0x20f: {  	v55 =	vld [tilespmem:$0x1FEA0];
	[tilespmem:$0x1A1B0] =	vst v2;
	v40 =	vadd.f32 v17, v21;
	v17 =	vmul.f32 v41, v54;
	v21 =	vmul.f32 v43, v54  }
0x210: {  	v12 =	vadd.f32 v38, v12;
	v2 =	vmul.f32 v59, v10;
	v31 =	vld [tilespmem:$0x1FDC0];
	[tilespmem:$0x1A190] =	vst v3;
	v3 =	vmul.f32 v61, v10  }
0x211: {  	v39 =	vld [tilespmem:$0x1FE10];
	[tilespmem:$0x1A200] =	vst v20;
	v44 =	vadd.f32 v17, v19;
	v17 =	vmul.f32 v45, v54;
	v4 =	vadd.f32 v21, v4  }
0x212: {  	v49 =	vld [tilespmem:$0x1FE80];
	[tilespmem:$0x1A210] =	vst v40;
	v19 =	vmul.f32 v47, v54;
	v3 =	vadd.f32 v3, v14;
	v14 =	vmul.f32 v48, v54  }
0x213: {  	v34 =	vld [tilespmem:$0x1FDE0];
	v2 =	vadd.f32 v2, v13;
	v13 =	vmul.f32 v46, v10;
	v0 =	vadd.f32 v17, v0;
	[tilespmem:$0x1A230] =	vst v44  }
0x214: {  	v59 =	vld [tilespmem:$0x1FEF0];
	v15 =	vadd.f32 v19, v15;
	v17 =	vmul.f32 v50, v54;
	[tilespmem:$0x1A240] =	vst v4;
	v3 =	vadd.f32 v14, v3  }
0x215: {  	v51 =	vadd.f32 v13, v9;
	v9 =	vmul.f32 v55, v54;
	v16 =	vmul.f32 v31, v54;
	[tilespmem:$0x1A250] =	vst v0;
	v0 =	vld [tilespmem:$0x1FEB0]  }
0x216: {  	v11 =	vadd.f32 v42, v11;
	v13 =	vmul.f32 v56, v54;
	v2 =	vadd.f32 v17, v2;
	[tilespmem:$0x1A270] =	vst v3;
	v3 =	vld [tilespmem:$0x1FEE0]  }
0x217: {  	[tilespmem:$0x1A260] =	vst v15;
	v9 =	vadd.f32 v9, v12;
	v12 =	vmul.f32 v57, v54;
	v16 =	vadd.f32 v16, v22  }
0x218: {  	v22 =	vmul.f32 v34, v54;
	[tilespmem:$0x1A280] =	vst v2  }
0x219: {  	v63 =	vld [tilespmem:$0x1FF00];
	v58 =	vadd.f32 v13, v11;
	v2 =	vadd.f32 v12, v51;
	[tilespmem:$0x1A1D0] =	vst v16;
	v16 =	vmul.f32 v49, v10  }
0x21a: {  	[tilespmem:$0x1A290] =	vst v9;
	v36 =	vadd.f32 v22, v24;
	v22 =	vmul.f32 v39, v54;
	v0 =	vmul.f32 v0, v10  }
0x21b: {  	s26 =	sadd.s32 $0xFFFFFFFF, s24;
	v11 =	vmul.f32 v59, v54;
	[tilespmem:$0x1A2A0] =	vst v58;
	v7 =	vadd.f32 v16, v7;
	v3 =	vmul.f32 v3, v10  }
0x21c: {  	s29 =	sadd.s32 s7, s26;
	v60 =	vmul.f32 v52, v54;
	[tilespmem:$0x1A2B0] =	vst v2;
	v18 =	vadd.f32 v22, v18;
	v0 =	vadd.f32 v0, v6  }
0x21d: {  	v62 =	vmul.f32 v53, v54;
	s2 =	sshrl.u32 s29, $0x3;
	[tilespmem:$0x1A1F0] =	vst v36;
	v61 =	vadd.f32 v11, v7;
	v3 =	vadd.f32 v3, v5  }
0x21e: {  	s2 =	smul.u32 $0x1800, s2;
	s0 =	sshll.u32 s26, $0x7;
	[tilespmem:$0x1A220] =	vst v18;
	v7 =	vmul.f32 v63, v54;
	v0 =	vadd.f32 v60, v0  }
0x21f: {  	s0 =	sand.u32 $0x380, s0;
	[tilespmem:$0x1A2C0] =	vst v61;
	v2 =	vadd.f32 v62, v3  }
0x220: {  	s0 =	sor.u32 s0, s2;
	[tilespmem:$0x1A2D0] =	vst v0;
	v3 =	vadd.f32 v7, v8  }
0x221: {  	s30 =	rddreg [dreg:$0x3];
	p0 =	seq.s32 s23, $0x7F;
	s0 =	sshrl.u32 s0, $0x3;
	[tilespmem:$0x1A2E0] =	vst v2  }
.Ltmp5:
0x222: {  	s31 =	simm.s32 $0x80;
	s0 =	sadd.s32 s30, s0;
	[tilespmem:$0x1A2F0] =	vst v3;
	(pc) =	sbr.rel @p0 .LBB2_15-.Ltmp5, $4  }
0x223: {  	[hbm4b:s0+s31] =	stream.strided.scatter [tilespmem:s15], [sflag:$0x5], $0x300, s14, s31, $0x38;
	[tilespmem:$0x1A300] =	vst v63  }
0x224: {  	_ =	swait.ge [sflag:s17], $0x300  }
0x225: {  	[sflag:s17] =	ssyncset.done $0x0  }
0x226: {  	[sflag:s17] =	ssyncadd.s32 $0xFFFFFD00  }
.LBB2_12:
0x227: {  	s0 =	sadd.s32 $0x2, s24  }
0x228: {  	s2 =	sadd.s32 s7, s0  }
0x229: {  	s2 =	sshrl.u32 s2, $0x3  }
0x22a: {  	s0 =	sshll.u32 s0, $0x7;
	s2 =	smul.u32 $0x6000, s2  }
0x22b: {  	s0 =	sand.u32 $0x300, s0  }
0x22c: {  	s0 =	sor.u32 s0, s2  }
0x22d: {  	s0 =	sshrl.u32 s0, $0x3  }
0x22e: {  	s3 =	simm.s32 $0x80;
	s0 =	sadd.s32 s6, s0  }
0x22f: {  	s4 =	simm.s32 $0x100;
	s2 =	simm.s32 $0x0;
	s19 =	sadd.s32 $0x0, s0  }
.LBB2_13:
0x230: {  	[tilespmem:s2], [sflag:$0x1] =	stream.linear.gather [hbm4b:s19+s5], $0x80, $0x38;
	[tilespmem:$0x1A300] =	vst v63  }
0x231: {  	s19 =	smov.u32 s3;
	s2 =	smov.u32 s4;
	p0 =	sne.s32 s3, $0xB80  }
.Ltmp6:
0x232: {  	s3 =	sadd.s32 $0x80, s3;
	(pc) =	sbr.rel @p0 .LBB2_13-.Ltmp6, $2  }
0x233: {  	_ =	sdelay $0x2  }
0x234: {  	s4 =	sadd.s32 $0x100, s4;
	s19 =	sadd.s32 s19, s0  }
0x235: {  	[tilespmem:s2], [sflag:$0x1] =	stream.linear.gather [hbm4b:s19+s5], $0x80, $0x38;
	[tilespmem:$0x1A300] =	vst v63  }
.LBB2_15:
0x236: {  	_ =	swait.ge [sflag:s28], $0xC00  }
0x237: {  	[sflag:s28] =	ssyncset.done $0x0  }
0x238: {  	v2 =	vimm.f32 $0.0e+00;
	[sflag:s28] =	ssyncadd.s32 $0xFFFFF400  }
0x239: {  	[tilespmem:$0x1B80] =	vst v2  }
0x23a: {  	[tilespmem:$0x1C80] =	vst v1  }
0x23b: {  	s0 =	sor.u32 $0x1, s24;
	[tilespmem:$0x1B90] =	vst v2  }
0x23c: {  	v0 =	vmov s0;
	[tilespmem:$0x1C90] =	vst v1  }
0x23d: {  	p1 =	por $0x0, $0x0;
	s2 =	simm.s32 $0x1;
	[tilespmem:$0x1BA0] =	vst v2  }
0x23e: {  	s2 =	simm.s32 @!p1 $0x0;
	[tilespmem:$0x1CA0] =	vst v1  }
0x23f: {  	s2 =	sshll.u32 s2, $0x6;
	[tilespmem:$0x1BB0] =	vst v2  }
0x240: {  	[tilespmem:$0x1CB0] =	vst v1;
	s2 =	sadd.s32 $0x0, s2  }
0x241: {  	s3 =	sor.u32 $0x80, s2;
	v5 =	vld.idx.msk [tilespmem:v0+s16+$0x0], $0xffff  }
0x242: {  	v0 =	vld [tilespmem:s3+$0x0]  }
0x243: {  	s26 =	sor.u32 $0x90, s2  }
0x244: {  	v2 =	vld [tilespmem:s26+$0x0]  }
0x245: {  	s4 =	sor.u32 $0xA0, s2  }
0x246: {  	v3 =	vld [tilespmem:s4+$0x0]  }
0x247: {  	vm1 =	vle.s32 v5, v0;
	vm2 =	vgt.s32 v0, $0x0  }
0x248: {  	vm4 =	vmand vm1, vm2  }
0x249: {  	vm1 =	vle.s32 v5, v2;
	vm2 =	vgt.s32 v2, $0x0;
	v4 =	vsel vm4, $0x1, v1  }
0x24a: {  	vm2 =	vmand vm1, vm2;
	(xrf0) =	vadd.scan.msk.s32 $0xffff, v4  }
0x24b: {  	vm3 =	vgt.s32 v3, $0x0;
	vm1 =	vle.s32 v5, v3;
	v4 =	vsel vm2, $0x1, v1  }
0x24c: {  	vm1 =	vmand vm1, vm3;
	(xrf0) =	vadd.scan.msk.s32 $0xffff, v4  }
0x24d: {  	v4 =	vsel vm1, $0x1, v1  }
0x24e: {  	(xrf0) =	vadd.scan.msk.s32 $0xffff, v4;
	_ =	sdelay $0x1  }
0x24f: {  	v4, _, _ =	vpop (xrf0)  }
0x250: {  	(v2sf) =	vpush v4, $0xF  }
0x251: {  	s2 =	sor.u32 $0xB0, s2;
	v8, _, _ =	vpop (xrf0)  }
0x252: {  	v9 =	vld [tilespmem:s2+$0x0];
	(v2sf) =	vpush v8, $0xF  }
0x253: {  	v10, _, _ =	vpop (xrf0)  }
0x254: {  	(v2sf) =	vpush v10, $0xF;
	_ =	sdelay $0x2  }
0x255: {  	vm5 =	vgt.s32 v9, $0x0;
	vm3 =	vle.s32 v5, v9  }
0x256: {  	s0 =	sshll.u32 s0, $0x1;
	vm3 =	vmand vm3, vm5  }
0x257: {  	v7 =	vmov s0;
	v6 =	vsel vm3, $0x1, v1  }
0x258: {  	v11 =	vor.u32 $0x1, v7;
	(xrf0) =	vadd.scan.msk.s32 $0xffff, v6;
	_ =	sdelay $0x2  }
0x259: {  	p0 =	por $0x1, $0x1;
	s0 =	simm.s32 $0x0  }
0x25a: {  	v6 =	vld.idx.msk [tilespmem:v7+s18+$0x0], $0xffff;
	v7 =	vmov @p0 s0  }
0x25b: {  	v11 =	vld.idx.msk [tilespmem:v11+s18+$0x0], $0xffff;
	v7 =	vadd.s32 @p0 $0xFFFFFFFF, v7;
	s2 =	spop (v2sf)  }
0x25c: {  	v7 =	vbroadcast @p0 v7, $0x0;
	v12, _, _ =	vpop (xrf0);
	s3 =	sadd.s32 @p0 $0x0, s2  }
0x25d: {  	(v2sf) =	vpush v12, $0xF;
	s4 =	spop (v2sf);
	v13 =	vmov @p0 s3  }
0x25e: {  	v4 =	vadd.s32 @p0 v4, v7;
	s3 =	sadd.s32 @p0 s4, s3;
	v7 =	vadd.s32 @p0 $0xFFFFFFFF, v13  }
0x25f: {  	p2 =	por @p0 $0x0, $0x0;
	vm5 =	vlt.s32 @p0 v4, $0x40;
	s19 =	spop (v2sf);
	v14 =	vmov @p0 s3;
	v13 =	vbroadcast @p0 v7, $0x0  }
0x260: {  	s25 =	simm.s32 @p0 $0x1;
	p2 =	por !p2, !p0;
	vm4 =	vmand @p0 vm4, vm5;
	s29 =	sadd.s32 @p0 s19, s3;
	v7 =	vsub.s32 v11, v6;
	v11 =	vadd.s32 @p0 $0xFFFFFFFF, v14  }
0x261: {  	s25 =	simm.s32 @p2 $0x0;
	v14 =	vmov @p0 s29;
	v13 =	vadd.s32 @p0 v8, v13;
	v8 =	vbroadcast @p0 v11, $0x0  }
0x262: {  	v14 =	vadd.s32 @p0 $0xFFFFFFFF, v14;
	v11 =	vmul.u32 @p0 s25, v7;
	vm5 =	vlt.s32 @p0 v13, $0x40  }
0x263: {  	s3 =	simm.s32 @p0 $0xFFFFFA00;
	v14 =	vbroadcast @p0 v14, $0x0;
	vm5 =	vmand @p0 vm2, vm5;
	v10 =	vadd.s32 @p0 v10, v8  }
0x264: {  	s3 =	simm.s32 @p2 $0x0;
	v8 =	vadd.s32 @p0 v6, v11;
	v11 =	vlaneseq.u32 @p0;
	vm2 =	vlt.s32 @p0 v10, $0x40  }
0x265: {  	s9 =	sor.u32 s7, s24;
	v15 =	vadd.s32 @p0 s3, v8;
	v8 =	vadd.s32 @p0 v12, v14;
	vm2 =	vmand @p0 vm1, vm2  }
0x266: {  	s25 =	sshrl.u32 s9, $0x3;
	s9 =	simm.s32 @p0 $0x1B80;
	v11 =	vadd.s32 @p0 v11, v15;
	vm1 =	vlt.s32 @p0 v8, $0x40  }
0x267: {  	s30 =	simm.s32 $0x1;
	s31 =	simm.s32 $0x2;
	[tilespmem:v4+s9+$0x0] =	vst.idx.msk @p0 vm4, v0;
	s3 =	simm.s32 @p0 $0x1C80;
	v12 =	vadd.s32 @p0 s0, v11;
	vm1 =	vmand @p0 vm3, vm1  }
0x268: {  	p1 =	por !p1, !p1;
	s0 =	sadd.s32 @!p0 $0x0, s2;
	s2 =	simm.s32 @p0 $0x10;
	[tilespmem:v4+s3+$0x0] =	vst.idx.msk @p0 vm4, v12  }
0x269: {  	s26 =	sshll.u32 s23, $0x8;
	s0 =	sadd.s32 @!p0 s4, s0;
	v0 =	vadd.s32 @p0 s2, v11;
	s4 =	simm.s32 $0x1;
	[tilespmem:v13+s9+$0x0] =	vst.idx.msk @p0 vm5, v2  }
0x26a: {  	s2 =	simm.s32 @p0 $0x20;
	s0 =	sadd.s32 @!p0 s19, s0;
	s4 =	simm.s32 @!p1 $0x0;
	[tilespmem:v13+s3+$0x0] =	vst.idx.msk @p0 vm5, v0  }
0x26b: {  	s26 =	sand.u32 $0x300, s26;
	s0 =	smov.u32 @p0 s29;
	s4 =	sshll.u32 s4, $0x6;
	v0 =	vadd.s32 @p0 s2, v11;
	[tilespmem:v10+s9+$0x0] =	vst.idx.msk @p0 vm2, v3  }
0x26c: {  	s29 =	simm.s32 $0x40;
	s19 =	spop (v2sf);
	s2 =	simm.s32 @p0 $0x30;
	[tilespmem:v10+s3+$0x0] =	vst.idx.msk @p0 vm2, v0  }
0x26d: {  	s4 =	sadd.s32 $0x80, s4;
	s0 =	sadd.s32 s19, s0;
	v4 =	vadd.s32 @p0 s2, v11;
	s2 =	simm.s32 $0x80;
	[tilespmem:v8+s9+$0x0] =	vst.idx.msk @p0 vm1, v9  }
.LBB2_16:
0x26e: {  	s9 =	sor.u32 $0x80, s4  }
0x26f: {  	s19 =	sor.u32 $0xA0, s4;
	[tilespmem:v8+s3+$0x0] =	vst.idx.msk @p0 vm1, v4;
	s3 =	smov.u32 s31;
	s31 =	sadd.s32 $0x1, s31  }
0x270: {  	p2 =	sne.s32 s31, $0x30;
	v8 =	vld [tilespmem:s9+$0x0];
	s9 =	sor.u32 $0x90, s4  }
0x271: {  	v0 =	vld [tilespmem:s19+$0x0]  }
0x272: {  	v3 =	vld [tilespmem:s9+$0x0];
	_ =	sdelay $0x1  }
0x273: {  	s4 =	sor.u32 $0xB0, s4  }
0x274: {  	vm1 =	vle.s32 v5, v8;
	vm2 =	vgt.s32 v8, $0x0;
	v2 =	vld [tilespmem:s4+$0x0]  }
0x275: {  	vm4 =	vmand vm1, vm2;
	vm1 =	vle.s32 v5, v0;
	vm3 =	vgt.s32 v0, $0x0  }
0x276: {  	v4 =	vsel vm4, $0x1, v1;
	vm2 =	vle.s32 v5, v3;
	vm5 =	vgt.s32 v3, $0x0  }
0x277: {  	vm1 =	vmand vm1, vm3;
	vm2 =	vmand vm2, vm5;
	(xrf0) =	vadd.scan.msk.s32 $0xffff, v4  }
0x278: {  	v9 =	vsel vm1, $0x1, v1;
	v4 =	vsel vm2, $0x1, v1  }
0x279: {  	p0 =	slt.s32 s0, $0x40;
	vm3 =	vle.s32 v5, v2;
	vm5 =	vgt.s32 v2, $0x0;
	(xrf0) =	vadd.scan.msk.s32 $0xffff, v4  }
0x27a: {  	p3 =	sgt.u32 @p0 s30, $0x17;
	s30 =	smov.u32 s3;
	v4 =	vmov @p0 s0;
	vm3 =	vmand vm3, vm5;
	(xrf0) =	vadd.scan.msk.s32 $0xffff, v9  }
0x27b: {  	s3 =	simm.s32 @p0 $0x1;
	p3 =	por !p3, !p0;
	v4 =	vadd.s32 @p0 $0xFFFFFFFF, v4;
	v9 =	vsel vm3, $0x1, v1  }
0x27c: {  	s3 =	simm.s32 @p3 $0x0;
	v4 =	vbroadcast @p0 v4, $0x0;
	(xrf0) =	vadd.scan.msk.s32 $0xffff, v9  }
0x27d: {  	v9 =	vmul.u32 @p0 s3, v7;
	v10, _, _ =	vpop (xrf0)  }
0x27e: {  	s3 =	simm.s32 @p0 $0xFFFFFA00;
	v11 =	vadd.s32 @p0 v10, v4;
	(v2sf) =	vpush v10, $0xF  }
0x27f: {  	s3 =	simm.s32 @p3 $0x0;
	v4 =	vadd.s32 @p0 v6, v9;
	v9 =	vlaneseq.u32 @p0;
	vm5 =	vlt.s32 @p0 v11, $0x40;
	v10, _, _ =	vpop (xrf0)  }
0x280: {  	v4 =	vadd.s32 @p0 s3, v4;
	vm4 =	vmand @p0 vm4, vm5;
	(v2sf) =	vpush v10, $0xF;
	v12, _, _ =	vpop (xrf0)  }
0x281: {  	s4 =	sadd.s32 @p0 $0x20, s29;
	s3 =	sadd.s32 @p0 $0x10, s29;
	v4 =	vadd.s32 @p0 v9, v4;
	(v2sf) =	vpush v12, $0xF  }
0x282: {  	v9 =	vadd.s32 @p0 s29, v4;
	v13 =	vadd.s32 @p0 s3, v4;
	v14 =	vadd.s32 @p0 s4, v4;
	s3 =	sadd.s32 @p0 $0x30, s29;
	v15, _, _ =	vpop (xrf0)  }
0x283: {  	v4 =	vadd.s32 @p0 s3, v4;
	(v2sf) =	vpush v15, $0xF;
	_ =	sdelay $0x1  }
0x284: {  	s19 =	simm.s32 @p0 $0x1B80  }
0x285: {  	s3 =	simm.s32 @p0 $0x1C80;
	[tilespmem:v11+s19+$0x0] =	vst.idx.msk @p0 vm4, v8  }
0x286: {  	[tilespmem:v11+s3+$0x0] =	vst.idx.msk @p0 vm4, v9;
	_ =	sdelay $0x5  }
0x287: {  	s4 =	spop (v2sf)  }
0x288: {  	s9 =	sadd.s32 @p0 s0, s4;
	s0 =	sadd.s32 @!p0 s0, s4  }
0x289: {  	v8 =	vmov @p0 s9;
	s4 =	spop (v2sf)  }
0x28a: {  	v8 =	vadd.s32 @p0 $0xFFFFFFFF, v8;
	s9 =	sadd.s32 @p0 s4, s9;
	s0 =	sadd.s32 @!p0 s4, s0;
	s4 =	spop (v2sf)  }
0x28b: {  	v8 =	vbroadcast @p0 v8, $0x0;
	v9 =	vmov @p0 s9;
	s9 =	sadd.s32 @p0 s4, s9;
	s0 =	sadd.s32 @!p0 s4, s0  }
0x28c: {  	v9 =	vadd.s32 @p0 $0xFFFFFFFF, v9;
	v11 =	vmov @p0 s9;
	s0 =	smov.u32 @p0 s9;
	s4 =	spop (v2sf)  }
0x28d: {  	v10 =	vadd.s32 @p0 v10, v8;
	v8 =	vbroadcast @p0 v9, $0x0;
	v9 =	vadd.s32 @p0 $0xFFFFFFFF, v11;
	s0 =	sadd.s32 s4, s0  }
0x28e: {  	vm4 =	vlt.s32 @p0 v10, $0x40;
	v9 =	vbroadcast @p0 v9, $0x0  }
0x28f: {  	vm2 =	vmand @p0 vm2, vm4;
	v11 =	vadd.s32 @p0 v12, v8  }
0x290: {  	vm4 =	vlt.s32 @p0 v11, $0x40  }
0x291: {  	v8 =	vadd.s32 @p0 v15, v9;
	vm4 =	vmand @p0 vm1, vm4  }
0x292: {  	vm1 =	vlt.s32 @p0 v8, $0x40  }
0x293: {  	vm1 =	vmand @p0 vm3, vm1;
	_ =	sdelay $0x1  }
.Ltmp7:
0x294: {  	[tilespmem:v10+s19+$0x0] =	vst.idx.msk @p0 vm2, v3;
	(pc) =	sbr.rel @p2 .LBB2_16-.Ltmp7, $4  }
0x295: {  	p1 =	por !p1, !p1;
	s4 =	simm.s32 $0x1;
	[tilespmem:v10+s3+$0x0] =	vst.idx.msk @p0 vm2, v13  }
0x296: {  	s4 =	simm.s32 @!p1 $0x0;
	[tilespmem:v11+s19+$0x0] =	vst.idx.msk @p0 vm4, v0  }
0x297: {  	s2 =	sadd.s32 $0x80, s2;
	s4 =	sshll.u32 s4, $0x6;
	[tilespmem:v11+s3+$0x0] =	vst.idx.msk @p0 vm4, v14  }
0x298: {  	s29 =	sadd.s32 $0x40, s29;
	s4 =	sadd.s32 s4, s2;
	[tilespmem:v8+s19+$0x0] =	vst.idx.msk @p0 vm1, v2  }
0x299: {  	_ =	sdelay $0x4  }
0x29a: {  	[tilespmem:v8+s3+$0x0] =	vst.idx.msk @p0 vm1, v4;
	s2 =	sor.u32 $0x80, s4  }
0x29b: {  	v0 =	vld [tilespmem:s2+$0x0]  }
0x29c: {  	s19 =	sor.u32 $0x90, s4  }
0x29d: {  	v2 =	vld [tilespmem:s19+$0x0]  }
0x29e: {  	s3 =	sor.u32 $0xA0, s4  }
0x29f: {  	v3 =	vld [tilespmem:s3+$0x0]  }
0x2a0: {  	vm1 =	vle.s32 v5, v0;
	vm2 =	vgt.s32 v0, $0x0  }
0x2a1: {  	vm4 =	vmand vm1, vm2  }
0x2a2: {  	vm1 =	vle.s32 v5, v2;
	vm2 =	vgt.s32 v2, $0x0;
	v4 =	vsel vm4, $0x1, v1  }
0x2a3: {  	vm2 =	vmand vm1, vm2;
	(xrf0) =	vadd.scan.msk.s32 $0xffff, v4  }
0x2a4: {  	vm3 =	vgt.s32 v3, $0x0;
	vm1 =	vle.s32 v5, v3;
	v4 =	vsel vm2, $0x1, v1  }
0x2a5: {  	vm1 =	vmand vm1, vm3;
	(xrf0) =	vadd.scan.msk.s32 $0xffff, v4  }
0x2a6: {  	v4 =	vsel vm1, $0x1, v1  }
0x2a7: {  	(xrf0) =	vadd.scan.msk.s32 $0xffff, v4;
	_ =	sdelay $0x1  }
0x2a8: {  	v4, _, _ =	vpop (xrf0)  }
0x2a9: {  	(v2sf) =	vpush v4, $0xF  }
0x2aa: {  	v8, _, _ =	vpop (xrf0)  }
0x2ab: {  	(v2sf) =	vpush v8, $0xF  }
0x2ac: {  	v9, _, _ =	vpop (xrf0)  }
0x2ad: {  	(v2sf) =	vpush v9, $0xF;
	_ =	sdelay $0x4  }
0x2ae: {  	s4 =	sor.u32 $0xB0, s4  }
0x2af: {  	v10 =	vld [tilespmem:s4+$0x0];
	_ =	sdelay $0x2  }
0x2b0: {  	p0 =	slt.s32 s0, $0x40  }
0x2b1: {  	v11 =	vmov @p0 s0  }
0x2b2: {  	vm5 =	vgt.s32 v10, $0x0;
	vm3 =	vle.s32 v5, v10;
	v5 =	vadd.s32 @p0 $0xFFFFFFFF, v11;
	s2 =	spop (v2sf)  }
0x2b3: {  	vm3 =	vmand vm3, vm5;
	v5 =	vbroadcast @p0 v5, $0x0;
	s0 =	sadd.s32 @p0 s0, s2  }
0x2b4: {  	v11 =	vsel vm3, $0x1, v1;
	s2 =	spop (v2sf);
	v12 =	vmov @p0 s0  }
0x2b5: {  	(xrf0) =	vadd.scan.msk.s32 $0xffff, v11;
	v4 =	vadd.s32 @p0 v4, v5;
	s0 =	sadd.s32 @p0 s2, s0;
	v5 =	vadd.s32 @p0 $0xFFFFFFFF, v12  }
0x2b6: {  	p1 =	sgt.u32 @p0 s30, $0x17;
	vm5 =	vlt.s32 @p0 v4, $0x40;
	s2 =	spop (v2sf);
	v11 =	vmov @p0 s0;
	v5 =	vbroadcast @p0 v5, $0x0  }
0x2b7: {  	s3 =	simm.s32 @p0 $0x1;
	p1 =	por !p1, !p0;
	vm4 =	vmand @p0 vm4, vm5;
	s0 =	sadd.s32 @p0 s2, s0;
	v11 =	vadd.s32 @p0 $0xFFFFFFFF, v11  }
0x2b8: {  	s3 =	simm.s32 @p1 $0x0;
	v12 =	vmov @p0 s0;
	v5 =	vadd.s32 @p0 v8, v5;
	v8 =	vbroadcast @p0 v11, $0x0  }
0x2b9: {  	v7 =	vmul.u32 @p0 s3, v7;
	v11 =	vadd.s32 @p0 $0xFFFFFFFF, v12;
	vm5 =	vlt.s32 @p0 v5, $0x40  }
0x2ba: {  	s0 =	simm.s32 @p0 $0xFFFFFA00;
	v11 =	vbroadcast @p0 v11, $0x0;
	vm2 =	vmand @p0 vm2, vm5;
	v8 =	vadd.s32 @p0 v9, v8  }
0x2bb: {  	v6 =	vadd.s32 @p0 v6, v7;
	v7 =	vlaneseq.u32 @p0;
	s0 =	simm.s32 @p1 $0x0;
	v9, _, _ =	vpop (xrf0);
	vm5 =	vlt.s32 @p0 v8, $0x40  }
0x2bc: {  	v6 =	vadd.s32 @p0 s0, v6;
	v11 =	vadd.s32 @p0 v9, v11;
	vm1 =	vmand @p0 vm1, vm5  }
0x2bd: {  	s0 =	simm.s32 @p0 $0x1B80;
	v6 =	vadd.s32 @p0 v7, v6;
	vm5 =	vlt.s32 @p0 v11, $0x40  }
0x2be: {  	s2 =	simm.s32 @p0 $0x1C80;
	[tilespmem:v4+s0+$0x0] =	vst.idx.msk @p0 vm4, v0;
	v7 =	vadd.s32 @p0 s29, v6;
	vm3 =	vmand @p0 vm3, vm5  }
0x2bf: {  	s3 =	sadd.s32 @p0 $0x10, s29;
	[tilespmem:v4+s2+$0x0] =	vst.idx.msk @p0 vm4, v7  }
0x2c0: {  	v0 =	vadd.s32 @p0 s3, v6;
	[tilespmem:v5+s0+$0x0] =	vst.idx.msk @p0 vm2, v2  }
0x2c1: {  	s3 =	sadd.s32 @p0 $0x20, s29;
	[tilespmem:v5+s2+$0x0] =	vst.idx.msk @p0 vm2, v0  }
0x2c2: {  	v0 =	vadd.s32 @p0 s3, v6;
	[tilespmem:v8+s0+$0x0] =	vst.idx.msk @p0 vm1, v3  }
0x2c3: {  	s3 =	sadd.s32 @p0 $0x30, s29;
	[tilespmem:v8+s2+$0x0] =	vst.idx.msk @p0 vm1, v0  }
0x2c4: {  	v0 =	vadd.s32 @p0 s3, v6;
	[tilespmem:v11+s0+$0x0] =	vst.idx.msk @p0 vm3, v10  }
0x2c5: {  	[tilespmem:v11+s2+$0x0] =	vst.idx.msk @p0 vm3, v0  }
0x2c6: {  	v0 =	vld [tilespmem:$0x1C80];
	_ =	sdelay $0x3  }
0x2c7: {  	v3 =	vld [tilespmem:$0x1FFD0]  }
0x2c8: {  	v2 =	vshrl.u32 v0, $0x3  }
0x2c9: {  	v4 =	vld [tilespmem:$0x1FFE0];
	v2 =	vmul.u32 $0x30, v2  }
0x2ca: {  	v0 =	vand.u32 $0x7, v0  }
0x2cb: {  	v0 =	vor.u32 v0, v2  }
0x2cc: {  	v2 =	vperm.xlane v0, v3  }
0x2cd: {  	v5 =	vld [tilespmem:$0x1FFF0]  }
0x2ce: {  	v2 =	vadd.s32 v4, v2;
	_ =	sdelay $0x3  }
0x2cf: {  	s9 =	simm.s32 $0xDD00;
	s29 =	simm.s32 $0x0;
	v0 =	vperm.xlane v0, v5  }
0x2d0: {  	[tilespmem:s9], [sflag:$0x4] =	stream.indirect_vreg.gather [hbm4b:s1+s29], $0x80, v2, vm0, $0xb8;
	[tilespmem:$0x1A300] =	vst v63  }
0x2d1: {  	s19 =	simm.s32 $0xE500;
	v0 =	vadd.s32 v4, v0  }
0x2d2: {  	[tilespmem:s19], [sflag:$0x4] =	stream.indirect_vreg.gather [hbm4b:s12+s29], $0x80, v2, vm0, $0xb8;
	[tilespmem:$0x1A300] =	vst v63  }
0x2d3: {  	s2 =	simm.s32 $0xED00  }
0x2d4: {  	[tilespmem:s2], [sflag:$0x4] =	stream.indirect_vreg.gather [hbm4b:s13+s29], $0x80, v2, vm0, $0xb8;
	[tilespmem:$0x1A300] =	vst v63  }
0x2d5: {  	s3 =	simm.s32 $0xF500  }
0x2d6: {  	[tilespmem:s3], [sflag:$0x4] =	stream.indirect_vreg.gather [hbm4b:s1+s29], $0x80, v0, vm0, $0xb8;
	[tilespmem:$0x1A300] =	vst v63  }
0x2d7: {  	s4 =	simm.s32 $0xFD00  }
0x2d8: {  	[tilespmem:s4], [sflag:$0x4] =	stream.indirect_vreg.gather [hbm4b:s12+s29], $0x80, v0, vm0, $0xb8;
	[tilespmem:$0x1A300] =	vst v63  }
0x2d9: {  	s9 =	simm.s32 $0x10500  }
0x2da: {  	[tilespmem:s9], [sflag:$0x4] =	stream.indirect_vreg.gather [hbm4b:s13+s29], $0x80, v0, vm0, $0xb8;
	[tilespmem:$0x1A300] =	vst v63  }
0x2db: {  	v0 =	vld [tilespmem:$0x1C90];
	_ =	sdelay $0x4  }
0x2dc: {  	v2 =	vshrl.u32 v0, $0x3  }
0x2dd: {  	v2 =	vmul.u32 $0x30, v2  }
0x2de: {  	v0 =	vand.u32 $0x7, v0  }
0x2df: {  	v0 =	vor.u32 v0, v2  }
0x2e0: {  	v2 =	vperm.xlane v0, v3;
	_ =	sdelay $0x1  }
0x2e1: {  	v2 =	vadd.s32 v4, v2;
	_ =	sdelay $0x3  }
0x2e2: {  	s19 =	simm.s32 $0x10D00;
	v0 =	vperm.xlane v0, v5  }
0x2e3: {  	[tilespmem:s19], [sflag:$0x4] =	stream.indirect_vreg.gather [hbm4b:s1+s29], $0x80, v2, vm0, $0xb8;
	[tilespmem:$0x1A300] =	vst v63  }
0x2e4: {  	s2 =	simm.s32 $0x11500;
	v0 =	vadd.s32 v4, v0  }
0x2e5: {  	[tilespmem:s2], [sflag:$0x4] =	stream.indirect_vreg.gather [hbm4b:s12+s29], $0x80, v2, vm0, $0xb8;
	[tilespmem:$0x1A300] =	vst v63  }
0x2e6: {  	s3 =	simm.s32 $0x11D00  }
0x2e7: {  	[tilespmem:s3], [sflag:$0x4] =	stream.indirect_vreg.gather [hbm4b:s13+s29], $0x80, v2, vm0, $0xb8;
	[tilespmem:$0x1A300] =	vst v63  }
0x2e8: {  	s4 =	simm.s32 $0x12500  }
0x2e9: {  	[tilespmem:s4], [sflag:$0x4] =	stream.indirect_vreg.gather [hbm4b:s1+s29], $0x80, v0, vm0, $0xb8;
	[tilespmem:$0x1A300] =	vst v63  }
0x2ea: {  	s9 =	simm.s32 $0x12D00  }
0x2eb: {  	[tilespmem:s9], [sflag:$0x4] =	stream.indirect_vreg.gather [hbm4b:s12+s29], $0x80, v0, vm0, $0xb8;
	[tilespmem:$0x1A300] =	vst v63  }
0x2ec: {  	s19 =	simm.s32 $0x13500  }
0x2ed: {  	[tilespmem:s19], [sflag:$0x4] =	stream.indirect_vreg.gather [hbm4b:s13+s29], $0x80, v0, vm0, $0xb8;
	[tilespmem:$0x1A300] =	vst v63  }
0x2ee: {  	v0 =	vld [tilespmem:$0x1CA0];
	_ =	sdelay $0x4  }
0x2ef: {  	v2 =	vshrl.u32 v0, $0x3  }
0x2f0: {  	v2 =	vmul.u32 $0x30, v2  }
0x2f1: {  	v0 =	vand.u32 $0x7, v0  }
0x2f2: {  	v0 =	vor.u32 v0, v2  }
0x2f3: {  	v2 =	vperm.xlane v0, v3;
	_ =	sdelay $0x1  }
0x2f4: {  	v2 =	vadd.s32 v4, v2;
	_ =	sdelay $0x3  }
0x2f5: {  	s2 =	simm.s32 $0x13D00;
	v0 =	vperm.xlane v0, v5  }
0x2f6: {  	[tilespmem:s2], [sflag:$0x4] =	stream.indirect_vreg.gather [hbm4b:s1+s29], $0x80, v2, vm0, $0xb8;
	[tilespmem:$0x1A300] =	vst v63  }
0x2f7: {  	s3 =	simm.s32 $0x14500;
	v0 =	vadd.s32 v4, v0  }
0x2f8: {  	[tilespmem:s3], [sflag:$0x4] =	stream.indirect_vreg.gather [hbm4b:s12+s29], $0x80, v2, vm0, $0xb8;
	[tilespmem:$0x1A300] =	vst v63  }
0x2f9: {  	s4 =	simm.s32 $0x14D00  }
0x2fa: {  	[tilespmem:s4], [sflag:$0x4] =	stream.indirect_vreg.gather [hbm4b:s13+s29], $0x80, v2, vm0, $0xb8;
	[tilespmem:$0x1A300] =	vst v63  }
0x2fb: {  	s9 =	simm.s32 $0x15500  }
0x2fc: {  	[tilespmem:s9], [sflag:$0x4] =	stream.indirect_vreg.gather [hbm4b:s1+s29], $0x80, v0, vm0, $0xb8;
	[tilespmem:$0x1A300] =	vst v63  }
0x2fd: {  	s19 =	simm.s32 $0x15D00  }
0x2fe: {  	[tilespmem:s19], [sflag:$0x4] =	stream.indirect_vreg.gather [hbm4b:s12+s29], $0x80, v0, vm0, $0xb8;
	[tilespmem:$0x1A300] =	vst v63  }
0x2ff: {  	s2 =	simm.s32 $0x16500  }
0x300: {  	[tilespmem:s2], [sflag:$0x4] =	stream.indirect_vreg.gather [hbm4b:s13+s29], $0x80, v0, vm0, $0xb8;
	[tilespmem:$0x1A300] =	vst v63  }
0x301: {  	v0 =	vld [tilespmem:$0x1CB0];
	_ =	sdelay $0x4  }
0x302: {  	v2 =	vshrl.u32 v0, $0x3  }
0x303: {  	v2 =	vmul.u32 $0x30, v2  }
0x304: {  	v0 =	vand.u32 $0x7, v0  }
0x305: {  	v0 =	vor.u32 v0, v2  }
0x306: {  	v2 =	vperm.xlane v0, v3  }
0x307: {  	(v2sf) =	vpush v9, $0xF  }
0x308: {  	v2 =	vadd.s32 v4, v2;
	_ =	sdelay $0x3  }
0x309: {  	s3 =	simm.s32 $0x16D00;
	v0 =	vperm.xlane v0, v5  }
0x30a: {  	[tilespmem:s3], [sflag:$0x4] =	stream.indirect_vreg.gather [hbm4b:s1+s29], $0x80, v2, vm0, $0xb8;
	[tilespmem:$0x1A300] =	vst v63  }
0x30b: {  	s4 =	simm.s32 $0x17500;
	v0 =	vadd.s32 v4, v0  }
0x30c: {  	[tilespmem:s4], [sflag:$0x4] =	stream.indirect_vreg.gather [hbm4b:s12+s29], $0x80, v2, vm0, $0xb8;
	[tilespmem:$0x1A300] =	vst v63  }
0x30d: {  	s9 =	simm.s32 $0x17D00  }
0x30e: {  	[tilespmem:s9], [sflag:$0x4] =	stream.indirect_vreg.gather [hbm4b:s13+s29], $0x80, v2, vm0, $0xb8;
	[tilespmem:$0x1A300] =	vst v63  }
0x30f: {  	s19 =	simm.s32 $0x18500  }
0x310: {  	[tilespmem:s19], [sflag:$0x4] =	stream.indirect_vreg.gather [hbm4b:s1+s29], $0x80, v0, vm0, $0xb8;
	[tilespmem:$0x1A300] =	vst v63  }
0x311: {  	s2 =	simm.s32 $0x18D00  }
0x312: {  	[tilespmem:s2], [sflag:$0x4] =	stream.indirect_vreg.gather [hbm4b:s12+s29], $0x80, v0, vm0, $0xb8;
	[tilespmem:$0x1A300] =	vst v63  }
0x313: {  	s0 =	simm.s32 $0x19500;
	s3 =	spop (v2sf)  }
0x314: {  	[tilespmem:s0], [sflag:$0x4] =	stream.indirect_vreg.gather [hbm4b:s13+s29], $0x80, v0, vm0, $0xb8;
	[tilespmem:$0x1A300] =	vst v63  }
0x315: {  	_ =	swait.ge [sflag:s8], $0xC000  }
0x316: {  	[sflag:s8] =	ssyncset.done $0x0  }
0x317: {  	[sflag:s8] =	ssyncadd.s32 $0xFFFF4000  }
0x318: {  	v0 =	vld [tilespmem:$0x19E80];
	_ =	sdelay $0x4  }
0x319: {  	[tilespmem:$0x1FB80] =	vst v0;
	v0 =	vld [tilespmem:$0x19E90];
	_ =	sdelay $0x4  }
0x31a: {  	[tilespmem:$0x1FB90] =	vst v0;
	v0 =	vld [tilespmem:$0x19EA0];
	_ =	sdelay $0x4  }
0x31b: {  	[tilespmem:$0x1FBA0] =	vst v0;
	v0 =	vld [tilespmem:$0x19EB0];
	_ =	sdelay $0x4  }
0x31c: {  	[tilespmem:$0x1FBB0] =	vst v0;
	v0 =	vld [tilespmem:$0x19EC0];
	_ =	sdelay $0x1  }
0x31d: {  	v20 =	vld [tilespmem:$0x19D00]  }
0x31e: {  	v49 =	vld [tilespmem:$0x19D10]  }
0x31f: {  	v24 =	vld [tilespmem:$0x19D20]  }
0x320: {  	[tilespmem:$0x1FBC0] =	vst v0;
	v0 =	vld [tilespmem:$0x19ED0]  }
0x321: {  	v50 =	vld [tilespmem:$0x19D30]  }
0x322: {  	v27 =	vld [tilespmem:$0x19D40]  }
0x323: {  	v28 =	vld [tilespmem:$0x19D50]  }
0x324: {  	v48 =	vld [tilespmem:$0x19D60]  }
0x325: {  	[tilespmem:$0x1FBD0] =	vst v0;
	v0 =	vld [tilespmem:$0x19EE0]  }
0x326: {  	v31 =	vld [tilespmem:$0x19D70]  }
0x327: {  	v33 =	vld [tilespmem:$0x19D90]  }
0x328: {  	v34 =	vld [tilespmem:$0x19DA0]  }
0x329: {  	v35 =	vld [tilespmem:$0x19DB0]  }
0x32a: {  	[tilespmem:$0x1FBE0] =	vst v0;
	v0 =	vld [tilespmem:$0x19EF0]  }
0x32b: {  	v36 =	vld [tilespmem:$0x19DC0]  }
0x32c: {  	v41 =	vld [tilespmem:$0x19DD0]  }
0x32d: {  	v55 =	vld [tilespmem:$0x19DF0]  }
0x32e: {  	v57 =	vld [tilespmem:$0x19E10]  }
0x32f: {  	[tilespmem:$0x1FBF0] =	vst v0;
	v0 =	vld [tilespmem:$0x19F00]  }
0x330: {  	v58 =	vld [tilespmem:$0x19E20]  }
0x331: {  	v9 =	vmov s29;
	v59 =	vld [tilespmem:$0x19E30]  }
0x332: {  	s4 =	simm.s32 $0x0;
	v61 =	vld [tilespmem:$0x19E50]  }
0x333: {  	s0 =	smul.u32 $0x6000, s4;
	v63 =	vld [tilespmem:$0x19E70]  }
0x334: {  	[tilespmem:$0x1FC00] =	vst v0;
	v0 =	vld [tilespmem:$0x19F10]  }
0x335: {  	s19 =	sand.u32 $0x380, s29;
	s9 =	rddreg [dreg:$0x5];
	s0 =	sshra.s32 s0, $0x2;
	v37 =	vld [tilespmem:$0x19FF0]  }
0x336: {  	s30 =	sor.u32 s19, s0;
	v10 =	vld.idx.msk [tilespmem:v9+s9+$0x0], $0xffff  }
0x337: {  	v9 =	vld [tilespmem:s30+$0x3170]  }
0x338: {  	v38 =	vld [tilespmem:s30+$0x1D00]  }
0x339: {  	[tilespmem:$0x1FC10] =	vst v0;
	v0 =	vld [tilespmem:$0x19F20]  }
0x33a: {  	v39 =	vld [tilespmem:s30+$0x1D10]  }
0x33b: {  	v40 =	vld [tilespmem:s30+$0x1D20]  }
0x33c: {  	v42 =	vld [tilespmem:s30+$0x1D30]  }
0x33d: {  	v43 =	vld [tilespmem:s30+$0x1D40]  }
0x33e: {  	[tilespmem:$0x1FC20] =	vst v0;
	v0 =	vld [tilespmem:$0x19F30]  }
0x33f: {  	v44 =	vld [tilespmem:s30+$0x1D50]  }
0x340: {  	v45 =	vld [tilespmem:s30+$0x1D60]  }
0x341: {  	v2 =	vld [tilespmem:s30+$0x2130]  }
0x342: {  	v46 =	vld [tilespmem:s30+$0x1D70]  }
0x343: {  	[tilespmem:$0x1FC30] =	vst v0;
	v0 =	vld [tilespmem:s30+$0x2120]  }
0x344: {  	v47 =	vld [tilespmem:s30+$0x2100];
	v9 =	vmul.f32 v9, v10  }
0x345: {  	v18 =	vld [tilespmem:s30+$0x2140];
	v38 =	vmul.f32 v38, v10;
	v43 =	vmul.f32 v43, v10  }
0x346: {  	v22 =	vld [tilespmem:s30+$0x2150];
	v2 =	vmul.f32 v2, v10;
	v9 =	vadd.f32 v9, v37;
	v37 =	vmul.f32 v39, v10  }
0x347: {  	v25 =	vld [tilespmem:s30+$0x2170];
	v39 =	vmul.f32 v40, v10;
	v52 =	vadd.f32 v38, v20;
	v20 =	vmul.f32 v42, v10  }
0x348: {  	v51 =	vld [tilespmem:s30+$0x2110];
	v43 =	vadd.f32 v43, v27;
	v38 =	vadd.f32 v2, v35;
	v0 =	vmul.f32 v0, v10  }
0x349: {  	v30 =	vld [tilespmem:s30+$0x2520];
	v53 =	vadd.f32 v37, v49;
	v49 =	vadd.f32 v39, v24;
	v24 =	vmul.f32 v44, v10  }
0x34a: {  	v29 =	vld [tilespmem:s30+$0x2510];
	v50 =	vadd.f32 v20, v50;
	v37 =	vadd.f32 v0, v34;
	v0 =	vmul.f32 v18, v10  }
0x34b: {  	v27 =	vld [tilespmem:s30+$0x2550];
	v20 =	vmul.f32 v45, v10;
	v44 =	vadd.f32 v24, v28;
	v24 =	vmul.f32 v46, v10  }
0x34c: {  	v23 =	vld [tilespmem:s30+$0x2530];
	v2 =	vmul.f32 v22, v10;
	v42 =	vadd.f32 v0, v36;
	v0 =	vmul.f32 v25, v10  }
0x34d: {  	v48 =	vadd.f32 v20, v48;
	v20 =	vmul.f32 v51, v10;
	v51 =	vadd.f32 v24, v31;
	v24 =	vld [tilespmem:s30+$0x2900]  }
0x34e: {  	v4 =	vld [tilespmem:s30+$0x2570];
	v40 =	vadd.f32 v0, v55;
	v0 =	vmul.f32 v30, v10  }
0x34f: {  	v21 =	vld [tilespmem:s30+$0x2160];
	v28 =	vmul.f32 v47, v10;
	v47 =	vadd.f32 v2, v41;
	v2 =	vmul.f32 v29, v10  }
0x350: {  	v18 =	vld [tilespmem:s30+$0x2910];
	v36 =	vadd.f32 v0, v58;
	v0 =	vmul.f32 v27, v10  }
0x351: {  	v46 =	vadd.f32 v20, v33;
	v33 =	vadd.f32 v2, v57;
	v2 =	vmul.f32 v23, v10  }
0x352: {  	v35 =	vadd.f32 v0, v61;
	v0 =	vmul.f32 v24, v10;
	v24 =	vld [tilespmem:$0x1FB90]  }
0x353: {  	v41 =	vadd.f32 v2, v59;
	v2 =	vmul.f32 v4, v10  }
0x354: {  	v32 =	vld [tilespmem:$0x19D80]  }
0x355: {  	v20 =	vmul.f32 v21, v10;
	v21 =	vld [tilespmem:s30+$0x2920];
	v29 =	vadd.f32 v2, v63;
	v2 =	vmul.f32 v18, v10  }
0x356: {  	v56 =	vld [tilespmem:$0x19E00]  }
0x357: {  	v31 =	vadd.f32 v2, v24;
	v2 =	vld [tilespmem:$0x1FBA0]  }
0x358: {  	v26 =	vld [tilespmem:s30+$0x2500]  }
0x359: {  	v25 =	vld [tilespmem:s30+$0x2930]  }
0x35a: {  	v18 =	vmul.f32 v21, v10;
	v21 =	vld [tilespmem:$0x1FB80];
	_ =	sdelay $0x1  }
0x35b: {  	v27 =	vadd.f32 v18, v2;
	v18 =	vld [tilespmem:$0x1FBB0]  }
0x35c: {  	v54 =	vld [tilespmem:$0x19DE0];
	v22 =	vmul.f32 v26, v10  }
0x35d: {  	v45 =	vadd.f32 v28, v32  }
0x35e: {  	v32 =	vadd.f32 v22, v56;
	v22 =	vld [tilespmem:s30+$0x2950];
	v30 =	vadd.f32 v0, v21;
	v0 =	vmul.f32 v25, v10  }
0x35f: {  	v60 =	vld [tilespmem:$0x19E40]  }
0x360: {  	v26 =	vadd.f32 v0, v18;
	v18 =	vld [tilespmem:$0x1FBD0]  }
0x361: {  	v39 =	vadd.f32 v20, v54;
	v20 =	vld [tilespmem:s30+$0x2940]  }
0x362: {  	v23 =	vld [tilespmem:s30+$0x2960]  }
0x363: {  	v2 =	vmul.f32 v22, v10;
	v0 =	vld [tilespmem:$0x1FBC0]  }
0x364: {  	v62 =	vld [tilespmem:$0x19E60]  }
0x365: {  	v22 =	vadd.f32 v2, v18;
	v18 =	vld [tilespmem:$0x1FBE0]  }
0x366: {  	v17 =	vld [tilespmem:$0x19F40];
	v20 =	vmul.f32 v20, v10  }
0x367: {  	v16 =	vld [tilespmem:$0x19F50]  }
0x368: {  	v54 =	vld [tilespmem:s30+$0x2970];
	v25 =	vadd.f32 v20, v0;
	v0 =	vmul.f32 v23, v10  }
0x369: {  	v15 =	vld [tilespmem:$0x19F60]  }
0x36a: {  	v23 =	vadd.f32 v0, v18;
	v18 =	vld [tilespmem:$0x1FBF0]  }
0x36b: {  	v3 =	vld [tilespmem:s30+$0x2560]  }
0x36c: {  	v14 =	vld [tilespmem:$0x19F70]  }
0x36d: {  	v4 =	vld [tilespmem:s30+$0x2D00];
	v2 =	vmul.f32 v54, v10  }
0x36e: {  	v13 =	vld [tilespmem:$0x19F80]  }
0x36f: {  	v24 =	vadd.f32 v2, v18;
	v2 =	vld [tilespmem:$0x1FC00]  }
0x370: {  	v19 =	vld [tilespmem:s30+$0x2540];
	v3 =	vmul.f32 v3, v10  }
0x371: {  	v12 =	vld [tilespmem:$0x19F90]  }
0x372: {  	v28 =	vadd.f32 v3, v62;
	v3 =	vld [tilespmem:s30+$0x2D10];
	v4 =	vmul.f32 v4, v10  }
0x373: {  	v21 =	vld [tilespmem:s30+$0x2D30]  }
0x374: {  	v20 =	vadd.f32 v4, v2;
	v4 =	vld [tilespmem:$0x1FC10]  }
0x375: {  	v11 =	vld [tilespmem:$0x19FA0];
	v19 =	vmul.f32 v19, v10  }
0x376: {  	v8 =	vld [tilespmem:$0x19FB0]  }
0x377: {  	v34 =	vadd.f32 v19, v60;
	v19 =	vld [tilespmem:s30+$0x2D20];
	v0 =	vmul.f32 v3, v10  }
0x378: {  	v7 =	vld [tilespmem:$0x19FC0]  }
0x379: {  	v2 =	vmul.f32 v21, v10;
	v21 =	vadd.f32 v0, v4;
	v0 =	vld [tilespmem:$0x1FC20]  }
0x37a: {  	v6 =	vld [tilespmem:$0x19FD0]  }
0x37b: {  	v5 =	vld [tilespmem:$0x19FE0]  }
0x37c: {  	v56 =	vld [tilespmem:s30+$0x2D50];
	v3 =	vmul.f32 v19, v10  }
0x37d: {  	v55 =	vld [tilespmem:s30+$0x2D40]  }
0x37e: {  	v18 =	vadd.f32 v3, v0;
	v0 =	vld [tilespmem:$0x1FC30]  }
0x37f: {  	v62 =	vld [tilespmem:s30+$0x2D60]  }
0x380: {  	v57 =	vld [tilespmem:s30+$0x3110]  }
0x381: {  	v60 =	vld [tilespmem:s30+$0x2D70]  }
0x382: {  	s31 =	simm.s32 $0x1;
	v58 =	vld [tilespmem:s30+$0x3100];
	v4 =	vmul.f32 v55, v10  }
0x383: {  	s0 =	simm.s32 $0x2;
	v55 =	vld [tilespmem:s30+$0x3120];
	v3 =	vmov s31;
	v19 =	vadd.f32 v2, v0;
	v2 =	vmul.f32 v56, v10  }
.LBB2_18:
0x384: {  	_ =	sdelay $0x1  }
0x385: {  	s2 =	sshrl.u32 s31, $0x3;
	v54 =	vld [tilespmem:s30+$0x3140]  }
0x386: {  	v17 =	vadd.f32 v4, v17;
	v4 =	vld [tilespmem:s30+$0x3130];
	s2 =	smul.u32 $0x6000, s2;
	v0 =	vmul.f32 v62, v10  }
0x387: {  	v56 =	vld [tilespmem:s30+$0x3150];
	s29 =	sadd.s32 $0x80, s29;
	v16 =	vadd.f32 v2, v16;
	v2 =	vmul.f32 v60, v10  }
0x388: {  	s3 =	rddreg [dreg:$0x5];
	v61 =	vld [tilespmem:s30+$0x3160];
	s4 =	sand.u32 $0x380, s29;
	s2 =	sshra.s32 s2, $0x2;
	v15 =	vadd.f32 v0, v15;
	v0 =	vmul.f32 v58, v10  }
0x389: {  	v3 =	vld.idx.msk [tilespmem:v3+s3+$0x0], $0xffff;
	s30 =	sor.u32 s4, s2;
	v14 =	vadd.f32 v2, v14;
	v2 =	vmul.f32 v57, v10  }
0x38a: {  	v62 =	vld [tilespmem:s30+$0x3170];
	v13 =	vadd.f32 v0, v13;
	v0 =	vmul.f32 v55, v10  }
0x38b: {  	v12 =	vadd.f32 v2, v12;
	v2 =	vmul.f32 v4, v10;
	v4 =	vld [tilespmem:s30+$0x1D00]  }
0x38c: {  	v63 =	vld [tilespmem:s30+$0x1D10];
	v11 =	vadd.f32 v0, v11;
	v0 =	vmul.f32 v54, v10  }
0x38d: {  	v60 =	vld [tilespmem:s30+$0x1D20];
	v8 =	vadd.f32 v2, v8;
	v2 =	vmul.f32 v56, v10  }
0x38e: {  	v7 =	vadd.f32 v0, v7;
	v0 =	vmul.f32 v61, v10;
	v61 =	vld [tilespmem:s30+$0x1D30]  }
0x38f: {  	v6 =	vadd.f32 v2, v6;
	v2 =	vld [tilespmem:s30+$0x1D40];
	v10 =	vmov v3  }
0x390: {  	v55 =	vmul.f32 v62, v3;
	v3 =	vld [tilespmem:s30+$0x1D50];
	v5 =	vadd.f32 v0, v5;
	v0 =	vmul.f32 v4, v10  }
0x391: {  	v62 =	vld [tilespmem:s30+$0x1D60];
	v4 =	vmul.f32 v63, v10  }
0x392: {  	v63 =	vld [tilespmem:s30+$0x1D70];
	v52 =	vadd.f32 v0, v52;
	v0 =	vmul.f32 v60, v10  }
0x393: {  	v53 =	vadd.f32 v4, v53;
	v60 =	vld [tilespmem:s30+$0x2100];
	v4 =	vmul.f32 v61, v10  }
0x394: {  	v49 =	vadd.f32 v0, v49;
	v0 =	vmul.f32 v2, v10;
	v2 =	vld [tilespmem:s30+$0x2110]  }
0x395: {  	v3 =	vmul.f32 v3, v10;
	v50 =	vadd.f32 v4, v50;
	v4 =	vld [tilespmem:s30+$0x2120]  }
0x396: {  	v61 =	vld [tilespmem:s30+$0x2130];
	v43 =	vadd.f32 v0, v43;
	v0 =	vmul.f32 v62, v10  }
0x397: {  	v44 =	vadd.f32 v3, v44;
	v3 =	vmul.f32 v63, v10;
	v62 =	vld [tilespmem:s30+$0x2140]  }
0x398: {  	v63 =	vld [tilespmem:s30+$0x2150];
	v48 =	vadd.f32 v0, v48;
	v0 =	vmul.f32 v60, v10  }
0x399: {  	v51 =	vadd.f32 v3, v51;
	v3 =	vld [tilespmem:s30+$0x2160];
	v2 =	vmul.f32 v2, v10  }
0x39a: {  	v45 =	vadd.f32 v0, v45;
	v0 =	vmul.f32 v4, v10;
	v4 =	vld [tilespmem:s30+$0x2170]  }
0x39b: {  	v60 =	vld [tilespmem:s30+$0x2500];
	v46 =	vadd.f32 v2, v46;
	v2 =	vmul.f32 v61, v10  }
0x39c: {  	v61 =	vld [tilespmem:s30+$0x2510];
	v37 =	vadd.f32 v0, v37;
	v0 =	vmul.f32 v62, v10  }
0x39d: {  	v62 =	vld [tilespmem:s30+$0x2520];
	v38 =	vadd.f32 v2, v38;
	v2 =	vmul.f32 v63, v10  }
0x39e: {  	v42 =	vadd.f32 v0, v42;
	v0 =	vmul.f32 v3, v10;
	v3 =	vld [tilespmem:s30+$0x2530]  }
0x39f: {  	v47 =	vadd.f32 v2, v47;
	v2 =	vmul.f32 v4, v10;
	v4 =	vld [tilespmem:s30+$0x2540]  }
0x3a0: {  	v63 =	vld [tilespmem:s30+$0x2550];
	v39 =	vadd.f32 v0, v39;
	v0 =	vmul.f32 v60, v10  }
0x3a1: {  	v60 =	vld [tilespmem:s30+$0x2560];
	v40 =	vadd.f32 v2, v40;
	v2 =	vmul.f32 v61, v10  }
0x3a2: {  	v61 =	vld [tilespmem:s30+$0x2570];
	v32 =	vadd.f32 v0, v32;
	v0 =	vmul.f32 v62, v10  }
0x3a3: {  	v33 =	vadd.f32 v2, v33;
	v2 =	vmul.f32 v3, v10;
	v3 =	vld [tilespmem:s30+$0x2900]  }
0x3a4: {  	v36 =	vadd.f32 v0, v36;
	v0 =	vmul.f32 v4, v10;
	v4 =	vld [tilespmem:s30+$0x2910]  }
0x3a5: {  	v62 =	vld [tilespmem:s30+$0x2920];
	v41 =	vadd.f32 v2, v41;
	v2 =	vmul.f32 v63, v10  }
0x3a6: {  	v63 =	vld [tilespmem:s30+$0x2930];
	v34 =	vadd.f32 v0, v34;
	v0 =	vmul.f32 v60, v10  }
0x3a7: {  	v60 =	vld [tilespmem:s30+$0x2940];
	v35 =	vadd.f32 v2, v35;
	v2 =	vmul.f32 v61, v10  }
0x3a8: {  	v28 =	vadd.f32 v0, v28;
	v0 =	vmul.f32 v3, v10;
	v3 =	vld [tilespmem:s30+$0x2950]  }
0x3a9: {  	v29 =	vadd.f32 v2, v29;
	v2 =	vmul.f32 v4, v10;
	v4 =	vld [tilespmem:s30+$0x2960]  }
0x3aa: {  	v61 =	vld [tilespmem:s30+$0x2970];
	v30 =	vadd.f32 v0, v30;
	v0 =	vmul.f32 v62, v10  }
0x3ab: {  	v62 =	vld [tilespmem:s30+$0x2D00];
	v31 =	vadd.f32 v2, v31;
	v2 =	vmul.f32 v63, v10  }
0x3ac: {  	v63 =	vld [tilespmem:s30+$0x2D10];
	v27 =	vadd.f32 v0, v27;
	v0 =	vmul.f32 v60, v10  }
0x3ad: {  	v26 =	vadd.f32 v2, v26;
	v2 =	vmul.f32 v3, v10;
	v3 =	vld [tilespmem:s30+$0x2D20]  }
0x3ae: {  	v25 =	vadd.f32 v0, v25;
	v0 =	vmul.f32 v4, v10;
	v4 =	vld [tilespmem:s30+$0x2D30]  }
0x3af: {  	v54 =	vld [tilespmem:s30+$0x2D40];
	v22 =	vadd.f32 v2, v22;
	v2 =	vmul.f32 v61, v10  }
0x3b0: {  	p0 =	sne.s32 s0, $0x3F;
	v9 =	vadd.f32 v55, v9;
	v55 =	vld [tilespmem:s30+$0x2D50];
	v23 =	vadd.f32 v0, v23;
	v0 =	vmul.f32 v62, v10  }
.Ltmp8:
0x3b1: {  	v58 =	vld [tilespmem:s30+$0x3100];
	v24 =	vadd.f32 v2, v24;
	v2 =	vmul.f32 v63, v10;
	(pc) =	sbr.rel @p0 .LBB2_18-.Ltmp8, $4  }
0x3b2: {  	v57 =	vld [tilespmem:s30+$0x3110];
	v20 =	vadd.f32 v0, v20  }
0x3b3: {  	s31 =	smov.u32 s0;
	v60 =	vld [tilespmem:s30+$0x2D70];
	v0 =	vmul.f32 v3, v10;
	v21 =	vadd.f32 v2, v21;
	v2 =	vmul.f32 v4, v10  }
0x3b4: {  	v62 =	vld [tilespmem:s30+$0x2D60];
	v3 =	vmov s31;
	v4 =	vmul.f32 v54, v10  }
0x3b5: {  	s0 =	sadd.s32 $0x1, s0;
	v18 =	vadd.f32 v0, v18;
	v19 =	vadd.f32 v2, v19;
	v2 =	vmul.f32 v55, v10;
	v55 =	vld [tilespmem:s30+$0x3120]  }
0x3b6: {  	v0 =	vld [tilespmem:s30+$0x3130];
	_ =	sdelay $0x4  }
0x3b7: {  	[tilespmem:$0x1FAC0] =	vst v0;
	v0 =	vld [tilespmem:s30+$0x3140];
	_ =	sdelay $0x4  }
0x3b8: {  	[tilespmem:$0x1FAF0] =	vst v0;
	v0 =	vld [tilespmem:s30+$0x3150];
	_ =	sdelay $0x4  }
0x3b9: {  	s0 =	sshrl.u32 s31, $0x3;
	[tilespmem:$0x1FB20] =	vst v0;
	v0 =	vld [tilespmem:s30+$0x3160]  }
0x3ba: {  	s0 =	smul.u32 $0x6000, s0  }
0x3bb: {  	s3 =	sadd.s32 $0x80, s29  }
0x3bc: {  	s3 =	sand.u32 $0x380, s3;
	s0 =	sshra.s32 s0, $0x2  }
0x3bd: {  	s0 =	sor.u32 s3, s0  }
0x3be: {  	[tilespmem:$0x1FB50] =	vst v0;
	v0 =	vld [tilespmem:s0+$0x3170];
	_ =	sdelay $0x4  }
0x3bf: {  	[tilespmem:$0x1FB70] =	vst v0;
	v0 =	vld [tilespmem:s0+$0x1D50];
	_ =	sdelay $0x4  }
0x3c0: {  	[tilespmem:$0x1F8B0] =	vst v0;
	v0 =	vld [tilespmem:s0+$0x1D60];
	_ =	sdelay $0x4  }
0x3c1: {  	[tilespmem:$0x1F8C0] =	vst v0;
	v0 =	vld [tilespmem:s0+$0x1D70];
	_ =	sdelay $0x4  }
0x3c2: {  	[tilespmem:$0x1F8D0] =	vst v0;
	v0 =	vld [tilespmem:s0+$0x2100];
	_ =	sdelay $0x4  }
0x3c3: {  	[tilespmem:$0x1F8E0] =	vst v0;
	v0 =	vld [tilespmem:s0+$0x2110];
	_ =	sdelay $0x4  }
0x3c4: {  	[tilespmem:$0x1F8F0] =	vst v0;
	v0 =	vld [tilespmem:s0+$0x2120];
	_ =	sdelay $0x4  }
0x3c5: {  	[tilespmem:$0x1F900] =	vst v0;
	v0 =	vld [tilespmem:s0+$0x2130];
	_ =	sdelay $0x4  }
0x3c6: {  	[tilespmem:$0x1F910] =	vst v0;
	v0 =	vld [tilespmem:s0+$0x2140];
	_ =	sdelay $0x4  }
0x3c7: {  	[tilespmem:$0x1F920] =	vst v0;
	v0 =	vld [tilespmem:s0+$0x2150];
	_ =	sdelay $0x4  }
0x3c8: {  	[tilespmem:$0x1F930] =	vst v0;
	v0 =	vld [tilespmem:s0+$0x2160];
	_ =	sdelay $0x4  }
0x3c9: {  	[tilespmem:$0x1F940] =	vst v0;
	v0 =	vld [tilespmem:s0+$0x2170];
	_ =	sdelay $0x4  }
0x3ca: {  	[tilespmem:$0x1F950] =	vst v0;
	v0 =	vld [tilespmem:s0+$0x2500];
	_ =	sdelay $0x4  }
0x3cb: {  	[tilespmem:$0x1F960] =	vst v0;
	v0 =	vld [tilespmem:s0+$0x2510];
	_ =	sdelay $0x4  }
0x3cc: {  	[tilespmem:$0x1F970] =	vst v0;
	v0 =	vld [tilespmem:s0+$0x2520];
	_ =	sdelay $0x4  }
0x3cd: {  	[tilespmem:$0x1F980] =	vst v0;
	v0 =	vld [tilespmem:s0+$0x2530];
	_ =	sdelay $0x4  }
0x3ce: {  	[tilespmem:$0x1F990] =	vst v0;
	v0 =	vld [tilespmem:s0+$0x2540];
	_ =	sdelay $0x4  }
0x3cf: {  	[tilespmem:$0x1F9A0] =	vst v0;
	v0 =	vld [tilespmem:s0+$0x2550];
	_ =	sdelay $0x4  }
0x3d0: {  	[tilespmem:$0x1F9B0] =	vst v0;
	v0 =	vld [tilespmem:s0+$0x2560];
	_ =	sdelay $0x4  }
0x3d1: {  	[tilespmem:$0x1F9C0] =	vst v0;
	v0 =	vld [tilespmem:s0+$0x2570];
	_ =	sdelay $0x4  }
0x3d2: {  	[tilespmem:$0x1F9D0] =	vst v0;
	v0 =	vld [tilespmem:s0+$0x2900];
	_ =	sdelay $0x4  }
0x3d3: {  	[tilespmem:$0x1F9E0] =	vst v0;
	v0 =	vld [tilespmem:s0+$0x2910];
	_ =	sdelay $0x4  }
0x3d4: {  	[tilespmem:$0x1F9F0] =	vst v0;
	v0 =	vld [tilespmem:s0+$0x2920];
	_ =	sdelay $0x4  }
0x3d5: {  	[tilespmem:$0x1FA00] =	vst v0;
	v0 =	vld [tilespmem:s0+$0x2930];
	_ =	sdelay $0x4  }
0x3d6: {  	[tilespmem:$0x1FA10] =	vst v0;
	v0 =	vld [tilespmem:s0+$0x2940];
	_ =	sdelay $0x4  }
0x3d7: {  	[tilespmem:$0x1FA20] =	vst v0;
	v0 =	vld [tilespmem:s0+$0x2950];
	_ =	sdelay $0x4  }
0x3d8: {  	[tilespmem:$0x1FA30] =	vst v0;
	v0 =	vld [tilespmem:s0+$0x2960];
	_ =	sdelay $0x4  }
0x3d9: {  	[tilespmem:$0x1FA40] =	vst v0;
	v0 =	vld [tilespmem:s0+$0x2970];
	_ =	sdelay $0x4  }
0x3da: {  	[tilespmem:$0x1FA50] =	vst v0;
	v0 =	vld [tilespmem:s0+$0x2D00];
	_ =	sdelay $0x4  }
0x3db: {  	[tilespmem:$0x1FA60] =	vst v0;
	v0 =	vld [tilespmem:s0+$0x2D10];
	_ =	sdelay $0x4  }
0x3dc: {  	[tilespmem:$0x1FA70] =	vst v0;
	v0 =	vld [tilespmem:s0+$0x2D20];
	_ =	sdelay $0x4  }
0x3dd: {  	[tilespmem:$0x1FA80] =	vst v0;
	v0 =	vld [tilespmem:s0+$0x2D30];
	_ =	sdelay $0x4  }
0x3de: {  	[tilespmem:$0x1FA90] =	vst v0;
	v0 =	vld [tilespmem:s0+$0x2D40];
	_ =	sdelay $0x4  }
0x3df: {  	[tilespmem:$0x1FAA0] =	vst v0;
	v0 =	vld [tilespmem:s0+$0x2D50];
	_ =	sdelay $0x4  }
0x3e0: {  	[tilespmem:$0x1FAB0] =	vst v0;
	v0 =	vld [tilespmem:s0+$0x2D60];
	_ =	sdelay $0x4  }
0x3e1: {  	[tilespmem:$0x1FAD0] =	vst v0;
	v0 =	vld [tilespmem:s0+$0x2D70];
	_ =	sdelay $0x4  }
0x3e2: {  	[tilespmem:$0x1FAE0] =	vst v0;
	v0 =	vld [tilespmem:s0+$0x3100];
	_ =	sdelay $0x4  }
0x3e3: {  	[tilespmem:$0x1FB00] =	vst v0;
	v0 =	vld [tilespmem:s0+$0x3110];
	_ =	sdelay $0x1  }
0x3e4: {  	s2 =	rddreg [dreg:$0x5]  }
0x3e5: {  	v54 =	vld.idx.msk [tilespmem:v3+s2+$0x0], $0xffff  }
0x3e6: {  	v63 =	vld [tilespmem:s0+$0x1D00]  }
0x3e7: {  	[tilespmem:$0x1FB10] =	vst v0;
	v0 =	vld [tilespmem:s0+$0x3120]  }
0x3e8: {  	v3 =	vld [tilespmem:s0+$0x1D10];
	_ =	sdelay $0x2  }
0x3e9: {  	v56 =	vld [tilespmem:s0+$0x1D20]  }
0x3ea: {  	[tilespmem:$0x1FB30] =	vst v0;
	v0 =	vmul.f32 v63, v54;
	v63 =	vld [tilespmem:s0+$0x3130]  }
0x3eb: {  	v59 =	vld [tilespmem:s0+$0x1D30];
	v3 =	vmul.f32 v3, v54  }
0x3ec: {  	v61 =	vld [tilespmem:s0+$0x1D40]  }
0x3ed: {  	v3 =	vadd.f32 v3, v53;
	v53 =	vld [tilespmem:s0+$0x3160]  }
0x3ee: {  	v0 =	vadd.f32 v0, v52;
	v52 =	vld [tilespmem:s0+$0x3150]  }
0x3ef: {  	[tilespmem:$0x1FB40] =	vst v63;
	v63 =	vld [tilespmem:s0+$0x3140]  }
0x3f0: {  	[tilespmem:$0x1A010] =	vst v3;
	v3 =	vld [tilespmem:$0x1F8B0];
	_ =	sdelay $0x1  }
0x3f1: {  	[tilespmem:$0x1A000] =	vst v0;
	v0 =	vmul.f32 v61, v54;
	_ =	sdelay $0x1  }
0x3f2: {  	v0 =	vadd.f32 v0, v43  }
0x3f3: {  	v3 =	vmul.f32 v3, v54  }
0x3f4: {  	[tilespmem:$0x1A040] =	vst v0;
	v0 =	vld [tilespmem:$0x1F8E0]  }
0x3f5: {  	v3 =	vadd.f32 v3, v44;
	_ =	sdelay $0x1  }
0x3f6: {  	[tilespmem:$0x1A050] =	vst v3;
	v3 =	vld [tilespmem:$0x1F8F0];
	_ =	sdelay $0x1  }
0x3f7: {  	v0 =	vmul.f32 v0, v54;
	_ =	sdelay $0x1  }
0x3f8: {  	v0 =	vadd.f32 v0, v45  }
0x3f9: {  	v3 =	vmul.f32 v3, v54  }
0x3fa: {  	[tilespmem:$0x1A080] =	vst v0;
	v0 =	vld [tilespmem:$0x1F920]  }
0x3fb: {  	v3 =	vadd.f32 v3, v46;
	_ =	sdelay $0x1  }
0x3fc: {  	[tilespmem:$0x1A090] =	vst v3;
	v3 =	vld [tilespmem:$0x1F930];
	_ =	sdelay $0x1  }
0x3fd: {  	v56 =	vmul.f32 v56, v54;
	v0 =	vmul.f32 v0, v54  }
0x3fe: {  	v59 =	vmul.f32 v59, v54  }
0x3ff: {  	v49 =	vadd.f32 v56, v49;
	v56 =	vld [tilespmem:$0x1F8C0];
	v0 =	vadd.f32 v0, v42  }
0x400: {  	v50 =	vadd.f32 v59, v50;
	v59 =	vld [tilespmem:$0x1F8D0];
	v3 =	vmul.f32 v3, v54  }
0x401: {  	[tilespmem:$0x1A0C0] =	vst v0;
	v0 =	vld [tilespmem:$0x1F960]  }
0x402: {  	v61 =	vld [tilespmem:$0x1F900];
	v3 =	vadd.f32 v3, v47  }
0x403: {  	[tilespmem:$0x1A020] =	vst v49;
	v49 =	vld [tilespmem:$0x1F980]  }
0x404: {  	[tilespmem:$0x1A0D0] =	vst v3;
	v3 =	vld [tilespmem:$0x1F970]  }
0x405: {  	[tilespmem:$0x1A030] =	vst v50;
	v50 =	vld [tilespmem:$0x1F990];
	v43 =	vmul.f32 v56, v54  }
0x406: {  	v56 =	vld [tilespmem:$0x1F9D0];
	v0 =	vmul.f32 v0, v54  }
0x407: {  	v43 =	vadd.f32 v43, v48;
	[tilespmem:$0x1FB60] =	vst v63;
	v63 =	vld [tilespmem:$0x1F910]  }
0x408: {  	v48 =	vld [tilespmem:$0x1F950];
	v44 =	vmul.f32 v59, v54;
	v0 =	vadd.f32 v0, v32  }
0x409: {  	[tilespmem:$0x1A060] =	vst v43;
	v43 =	vmul.f32 v61, v54;
	v61 =	vld [tilespmem:$0x1FA10];
	v3 =	vmul.f32 v3, v54  }
0x40a: {  	v44 =	vadd.f32 v44, v51;
	[tilespmem:$0x1A100] =	vst v0;
	v0 =	vld [tilespmem:$0x1F9A0]  }
0x40b: {  	v46 =	vld [tilespmem:$0x1F940];
	v3 =	vadd.f32 v3, v33  }
0x40c: {  	v51 =	vld [tilespmem:$0x1F9C0];
	[tilespmem:$0x1A070] =	vst v44;
	v44 =	vmul.f32 v63, v54  }
0x40d: {  	v37 =	vadd.f32 v43, v37;
	v32 =	vmul.f32 v49, v54;
	[tilespmem:$0x1A110] =	vst v3;
	v3 =	vld [tilespmem:$0x1F9B0]  }
0x40e: {  	v59 =	vld [tilespmem:$0x1FA00];
	v38 =	vadd.f32 v44, v38;
	v33 =	vmul.f32 v50, v54  }
0x40f: {  	v43 =	vld [tilespmem:$0x1FAA0];
	[tilespmem:$0x1A0A0] =	vst v37;
	v32 =	vadd.f32 v32, v36;
	v0 =	vmul.f32 v0, v54  }
0x410: {  	v63 =	vld [tilespmem:$0x1FA20];
	[tilespmem:$0x1A0B0] =	vst v38;
	v37 =	vmul.f32 v46, v54;
	v33 =	vadd.f32 v33, v41  }
0x411: {  	v45 =	vld [tilespmem:$0x1FAB0];
	v38 =	vmul.f32 v48, v54;
	[tilespmem:$0x1A120] =	vst v32;
	v32 =	vmul.f32 v51, v54;
	v0 =	vadd.f32 v0, v34  }
0x412: {  	v48 =	vld [tilespmem:$0x1FAE0];
	v37 =	vadd.f32 v37, v39;
	[tilespmem:$0x1A130] =	vst v33;
	v33 =	vmul.f32 v56, v54;
	v3 =	vmul.f32 v3, v54  }
0x413: {  	v28 =	vadd.f32 v32, v28;
	[tilespmem:$0x1A140] =	vst v0;
	v0 =	vld [tilespmem:$0x1F9E0]  }
0x414: {  	[tilespmem:$0x1A0E0] =	vst v37;
	v29 =	vadd.f32 v33, v29;
	v33 =	vld [tilespmem:$0x1FA40];
	v3 =	vadd.f32 v3, v35  }
0x415: {  	[tilespmem:$0x1A160] =	vst v28;
	v35 =	vld [tilespmem:$0x1FA60]  }
0x416: {  	v38 =	vadd.f32 v38, v40;
	v28 =	vmul.f32 v59, v54;
	[tilespmem:$0x1A150] =	vst v3;
	v3 =	vld [tilespmem:$0x1F9F0]  }
0x417: {  	v4 =	vadd.f32 v4, v17;
	v62 =	vmul.f32 v62, v10;
	v37 =	vld [tilespmem:$0x1FA70];
	[tilespmem:$0x1A170] =	vst v29;
	v29 =	vmul.f32 v63, v54  }
0x418: {  	[tilespmem:$0x1A0F0] =	vst v38;
	v38 =	vmul.f32 v57, v10;
	v57 =	vld [tilespmem:$0x1FB40];
	v27 =	vadd.f32 v28, v27;
	v0 =	vmul.f32 v0, v54  }
0x419: {  	v15 =	vadd.f32 v62, v15;
	v41 =	vld [tilespmem:$0x1FA90];
	v32 =	vadd.f32 v29, v25;
	v25 =	vmul.f32 v33, v54  }
0x41a: {  	v17 =	vmul.f32 v61, v54;
	v42 =	vmul.f32 v55, v10;
	v55 =	vld [tilespmem:$0x1FB10];
	[tilespmem:$0x1A1A0] =	vst v27;
	v0 =	vadd.f32 v0, v30  }
0x41b: {  	v46 =	vld [tilespmem:$0x1FAC0];
	[tilespmem:$0x1A1C0] =	vst v32;
	v23 =	vadd.f32 v25, v23;
	v25 =	vmul.f32 v35, v54;
	v3 =	vmul.f32 v3, v54  }
0x41c: {  	v47 =	vld [tilespmem:$0x1FAD0];
	[tilespmem:$0x1A180] =	vst v0;
	v0 =	vadd.f32 v2, v16;
	v2 =	vadd.f32 v17, v26;
	v17 =	vmul.f32 v37, v54  }
0x41d: {  	v39 =	vld [tilespmem:$0x1FA80];
	[tilespmem:$0x1A1E0] =	vst v23;
	v20 =	vadd.f32 v25, v20;
	v3 =	vadd.f32 v3, v31  }
0x41e: {  	v50 =	vld [tilespmem:$0x1FB00];
	[tilespmem:$0x1A1B0] =	vst v2;
	v40 =	vadd.f32 v17, v21;
	v17 =	vmul.f32 v41, v54;
	v21 =	vmul.f32 v43, v54  }
0x41f: {  	v12 =	vadd.f32 v38, v12;
	v2 =	vmul.f32 v58, v10;
	v31 =	vld [tilespmem:$0x1FA30];
	[tilespmem:$0x1A190] =	vst v3;
	v3 =	vmul.f32 v60, v10  }
0x420: {  	v56 =	vld [tilespmem:$0x1FB30];
	[tilespmem:$0x1A200] =	vst v20;
	v44 =	vadd.f32 v17, v19;
	v17 =	vmul.f32 v45, v54;
	v4 =	vadd.f32 v21, v4  }
0x421: {  	v49 =	vld [tilespmem:$0x1FAF0];
	[tilespmem:$0x1A210] =	vst v40;
	v19 =	vmul.f32 v47, v54;
	v3 =	vadd.f32 v3, v14;
	v14 =	vmul.f32 v48, v54  }
0x422: {  	v34 =	vld [tilespmem:$0x1FA50];
	v2 =	vadd.f32 v2, v13;
	v13 =	vmul.f32 v46, v10;
	v0 =	vadd.f32 v17, v0;
	[tilespmem:$0x1A230] =	vst v44  }
0x423: {  	v59 =	vld [tilespmem:$0x1FB60];
	v15 =	vadd.f32 v19, v15;
	v17 =	vmul.f32 v50, v54;
	[tilespmem:$0x1A240] =	vst v4;
	v3 =	vadd.f32 v14, v3  }
0x424: {  	v51 =	vadd.f32 v13, v8;
	v8 =	vmul.f32 v55, v54;
	v16 =	vmul.f32 v31, v54;
	[tilespmem:$0x1A250] =	vst v0;
	v0 =	vld [tilespmem:$0x1FB20]  }
0x425: {  	v11 =	vadd.f32 v42, v11;
	v13 =	vmul.f32 v56, v54;
	v2 =	vadd.f32 v17, v2;
	[tilespmem:$0x1A270] =	vst v3;
	v3 =	vld [tilespmem:$0x1FB50]  }
0x426: {  	[tilespmem:$0x1A260] =	vst v15;
	v8 =	vadd.f32 v8, v12;
	v12 =	vmul.f32 v57, v54;
	v16 =	vadd.f32 v16, v22  }
0x427: {  	v22 =	vmul.f32 v34, v54;
	[tilespmem:$0x1A280] =	vst v2  }
0x428: {  	v63 =	vld [tilespmem:$0x1FB70];
	v58 =	vadd.f32 v13, v11;
	v2 =	vadd.f32 v12, v51;
	[tilespmem:$0x1A1D0] =	vst v16;
	v16 =	vmul.f32 v49, v10  }
0x429: {  	[tilespmem:$0x1A290] =	vst v8;
	v36 =	vadd.f32 v22, v24;
	v22 =	vmul.f32 v39, v54;
	v0 =	vmul.f32 v0, v10  }
0x42a: {  	v11 =	vmul.f32 v59, v54;
	[tilespmem:$0x1A2A0] =	vst v58;
	v7 =	vadd.f32 v16, v7;
	v3 =	vmul.f32 v3, v10  }
0x42b: {  	v60 =	vmul.f32 v52, v54;
	[tilespmem:$0x1A2B0] =	vst v2;
	v18 =	vadd.f32 v22, v18;
	v0 =	vadd.f32 v0, v6  }
0x42c: {  	v62 =	vmul.f32 v53, v54;
	[tilespmem:$0x1A1F0] =	vst v36;
	v61 =	vadd.f32 v11, v7;
	v3 =	vadd.f32 v3, v5  }
0x42d: {  	s29 =	smul.u32 $0x1800, s25;
	[tilespmem:$0x1A220] =	vst v18;
	v7 =	vmul.f32 v63, v54;
	v0 =	vadd.f32 v60, v0  }
0x42e: {  	[tilespmem:$0x1A2C0] =	vst v61;
	v2 =	vadd.f32 v62, v3  }
0x42f: {  	s0 =	sor.u32 s26, s29;
	[tilespmem:$0x1A2D0] =	vst v0;
	v3 =	vadd.f32 v7, v9  }
0x430: {  	p0 =	seq.s32 s23, $0x7F;
	s30 =	rddreg [dreg:$0x3];
	s0 =	sshrl.u32 s0, $0x3;
	[tilespmem:$0x1A2E0] =	vst v2  }
.Ltmp9:
0x431: {  	s31 =	simm.s32 $0x80;
	s0 =	sadd.s32 s30, s0;
	[tilespmem:$0x1A2F0] =	vst v3;
	(pc) =	sbr.rel @p0 .LBB2_23-.Ltmp9, $4  }
0x432: {  	[hbm4b:s0+s31] =	stream.strided.scatter [tilespmem:s15], [sflag:$0x5], $0x300, s14, s31, $0x38;
	[tilespmem:$0x1A300] =	vst v63  }
0x433: {  	_ =	swait.ge [sflag:s17], $0x300  }
0x434: {  	[sflag:s17] =	ssyncset.done $0x0  }
0x435: {  	[sflag:s17] =	ssyncadd.s32 $0xFFFFFD00  }
0x436: {  	s0 =	sadd.s32 $0x3, s24  }
0x437: {  	s2 =	sadd.s32 s7, s0  }
0x438: {  	s2 =	sshrl.u32 s2, $0x3  }
0x439: {  	s0 =	sshll.u32 s0, $0x7;
	s2 =	smul.u32 $0x6000, s2  }
0x43a: {  	s0 =	sand.u32 $0x380, s0  }
0x43b: {  	s0 =	sor.u32 s0, s2  }
0x43c: {  	s0 =	sshrl.u32 s0, $0x3  }
0x43d: {  	s3 =	simm.s32 $0x80;
	s0 =	sadd.s32 s6, s0  }
0x43e: {  	s4 =	simm.s32 $0x180;
	s2 =	simm.s32 $0x80;
	s19 =	sadd.s32 $0x0, s0  }
.LBB2_21:
0x43f: {  	[tilespmem:s2], [sflag:$0x2] =	stream.linear.gather [hbm4b:s19+s5], $0x80, $0x38;
	[tilespmem:$0x1A300] =	vst v63  }
0x440: {  	s9 =	smov.u32 s3;
	s2 =	smov.u32 s4;
	p0 =	sne.s32 s3, $0xB80  }
.Ltmp10:
0x441: {  	s3 =	sadd.s32 $0x80, s3;
	(pc) =	sbr.rel @p0 .LBB2_21-.Ltmp10, $2  }
0x442: {  	_ =	sdelay $0x2  }
0x443: {  	s4 =	sadd.s32 $0x100, s4;
	s19 =	sadd.s32 s9, s0  }
.Ltmp11:
0x444: {  	(pc) =	sbr.rel .LBB2_6-.Ltmp11, $3  }
0x445: {  	_ =	sdelay $0x1  }
0x446: {  	[tilespmem:s2], [sflag:$0x2] =	stream.linear.gather [hbm4b:s19+s5], $0x80, $0x38;
	[tilespmem:$0x1A300] =	vst v63  }
0x447: {  	s23 =	sadd.s32 $0x1, s23  }
.LBB2_23:
0x448: {  	_ =	swait.ge [sflag:s21], $0xC000  }
0x449: {  	[sflag:s21] =	ssyncset.done $0x0  }
0x44a: {  	[sflag:s21] =	ssyncadd.s32 $0xFFFF4000  }
0x44b: {  	v0 =	vld [tilespmem:$0x19E80];
	_ =	sdelay $0x4  }
0x44c: {  	[tilespmem:$0x1F7F0] =	vst v0;
	v0 =	vld [tilespmem:$0x19E90];
	_ =	sdelay $0x4  }
0x44d: {  	[tilespmem:$0x1F800] =	vst v0;
	v0 =	vld [tilespmem:$0x19EA0];
	_ =	sdelay $0x4  }
0x44e: {  	[tilespmem:$0x1F810] =	vst v0;
	v0 =	vld [tilespmem:$0x19EB0];
	_ =	sdelay $0x4  }
0x44f: {  	[tilespmem:$0x1F820] =	vst v0;
	v0 =	vld [tilespmem:$0x19EC0];
	_ =	sdelay $0x1  }
0x450: {  	v20 =	vld [tilespmem:$0x19D00]  }
0x451: {  	v49 =	vld [tilespmem:$0x19D10]  }
0x452: {  	v24 =	vld [tilespmem:$0x19D20]  }
0x453: {  	[tilespmem:$0x1F830] =	vst v0;
	v0 =	vld [tilespmem:$0x19ED0]  }
0x454: {  	v50 =	vld [tilespmem:$0x19D30]  }
0x455: {  	v27 =	vld [tilespmem:$0x19D40]  }
0x456: {  	v28 =	vld [tilespmem:$0x19D50]  }
0x457: {  	v48 =	vld [tilespmem:$0x19D60]  }
0x458: {  	[tilespmem:$0x1F840] =	vst v0;
	v0 =	vld [tilespmem:$0x19EE0]  }
0x459: {  	v31 =	vld [tilespmem:$0x19D70]  }
0x45a: {  	v33 =	vld [tilespmem:$0x19D90]  }
0x45b: {  	v34 =	vld [tilespmem:$0x19DA0]  }
0x45c: {  	v35 =	vld [tilespmem:$0x19DB0]  }
0x45d: {  	[tilespmem:$0x1F850] =	vst v0;
	v0 =	vld [tilespmem:$0x19EF0]  }
0x45e: {  	v36 =	vld [tilespmem:$0x19DC0]  }
0x45f: {  	v41 =	vld [tilespmem:$0x19DD0]  }
0x460: {  	v55 =	vld [tilespmem:$0x19DF0]  }
0x461: {  	v57 =	vld [tilespmem:$0x19E10]  }
0x462: {  	[tilespmem:$0x1F860] =	vst v0;
	v0 =	vld [tilespmem:$0x19F00]  }
0x463: {  	v58 =	vld [tilespmem:$0x19E20]  }
0x464: {  	s0 =	simm.s32 $0x0;
	v59 =	vld [tilespmem:$0x19E30]  }
0x465: {  	s0 =	smul.u32 $0x6000, s0;
	v61 =	vld [tilespmem:$0x19E50]  }
0x466: {  	s23 =	simm.s32 $0x0;
	v63 =	vld [tilespmem:$0x19E70]  }
0x467: {  	s2 =	sand.u32 $0x380, s23;
	s0 =	sshra.s32 s0, $0x2;
	[tilespmem:$0x1F870] =	vst v0;
	v0 =	vld [tilespmem:$0x19F10]  }
0x468: {  	v37 =	vld [tilespmem:$0x19FF0];
	s24 =	sor.u32 s2, s0  }
0x469: {  	v38 =	vld [tilespmem:s24+$0xDD00]  }
0x46a: {  	v39 =	vld [tilespmem:s24+$0xDD10]  }
0x46b: {  	v9 =	vmov s23;
	v40 =	vld [tilespmem:s24+$0xDD20]  }
0x46c: {  	[tilespmem:$0x1F880] =	vst v0;
	v0 =	vld [tilespmem:$0x19F20]  }
0x46d: {  	v42 =	vld [tilespmem:s24+$0xDD30]  }
0x46e: {  	v43 =	vld [tilespmem:s24+$0xDD40]  }
0x46f: {  	v44 =	vld [tilespmem:s24+$0xDD50]  }
0x470: {  	v10 =	vld.idx.msk [tilespmem:v9+s22+$0x0], $0xffff  }
0x471: {  	[tilespmem:$0x1F890] =	vst v0;
	v0 =	vld [tilespmem:$0x19F30]  }
0x472: {  	v9 =	vld [tilespmem:s24+$0xF170]  }
0x473: {  	v45 =	vld [tilespmem:s24+$0xDD60]  }
0x474: {  	v2 =	vld [tilespmem:s24+$0xE130]  }
0x475: {  	v46 =	vld [tilespmem:s24+$0xDD70]  }
0x476: {  	[tilespmem:$0x1F8A0] =	vst v0;
	v0 =	vld [tilespmem:s24+$0xE120]  }
0x477: {  	v47 =	vld [tilespmem:s24+$0xE100];
	v9 =	vmul.f32 v9, v10  }
0x478: {  	v18 =	vld [tilespmem:s24+$0xE140];
	v38 =	vmul.f32 v38, v10;
	v43 =	vmul.f32 v43, v10  }
0x479: {  	v22 =	vld [tilespmem:s24+$0xE150];
	v2 =	vmul.f32 v2, v10;
	v9 =	vadd.f32 v9, v37;
	v37 =	vmul.f32 v39, v10  }
0x47a: {  	v25 =	vld [tilespmem:s24+$0xE170];
	v39 =	vmul.f32 v40, v10;
	v52 =	vadd.f32 v38, v20;
	v20 =	vmul.f32 v42, v10  }
0x47b: {  	v51 =	vld [tilespmem:s24+$0xE110];
	v43 =	vadd.f32 v43, v27;
	v38 =	vadd.f32 v2, v35;
	v0 =	vmul.f32 v0, v10  }
0x47c: {  	v30 =	vld [tilespmem:s24+$0xE520];
	v53 =	vadd.f32 v37, v49;
	v49 =	vadd.f32 v39, v24;
	v24 =	vmul.f32 v44, v10  }
0x47d: {  	v29 =	vld [tilespmem:s24+$0xE510];
	v50 =	vadd.f32 v20, v50;
	v37 =	vadd.f32 v0, v34;
	v0 =	vmul.f32 v18, v10  }
0x47e: {  	v27 =	vld [tilespmem:s24+$0xE550];
	v20 =	vmul.f32 v45, v10;
	v44 =	vadd.f32 v24, v28;
	v24 =	vmul.f32 v46, v10  }
0x47f: {  	v23 =	vld [tilespmem:s24+$0xE530];
	v2 =	vmul.f32 v22, v10;
	v42 =	vadd.f32 v0, v36;
	v0 =	vmul.f32 v25, v10  }
0x480: {  	v48 =	vadd.f32 v20, v48;
	v20 =	vmul.f32 v51, v10;
	v51 =	vadd.f32 v24, v31;
	v24 =	vld [tilespmem:s24+$0xE900]  }
0x481: {  	v4 =	vld [tilespmem:s24+$0xE570];
	v40 =	vadd.f32 v0, v55;
	v0 =	vmul.f32 v30, v10  }
0x482: {  	v21 =	vld [tilespmem:s24+$0xE160];
	v28 =	vmul.f32 v47, v10;
	v47 =	vadd.f32 v2, v41;
	v2 =	vmul.f32 v29, v10  }
0x483: {  	v18 =	vld [tilespmem:s24+$0xE910];
	v36 =	vadd.f32 v0, v58;
	v0 =	vmul.f32 v27, v10  }
0x484: {  	v46 =	vadd.f32 v20, v33;
	v33 =	vadd.f32 v2, v57;
	v2 =	vmul.f32 v23, v10  }
0x485: {  	v35 =	vadd.f32 v0, v61;
	v0 =	vmul.f32 v24, v10;
	v24 =	vld [tilespmem:$0x1F800]  }
0x486: {  	v41 =	vadd.f32 v2, v59;
	v2 =	vmul.f32 v4, v10  }
0x487: {  	v32 =	vld [tilespmem:$0x19D80]  }
0x488: {  	v20 =	vmul.f32 v21, v10;
	v21 =	vld [tilespmem:s24+$0xE920];
	v29 =	vadd.f32 v2, v63;
	v2 =	vmul.f32 v18, v10  }
0x489: {  	v56 =	vld [tilespmem:$0x19E00]  }
0x48a: {  	v31 =	vadd.f32 v2, v24;
	v2 =	vld [tilespmem:$0x1F810]  }
0x48b: {  	v26 =	vld [tilespmem:s24+$0xE500]  }
0x48c: {  	v25 =	vld [tilespmem:s24+$0xE930]  }
0x48d: {  	v18 =	vmul.f32 v21, v10;
	v21 =	vld [tilespmem:$0x1F7F0];
	_ =	sdelay $0x1  }
0x48e: {  	v27 =	vadd.f32 v18, v2;
	v18 =	vld [tilespmem:$0x1F820]  }
0x48f: {  	v54 =	vld [tilespmem:$0x19DE0];
	v22 =	vmul.f32 v26, v10  }
0x490: {  	v45 =	vadd.f32 v28, v32  }
0x491: {  	v32 =	vadd.f32 v22, v56;
	v22 =	vld [tilespmem:s24+$0xE950];
	v30 =	vadd.f32 v0, v21;
	v0 =	vmul.f32 v25, v10  }
0x492: {  	v60 =	vld [tilespmem:$0x19E40]  }
0x493: {  	v26 =	vadd.f32 v0, v18;
	v18 =	vld [tilespmem:$0x1F840]  }
0x494: {  	v39 =	vadd.f32 v20, v54;
	v20 =	vld [tilespmem:s24+$0xE940]  }
0x495: {  	v23 =	vld [tilespmem:s24+$0xE960]  }
0x496: {  	v2 =	vmul.f32 v22, v10;
	v0 =	vld [tilespmem:$0x1F830]  }
0x497: {  	v62 =	vld [tilespmem:$0x19E60]  }
0x498: {  	v22 =	vadd.f32 v2, v18;
	v18 =	vld [tilespmem:$0x1F850]  }
0x499: {  	v17 =	vld [tilespmem:$0x19F40];
	v20 =	vmul.f32 v20, v10  }
0x49a: {  	v16 =	vld [tilespmem:$0x19F50]  }
0x49b: {  	v54 =	vld [tilespmem:s24+$0xE970];
	v25 =	vadd.f32 v20, v0;
	v0 =	vmul.f32 v23, v10  }
0x49c: {  	v15 =	vld [tilespmem:$0x19F60]  }
0x49d: {  	v23 =	vadd.f32 v0, v18;
	v18 =	vld [tilespmem:$0x1F860]  }
0x49e: {  	v3 =	vld [tilespmem:s24+$0xE560]  }
0x49f: {  	v14 =	vld [tilespmem:$0x19F70]  }
0x4a0: {  	v4 =	vld [tilespmem:s24+$0xED00];
	v2 =	vmul.f32 v54, v10  }
0x4a1: {  	v13 =	vld [tilespmem:$0x19F80]  }
0x4a2: {  	v24 =	vadd.f32 v2, v18;
	v2 =	vld [tilespmem:$0x1F870]  }
0x4a3: {  	v19 =	vld [tilespmem:s24+$0xE540];
	v3 =	vmul.f32 v3, v10  }
0x4a4: {  	v12 =	vld [tilespmem:$0x19F90]  }
0x4a5: {  	v28 =	vadd.f32 v3, v62;
	v3 =	vld [tilespmem:s24+$0xED10];
	v4 =	vmul.f32 v4, v10  }
0x4a6: {  	v21 =	vld [tilespmem:s24+$0xED30]  }
0x4a7: {  	v20 =	vadd.f32 v4, v2;
	v4 =	vld [tilespmem:$0x1F880]  }
0x4a8: {  	v11 =	vld [tilespmem:$0x19FA0];
	v19 =	vmul.f32 v19, v10  }
0x4a9: {  	v8 =	vld [tilespmem:$0x19FB0]  }
0x4aa: {  	v34 =	vadd.f32 v19, v60;
	v19 =	vld [tilespmem:s24+$0xED20];
	v0 =	vmul.f32 v3, v10  }
0x4ab: {  	v7 =	vld [tilespmem:$0x19FC0]  }
0x4ac: {  	v2 =	vmul.f32 v21, v10;
	v21 =	vadd.f32 v0, v4;
	v0 =	vld [tilespmem:$0x1F890]  }
0x4ad: {  	v6 =	vld [tilespmem:$0x19FD0]  }
0x4ae: {  	v5 =	vld [tilespmem:$0x19FE0]  }
0x4af: {  	v56 =	vld [tilespmem:s24+$0xED50];
	v3 =	vmul.f32 v19, v10  }
0x4b0: {  	v55 =	vld [tilespmem:s24+$0xED40]  }
0x4b1: {  	v18 =	vadd.f32 v3, v0;
	v0 =	vld [tilespmem:$0x1F8A0]  }
0x4b2: {  	v62 =	vld [tilespmem:s24+$0xED60]  }
0x4b3: {  	v61 =	vld [tilespmem:s24+$0xED70]  }
0x4b4: {  	v59 =	vld [tilespmem:s24+$0xF100]  }
0x4b5: {  	s25 =	simm.s32 $0x1;
	v57 =	vld [tilespmem:s24+$0xF110];
	v4 =	vmul.f32 v55, v10  }
0x4b6: {  	s0 =	simm.s32 $0x2;
	v3 =	vmov s25;
	v19 =	vadd.f32 v2, v0;
	v2 =	vmul.f32 v56, v10;
	v56 =	vld [tilespmem:s24+$0xF120]  }
.LBB2_24:
0x4b7: {  	p0 =	sne.s32 s0, $0x3F;
	s2 =	sshrl.u32 s25, $0x3;
	v17 =	vadd.f32 v4, v17;
	v0 =	vmul.f32 v62, v10;
	v4 =	vld [tilespmem:s24+$0xF130];
	s25 =	smov.u32 s0  }
0x4b8: {  	s2 =	smul.u32 $0x6000, s2;
	v16 =	vadd.f32 v2, v16;
	v2 =	vmul.f32 v61, v10;
	v54 =	vld [tilespmem:s24+$0xF140]  }
0x4b9: {  	s23 =	sadd.s32 $0x80, s23;
	v15 =	vadd.f32 v0, v15;
	v0 =	vmul.f32 v59, v10;
	v55 =	vld [tilespmem:s24+$0xF150]  }
0x4ba: {  	s3 =	sand.u32 $0x380, s23;
	s2 =	sshra.s32 s2, $0x2;
	v14 =	vadd.f32 v2, v14;
	v2 =	vmul.f32 v57, v10;
	v57 =	vld [tilespmem:s24+$0xF160]  }
0x4bb: {  	v3 =	vld.idx.msk [tilespmem:v3+s22+$0x0], $0xffff;
	s24 =	sor.u32 s3, s2;
	v13 =	vadd.f32 v0, v13;
	v0 =	vmul.f32 v56, v10  }
0x4bc: {  	v56 =	vld [tilespmem:s24+$0xF170];
	v12 =	vadd.f32 v2, v12;
	v2 =	vmul.f32 v4, v10  }
0x4bd: {  	v4 =	vld [tilespmem:s24+$0xDD00];
	v11 =	vadd.f32 v0, v11;
	v0 =	vmul.f32 v54, v10  }
0x4be: {  	v54 =	vld [tilespmem:s24+$0xDD10];
	v8 =	vadd.f32 v2, v8;
	v2 =	vmul.f32 v55, v10  }
0x4bf: {  	v55 =	vld [tilespmem:s24+$0xDD20];
	v7 =	vadd.f32 v0, v7;
	v0 =	vmul.f32 v57, v10  }
0x4c0: {  	v57 =	vld [tilespmem:s24+$0xDD30];
	v6 =	vadd.f32 v2, v6  }
0x4c1: {  	v10 =	vmov v3;
	v2 =	vld [tilespmem:s24+$0xDD40];
	v56 =	vmul.f32 v56, v3;
	v5 =	vadd.f32 v0, v5  }
0x4c2: {  	v0 =	vmul.f32 v4, v10;
	v3 =	vld [tilespmem:s24+$0xDD50]  }
0x4c3: {  	v4 =	vmul.f32 v54, v10;
	v54 =	vld [tilespmem:s24+$0xDD60];
	v9 =	vadd.f32 v56, v9  }
0x4c4: {  	v52 =	vadd.f32 v0, v52;
	v0 =	vmul.f32 v55, v10;
	v55 =	vld [tilespmem:s24+$0xDD70]  }
0x4c5: {  	v53 =	vadd.f32 v4, v53;
	v4 =	vmul.f32 v57, v10;
	v56 =	vld [tilespmem:s24+$0xE100]  }
0x4c6: {  	v49 =	vadd.f32 v0, v49;
	v0 =	vmul.f32 v2, v10;
	v2 =	vld [tilespmem:s24+$0xE110]  }
0x4c7: {  	v50 =	vadd.f32 v4, v50;
	v3 =	vmul.f32 v3, v10;
	v4 =	vld [tilespmem:s24+$0xE120]  }
0x4c8: {  	v43 =	vadd.f32 v0, v43;
	v0 =	vmul.f32 v54, v10;
	v54 =	vld [tilespmem:s24+$0xE130]  }
0x4c9: {  	v44 =	vadd.f32 v3, v44;
	v3 =	vmul.f32 v55, v10;
	v55 =	vld [tilespmem:s24+$0xE140]  }
0x4ca: {  	v48 =	vadd.f32 v0, v48;
	v0 =	vmul.f32 v56, v10;
	v56 =	vld [tilespmem:s24+$0xE150]  }
0x4cb: {  	v51 =	vadd.f32 v3, v51;
	v2 =	vmul.f32 v2, v10;
	v3 =	vld [tilespmem:s24+$0xE160]  }
0x4cc: {  	v45 =	vadd.f32 v0, v45;
	v0 =	vmul.f32 v4, v10;
	v4 =	vld [tilespmem:s24+$0xE170]  }
0x4cd: {  	v46 =	vadd.f32 v2, v46;
	v2 =	vmul.f32 v54, v10;
	v54 =	vld [tilespmem:s24+$0xE500]  }
0x4ce: {  	v37 =	vadd.f32 v0, v37;
	v0 =	vmul.f32 v55, v10;
	v55 =	vld [tilespmem:s24+$0xE510]  }
0x4cf: {  	v38 =	vadd.f32 v2, v38;
	v2 =	vmul.f32 v56, v10;
	v56 =	vld [tilespmem:s24+$0xE520]  }
0x4d0: {  	v42 =	vadd.f32 v0, v42;
	v0 =	vmul.f32 v3, v10;
	v3 =	vld [tilespmem:s24+$0xE530]  }
0x4d1: {  	v47 =	vadd.f32 v2, v47;
	v2 =	vmul.f32 v4, v10;
	v4 =	vld [tilespmem:s24+$0xE540]  }
0x4d2: {  	v39 =	vadd.f32 v0, v39;
	v0 =	vmul.f32 v54, v10;
	v54 =	vld [tilespmem:s24+$0xE550]  }
0x4d3: {  	v40 =	vadd.f32 v2, v40;
	v2 =	vmul.f32 v55, v10;
	v55 =	vld [tilespmem:s24+$0xE560]  }
0x4d4: {  	v32 =	vadd.f32 v0, v32;
	v0 =	vmul.f32 v56, v10;
	v56 =	vld [tilespmem:s24+$0xE570]  }
0x4d5: {  	v33 =	vadd.f32 v2, v33;
	v2 =	vmul.f32 v3, v10;
	v3 =	vld [tilespmem:s24+$0xE900]  }
0x4d6: {  	v36 =	vadd.f32 v0, v36;
	v0 =	vmul.f32 v4, v10;
	v4 =	vld [tilespmem:s24+$0xE910]  }
0x4d7: {  	v41 =	vadd.f32 v2, v41;
	v2 =	vmul.f32 v54, v10;
	v54 =	vld [tilespmem:s24+$0xE920]  }
0x4d8: {  	v34 =	vadd.f32 v0, v34;
	v0 =	vmul.f32 v55, v10;
	v55 =	vld [tilespmem:s24+$0xE930]  }
0x4d9: {  	v35 =	vadd.f32 v2, v35;
	v2 =	vmul.f32 v56, v10;
	v56 =	vld [tilespmem:s24+$0xE940]  }
0x4da: {  	v28 =	vadd.f32 v0, v28;
	v0 =	vmul.f32 v3, v10;
	v3 =	vld [tilespmem:s24+$0xE950]  }
0x4db: {  	v29 =	vadd.f32 v2, v29;
	v2 =	vmul.f32 v4, v10;
	v4 =	vld [tilespmem:s24+$0xE960]  }
0x4dc: {  	v30 =	vadd.f32 v0, v30;
	v0 =	vmul.f32 v54, v10;
	v54 =	vld [tilespmem:s24+$0xE970]  }
0x4dd: {  	v31 =	vadd.f32 v2, v31;
	v2 =	vmul.f32 v55, v10;
	v55 =	vld [tilespmem:s24+$0xED00]  }
0x4de: {  	v27 =	vadd.f32 v0, v27;
	v0 =	vmul.f32 v56, v10;
	v56 =	vld [tilespmem:s24+$0xED10]  }
0x4df: {  	v26 =	vadd.f32 v2, v26;
	v2 =	vmul.f32 v3, v10;
	v3 =	vld [tilespmem:s24+$0xED20]  }
0x4e0: {  	v25 =	vadd.f32 v0, v25;
	v0 =	vmul.f32 v4, v10;
	v4 =	vld [tilespmem:s24+$0xED30]  }
0x4e1: {  	v22 =	vadd.f32 v2, v22;
	v2 =	vmul.f32 v54, v10;
	v54 =	vld [tilespmem:s24+$0xED40]  }
0x4e2: {  	v23 =	vadd.f32 v0, v23;
	v0 =	vmul.f32 v55, v10;
	v55 =	vld [tilespmem:s24+$0xED50]  }
.Ltmp12:
0x4e3: {  	v24 =	vadd.f32 v2, v24;
	v2 =	vmul.f32 v56, v10;
	v62 =	vld [tilespmem:s24+$0xED60];
	(pc) =	sbr.rel @p0 .LBB2_24-.Ltmp12, $4  }
0x4e4: {  	v20 =	vadd.f32 v0, v20;
	v0 =	vmul.f32 v3, v10;
	v61 =	vld [tilespmem:s24+$0xED70]  }
0x4e5: {  	v21 =	vadd.f32 v2, v21;
	v2 =	vmul.f32 v4, v10;
	v59 =	vld [tilespmem:s24+$0xF100]  }
0x4e6: {  	v18 =	vadd.f32 v0, v18;
	v4 =	vmul.f32 v54, v10;
	v57 =	vld [tilespmem:s24+$0xF110]  }
0x4e7: {  	s0 =	sadd.s32 $0x1, s0;
	v3 =	vmov s25;
	v19 =	vadd.f32 v2, v19;
	v2 =	vmul.f32 v55, v10;
	v56 =	vld [tilespmem:s24+$0xF120]  }
0x4e8: {  	v0 =	vld [tilespmem:s24+$0xF130];
	_ =	sdelay $0x4  }
0x4e9: {  	[tilespmem:$0x1F730] =	vst v0;
	v0 =	vld [tilespmem:s24+$0xF140];
	_ =	sdelay $0x4  }
0x4ea: {  	[tilespmem:$0x1F760] =	vst v0;
	v0 =	vld [tilespmem:s24+$0xF150];
	_ =	sdelay $0x4  }
0x4eb: {  	s0 =	sshrl.u32 s25, $0x3;
	[tilespmem:$0x1F790] =	vst v0;
	v0 =	vld [tilespmem:s24+$0xF160]  }
0x4ec: {  	s0 =	smul.u32 $0x6000, s0  }
0x4ed: {  	s2 =	sadd.s32 $0x80, s23  }
0x4ee: {  	s2 =	sand.u32 $0x380, s2;
	s0 =	sshra.s32 s0, $0x2  }
0x4ef: {  	s0 =	sor.u32 s2, s0  }
0x4f0: {  	[tilespmem:$0x1F7C0] =	vst v0;
	v0 =	vld [tilespmem:s0+$0xF170];
	_ =	sdelay $0x4  }
0x4f1: {  	[tilespmem:$0x1F7E0] =	vst v0;
	v0 =	vld [tilespmem:s0+$0xDD50];
	_ =	sdelay $0x4  }
0x4f2: {  	[tilespmem:$0x1F520] =	vst v0;
	v0 =	vld [tilespmem:s0+$0xDD60];
	_ =	sdelay $0x4  }
0x4f3: {  	[tilespmem:$0x1F530] =	vst v0;
	v0 =	vld [tilespmem:s0+$0xDD70];
	_ =	sdelay $0x4  }
0x4f4: {  	[tilespmem:$0x1F540] =	vst v0;
	v0 =	vld [tilespmem:s0+$0xE100];
	_ =	sdelay $0x4  }
0x4f5: {  	[tilespmem:$0x1F550] =	vst v0;
	v0 =	vld [tilespmem:s0+$0xE110];
	_ =	sdelay $0x4  }
0x4f6: {  	[tilespmem:$0x1F560] =	vst v0;
	v0 =	vld [tilespmem:s0+$0xE120];
	_ =	sdelay $0x4  }
0x4f7: {  	[tilespmem:$0x1F570] =	vst v0;
	v0 =	vld [tilespmem:s0+$0xE130];
	_ =	sdelay $0x4  }
0x4f8: {  	[tilespmem:$0x1F580] =	vst v0;
	v0 =	vld [tilespmem:s0+$0xE140];
	_ =	sdelay $0x4  }
0x4f9: {  	[tilespmem:$0x1F590] =	vst v0;
	v0 =	vld [tilespmem:s0+$0xE150];
	_ =	sdelay $0x4  }
0x4fa: {  	[tilespmem:$0x1F5A0] =	vst v0;
	v0 =	vld [tilespmem:s0+$0xE160];
	_ =	sdelay $0x4  }
0x4fb: {  	[tilespmem:$0x1F5B0] =	vst v0;
	v0 =	vld [tilespmem:s0+$0xE170];
	_ =	sdelay $0x4  }
0x4fc: {  	[tilespmem:$0x1F5C0] =	vst v0;
	v0 =	vld [tilespmem:s0+$0xE500];
	_ =	sdelay $0x4  }
0x4fd: {  	[tilespmem:$0x1F5D0] =	vst v0;
	v0 =	vld [tilespmem:s0+$0xE510];
	_ =	sdelay $0x4  }
0x4fe: {  	[tilespmem:$0x1F5E0] =	vst v0;
	v0 =	vld [tilespmem:s0+$0xE520];
	_ =	sdelay $0x4  }
0x4ff: {  	[tilespmem:$0x1F5F0] =	vst v0;
	v0 =	vld [tilespmem:s0+$0xE530];
	_ =	sdelay $0x4  }
0x500: {  	[tilespmem:$0x1F600] =	vst v0;
	v0 =	vld [tilespmem:s0+$0xE540];
	_ =	sdelay $0x4  }
0x501: {  	[tilespmem:$0x1F610] =	vst v0;
	v0 =	vld [tilespmem:s0+$0xE550];
	_ =	sdelay $0x4  }
0x502: {  	[tilespmem:$0x1F620] =	vst v0;
	v0 =	vld [tilespmem:s0+$0xE560];
	_ =	sdelay $0x4  }
0x503: {  	[tilespmem:$0x1F630] =	vst v0;
	v0 =	vld [tilespmem:s0+$0xE570];
	_ =	sdelay $0x4  }
0x504: {  	[tilespmem:$0x1F640] =	vst v0;
	v0 =	vld [tilespmem:s0+$0xE900];
	_ =	sdelay $0x4  }
0x505: {  	[tilespmem:$0x1F650] =	vst v0;
	v0 =	vld [tilespmem:s0+$0xE910];
	_ =	sdelay $0x4  }
0x506: {  	[tilespmem:$0x1F660] =	vst v0;
	v0 =	vld [tilespmem:s0+$0xE920];
	_ =	sdelay $0x4  }
0x507: {  	[tilespmem:$0x1F670] =	vst v0;
	v0 =	vld [tilespmem:s0+$0xE930];
	_ =	sdelay $0x4  }
0x508: {  	[tilespmem:$0x1F680] =	vst v0;
	v0 =	vld [tilespmem:s0+$0xE940];
	_ =	sdelay $0x4  }
0x509: {  	[tilespmem:$0x1F690] =	vst v0;
	v0 =	vld [tilespmem:s0+$0xE950];
	_ =	sdelay $0x4  }
0x50a: {  	[tilespmem:$0x1F6A0] =	vst v0;
	v0 =	vld [tilespmem:s0+$0xE960];
	_ =	sdelay $0x4  }
0x50b: {  	[tilespmem:$0x1F6B0] =	vst v0;
	v0 =	vld [tilespmem:s0+$0xE970];
	_ =	sdelay $0x4  }
0x50c: {  	[tilespmem:$0x1F6C0] =	vst v0;
	v0 =	vld [tilespmem:s0+$0xED00];
	_ =	sdelay $0x4  }
0x50d: {  	[tilespmem:$0x1F6D0] =	vst v0;
	v0 =	vld [tilespmem:s0+$0xED10];
	_ =	sdelay $0x4  }
0x50e: {  	[tilespmem:$0x1F6E0] =	vst v0;
	v0 =	vld [tilespmem:s0+$0xED20];
	_ =	sdelay $0x4  }
0x50f: {  	[tilespmem:$0x1F6F0] =	vst v0;
	v0 =	vld [tilespmem:s0+$0xED30];
	_ =	sdelay $0x4  }
0x510: {  	[tilespmem:$0x1F700] =	vst v0;
	v0 =	vld [tilespmem:s0+$0xED40];
	_ =	sdelay $0x4  }
0x511: {  	[tilespmem:$0x1F710] =	vst v0;
	v0 =	vld [tilespmem:s0+$0xED50];
	_ =	sdelay $0x4  }
0x512: {  	[tilespmem:$0x1F720] =	vst v0;
	v0 =	vld [tilespmem:s0+$0xED60];
	_ =	sdelay $0x4  }
0x513: {  	[tilespmem:$0x1F740] =	vst v0;
	v0 =	vld [tilespmem:s0+$0xED70];
	_ =	sdelay $0x4  }
0x514: {  	[tilespmem:$0x1F750] =	vst v0;
	v0 =	vld [tilespmem:s0+$0xF100];
	_ =	sdelay $0x4  }
0x515: {  	[tilespmem:$0x1F770] =	vst v0;
	v0 =	vld [tilespmem:s0+$0xF110];
	_ =	sdelay $0x2  }
0x516: {  	v54 =	vld.idx.msk [tilespmem:v3+s22+$0x0], $0xffff  }
0x517: {  	v63 =	vld [tilespmem:s0+$0xDD00]  }
0x518: {  	[tilespmem:$0x1F780] =	vst v0;
	v0 =	vld [tilespmem:s0+$0xF120]  }
0x519: {  	v3 =	vld [tilespmem:s0+$0xDD10];
	_ =	sdelay $0x2  }
0x51a: {  	v55 =	vld [tilespmem:s0+$0xDD20]  }
0x51b: {  	[tilespmem:$0x1F7A0] =	vst v0;
	v0 =	vmul.f32 v63, v54;
	v63 =	vld [tilespmem:s0+$0xF130]  }
0x51c: {  	v58 =	vld [tilespmem:s0+$0xDD30];
	v3 =	vmul.f32 v3, v54  }
0x51d: {  	v60 =	vld [tilespmem:s0+$0xDD40]  }
0x51e: {  	v3 =	vadd.f32 v3, v53;
	v53 =	vld [tilespmem:s0+$0xF160]  }
0x51f: {  	v0 =	vadd.f32 v0, v52;
	v52 =	vld [tilespmem:s0+$0xF150]  }
0x520: {  	[tilespmem:$0x1F7B0] =	vst v63;
	v63 =	vld [tilespmem:s0+$0xF140]  }
0x521: {  	[tilespmem:$0x1A010] =	vst v3;
	v3 =	vld [tilespmem:$0x1F520];
	_ =	sdelay $0x1  }
0x522: {  	[tilespmem:$0x1A000] =	vst v0;
	v0 =	vmul.f32 v60, v54;
	_ =	sdelay $0x1  }
0x523: {  	v0 =	vadd.f32 v0, v43  }
0x524: {  	v3 =	vmul.f32 v3, v54  }
0x525: {  	[tilespmem:$0x1A040] =	vst v0;
	v0 =	vld [tilespmem:$0x1F550]  }
0x526: {  	v3 =	vadd.f32 v3, v44;
	_ =	sdelay $0x1  }
0x527: {  	[tilespmem:$0x1A050] =	vst v3;
	v3 =	vld [tilespmem:$0x1F560];
	_ =	sdelay $0x1  }
0x528: {  	v0 =	vmul.f32 v0, v54;
	_ =	sdelay $0x1  }
0x529: {  	v0 =	vadd.f32 v0, v45  }
0x52a: {  	v3 =	vmul.f32 v3, v54  }
0x52b: {  	[tilespmem:$0x1A080] =	vst v0;
	v0 =	vld [tilespmem:$0x1F590]  }
0x52c: {  	v3 =	vadd.f32 v3, v46;
	_ =	sdelay $0x1  }
0x52d: {  	[tilespmem:$0x1A090] =	vst v3;
	v3 =	vld [tilespmem:$0x1F5A0];
	_ =	sdelay $0x1  }
0x52e: {  	v55 =	vmul.f32 v55, v54;
	v0 =	vmul.f32 v0, v54  }
0x52f: {  	v58 =	vmul.f32 v58, v54  }
0x530: {  	v49 =	vadd.f32 v55, v49;
	v55 =	vld [tilespmem:$0x1F530];
	v0 =	vadd.f32 v0, v42  }
0x531: {  	v50 =	vadd.f32 v58, v50;
	v58 =	vld [tilespmem:$0x1F540];
	v3 =	vmul.f32 v3, v54  }
0x532: {  	[tilespmem:$0x1A0C0] =	vst v0;
	v0 =	vld [tilespmem:$0x1F5D0]  }
0x533: {  	v60 =	vld [tilespmem:$0x1F570];
	v3 =	vadd.f32 v3, v47  }
0x534: {  	[tilespmem:$0x1A020] =	vst v49;
	v49 =	vld [tilespmem:$0x1F5F0]  }
0x535: {  	[tilespmem:$0x1A0D0] =	vst v3;
	v3 =	vld [tilespmem:$0x1F5E0]  }
0x536: {  	[tilespmem:$0x1A030] =	vst v50;
	v50 =	vld [tilespmem:$0x1F600];
	v43 =	vmul.f32 v55, v54  }
0x537: {  	v55 =	vld [tilespmem:$0x1F640];
	v0 =	vmul.f32 v0, v54  }
0x538: {  	v43 =	vadd.f32 v43, v48;
	[tilespmem:$0x1F7D0] =	vst v63;
	v63 =	vld [tilespmem:$0x1F580]  }
0x539: {  	v48 =	vld [tilespmem:$0x1F5C0];
	v44 =	vmul.f32 v58, v54;
	v0 =	vadd.f32 v0, v32  }
0x53a: {  	[tilespmem:$0x1A060] =	vst v43;
	v43 =	vmul.f32 v60, v54;
	v60 =	vld [tilespmem:$0x1F680];
	v3 =	vmul.f32 v3, v54  }
0x53b: {  	v44 =	vadd.f32 v44, v51;
	[tilespmem:$0x1A100] =	vst v0;
	v0 =	vld [tilespmem:$0x1F610]  }
0x53c: {  	v46 =	vld [tilespmem:$0x1F5B0];
	v3 =	vadd.f32 v3, v33  }
0x53d: {  	v51 =	vld [tilespmem:$0x1F630];
	[tilespmem:$0x1A070] =	vst v44;
	v44 =	vmul.f32 v63, v54  }
0x53e: {  	v37 =	vadd.f32 v43, v37;
	v32 =	vmul.f32 v49, v54;
	[tilespmem:$0x1A110] =	vst v3;
	v3 =	vld [tilespmem:$0x1F620]  }
0x53f: {  	v58 =	vld [tilespmem:$0x1F670];
	v38 =	vadd.f32 v44, v38;
	v33 =	vmul.f32 v50, v54  }
0x540: {  	v43 =	vld [tilespmem:$0x1F710];
	[tilespmem:$0x1A0A0] =	vst v37;
	v32 =	vadd.f32 v32, v36;
	v0 =	vmul.f32 v0, v54  }
0x541: {  	v63 =	vld [tilespmem:$0x1F690];
	[tilespmem:$0x1A0B0] =	vst v38;
	v37 =	vmul.f32 v46, v54;
	v33 =	vadd.f32 v33, v41  }
0x542: {  	v45 =	vld [tilespmem:$0x1F720];
	v38 =	vmul.f32 v48, v54;
	[tilespmem:$0x1A120] =	vst v32;
	v32 =	vmul.f32 v51, v54;
	v0 =	vadd.f32 v0, v34  }
0x543: {  	v48 =	vld [tilespmem:$0x1F750];
	v37 =	vadd.f32 v37, v39;
	[tilespmem:$0x1A130] =	vst v33;
	v33 =	vmul.f32 v55, v54;
	v3 =	vmul.f32 v3, v54  }
0x544: {  	v28 =	vadd.f32 v32, v28;
	[tilespmem:$0x1A140] =	vst v0;
	v0 =	vld [tilespmem:$0x1F650]  }
0x545: {  	[tilespmem:$0x1A0E0] =	vst v37;
	v29 =	vadd.f32 v33, v29;
	v33 =	vld [tilespmem:$0x1F6B0];
	v3 =	vadd.f32 v3, v35  }
0x546: {  	[tilespmem:$0x1A160] =	vst v28;
	v35 =	vld [tilespmem:$0x1F6D0]  }
0x547: {  	v38 =	vadd.f32 v38, v40;
	v28 =	vmul.f32 v58, v54;
	[tilespmem:$0x1A150] =	vst v3;
	v3 =	vld [tilespmem:$0x1F660]  }
0x548: {  	v4 =	vadd.f32 v4, v17;
	v62 =	vmul.f32 v62, v10;
	v37 =	vld [tilespmem:$0x1F6E0];
	[tilespmem:$0x1A170] =	vst v29;
	v29 =	vmul.f32 v63, v54  }
0x549: {  	[tilespmem:$0x1A0F0] =	vst v38;
	v38 =	vmul.f32 v57, v10;
	v57 =	vld [tilespmem:$0x1F7B0];
	v27 =	vadd.f32 v28, v27;
	v0 =	vmul.f32 v0, v54  }
0x54a: {  	v15 =	vadd.f32 v62, v15;
	v41 =	vld [tilespmem:$0x1F700];
	v32 =	vadd.f32 v29, v25;
	v25 =	vmul.f32 v33, v54  }
0x54b: {  	v17 =	vmul.f32 v60, v54;
	v42 =	vmul.f32 v56, v10;
	v56 =	vld [tilespmem:$0x1F7A0];
	[tilespmem:$0x1A1A0] =	vst v27;
	v0 =	vadd.f32 v0, v30  }
0x54c: {  	v46 =	vld [tilespmem:$0x1F730];
	[tilespmem:$0x1A1C0] =	vst v32;
	v23 =	vadd.f32 v25, v23;
	v25 =	vmul.f32 v35, v54;
	v3 =	vmul.f32 v3, v54  }
0x54d: {  	v47 =	vld [tilespmem:$0x1F740];
	[tilespmem:$0x1A180] =	vst v0;
	v0 =	vadd.f32 v2, v16;
	v2 =	vadd.f32 v17, v26;
	v17 =	vmul.f32 v37, v54  }
0x54e: {  	v50 =	vld [tilespmem:$0x1F770];
	[tilespmem:$0x1A1E0] =	vst v23;
	v20 =	vadd.f32 v25, v20;
	v3 =	vadd.f32 v3, v31  }
0x54f: {  	v55 =	vld [tilespmem:$0x1F780];
	[tilespmem:$0x1A1B0] =	vst v2;
	v40 =	vadd.f32 v17, v21;
	v17 =	vmul.f32 v41, v54;
	v21 =	vmul.f32 v43, v54  }
0x550: {  	v12 =	vadd.f32 v38, v12;
	v2 =	vmul.f32 v59, v10;
	v31 =	vld [tilespmem:$0x1F6A0];
	[tilespmem:$0x1A190] =	vst v3;
	v3 =	vmul.f32 v61, v10  }
0x551: {  	v39 =	vld [tilespmem:$0x1F6F0];
	[tilespmem:$0x1A200] =	vst v20;
	v44 =	vadd.f32 v17, v19;
	v17 =	vmul.f32 v45, v54;
	v4 =	vadd.f32 v21, v4  }
0x552: {  	v49 =	vld [tilespmem:$0x1F760];
	[tilespmem:$0x1A210] =	vst v40;
	v19 =	vmul.f32 v47, v54;
	v3 =	vadd.f32 v3, v14;
	v14 =	vmul.f32 v48, v54  }
0x553: {  	v34 =	vld [tilespmem:$0x1F6C0];
	v2 =	vadd.f32 v2, v13;
	v13 =	vmul.f32 v46, v10;
	v0 =	vadd.f32 v17, v0;
	[tilespmem:$0x1A230] =	vst v44  }
0x554: {  	v59 =	vld [tilespmem:$0x1F7D0];
	v15 =	vadd.f32 v19, v15;
	v17 =	vmul.f32 v50, v54;
	[tilespmem:$0x1A240] =	vst v4;
	v3 =	vadd.f32 v14, v3  }
0x555: {  	v51 =	vadd.f32 v13, v8;
	v8 =	vmul.f32 v55, v54;
	v16 =	vmul.f32 v31, v54;
	[tilespmem:$0x1A250] =	vst v0;
	v0 =	vld [tilespmem:$0x1F790]  }
0x556: {  	v11 =	vadd.f32 v42, v11;
	v13 =	vmul.f32 v56, v54;
	v2 =	vadd.f32 v17, v2;
	[tilespmem:$0x1A270] =	vst v3;
	v3 =	vld [tilespmem:$0x1F7C0]  }
0x557: {  	[tilespmem:$0x1A260] =	vst v15;
	v8 =	vadd.f32 v8, v12;
	v12 =	vmul.f32 v57, v54;
	v16 =	vadd.f32 v16, v22  }
0x558: {  	v22 =	vmul.f32 v34, v54;
	[tilespmem:$0x1A280] =	vst v2  }
0x559: {  	v63 =	vld [tilespmem:$0x1F7E0];
	v58 =	vadd.f32 v13, v11;
	v2 =	vadd.f32 v12, v51;
	[tilespmem:$0x1A1D0] =	vst v16;
	v16 =	vmul.f32 v49, v10  }
0x55a: {  	[tilespmem:$0x1A290] =	vst v8;
	v36 =	vadd.f32 v22, v24;
	v22 =	vmul.f32 v39, v54;
	v0 =	vmul.f32 v0, v10  }
0x55b: {  	v11 =	vmul.f32 v59, v54;
	[tilespmem:$0x1A2A0] =	vst v58;
	v7 =	vadd.f32 v16, v7;
	v3 =	vmul.f32 v3, v10  }
0x55c: {  	v60 =	vmul.f32 v52, v54;
	[tilespmem:$0x1A2B0] =	vst v2;
	v18 =	vadd.f32 v22, v18;
	v0 =	vadd.f32 v0, v6  }
0x55d: {  	v62 =	vmul.f32 v53, v54;
	[tilespmem:$0x1A1F0] =	vst v36;
	v61 =	vadd.f32 v11, v7;
	v3 =	vadd.f32 v3, v5  }
0x55e: {  	[tilespmem:$0x1A220] =	vst v18;
	v7 =	vmul.f32 v63, v54;
	v0 =	vadd.f32 v60, v0  }
0x55f: {  	[tilespmem:$0x1A2C0] =	vst v61;
	v2 =	vadd.f32 v62, v3  }
0x560: {  	[tilespmem:$0x1A2D0] =	vst v0;
	v3 =	vadd.f32 v7, v9  }
0x561: {  	[tilespmem:$0x1A2E0] =	vst v2  }
0x562: {  	s26 =	rddreg [dreg:$0x8];
	s29 =	simm.s32 $0x80;
	[tilespmem:$0x1A2F0] =	vst v3  }
0x563: {  	[hbm4b:s26+s29] =	stream.strided.scatter [tilespmem:s15], [sflag:$0x5], $0x300, s14, s29, $0x38;
	[tilespmem:$0x1A300] =	vst v63  }
0x564: {  	_ =	swait.ge [sflag:s17], $0x300  }
0x565: {  	s30 =	rddreg [dreg:$0xa]  }
0x566: {  	s31 =	rddreg [dreg:$0x9];
	s2 =	sadd.s32 $0x1, s30  }
0x567: {  	p0 =	sne.s32 s2, s31  }
.Ltmp13:
0x568: {  	_ = 	snop;
	(pc) =	sbr.rel @p0 .LBB2_1-.Ltmp13, $3  }
0x569: {  	_ =	sdelay $0x1  }
0x56a: {  	[sflag:s17] =	ssyncset.done $0x0  }
0x56b: {  	[sflag:s17] =	ssyncadd.s32 $0xFFFFFD00  }
0x56c: {  	_ =	sfence.sel $0x180000  }
0x56d: {  	[bflag:$0x0] =	sbarrier.arrive $0xFFFF  }
0x56e: {  	_ =	strace $0x9000004D  }
0x56f: {  	s0 =	stileid.u32;
	[bflag:$0x2] =	sbarrier.arrive $0xFFFF  }
0x570: {  	p0 =	sne.s32 s0, $0x0;
	s0 =	rddreg [dreg:$0x4]  }
0x571: {  	s0 =	sadd.s32 @!p0 $0x100000, s0  }
0x572: {  	[sflag:s0] =	ssyncadd.tile.s32 @!p0 $0x1;
	_ =	shalt  }
.Lfunc_end2:
_tile_overlayer_lowered:
.L_overlay_start_2:
0x573: {  	(tag) =	ssettag $0x2  }
0x574: {  	s0 =	rddreg [dreg:$0x0];
	s2 =	stileid.u32  }
0x575: {  	s1 =	rddreg [dreg:$0x1];
	p0 =	sne.s32 s2, $0x0  }
0x576: {  	s3 =	rddreg [dreg:$0x2];
	[bflag:$0x3] =	sbarrier.arrive $0xFFFF;
	s2 =	simm.s32 @!p0 $0x1C05  }
0x577: {  	[timem:s3], [sflag:s2] =	dma.local @!p0 [hbm:s0], s1  }
0x578: {  	s0 =	simm.s32 @!p0 $0x5  }
0x579: {  	_ =	swait.ge @!p0 [sflag:s0], s1  }
0x57a: {  	s1 =	ssub.s32 @!p0 $0x0, s1;
	[sflag:s0] =	ssyncset.done @!p0 $0x0  }
0x57b: {  	[sflag:s0] =	ssyncadd.s32 @!p0 s1  }
0x57c: {  	[bflag:$0x3] =	sbarrier.arrive $0xFFFF  }
0x57d: {  	_ =	shalt  }

// kernel: kernel.8.cloned.1.call-start
scs
__scs_entry_jumppad:
0x0: {  	(pc) =	sbr.rel $0x88, $3  }
0x1: {  	(tag) =	ssettag $0x0;
	lr =	simm.s32 $0x1  }
0x2: {  	[smem:$0x3F99] =	sst lr;
	_ =	strace $0xD0000000  }
0x3: {  	_ = 	snop  }
0x4: {  	_ = 	snop  }
0x5: {  	_ = 	snop  }
0x6: {  	_ = 	snop  }
0x7: {  	_ = 	snop  }
__scs_overlays_trampoline_lowered:
0x8: {  	[smem:$0x3FA8] =	sst s0  }
0x9: {  	[smem:$0x3FA9] =	sst s1  }
0xa: {  	[smem:$0x3FAA] =	sst s2  }
0xb: {  	[smem:$0x3FAB] =	sst s3  }
0xc: {  	[smem:$0x3FAC] =	sst s4  }
0xd: {  	[smem:$0x3FAD] =	sst s5  }
0xe: {  	[smem:$0x3FAE] =	sst s6  }
0xf: {  	[smem:$0x3FAF] =	sst s7  }
0x10: {  	[smem:$0x3FB0] =	sst s8  }
0x11: {  	[smem:$0x3FB1] =	sst s9;
	s0 =	simm.s32 @!p0 $0x0  }
0x12: {  	s1 =	sld [smem:$0x3F97];
	s0 =	simm.s32 @p0 $0x1  }
0x13: {  	[smem:$0x3FB2] =	sst s0;
	s0 =	simm.s32 @!p1 $0x0  }
0x14: {  	s2 =	sld [smem:$0x3F96];
	s0 =	simm.s32 @p1 $0x1  }
0x15: {  	[smem:$0x3FB3] =	sst s0;
	s0 =	simm.s32 @!p2 $0x0  }
0x16: {  	s3 =	sld [smem:$0x3FDB];
	s0 =	simm.s32 @p2 $0x1  }
0x17: {  	s4 =	simm.s32 $0x1BF5;
	[smem:$0x3FB5] =	sst s0  }
0x18: {  	s0 =	sld [smem:$0x3F98];
	_ =	swait.ge [sflag:s4], $0x0  }
0x19: {  	s7 =	sld [smem:$0x3F99]  }
0x1a: {  	s8 =	sadd.s32 $0xFFFFE003, lr  }
0x1b: {  	s9 =	sadd.s32 $0xFFFFFEF7, lr;
	s5 =	simm.s32 $0xFFFFFFFF;
	p2 =	slt.u32 s8, $0xFFFFF086  }
0x1c: {  	p1 =	slt.u32 s9, $0xF7A;
	s5 =	simm.s32 @!p2 $0x0  }
0x1d: {  	s5 =	simm.s32 @p1 $0x1;
	p0 =	seq.s32 s7, s2  }
0x1e: {  	s7 =	smul.u32 @!p0 $0xF7A, s2;
	p2 =	seq.s32 @!p0 s5, $0x0  }
0x1f: {  	s9 =	smul.u32 $0xF7A, s1;
	s8 =	simm.s32 @!p0 $0x1BF5;
	p2 =	por !p2, p0  }
0x20: {  	[sflag:s8] =	ssyncset.s32 @!p0 $0xFFFFF086;
	s6 =	sadd.s32 @!p0 s3, s7;
	s7 =	simm.s32 @!p0 $0x108  }
0x21: {  	s3 =	sadd.s32 s3, s9;
	s6 =	sadd.s32 @!p0 $0x88, s6;
	s7 =	simm.s32 @p2 $0x1082  }
0x22: {  	[simem:s7], [sflag:s8] =	dma.local @!p0 [hbm:s6], $0xF7A  }
0x23: {  	s9 =	sor.u32 $0xD0000000, s2;
	s6 =	simm.s32 $0x108;
	_ =	swait.ge @!p0 [sflag:s8], $0x0  }
0x24: {  	s3 =	sadd.s32 $0x88, s3;
	s6 =	simm.s32 @!p1 $0x1082;
	[sflag:s4] =	ssyncset.s32 $0xFFFFF086  }
0x25: {  	[simem:s6], [sflag:s4] =	dma.local [hbm:s3], $0xF7A  }
0x26: {  	[smem:$0x3F99] =	sst s1;
	(tag) =	ssettag s2;
	_ =	strace s9  }
0x27: {  	s1 =	sld [smem:$0x3FA9]  }
0x28: {  	s2 =	sld [smem:$0x3FAA]  }
0x29: {  	s4 =	sld [smem:$0x3FAC]  }
0x2a: {  	p0 =	seq.s32 s5, $0x0;
	s5 =	sld [smem:$0x3FAD]  }
0x2b: {  	s6 =	sld [smem:$0x3FAE]  }
0x2c: {  	s7 =	sld [smem:$0x3FAF]  }
0x2d: {  	s3 =	simm.s32 $0x108;
	s8 =	sld [smem:$0x3FB0]  }
0x2e: {  	s3 =	simm.s32 @!p0 $0x1082;
	s9 =	sld [smem:$0x3FB1]  }
0x2f: {  	lr =	sadd.s32 s0, s3;
	s0 =	sld [smem:$0x3FA8]  }
0x30: {  	s3 =	sld [smem:$0x3FAB]  }
0x31: {  	[smem:$0x3FB4] =	sst s10  }
0x32: {  	s10 =	sld [smem:$0x3FB2];
	_ =	sdelay $0x3  }
0x33: {  	p0 =	seq.s32 s10, $0x1;
	s10 =	sld [smem:$0x3FB4];
	_ =	sdelay $0x3  }
0x34: {  	[smem:$0x3FB4] =	sst s10  }
0x35: {  	s10 =	sld [smem:$0x3FB3];
	_ =	sdelay $0x3  }
0x36: {  	p1 =	seq.s32 s10, $0x1;
	s10 =	sld [smem:$0x3FB4];
	_ =	sdelay $0x3  }
0x37: {  	[smem:$0x3FB4] =	sst s10  }
0x38: {  	s10 =	sld [smem:$0x3FB5]  }
0x39: {  	_ = 	snop;
	(pc) =	sbr.ind lr, $3  }
0x3a: {  	_ = 	snop  }
0x3b: {  	_ = 	snop  }
0x3c: {  	p2 =	seq.s32 s10, $0x1;
	s10 =	sld [smem:$0x3FB4]  }
0x3d: {  	_ =	shalt  }
0x3e: {  	_ =	shalt  }
0x3f: {  	_ =	shalt  }
0x40: {  	_ =	shalt  }
0x41: {  	_ =	shalt  }
0x42: {  	_ =	shalt  }
0x43: {  	_ =	shalt  }
0x44: {  	_ =	shalt  }
0x45: {  	_ =	shalt  }
0x46: {  	_ =	shalt  }
0x47: {  	_ =	shalt  }
0x48: {  	_ =	shalt  }
0x49: {  	_ =	shalt  }
0x4a: {  	_ =	shalt  }
0x4b: {  	_ =	shalt  }
0x4c: {  	_ =	shalt  }
0x4d: {  	_ =	shalt  }
0x4e: {  	_ =	shalt  }
0x4f: {  	_ =	shalt  }
0x50: {  	_ =	shalt  }
0x51: {  	_ =	shalt  }
0x52: {  	_ =	shalt  }
0x53: {  	_ =	shalt  }
0x54: {  	_ =	shalt  }
0x55: {  	_ =	shalt  }
0x56: {  	_ =	shalt  }
0x57: {  	_ =	shalt  }
0x58: {  	_ =	shalt  }
0x59: {  	_ =	shalt  }
0x5a: {  	_ =	shalt  }
0x5b: {  	_ =	shalt  }
0x5c: {  	_ =	shalt  }
0x5d: {  	_ =	shalt  }
0x5e: {  	_ =	shalt  }
0x5f: {  	_ =	shalt  }
0x60: {  	_ =	shalt  }
0x61: {  	_ =	shalt  }
0x62: {  	_ =	shalt  }
0x63: {  	_ =	shalt  }
0x64: {  	_ =	shalt  }
0x65: {  	_ =	shalt  }
0x66: {  	_ =	shalt  }
0x67: {  	_ =	shalt  }
0x68: {  	_ =	shalt  }
0x69: {  	_ =	shalt  }
0x6a: {  	_ =	shalt  }
0x6b: {  	_ =	shalt  }
0x6c: {  	_ =	shalt  }
0x6d: {  	_ =	shalt  }
0x6e: {  	_ =	shalt  }
0x6f: {  	_ =	shalt  }
0x70: {  	_ =	shalt  }
0x71: {  	_ =	shalt  }
0x72: {  	_ =	shalt  }
0x73: {  	_ =	shalt  }
0x74: {  	_ =	shalt  }
0x75: {  	_ =	shalt  }
0x76: {  	_ =	shalt  }
0x77: {  	_ =	shalt  }
0x78: {  	_ =	shalt  }
0x79: {  	_ =	shalt  }
0x7a: {  	_ =	shalt  }
0x7b: {  	_ =	shalt  }
0x7c: {  	_ =	shalt  }
0x7d: {  	_ =	shalt  }
0x7e: {  	_ =	shalt  }
0x7f: {  	_ =	shalt  }
0x80: {  	_ =	shalt  }
0x81: {  	_ =	shalt  }
0x82: {  	_ =	shalt  }
0x83: {  	_ =	shalt  }
0x84: {  	_ =	shalt  }
0x85: {  	_ =	shalt  }
0x86: {  	_ =	shalt  }
0x87: {  	_ =	shalt  }
.Lfunc_end0:
.L_simem_size_0:
called_computation_lowered:
.L_overlay_start_0:
0x88: {  	s2 =	sld [smem:$0x3FD9]  }
0x89: {  	s3 =	sld [smem:$0x3FFE];
	_ =	sdelay $0x1  }
0x8a: {  	s1 =	srdreg.scid  }
0x8b: {  	s0 =	sand.u32 $0x1, s1  }
0x8c: {  	s17 =	sshll.u32 s0, $0xA;
	s2 =	sadd.s32 s3, s2  }
0x8d: {  	s2 =	sadd.s32 s2, s17  }
0x8e: {  	[smem:$0x3FC0] =	sst s2  }
0x8f: {  	_ = 	snop  }
0x90: {  	s2 =	sld [smem:$0x3FC9];
	(tm) =	ssettm $0x1  }
0x91: {  	s18 =	sld [smem:$0x3FFB];
	_ =	sdelay $0x3  }
0x92: {  	_ =	strace s18  }
0x93: {  	s3 =	sld [smem:$0x3FFC];
	_ =	sdelay $0x3  }
0x94: {  	_ =	strace s3  }
0x95: {  	s3 =	sld [smem:$0x3FFD];
	_ =	sdelay $0x3  }
0x96: {  	_ =	strace s3  }
0x97: {  	_ =	strace $0x8FFFFFFF  }
0x98: {  	s19 =	sld [smem:$0x3FDB];
	_ =	sdelay $0x1  }
0x99: {  	s4 =	simm.s32 $_scs_section_size  }
0x9a: {  	s5 =	simm.s32 $_size__tile_overlayer_lowered;
	s6 =	simm.s32 $_tile_overlayer_lowered  }
0x9b: {  	s22 =	simm.s32 $0x1BFF;
	s21 =	sshll.u32 s6, $0x1;
	s3 =	sadd.s32 s4, s19  }
0x9c: {  	s7 =	simm.s32 $0x0;
	s20 =	sshll.u32 s5, $0x1;
	s5 =	sadd.s32 s21, s3  }
0x9d: {  	[timem:s7], [sflag:s22] =	dma.local [hbm:s5], s20  }
0x9e: {  	_ =	swait.ge [sflag:s22], s20  }
0x9f: {  	s4 =	ssub.s32 $0x0, s20;
	[sflag:s22] =	ssyncset.done $0x0  }
0xa0: {  	[sflag:s22] =	ssyncadd.s32 s4;
	_ =	sdelay $0x1  }
0xa1: {  	s23 =	simm.s32 $0x1B8B  }
0xa2: {  	_ =	swait.ge [sflag:s23], $0x1  }
0xa3: {  	[sflag:s23] =	ssyncset.done $0x0  }
0xa4: {  	s25 =	simm.s32 $0x1B8E;
	s24 =	sld [smem:$0x3FFE];
	[sflag:s23] =	ssyncadd.s32 $0xFFFFFFFF  }
0xa5: {  	s26 =	simm.s32 $execute0_lowered;
	[smem:$0x3FD2] =	sst s25  }
0xa6: {  	s5 =	sshll.u32 s26, $0x1;
	_ =	strace $0x80000046;
	[dreg:$0x1] =	wrdreg $0xFFFFFFFF  }
0xa7: {  	s28 =	simm.s32 $_size_execute0_lowered;
	s3 =	sadd.s32 s3, s5;
	[dreg:$0x0] =	wrdreg $0x0  }
0xa8: {  	s5 =	sshll.u32 s28, $0x1;
	[dreg:$0x2] =	wrdreg s3  }
0xa9: {  	[dreg:$0x3] =	wrdreg s5  }
0xaa: {  	[dreg:$0x4] =	wrdreg $0xC0  }
0xab: {  	_ =	task [dreg:s7], $0x5FFFF  }
0xac: {  	[dreg:$0x1] =	wrdreg $0xFFFFFFFF  }
0xad: {  	[dreg:$0x0] =	wrdreg $0x60  }
0xae: {  	[dreg:$0x2] =	wrdreg s2  }
0xaf: {  	[dreg:$0x3] =	wrdreg s24  }
0xb0: {  	[dreg:$0x4] =	wrdreg $0x9  }
0xb1: {  	_ =	task.clear_ibuf [dreg:s7], $0x5FFFF;
	_ =	strace $0x90000046  }
0xb2: {  	s29 =	simm.s32 $0x9;
	_ =	strace $0x80000048  }
0xb3: {  	_ =	swait.ge [sflag:s29], $0x1  }
0xb4: {  	[sflag:s29] =	ssyncadd.s32 $0xFFFFFFFF  }
0xb5: {  	_ =	strace $0x90000048  }
0xb6: {  	_ =	sfence  }
0xb7: {  	s30 =	sld [smem:$0x0];
	_ =	sdelay $0x2  }
0xb8: {  	s31 =	sshll.u32 s1, $0xD;
	s1 =	sshrl.u32 s1, $0x2  }
0xb9: {  	s3 =	sand.u32 $0x4000, s31;
	s1 =	sadd.s32 s1, s30  }
0xba: {  	s0 =	sor.u32 s3, s0;
	s1 =	sshll.u32 s1, $0x11  }
0xbb: {  	s0 =	sor.u32 s1, s0  }
0xbc: {  	s0 =	sadd.s32 $0x8F2B, s0  }
0xbd: {  	[sflag:s0] =	ssyncadd.remote.s32 $0x1  }
0xbe: {  	_ =	sfence.sel $0xFFFF  }
0xbf: {  	[dreg:$0x0] =	wrdreg $0xFFFFFFFF;
	(pc) =	sbr.abs _section_cstart, $3  }
0xc0: {  	[dreg:$0x1] =	wrdreg $0xFFFFFFFF  }
0xc1: {  	_ =	task.clear_ibuf [dreg:s7], $0x2FFFF;
	_ =	strace $0x9FFFFFFF  }
0xc2: {  	(tm) =	ssettm $0x7FFFFFFF  }
0xc3: {  	_ =	shalt  }
tec
execute0_lowered:
.L_overlay_start_1:
0x0: {  	(tag) =	ssettag $0x1  }
0x1: {  	s0 =	srdreg.scid;
	s5 =	stileid.u32  }
0x2: {  	s0 =	sand.u32 $0x1, s0;
	s1 =	smul.u32 $0x480, s5  }
0x3: {  	s4 =	rddreg [dreg:$0x1];
	s3 =	simm.s32 $0x0;
	s2 =	smul.u32 $0x240, s0  }
0x4: {  	[smem:$0x7FF] =	sst s3  }
0x5: {  	s10 =	simm.s32 $0xA80;
	s1 =	sadd.s32 s2, s1;
	s2 =	rddreg [dreg:$0x0]  }
0x6: {  	s11 =	simm.s32 $0x1280;
	_ =	strace $0x80000047;
	[dreg:$0x4] =	wrdreg s10  }
0x7: {  	s12 =	simm.s32 $0x1A80;
	[dreg:$0x5] =	wrdreg s11  }
0x8: {  	s13 =	simm.s32 $0x2280;
	[dreg:$0x6] =	wrdreg s12  }
0x9: {  	s14 =	simm.s32 $0x2A80;
	[dreg:$0x7] =	wrdreg s13  }
0xa: {  	s15 =	simm.s32 $0x3280;
	[dreg:$0x8] =	wrdreg s14  }
0xb: {  	s16 =	simm.s32 $0x3A80;
	s17 =	simm.s32 $0x4280;
	[dreg:$0x9] =	wrdreg s15  }
0xc: {  	s18 =	simm.s32 $0x4A80;
	s19 =	simm.s32 $0x5280;
	[dreg:$0xa] =	wrdreg s16  }
0xd: {  	s21 =	simm.s32 $0x5A80;
	s22 =	simm.s32 $0x6280;
	[dreg:$0xb] =	wrdreg s17  }
0xe: {  	s23 =	simm.s32 $0x6A80;
	s24 =	simm.s32 $0x7280;
	[dreg:$0xc] =	wrdreg s18  }
0xf: {  	s25 =	simm.s32 $0x7A80;
	s26 =	simm.s32 $0x8280;
	[dreg:$0xd] =	wrdreg s19  }
0x10: {  	s8 =	simm.s32 $0x2;
	s9 =	simm.s32 $0x280;
	[dreg:$0xe] =	wrdreg s21  }
0x11: {  	s28 =	simm.s32 $0x11280;
	s29 =	simm.s32 $0x11A80;
	[dreg:$0xf] =	wrdreg s22  }
0x12: {  	s30 =	simm.s32 $0x1;
	s5 =	sshll.u32 s5, $0x1;
	[dreg:$0x10] =	wrdreg s23  }
0x13: {  	s5 =	sor.u32 s0, s5;
	s0 =	ssub.s32 $0x2, s0;
	[dreg:$0x11] =	wrdreg s24  }
0x14: {  	s31 =	simm.s32 $0x0;
	s20 =	sshrl.u32 s0, $0x1;
	[dreg:$0x12] =	wrdreg s25  }
0x15: {  	s5 =	smul.u32 $0x240, s5;
	s0 =	ssub.s32 s0, s20;
	[dreg:$0x13] =	wrdreg s26  }
0x16: {  	s10 =	simm.s32 $0x8A80;
	s11 =	simm.s32 $0x9280;
	s12 =	simm.s32 $0x9A80  }
0x17: {  	s13 =	simm.s32 $0xA280;
	s14 =	simm.s32 $0xAA80;
	s15 =	simm.s32 $0xB280  }
0x18: {  	s16 =	simm.s32 $0xBA80;
	s17 =	simm.s32 $0xC280;
	s18 =	simm.s32 $0xCA80  }
0x19: {  	s19 =	simm.s32 $0xD280;
	s20 =	simm.s32 $0xDA80;
	s1 =	sshrl.u32 s1, $0x3  }
0x1a: {  	s21 =	simm.s32 $0xE280;
	s22 =	simm.s32 $0xEA80;
	s1 =	smul.u32 $0x300, s1  }
0x1b: {  	s23 =	simm.s32 $0xF280;
	s24 =	simm.s32 $0xFA80;
	s25 =	simm.s32 $0x10280  }
0x1c: {  	s5 =	sshrl.u32 s5, $0x3;
	s0 =	smax.u32 s0, $0x1;
	s1 =	sadd.s32 s1, s4  }
0x1d: {  	v2 =	vlaneseq.u32;
	[dreg:$0x15] =	wrdreg s0;
	s4 =	sadd.s32 s5, s4;
	s1 =	sadd.s32 $0x1200, s1  }
0x1e: {  	vm0 =	vmmov $0xffff;
	v1 =	vshrl.u32 v2, $0x3;
	s26 =	simm.s32 $0x10A80;
	s4 =	sadd.s32 $0x800, s4;
	[dreg:$0x3] =	wrdreg s1  }
0x1f: {  	v0 =	vand.u32 $0x7, v2;
	v2 =	vor.u32 $0x8, v2;
	v1 =	vmul.u32 $0x8, v1;
	s6 =	sadd.s32 $0x200, s2;
	s5 =	sadd.s32 $0x100, s2;
	[dreg:$0x14] =	wrdreg s4  }
.LBB2_1:
0x20: {  	s0 =	rddreg [dreg:$0x14]  }
0x21: {  	[tilespmem:s3], [sflag:$0x2] =	stream.linear.gather [hbm4b:s0+s3], $0x240, $0x38;
	[tilespmem:$0x12280] =	vst v63  }
0x22: {  	_ =	swait.ge [sflag:s8], $0x240  }
0x23: {  	[sflag:s8] =	ssyncset.done $0x0  }
0x24: {  	s1 =	simm.s32 $0x30;
	s0 =	simm.s32 $0x0;
	[sflag:s8] =	ssyncadd.s32 $0xFFFFFDC0  }
.LBB2_2:
0x25: {  	v3 =	vld [tilespmem:s1+$0xFFFFFFD0];
	_ =	sdelay $0x4  }
0x26: {  	v4 =	vshrl.u32 v3, $0x3  }
0x27: {  	v4 =	vmul.u32 $0x30, v4  }
0x28: {  	v3 =	vand.u32 $0x7, v3  }
0x29: {  	v3 =	vor.u32 v3, v4  }
0x2a: {  	v4 =	vperm.xlane v3, v0;
	_ =	sdelay $0x1  }
0x2b: {  	v4 =	vadd.s32 v1, v4;
	_ =	sdelay $0x3  }
0x2c: {  	v3 =	vperm.xlane v3, v2  }
0x2d: {  	[tilespmem:s9], [sflag:$0x1] =	stream.indirect_vreg.gather [hbm4b:s2+s3], $0x80, v4, vm0, $0xb8;
	[tilespmem:$0x12280] =	vst v63  }
0x2e: {  	s4 =	rddreg [dreg:$0x4];
	v3 =	vadd.s32 v1, v3  }
0x2f: {  	[tilespmem:s4], [sflag:$0x1] =	stream.indirect_vreg.gather [hbm4b:s5+s3], $0x80, v4, vm0, $0xb8;
	[tilespmem:$0x12280] =	vst v63  }
0x30: {  	s7 =	rddreg [dreg:$0x5]  }
0x31: {  	[tilespmem:s7], [sflag:$0x1] =	stream.indirect_vreg.gather [hbm4b:s6+s3], $0x80, v4, vm0, $0xb8;
	[tilespmem:$0x12280] =	vst v63  }
0x32: {  	s4 =	rddreg [dreg:$0x6]  }
0x33: {  	[tilespmem:s4], [sflag:$0x1] =	stream.indirect_vreg.gather [hbm4b:s2+s3], $0x80, v3, vm0, $0xb8;
	[tilespmem:$0x12280] =	vst v63  }
0x34: {  	s7 =	rddreg [dreg:$0x7]  }
0x35: {  	[tilespmem:s7], [sflag:$0x1] =	stream.indirect_vreg.gather [hbm4b:s5+s3], $0x80, v3, vm0, $0xb8;
	[tilespmem:$0x12280] =	vst v63  }
0x36: {  	s4 =	rddreg [dreg:$0x8]  }
0x37: {  	[tilespmem:s4], [sflag:$0x1] =	stream.indirect_vreg.gather [hbm4b:s6+s3], $0x80, v3, vm0, $0xb8;
	[tilespmem:$0x12280] =	vst v63  }
0x38: {  	v3 =	vld [tilespmem:s1+$0xFFFFFFE0];
	_ =	sdelay $0x4  }
0x39: {  	v59 =	vshrl.u32 v3, $0x3  }
0x3a: {  	v4 =	vmul.u32 $0x30, v59  }
0x3b: {  	v3 =	vand.u32 $0x7, v3  }
0x3c: {  	v3 =	vor.u32 v3, v4  }
0x3d: {  	v4 =	vperm.xlane v3, v0;
	_ =	sdelay $0x1  }
0x3e: {  	v4 =	vadd.s32 v1, v4;
	_ =	sdelay $0x3  }
0x3f: {  	s4 =	rddreg [dreg:$0x9];
	v3 =	vperm.xlane v3, v2  }
0x40: {  	[tilespmem:s4], [sflag:$0x1] =	stream.indirect_vreg.gather [hbm4b:s2+s3], $0x80, v4, vm0, $0xb8;
	[tilespmem:$0x12280] =	vst v63  }
0x41: {  	s7 =	rddreg [dreg:$0xa];
	v3 =	vadd.s32 v1, v3  }
0x42: {  	[tilespmem:s7], [sflag:$0x1] =	stream.indirect_vreg.gather [hbm4b:s5+s3], $0x80, v4, vm0, $0xb8;
	[tilespmem:$0x12280] =	vst v63  }
0x43: {  	s4 =	rddreg [dreg:$0xb]  }
0x44: {  	[tilespmem:s4], [sflag:$0x1] =	stream.indirect_vreg.gather [hbm4b:s6+s3], $0x80, v4, vm0, $0xb8;
	[tilespmem:$0x12280] =	vst v63  }
0x45: {  	s7 =	rddreg [dreg:$0xc]  }
0x46: {  	[tilespmem:s7], [sflag:$0x1] =	stream.indirect_vreg.gather [hbm4b:s2+s3], $0x80, v3, vm0, $0xb8;
	[tilespmem:$0x12280] =	vst v63  }
0x47: {  	s4 =	rddreg [dreg:$0xd]  }
0x48: {  	[tilespmem:s4], [sflag:$0x1] =	stream.indirect_vreg.gather [hbm4b:s5+s3], $0x80, v3, vm0, $0xb8;
	[tilespmem:$0x12280] =	vst v63  }
0x49: {  	s7 =	rddreg [dreg:$0xe]  }
0x4a: {  	[tilespmem:s7], [sflag:$0x1] =	stream.indirect_vreg.gather [hbm4b:s6+s3], $0x80, v3, vm0, $0xb8;
	[tilespmem:$0x12280] =	vst v63  }
0x4b: {  	v3 =	vld [tilespmem:s1+$0xFFFFFFF0];
	_ =	sdelay $0x4  }
0x4c: {  	v60 =	vshrl.u32 v3, $0x3  }
0x4d: {  	v4 =	vmul.u32 $0x30, v60  }
0x4e: {  	v3 =	vand.u32 $0x7, v3  }
0x4f: {  	v3 =	vor.u32 v3, v4  }
0x50: {  	v4 =	vperm.xlane v3, v0;
	_ =	sdelay $0x1  }
0x51: {  	v4 =	vadd.s32 v1, v4;
	_ =	sdelay $0x3  }
0x52: {  	s4 =	rddreg [dreg:$0xf];
	v3 =	vperm.xlane v3, v2  }
0x53: {  	[tilespmem:s4], [sflag:$0x1] =	stream.indirect_vreg.gather [hbm4b:s2+s3], $0x80, v4, vm0, $0xb8;
	[tilespmem:$0x12280] =	vst v63  }
0x54: {  	s7 =	rddreg [dreg:$0x10];
	v3 =	vadd.s32 v1, v3  }
0x55: {  	[tilespmem:s7], [sflag:$0x1] =	stream.indirect_vreg.gather [hbm4b:s5+s3], $0x80, v4, vm0, $0xb8;
	[tilespmem:$0x12280] =	vst v63  }
0x56: {  	s4 =	rddreg [dreg:$0x11]  }
0x57: {  	[tilespmem:s4], [sflag:$0x1] =	stream.indirect_vreg.gather [hbm4b:s6+s3], $0x80, v4, vm0, $0xb8;
	[tilespmem:$0x12280] =	vst v63  }
0x58: {  	s7 =	rddreg [dreg:$0x12]  }
0x59: {  	[tilespmem:s7], [sflag:$0x1] =	stream.indirect_vreg.gather [hbm4b:s2+s3], $0x80, v3, vm0, $0xb8;
	[tilespmem:$0x12280] =	vst v63  }
0x5a: {  	s4 =	rddreg [dreg:$0x13]  }
0x5b: {  	[tilespmem:s4], [sflag:$0x1] =	stream.indirect_vreg.gather [hbm4b:s5+s3], $0x80, v3, vm0, $0xb8;
	[tilespmem:$0x12280] =	vst v63  }
0x5c: {  	_ = 	snop  }
0x5d: {  	[tilespmem:s10], [sflag:$0x1] =	stream.indirect_vreg.gather [hbm4b:s6+s3], $0x80, v3, vm0, $0xb8;
	[tilespmem:$0x12280] =	vst v63  }
0x5e: {  	v3 =	vld [tilespmem:s1+$0x0];
	_ =	sdelay $0x4  }
0x5f: {  	v61 =	vshrl.u32 v3, $0x3  }
0x60: {  	v4 =	vmul.u32 $0x30, v61  }
0x61: {  	v3 =	vand.u32 $0x7, v3  }
0x62: {  	v3 =	vor.u32 v3, v4  }
0x63: {  	v4 =	vperm.xlane v3, v0;
	_ =	sdelay $0x1  }
0x64: {  	v4 =	vadd.s32 v1, v4;
	_ =	sdelay $0x3  }
0x65: {  	v3 =	vperm.xlane v3, v2  }
0x66: {  	[tilespmem:s11], [sflag:$0x1] =	stream.indirect_vreg.gather [hbm4b:s2+s3], $0x80, v4, vm0, $0xb8;
	[tilespmem:$0x12280] =	vst v63  }
0x67: {  	v3 =	vadd.s32 v1, v3  }
0x68: {  	[tilespmem:s12], [sflag:$0x1] =	stream.indirect_vreg.gather [hbm4b:s5+s3], $0x80, v4, vm0, $0xb8;
	[tilespmem:$0x12280] =	vst v63  }
0x69: {  	_ = 	snop  }
0x6a: {  	[tilespmem:s13], [sflag:$0x1] =	stream.indirect_vreg.gather [hbm4b:s6+s3], $0x80, v4, vm0, $0xb8;
	[tilespmem:$0x12280] =	vst v63  }
0x6b: {  	_ = 	snop  }
0x6c: {  	[tilespmem:s14], [sflag:$0x1] =	stream.indirect_vreg.gather [hbm4b:s2+s3], $0x80, v3, vm0, $0xb8;
	[tilespmem:$0x12280] =	vst v63  }
0x6d: {  	_ = 	snop  }
0x6e: {  	[tilespmem:s15], [sflag:$0x1] =	stream.indirect_vreg.gather [hbm4b:s5+s3], $0x80, v3, vm0, $0xb8;
	[tilespmem:$0x12280] =	vst v63  }
0x6f: {  	_ = 	snop  }
0x70: {  	[tilespmem:s16], [sflag:$0x1] =	stream.indirect_vreg.gather [hbm4b:s6+s3], $0x80, v3, vm0, $0xb8;
	[tilespmem:$0x12280] =	vst v63  }
0x71: {  	v3 =	vld [tilespmem:s1+$0x10];
	_ =	sdelay $0x4  }
0x72: {  	v62 =	vshrl.u32 v3, $0x3  }
0x73: {  	v4 =	vmul.u32 $0x30, v62  }
0x74: {  	v3 =	vand.u32 $0x7, v3  }
0x75: {  	v3 =	vor.u32 v3, v4  }
0x76: {  	v4 =	vperm.xlane v3, v0;
	_ =	sdelay $0x1  }
0x77: {  	v4 =	vadd.s32 v1, v4;
	_ =	sdelay $0x3  }
0x78: {  	v3 =	vperm.xlane v3, v2  }
0x79: {  	[tilespmem:s17], [sflag:$0x1] =	stream.indirect_vreg.gather [hbm4b:s2+s3], $0x80, v4, vm0, $0xb8;
	[tilespmem:$0x12280] =	vst v63  }
0x7a: {  	v3 =	vadd.s32 v1, v3  }
0x7b: {  	[tilespmem:s18], [sflag:$0x1] =	stream.indirect_vreg.gather [hbm4b:s5+s3], $0x80, v4, vm0, $0xb8;
	[tilespmem:$0x12280] =	vst v63  }
0x7c: {  	_ = 	snop  }
0x7d: {  	[tilespmem:s19], [sflag:$0x1] =	stream.indirect_vreg.gather [hbm4b:s6+s3], $0x80, v4, vm0, $0xb8;
	[tilespmem:$0x12280] =	vst v63  }
0x7e: {  	_ = 	snop  }
0x7f: {  	[tilespmem:s20], [sflag:$0x1] =	stream.indirect_vreg.gather [hbm4b:s2+s3], $0x80, v3, vm0, $0xb8;
	[tilespmem:$0x12280] =	vst v63  }
0x80: {  	_ = 	snop  }
0x81: {  	[tilespmem:s21], [sflag:$0x1] =	stream.indirect_vreg.gather [hbm4b:s5+s3], $0x80, v3, vm0, $0xb8;
	[tilespmem:$0x12280] =	vst v63  }
0x82: {  	_ = 	snop  }
0x83: {  	[tilespmem:s22], [sflag:$0x1] =	stream.indirect_vreg.gather [hbm4b:s6+s3], $0x80, v3, vm0, $0xb8;
	[tilespmem:$0x12280] =	vst v63  }
0x84: {  	v3 =	vld [tilespmem:s1+$0x20];
	_ =	sdelay $0x4  }
0x85: {  	v63 =	vshrl.u32 v3, $0x3  }
0x86: {  	v4 =	vmul.u32 $0x30, v63  }
0x87: {  	v3 =	vand.u32 $0x7, v3  }
0x88: {  	v3 =	vor.u32 v3, v4  }
0x89: {  	v4 =	vperm.xlane v3, v0;
	_ =	sdelay $0x1  }
0x8a: {  	v4 =	vadd.s32 v1, v4;
	_ =	sdelay $0x3  }
0x8b: {  	v3 =	vperm.xlane v3, v2  }
0x8c: {  	[tilespmem:s23], [sflag:$0x1] =	stream.indirect_vreg.gather [hbm4b:s2+s3], $0x80, v4, vm0, $0xb8;
	[tilespmem:$0x12280] =	vst v63  }
0x8d: {  	v3 =	vadd.s32 v1, v3  }
0x8e: {  	[tilespmem:s24], [sflag:$0x1] =	stream.indirect_vreg.gather [hbm4b:s5+s3], $0x80, v4, vm0, $0xb8;
	[tilespmem:$0x12280] =	vst v63  }
0x8f: {  	_ = 	snop  }
0x90: {  	[tilespmem:s25], [sflag:$0x1] =	stream.indirect_vreg.gather [hbm4b:s6+s3], $0x80, v4, vm0, $0xb8;
	[tilespmem:$0x12280] =	vst v63  }
0x91: {  	_ = 	snop  }
0x92: {  	[tilespmem:s26], [sflag:$0x1] =	stream.indirect_vreg.gather [hbm4b:s2+s3], $0x80, v3, vm0, $0xb8;
	[tilespmem:$0x12280] =	vst v63  }
0x93: {  	_ = 	snop  }
0x94: {  	[tilespmem:s28], [sflag:$0x1] =	stream.indirect_vreg.gather [hbm4b:s5+s3], $0x80, v3, vm0, $0xb8;
	[tilespmem:$0x12280] =	vst v63  }
0x95: {  	_ = 	snop  }
0x96: {  	[tilespmem:s29], [sflag:$0x1] =	stream.indirect_vreg.gather [hbm4b:s6+s3], $0x80, v3, vm0, $0xb8;
	[tilespmem:$0x12280] =	vst v63  }
0x97: {  	_ =	swait.ge [sflag:s30], $0x12000  }
0x98: {  	p0 =	sne.s32 s0, $0xB400;
	s7 =	rddreg [dreg:$0x3];
	[sflag:s30] =	ssyncset.done $0x0  }
.Ltmp0:
0x99: {  	[sflag:s30] =	ssyncadd.s32 $0xFFFEE000;
	s4 =	sadd.s32 s0, s7;
	(pc) =	sbr.rel @p0 .LBB2_2-.Ltmp0, $4  }
0x9a: {  	[hbm4b:s4+s3] =	stream.linear.scatter [tilespmem:s9], [sflag:$0x2], $0x12000, $0x38;
	[tilespmem:$0x12280] =	vst v63  }
0x9b: {  	_ =	swait.ge [sflag:s8], $0x12000  }
0x9c: {  	[sflag:s8] =	ssyncset.done $0x0  }
0x9d: {  	s1 =	sadd.s32 $0x60, s1;
	s0 =	sadd.s32 $0x2400, s0;
	[sflag:s8] =	ssyncadd.s32 $0xFFFEE000  }
0x9e: {  	s31 =	sadd.s32 $0x1, s31;
	s0 =	rddreg [dreg:$0x15]  }
0x9f: {  	p0 =	sne.s32 s31, s0  }
.Ltmp1:
0xa0: {  	_ = 	snop;
	(pc) =	sbr.rel @p0 .LBB2_1-.Ltmp1, $1  }
0xa1: {  	_ =	sdelay $0x3  }
0xa2: {  	_ =	sfence.sel $0x180000  }
0xa3: {  	[bflag:$0x0] =	sbarrier.arrive $0xFFFF  }
0xa4: {  	_ =	strace $0x90000047  }
0xa5: {  	s0 =	stileid.u32;
	[bflag:$0x2] =	sbarrier.arrive $0xFFFF  }
0xa6: {  	p0 =	sne.s32 s0, $0x0;
	s0 =	rddreg [dreg:$0x2]  }
0xa7: {  	s0 =	sadd.s32 @!p0 $0x100000, s0  }
0xa8: {  	[sflag:s0] =	ssyncadd.tile.s32 @!p0 $0x1;
	_ =	shalt  }
.Lfunc_end2:
_tile_overlayer_lowered:
.L_overlay_start_2:
0xa9: {  	(tag) =	ssettag $0x2  }
0xaa: {  	s0 =	rddreg [dreg:$0x0];
	s2 =	stileid.u32  }
0xab: {  	s1 =	rddreg [dreg:$0x1];
	p0 =	sne.s32 s2, $0x0  }
0xac: {  	s3 =	rddreg [dreg:$0x2];
	[bflag:$0x3] =	sbarrier.arrive $0xFFFF;
	s2 =	simm.s32 @!p0 $0x1C02  }
0xad: {  	[timem:s3], [sflag:s2] =	dma.local @!p0 [hbm:s0], s1  }
0xae: {  	s0 =	simm.s32 @!p0 $0x2  }
0xaf: {  	_ =	swait.ge @!p0 [sflag:s0], s1  }
0xb0: {  	s1 =	ssub.s32 @!p0 $0x0, s1;
	[sflag:s0] =	ssyncset.done @!p0 $0x0  }
0xb1: {  	[sflag:s0] =	ssyncadd.s32 @!p0 s1  }
0xb2: {  	[bflag:$0x3] =	sbarrier.arrive $0xFFFF  }
0xb3: {  	_ =	shalt  }

</sc_bundles>
